<compile_context>
chip_gen: v7x
topology: tpu7x:2x2x1
jax: 0.10.2.dev20260603
libtpu: 0.0.44.dev20260713+nightly
codegen_flags: <defaults>
</compile_context>

<pallas_src>
import jax
import jax.numpy as jnp
from jax import lax
from jax.experimental import pallas as pl
from jax.experimental.pallas import tpu as pltpu
from jax.experimental.pallas import tpu_sc as plsc

GROUP_SIZE = 16
MIN_SIGMA = 1e-4
L = 16
G = 4
CAP = 1024
BSTRIDE = CAP + 2 * L
F32 = jnp.float32
I32 = jnp.int32
INF = float("inf")


def _sc_build(B, N, M, QSC):
    NCHUNK = N // L
    QW = QSC // 4
    mesh = plsc.VectorSubcoreMesh(core_axis_name="c", subcore_axis_name="s")

    def body(pc_hbm, qc_hbm, isig_hbm, out_hbm,
             pbx, pby, pbz, p2v, stage, qex, qey, qez, q2vm,
             qrx_v, qry_v, qrz_v, isig_v,
             bufd, bufi, topd, topi, gidx, gax, gay, gaz,
             pwx, pwy, pwz, dwork, outx, outy, outz, sem):
        wid = lax.axis_index("s") * 2 + lax.axis_index("c")
        b = wid // 4
        qoff = (wid % 4) * QW
        pbase = b * 3 * N
        qbase = b * 3 * M + qoff
        obase = b * 3 * QSC + qoff

        def rne16(x):
            bi = plsc.bitcast(x, I32)
            r = bi + jnp.int32(0x7FFF) + jnp.bitwise_and(
                lax.shift_right_logical(bi, 16), jnp.int32(1))
            r = jnp.bitwise_and(r, jnp.int32(-65536))
            return plsc.bitcast(r, F32)

        pltpu.sync_copy(pc_hbm.at[pl.ds(pbase, N)], pbx)
        pltpu.sync_copy(pc_hbm.at[pl.ds(pbase + N, N)], pby)
        pltpu.sync_copy(pc_hbm.at[pl.ds(pbase + 2 * N, N)], pbz)

        def p2_round(i, _):
            vx = pbx[pl.ds(i * L, L)]
            vy = pby[pl.ds(i * L, L)]
            vz = pbz[pl.ds(i * L, L)]
            p2v[pl.ds(i * L, L)] = vx * vx + vy * vy + vz * vz
            pbx[pl.ds(i * L, L)] = rne16(vx)
            pby[pl.ds(i * L, L)] = rne16(vy)
            pbz[pl.ds(i * L, L)] = rne16(vz)
            return 0
        lax.fori_loop(0, NCHUNK, p2_round, 0)

        pltpu.sync_copy(qc_hbm.at[pl.ds(qbase, QW)], qex)
        pltpu.sync_copy(qc_hbm.at[pl.ds(qbase + M, QW)], qey)
        pltpu.sync_copy(qc_hbm.at[pl.ds(qbase + 2 * M, QW)], qez)
        pltpu.sync_copy(qc_hbm.at[pl.ds(qbase, QW)], qrx_v)
        pltpu.sync_copy(qc_hbm.at[pl.ds(qbase + M, QW)], qry_v)
        pltpu.sync_copy(qc_hbm.at[pl.ds(qbase + 2 * M, QW)], qrz_v)
        pltpu.sync_copy(isig_hbm, isig_v)

        def q_round(i, _):
            qrx_v[pl.ds(i * L, L)] = rne16(qrx_v[pl.ds(i * L, L)])
            qry_v[pl.ds(i * L, L)] = rne16(qry_v[pl.ds(i * L, L)])
            qrz_v[pl.ds(i * L, L)] = rne16(qrz_v[pl.ds(i * L, L)])
            return 0
        lax.fori_loop(0, QW // L, q_round, 0)

        def q2_body(i, _):
            vx = qex[pl.ds(i * L, L)]
            vy = qey[pl.ds(i * L, L)]
            vz = qez[pl.ds(i * L, L)]
            q2vm[pl.ds(i * L, L)] = vx * vx + vy * vy + vz * vz
            return 0
        lax.fori_loop(0, QW // L, q2_body, 0)

        def group_body(g, _):
            base = g * G
            zi = jnp.zeros((L,), I32)
            qx = [plsc.load_gather(qrx_v, [zi + (base + j)]) for j in range(G)]
            qy = [plsc.load_gather(qry_v, [zi + (base + j)]) for j in range(G)]
            qz = [plsc.load_gather(qrz_v, [zi + (base + j)]) for j in range(G)]
            q2 = [plsc.load_gather(q2vm, [zi + (base + j)]) for j in range(G)]
            for j in range(G):
                topd[pl.ds(j * L, L)] = jnp.full((L,), INF, F32)
                topi[pl.ds(j * L, L)] = jnp.zeros((L,), I32)

            def chunk_body(ci, carry):
                offs = list(carry[:G])
                ts = list(carry[G:])
                vx = pbx[pl.ds(ci * L, L)]
                vy = pby[pl.ds(ci * L, L)]
                vz = pbz[pl.ds(ci * L, L)]
                vp2 = p2v[pl.ds(ci * L, L)]
                iv = lax.iota(I32, L) + ci * L
                for j in range(G):
                    cj = qx[j] * vx + qy[j] * vy + qz[j] * vz
                    dj = (q2[j] - 2.0 * cj) + vp2
                    mj = dj < ts[j]
                    cnt = jnp.max(plsc.all_reduce_population_count(mj))
                    plsc.store_compressed(
                        bufd.at[pl.ds(j * BSTRIDE + offs[j], L)], dj, mask=mj)
                    plsc.store_compressed(
                        bufi.at[pl.ds(j * BSTRIDE + offs[j], L)], iv, mask=mj)
                    offs[j] = offs[j] + cnt
                return tuple(offs) + tuple(ts)

            def drain_all(carry):
                offs = carry[:G]
                ts = []
                for j in range(G):
                    Tj = topd[pl.ds(j * L, L)]
                    Ij = topi[pl.ds(j * L, L)]

                    def dcond(st):
                        return st[0] < offs[j]

                    def dbody(st):
                        k, T, I = st
                        v = bufd[pl.ds(j * BSTRIDE + k, L)]
                        ivv = bufi[pl.ds(j * BSTRIDE + k, L)]
                        lane = lax.iota(I32, L)
                        v = jnp.where(lane < (offs[j] - k), v, INF)
                        vs, ivs = plsc.sort_key_val(v, ivv)
                        vr = lax.rev(vs, (0,))
                        ir = lax.rev(ivs, (0,))
                        sel = T <= vr
                        Lv = jnp.where(sel, T, vr)
                        Li = jnp.where(sel, I, ir)
                        T2, I2 = plsc.sort_key_val(Lv, Li)
                        return (k + L, T2, I2)

                    _, Tj, Ij = lax.while_loop(dcond, dbody, (0, Tj, Ij))
                    topd[pl.ds(j * L, L)] = Tj
                    topi[pl.ds(j * L, L)] = Ij
                    ts.append(jnp.max(Tj))
                return (jnp.int32(0),) * G + tuple(ts)

            carry = (jnp.int32(0),) * G + (jnp.float32(INF),) * G
            for (s0, s1) in ((0, 1), (1, 8), (8, 64)):
                carry = lax.fori_loop(s0, s1, chunk_body, carry)
                carry = drain_all(carry)

            def seg_body(s, carry):
                carry = lax.fori_loop(64 + s * 64, 128 + s * 64,
                                      chunk_body, carry)
                return drain_all(carry)
            carry = lax.fori_loop(0, (NCHUNK - 64) // 64, seg_body, carry)

            for j in range(G):
                gidx[pl.ds((base + j) * L, L)] = topi[pl.ds(j * L, L)]
            return 0
        lax.fori_loop(0, QW // G, group_body, 0)

        for c, dstbuf in enumerate((gax, gay, gaz)):
            pltpu.sync_copy(pc_hbm.at[pl.ds(pbase + c * N, N)], stage)

            def g_body(i, _):
                idxv = gidx[pl.ds(i * L, L)]
                dstbuf[pl.ds(i * L, L)] = plsc.load_gather(stage, [idxv])
                return 0
            lax.fori_loop(0, QW * L // L, g_body, 0)

        def fin_body(fg, _):
            qxv = qex[pl.ds(fg * L, L)]
            qyv = qey[pl.ds(fg * L, L)]
            qzv = qez[pl.ds(fg * L, L)]
            lane = lax.iota(I32, L)
            rowb = fg * (L * L) + lane * L
            isg = isig_v[pl.ds(0, L)]
            minv = jnp.full((L,), INF, F32)
            for k in range(GROUP_SIZE):
                rows = rowb + k
                gx = plsc.load_gather(gax, [rows])
                gy = plsc.load_gather(gay, [rows])
                gz = plsc.load_gather(gaz, [rows])
                dx = gx - qxv
                dy = gy - qyv
                dz = gz - qzv
                dk = dx * dx + dy * dy + dz * dz
                pwx[pl.ds(k * L, L)] = gx
                pwy[pl.ds(k * L, L)] = gy
                pwz[pl.ds(k * L, L)] = gz
                dwork[pl.ds(k * L, L)] = dk
                minv = jnp.minimum(minv, dk)
            den = jnp.zeros((L,), F32)
            ox = jnp.zeros((L,), F32)
            oy = jnp.zeros((L,), F32)
            oz = jnp.zeros((L,), F32)
            for k in range(GROUP_SIZE):
                ek = jnp.exp((minv - dwork[pl.ds(k * L, L)]) * isg)
                den = den + ek
                ox = ox + ek * pwx[pl.ds(k * L, L)]
                oy = oy + ek * pwy[pl.ds(k * L, L)]
                oz = oz + ek * pwz[pl.ds(k * L, L)]
            outx[pl.ds(fg * L, L)] = ox / den
            outy[pl.ds(fg * L, L)] = oy / den
            outz[pl.ds(fg * L, L)] = oz / den
            return 0
        lax.fori_loop(0, QW // L, fin_body, 0)

        pltpu.sync_copy(outx, out_hbm.at[pl.ds(obase, QW)])
        pltpu.sync_copy(outy, out_hbm.at[pl.ds(obase + QSC, QW)])
        pltpu.sync_copy(outz, out_hbm.at[pl.ds(obase + 2 * QSC, QW)])

    return pl.kernel(
        body,
        out_type=jax.ShapeDtypeStruct((B * 3 * QSC,), F32),
        mesh=mesh,
        compiler_params=pltpu.CompilerParams(
            needs_layout_passes=False, use_tc_tiling_on_sc=False),
        scratch_types=[
            pltpu.VMEM((N,), F32),
            pltpu.VMEM((N,), F32),
            pltpu.VMEM((N,), F32),
            pltpu.VMEM((N,), F32),
            pltpu.VMEM((N,), F32),
            pltpu.VMEM((QW,), F32),
            pltpu.VMEM((QW,), F32),
            pltpu.VMEM((QW,), F32),
            pltpu.VMEM((QW,), F32),
            pltpu.VMEM((QW,), F32),
            pltpu.VMEM((QW,), F32),
            pltpu.VMEM((QW,), F32),
            pltpu.VMEM((L,), F32),
            pltpu.VMEM((G * BSTRIDE,), F32),
            pltpu.VMEM((G * BSTRIDE,), I32),
            pltpu.VMEM((G * L,), F32),
            pltpu.VMEM((G * L,), I32),
            pltpu.VMEM((QW * L,), I32),
            pltpu.VMEM((QW * L,), F32),
            pltpu.VMEM((QW * L,), F32),
            pltpu.VMEM((QW * L,), F32),
            pltpu.VMEM((GROUP_SIZE * L,), F32),
            pltpu.VMEM((GROUP_SIZE * L,), F32),
            pltpu.VMEM((GROUP_SIZE * L,), F32),
            pltpu.VMEM((GROUP_SIZE * L,), F32),
            pltpu.VMEM((QW,), F32),
            pltpu.VMEM((QW,), F32),
            pltpu.VMEM((QW,), F32),
            pltpu.SemaphoreType.DMA,
        ],
    )


MBLK = 128


def _tc_body(p_ref, q_ref, inv_sigma_ref, out_ref):
    p = p_ref[0]
    q = q_ref[0]
    px = p[0:1, :]
    py = p[1:2, :]
    pz = p[2:3, :]
    qx = q[:, 0:1]
    qy = q[:, 1:2]
    qz = q[:, 2:3]
    p2 = px * px + py * py + pz * pz
    q2 = qx * qx + qy * qy + qz * qz
    bf = jnp.bfloat16
    pxb = px.astype(bf).astype(F32)
    pyb = py.astype(bf).astype(F32)
    pzb = pz.astype(bf).astype(F32)
    qxb = qx.astype(bf).astype(F32)
    qyb = qy.astype(bf).astype(F32)
    qzb = qz.astype(bf).astype(F32)
    csel = qxb * pxb + qyb * pyb + qzb * pzb
    dsel = q2 - 2.0 * csel + p2
    c = qx * px + qy * py + qz * pz
    d2 = q2 - 2.0 * c + p2

    inf = jnp.float32(jnp.inf)
    t = jnp.min(dsel, axis=1, keepdims=True)
    for _ in range(GROUP_SIZE - 1):
        t = jnp.min(jnp.where(dsel > t, dsel, inf), axis=1, keepdims=True)

    mask = dsel <= t
    dmin = jnp.min(jnp.where(mask, d2, inf), axis=1, keepdims=True)
    inv_sigma = inv_sigma_ref[0]
    w = jnp.where(mask, jnp.exp((dmin - d2) * inv_sigma), 0.0)
    den = jnp.sum(w, axis=1, keepdims=True)
    nx = jnp.sum(w * px, axis=1, keepdims=True)
    ny = jnp.sum(w * py, axis=1, keepdims=True)
    nz = jnp.sum(w * pz, axis=1, keepdims=True)
    r = 1.0 / den
    out_ref[0] = jnp.concatenate([nx * r, ny * r, nz * r], axis=1)


def _tc_build(B, N, MT):
    return pl.pallas_call(
        _tc_body,
        grid=(B, MT // MBLK),
        in_specs=[
            pl.BlockSpec((1, 3, N), lambda b, j: (b, 0, 0)),
            pl.BlockSpec((1, MBLK, 3), lambda b, j: (b, j, 0)),
            pl.BlockSpec(memory_space=pltpu.SMEM),
        ],
        out_specs=pl.BlockSpec((1, MBLK, 3), lambda b, j: (b, j, 0)),
        out_shape=jax.ShapeDtypeStruct((B, MT, 3), jnp.float32),
    )


def kernel(point_cloud, query_cloud, temperature):
    B, _, N = point_cloud.shape
    M = query_cloud.shape[2]
    QSC = M // 2
    sigma = jnp.maximum(temperature ** 2, jnp.asarray(MIN_SIGMA, F32))
    isig = jnp.full((L,), 1.0, F32) / sigma
    sc_out = _sc_build(B, N, M, QSC)(
        point_cloud.reshape(-1), query_cloud.reshape(-1), isig)
    qt_tc = jnp.transpose(query_cloud, (0, 2, 1))[:, QSC:, :]
    inv_sigma = (1.0 / sigma).reshape(1).astype(F32)
    tc_out = _tc_build(B, N, M - QSC)(point_cloud, qt_tc, inv_sigma)
    return jnp.concatenate(
        [sc_out.reshape(B, 3, QSC), jnp.transpose(tc_out, (0, 2, 1))], axis=2)

# --- scband reference (transcript-rebuilt; emitter-appended) ---
"""Pipeline reference for scband-soft-projection-1400159339082 (READ-ONLY COPY).

The authoritative reference and input builder live on the scoring server;
editing this copy changes nothing except your own understanding.
"""

import jax, jax.numpy as jnp
import numpy as np

GROUP_SIZE = 16
MIN_SIGMA = 1e-4


def setup_inputs(seed: int = 0) -> dict:
    key = jax.random.key(seed)
    k1, k2 = jax.random.split(key)
    point_cloud = jax.random.normal(k1, (8, 3, 16384), dtype=jnp.float32)
    query_cloud = jax.random.normal(k2, (8, 3, 1024), dtype=jnp.float32)
    temperature = jnp.asarray(1.0, dtype=jnp.float32)
    return {"point_cloud": point_cloud, "query_cloud": query_cloud, "temperature": temperature}


def reference(point_cloud, query_cloud, temperature):
    # point_cloud: (B, 3, N), query_cloud: (B, 3, M)
    p = jnp.transpose(point_cloud, (0, 2, 1))  # (B, N, 3)
    q = jnp.transpose(query_cloud, (0, 2, 1))  # (B, M, 3)
    # pairwise squared distances (B, M, N)
    d2 = (
        jnp.sum(q * q, axis=-1, keepdims=True)
        - 2.0 * jnp.einsum("bmd,bnd->bmn", q, p)
        + jnp.sum(p * p, axis=-1)[:, None, :]
    )
    # k nearest neighbors of each query in the database cloud
    _, idx = jax.lax.top_k(-d2, GROUP_SIZE)  # (B, M, k)
    # group_point: gather neighbor coordinates -> (B, M, k, 3) -> (B, 3, M, k)
    grouped = jax.vmap(lambda pts, ix: pts[ix])(p, idx)
    grouped_points = jnp.transpose(grouped, (0, 3, 1, 2))  # (B, 3, M, k)
    # distances to query, scaled by sigma
    sigma = jnp.maximum(temperature ** 2, jnp.asarray(MIN_SIGMA, jnp.float32))
    deltas = grouped_points - query_cloud[..., None]  # (B, 3, M, k)
    dist = jnp.sum(deltas ** 2, axis=1, keepdims=True) / sigma  # (B, 1, M, k)
    weights = jax.nn.softmax(-dist, axis=3)  # (B, 1, M, k)
    weights = jnp.broadcast_to(weights, grouped_points.shape)  # repeat over 3 channels
    projected_points = jnp.sum(grouped_points * weights, axis=3)  # (B, 3, M)
    return projected_points

if __name__ == "__main__":
    import jax
    _d = setup_inputs()
    print(jax.jit(kernel)(*tuple(_d.values())))

</pallas_src>

<mosaic_0001>
#map = affine_map<(d0, d1) -> (0)>
module attributes {stable_mosaic.version = 14 : i64} {
  func.func @body(%arg0: i32, %arg1: i32, %arg2: memref<393216xf32, #tpu.memory_space<hbm>>, %arg3: memref<24576xf32, #tpu.memory_space<hbm>>, %arg4: memref<16xf32, #tpu.memory_space<hbm>>, %arg5: memref<12288xf32, #tpu.memory_space<hbm>>, %arg6: memref<16384xf32, #tpu.memory_space<vmem>>, %arg7: memref<16384xf32, #tpu.memory_space<vmem>>, %arg8: memref<16384xf32, #tpu.memory_space<vmem>>, %arg9: memref<16384xf32, #tpu.memory_space<vmem>>, %arg10: memref<16384xf32, #tpu.memory_space<vmem>>, %arg11: memref<128xf32, #tpu.memory_space<vmem>>, %arg12: memref<128xf32, #tpu.memory_space<vmem>>, %arg13: memref<128xf32, #tpu.memory_space<vmem>>, %arg14: memref<128xf32, #tpu.memory_space<vmem>>, %arg15: memref<128xf32, #tpu.memory_space<vmem>>, %arg16: memref<128xf32, #tpu.memory_space<vmem>>, %arg17: memref<128xf32, #tpu.memory_space<vmem>>, %arg18: memref<16xf32, #tpu.memory_space<vmem>>, %arg19: memref<4224xf32, #tpu.memory_space<vmem>>, %arg20: memref<4224xi32, #tpu.memory_space<vmem>>, %arg21: memref<64xf32, #tpu.memory_space<vmem>>, %arg22: memref<64xi32, #tpu.memory_space<vmem>>, %arg23: memref<2048xi32, #tpu.memory_space<vmem>>, %arg24: memref<2048xf32, #tpu.memory_space<vmem>>, %arg25: memref<2048xf32, #tpu.memory_space<vmem>>, %arg26: memref<2048xf32, #tpu.memory_space<vmem>>, %arg27: memref<256xf32, #tpu.memory_space<vmem>>, %arg28: memref<256xf32, #tpu.memory_space<vmem>>, %arg29: memref<256xf32, #tpu.memory_space<vmem>>, %arg30: memref<256xf32, #tpu.memory_space<vmem>>, %arg31: memref<128xf32, #tpu.memory_space<vmem>>, %arg32: memref<128xf32, #tpu.memory_space<vmem>>, %arg33: memref<128xf32, #tpu.memory_space<vmem>>, %arg34: memref<!tpu.dma_semaphore, #tpu.memory_space<semaphore_mem>>) attributes {dimension_semantics = [#tpu.dimension_semantics<core_parallel>, #tpu.dimension_semantics<subcore_parallel>], iteration_bounds = array<i64: 2, 16>, scalar_prefetch = 0 : i64, scratch_operands = 29 : i64, tpu.core_type = #tpu.core_type<sc_vector_subcore>, window_params = [{transform_indices = #map}, {transform_indices = #map}, {transform_indices = #map}, {transform_indices = #map}]} {
    %mul3A = arith.constant 2 : i32
    %mul3A_0 = arith.muli %arg1, %mul3A : i32
    %add3A = arith.addi %mul3A_0, %arg0 : i32
    %jit3A = arith.constant 4 : i32
    %div3A = arith.divsi %add3A, %jit3A : i32
    %sign3A = arith.constant 0 : i32
    %sign3A_1 = arith.cmpi sgt, %add3A, %sign3A : i32
    %sign3A_2 = arith.extui %sign3A_1 : i1 to i32
    %sign3A_3 = arith.constant 0 : i32
    %sign3A_4 = arith.cmpi slt, %add3A, %sign3A_3 : i32
    %sign3A_5 = arith.extui %sign3A_4 : i1 to i32
    %sign3A_6 = arith.subi %sign3A_2, %sign3A_5 : i32
    %sign3A_7 = arith.constant 0 : i32
    %sign3A_8 = arith.cmpi sgt, %jit3A, %sign3A_7 : i32
    %sign3A_9 = arith.extui %sign3A_8 : i1 to i32
    %sign3A_10 = arith.constant 0 : i32
    %sign3A_11 = arith.cmpi slt, %jit3A, %sign3A_10 : i32
    %sign3A_12 = arith.extui %sign3A_11 : i1 to i32
    %sign3A_13 = arith.subi %sign3A_9, %sign3A_12 : i32
    %ne3A = arith.cmpi ne, %sign3A_6, %sign3A_13 : i32
    %rem3A = arith.remsi %add3A, %jit3A : i32
    %ne3A_14 = arith.constant 0 : i32
    %ne3A_15 = arith.cmpi ne, %rem3A, %ne3A_14 : i32
    %and3A = arith.andi %ne3A, %ne3A_15 : i1
    %sub3A = arith.constant 1 : i32
    %sub3A_16 = arith.subi %div3A, %sub3A : i32
    %select_n3A = arith.select %and3A, %sub3A_16, %div3A : i32
    %jit3A_17 = arith.constant 4 : i32
    %eq3A = arith.constant 0 : i32
    %eq3A_18 = arith.cmpi eq, %jit3A_17, %eq3A : i32
    %jit3A_19 = arith.constant 1 : i32
    %select_n3A_20 = arith.select %eq3A_18, %jit3A_19, %jit3A_17 : i32
    %rem3A_21 = arith.remsi %add3A, %select_n3A_20 : i32
    %ne3A_22 = arith.constant 0 : i32
    %ne3A_23 = arith.cmpi ne, %rem3A_21, %ne3A_22 : i32
    %lt3A = arith.constant 0 : i32
    %lt3A_24 = arith.cmpi slt, %rem3A_21, %lt3A : i32
    %lt3A_25 = arith.constant 0 : i32
    %lt3A_26 = arith.cmpi slt, %select_n3A_20, %lt3A_25 : i32
    %ne3A_27 = arith.xori %lt3A_24, %lt3A_26 : i1
    %and3A_28 = arith.andi %ne3A_27, %ne3A_23 : i1
    %add3A_29 = arith.addi %rem3A_21, %select_n3A_20 : i32
    %select_n3A_30 = arith.select %and3A_28, %add3A_29, %rem3A_21 : i32
    %mul3A_31 = arith.constant 128 : i32
    %mul3A_32 = arith.muli %select_n3A_30, %mul3A_31 : i32
    %mul3A_33 = arith.constant 3 : i32
    %mul3A_34 = arith.muli %select_n3A, %mul3A_33 : i32
    %mul3A_35 = arith.constant 16384 : i32
    %mul3A_36 = arith.muli %mul3A_34, %mul3A_35 : i32
    %mul3A_37 = arith.constant 3 : i32
    %mul3A_38 = arith.muli %select_n3A, %mul3A_37 : i32
    %mul3A_39 = arith.constant 1024 : i32
    %mul3A_40 = arith.muli %mul3A_38, %mul3A_39 : i32
    %add3A_41 = arith.addi %mul3A_40, %mul3A_32 : i32
    %mul3A_42 = arith.constant 3 : i32
    %mul3A_43 = arith.muli %select_n3A, %mul3A_42 : i32
    %mul3A_44 = arith.constant 512 : i32
    %mul3A_45 = arith.muli %mul3A_43, %mul3A_44 : i32
    %add3A_46 = arith.addi %mul3A_45, %mul3A_32 : i32
    "tpu.region"() ({
      %run_scoped3A = tpu.sem_alloc : memref<!tpu.dma_semaphore, #tpu.memory_space<semaphore_mem>>
      %dma_start3A = tpu.memref_slice %arg2[%mul3A_36] : memref<393216xf32, #tpu.memory_space<hbm>> -> memref<16384xf32, #tpu.memory_space<hbm>>
      %dma_start3A_124 = tpu.memref_slice %arg2[%mul3A_36] : memref<393216xf32, #tpu.memory_space<hbm>> -> memref<16384xf32, #tpu.memory_space<hbm>>
      tpu.enqueue_dma source(%dma_start3A_124 : memref<16384xf32, #tpu.memory_space<hbm>>) target(%arg6 : memref<16384xf32, #tpu.memory_space<vmem>>) target_semaphore(%run_scoped3A : memref<!tpu.dma_semaphore, #tpu.memory_space<semaphore_mem>>)
      %dma_wait3A = tpu.memref_slice %arg2[%mul3A_36] : memref<393216xf32, #tpu.memory_space<hbm>> -> memref<16384xf32, #tpu.memory_space<hbm>>
      %dma_wait3A_125 = tpu.memref_slice %arg2[%mul3A_36] : memref<393216xf32, #tpu.memory_space<hbm>> -> memref<16384xf32, #tpu.memory_space<hbm>>
      tpu.wait_dma2 semaphore(%run_scoped3A : memref<!tpu.dma_semaphore, #tpu.memory_space<semaphore_mem>>) src(%dma_wait3A_125 : memref<16384xf32, #tpu.memory_space<hbm>>) dst(%arg6 : memref<16384xf32, #tpu.memory_space<vmem>>)
      tpu.yield
    }) : () -> ()
    %add3A_47 = arith.constant 16384 : i32
    %add3A_48 = arith.addi %mul3A_36, %add3A_47 : i32
    "tpu.region"() ({
      %run_scoped3A = tpu.sem_alloc : memref<!tpu.dma_semaphore, #tpu.memory_space<semaphore_mem>>
      %dma_start3A = tpu.memref_slice %arg2[%add3A_48] : memref<393216xf32, #tpu.memory_space<hbm>> -> memref<16384xf32, #tpu.memory_space<hbm>>
      %dma_start3A_124 = tpu.memref_slice %arg2[%add3A_48] : memref<393216xf32, #tpu.memory_space<hbm>> -> memref<16384xf32, #tpu.memory_space<hbm>>
      tpu.enqueue_dma source(%dma_start3A_124 : memref<16384xf32, #tpu.memory_space<hbm>>) target(%arg7 : memref<16384xf32, #tpu.memory_space<vmem>>) target_semaphore(%run_scoped3A : memref<!tpu.dma_semaphore, #tpu.memory_space<semaphore_mem>>)
      %dma_wait3A = tpu.memref_slice %arg2[%add3A_48] : memref<393216xf32, #tpu.memory_space<hbm>> -> memref<16384xf32, #tpu.memory_space<hbm>>
      %dma_wait3A_125 = tpu.memref_slice %arg2[%add3A_48] : memref<393216xf32, #tpu.memory_space<hbm>> -> memref<16384xf32, #tpu.memory_space<hbm>>
      tpu.wait_dma2 semaphore(%run_scoped3A : memref<!tpu.dma_semaphore, #tpu.memory_space<semaphore_mem>>) src(%dma_wait3A_125 : memref<16384xf32, #tpu.memory_space<hbm>>) dst(%arg7 : memref<16384xf32, #tpu.memory_space<vmem>>)
      tpu.yield
    }) : () -> ()
    %add3A_49 = arith.constant 32768 : i32
    %add3A_50 = arith.addi %mul3A_36, %add3A_49 : i32
    "tpu.region"() ({
      %run_scoped3A = tpu.sem_alloc : memref<!tpu.dma_semaphore, #tpu.memory_space<semaphore_mem>>
      %dma_start3A = tpu.memref_slice %arg2[%add3A_50] : memref<393216xf32, #tpu.memory_space<hbm>> -> memref<16384xf32, #tpu.memory_space<hbm>>
      %dma_start3A_124 = tpu.memref_slice %arg2[%add3A_50] : memref<393216xf32, #tpu.memory_space<hbm>> -> memref<16384xf32, #tpu.memory_space<hbm>>
      tpu.enqueue_dma source(%dma_start3A_124 : memref<16384xf32, #tpu.memory_space<hbm>>) target(%arg8 : memref<16384xf32, #tpu.memory_space<vmem>>) target_semaphore(%run_scoped3A : memref<!tpu.dma_semaphore, #tpu.memory_space<semaphore_mem>>)
      %dma_wait3A = tpu.memref_slice %arg2[%add3A_50] : memref<393216xf32, #tpu.memory_space<hbm>> -> memref<16384xf32, #tpu.memory_space<hbm>>
      %dma_wait3A_125 = tpu.memref_slice %arg2[%add3A_50] : memref<393216xf32, #tpu.memory_space<hbm>> -> memref<16384xf32, #tpu.memory_space<hbm>>
      tpu.wait_dma2 semaphore(%run_scoped3A : memref<!tpu.dma_semaphore, #tpu.memory_space<semaphore_mem>>) src(%dma_wait3A_125 : memref<16384xf32, #tpu.memory_space<hbm>>) dst(%arg8 : memref<16384xf32, #tpu.memory_space<vmem>>)
      tpu.yield
    }) : () -> ()
    %scan3A = arith.constant 0 : i32
    %scan3A_51 = arith.constant 0 : i32
    %scan3A_52 = arith.constant 1024 : i32
    %scan3A_53 = arith.addi %scan3A_51, %scan3A_52 : i32
    %scan3A_54 = arith.constant 1 : i32
    %scan3A_55 = scf.for %scan3A_124 = %scan3A_51 to %scan3A_53 step %scan3A_54 iter_args(%scan3A_125 = %scan3A) -> (i32)  : i32 {
      %mul3A_126 = arith.constant 16 : i32
      %mul3A_127 = arith.muli %scan3A_124, %mul3A_126 : i32
      %get3A = arith.index_cast %mul3A_127 : i32 to index
      %get3A_128 = tpu.vector_load %arg6[%get3A] {strides = array<i32>} : memref<16384xf32, #tpu.memory_space<vmem>>, vector<16xf32>,
      %mul3A_129 = arith.constant 16 : i32
      %mul3A_130 = arith.muli %scan3A_124, %mul3A_129 : i32
      %get3A_131 = arith.index_cast %mul3A_130 : i32 to index
      %get3A_132 = tpu.vector_load %arg7[%get3A_131] {strides = array<i32>} : memref<16384xf32, #tpu.memory_space<vmem>>, vector<16xf32>,
      %mul3A_133 = arith.constant 16 : i32
      %mul3A_134 = arith.muli %scan3A_124, %mul3A_133 : i32
      %get3A_135 = arith.index_cast %mul3A_134 : i32 to index
      %get3A_136 = tpu.vector_load %arg8[%get3A_135] {strides = array<i32>} : memref<16384xf32, #tpu.memory_space<vmem>>, vector<16xf32>,
      %mul3A_137 = arith.mulf %get3A_128, %get3A_128 : vector<16xf32>
      %mul3A_138 = arith.mulf %get3A_132, %get3A_132 : vector<16xf32>
      %add3A_139 = arith.addf %mul3A_137, %mul3A_138 : vector<16xf32>
      %mul3A_140 = arith.mulf %get3A_136, %get3A_136 : vector<16xf32>
      %add3A_141 = arith.addf %add3A_139, %mul3A_140 : vector<16xf32>
      %mul3A_142 = arith.constant 16 : i32
      %mul3A_143 = arith.muli %scan3A_124, %mul3A_142 : i32
      %swap3A = arith.index_cast %mul3A_143 : i32 to index
      %swap3A_144 = tpu.vector_load %arg9[%swap3A] {strides = array<i32>} : memref<16384xf32, #tpu.memory_space<vmem>>, vector<16xf32>,
      tpu.vector_store %arg9[%swap3A], %add3A_141 {strides = array<i32>} : memref<16384xf32, #tpu.memory_space<vmem>>, vector<16xf32>,
      %bitcast3A = vector.bitcast %get3A_128 : vector<16xf32> to vector<16xi32>
      %add3A_145 = arith.constant 32767 : i32
      %add3A_146 = vector.broadcast %add3A_145 : i32 to vector<16xi32>
      %add3A_147 = arith.addi %bitcast3A, %add3A_146 : vector<16xi32>
      %shift_right_logical3A = arith.constant 16 : i32
      %shift_right_logical3A_148 = vector.broadcast %shift_right_logical3A : i32 to vector<16xi32>
      %shift_right_logical3A_149 = arith.shrui %bitcast3A, %shift_right_logical3A_148 : vector<16xi32>
      %and3A_150 = arith.constant 1 : i32
      %and3A_151 = vector.broadcast %and3A_150 : i32 to vector<16xi32>
      %and3A_152 = arith.andi %shift_right_logical3A_149, %and3A_151 : vector<16xi32>
      %add3A_153 = arith.addi %add3A_147, %and3A_152 : vector<16xi32>
      %and3A_154 = arith.constant -65536 : i32
      %and3A_155 = vector.broadcast %and3A_154 : i32 to vector<16xi32>
      %and3A_156 = arith.andi %add3A_153, %and3A_155 : vector<16xi32>
      %bitcast3A_157 = vector.bitcast %and3A_156 : vector<16xi32> to vector<16xf32>
      %mul3A_158 = arith.constant 16 : i32
      %mul3A_159 = arith.muli %scan3A_124, %mul3A_158 : i32
      %swap3A_160 = arith.index_cast %mul3A_159 : i32 to index
      %swap3A_161 = tpu.vector_load %arg6[%swap3A_160] {strides = array<i32>} : memref<16384xf32, #tpu.memory_space<vmem>>, vector<16xf32>,
      tpu.vector_store %arg6[%swap3A_160], %bitcast3A_157 {strides = array<i32>} : memref<16384xf32, #tpu.memory_space<vmem>>, vector<16xf32>,
      %bitcast3A_162 = vector.bitcast %get3A_132 : vector<16xf32> to vector<16xi32>
      %add3A_163 = arith.constant 32767 : i32
      %add3A_164 = vector.broadcast %add3A_163 : i32 to vector<16xi32>
      %add3A_165 = arith.addi %bitcast3A_162, %add3A_164 : vector<16xi32>
      %shift_right_logical3A_166 = arith.constant 16 : i32
      %shift_right_logical3A_167 = vector.broadcast %shift_right_logical3A_166 : i32 to vector<16xi32>
      %shift_right_logical3A_168 = arith.shrui %bitcast3A_162, %shift_right_logical3A_167 : vector<16xi32>
      %and3A_169 = arith.constant 1 : i32
      %and3A_170 = vector.broadcast %and3A_169 : i32 to vector<16xi32>
      %and3A_171 = arith.andi %shift_right_logical3A_168, %and3A_170 : vector<16xi32>
      %add3A_172 = arith.addi %add3A_165, %and3A_171 : vector<16xi32>
      %and3A_173 = arith.constant -65536 : i32
      %and3A_174 = vector.broadcast %and3A_173 : i32 to vector<16xi32>
      %and3A_175 = arith.andi %add3A_172, %and3A_174 : vector<16xi32>
      %bitcast3A_176 = vector.bitcast %and3A_175 : vector<16xi32> to vector<16xf32>
      %mul3A_177 = arith.constant 16 : i32
      %mul3A_178 = arith.muli %scan3A_124, %mul3A_177 : i32
      %swap3A_179 = arith.index_cast %mul3A_178 : i32 to index
      %swap3A_180 = tpu.vector_load %arg7[%swap3A_179] {strides = array<i32>} : memref<16384xf32, #tpu.memory_space<vmem>>, vector<16xf32>,
      tpu.vector_store %arg7[%swap3A_179], %bitcast3A_176 {strides = array<i32>} : memref<16384xf32, #tpu.memory_space<vmem>>, vector<16xf32>,
      %bitcast3A_181 = vector.bitcast %get3A_136 : vector<16xf32> to vector<16xi32>
      %add3A_182 = arith.constant 32767 : i32
      %add3A_183 = vector.broadcast %add3A_182 : i32 to vector<16xi32>
      %add3A_184 = arith.addi %bitcast3A_181, %add3A_183 : vector<16xi32>
      %shift_right_logical3A_185 = arith.constant 16 : i32
      %shift_right_logical3A_186 = vector.broadcast %shift_right_logical3A_185 : i32 to vector<16xi32>
      %shift_right_logical3A_187 = arith.shrui %bitcast3A_181, %shift_right_logical3A_186 : vector<16xi32>
      %and3A_188 = arith.constant 1 : i32
      %and3A_189 = vector.broadcast %and3A_188 : i32 to vector<16xi32>
      %and3A_190 = arith.andi %shift_right_logical3A_187, %and3A_189 : vector<16xi32>
      %add3A_191 = arith.addi %add3A_184, %and3A_190 : vector<16xi32>
      %and3A_192 = arith.constant -65536 : i32
      %and3A_193 = vector.broadcast %and3A_192 : i32 to vector<16xi32>
      %and3A_194 = arith.andi %add3A_191, %and3A_193 : vector<16xi32>
      %bitcast3A_195 = vector.bitcast %and3A_194 : vector<16xi32> to vector<16xf32>
      %mul3A_196 = arith.constant 16 : i32
      %mul3A_197 = arith.muli %scan3A_124, %mul3A_196 : i32
      %swap3A_198 = arith.index_cast %mul3A_197 : i32 to index
      %swap3A_199 = tpu.vector_load %arg8[%swap3A_198] {strides = array<i32>} : memref<16384xf32, #tpu.memory_space<vmem>>, vector<16xf32>,
      tpu.vector_store %arg8[%swap3A_198], %bitcast3A_195 {strides = array<i32>} : memref<16384xf32, #tpu.memory_space<vmem>>, vector<16xf32>,
      %scan3A_200 = arith.constant 0 : i32
      scf.yield %scan3A_200 : i32
    }
    %scan3A_56 = arith.constant 1024 : i32
    "tpu.region"() ({
      %run_scoped3A = tpu.sem_alloc : memref<!tpu.dma_semaphore, #tpu.memory_space<semaphore_mem>>
      %dma_start3A = tpu.memref_slice %arg3[%add3A_41] : memref<24576xf32, #tpu.memory_space<hbm>> -> memref<128xf32, #tpu.memory_space<hbm>>
      %dma_start3A_124 = tpu.memref_slice %arg3[%add3A_41] : memref<24576xf32, #tpu.memory_space<hbm>> -> memref<128xf32, #tpu.memory_space<hbm>>
      tpu.enqueue_dma source(%dma_start3A_124 : memref<128xf32, #tpu.memory_space<hbm>>) target(%arg11 : memref<128xf32, #tpu.memory_space<vmem>>) target_semaphore(%run_scoped3A : memref<!tpu.dma_semaphore, #tpu.memory_space<semaphore_mem>>)
      %dma_wait3A = tpu.memref_slice %arg3[%add3A_41] : memref<24576xf32, #tpu.memory_space<hbm>> -> memref<128xf32, #tpu.memory_space<hbm>>
      %dma_wait3A_125 = tpu.memref_slice %arg3[%add3A_41] : memref<24576xf32, #tpu.memory_space<hbm>> -> memref<128xf32, #tpu.memory_space<hbm>>
      tpu.wait_dma2 semaphore(%run_scoped3A : memref<!tpu.dma_semaphore, #tpu.memory_space<semaphore_mem>>) src(%dma_wait3A_125 : memref<128xf32, #tpu.memory_space<hbm>>) dst(%arg11 : memref<128xf32, #tpu.memory_space<vmem>>)
      tpu.yield
    }) : () -> ()
    %add3A_57 = arith.constant 1024 : i32
    %add3A_58 = arith.addi %add3A_41, %add3A_57 : i32
    "tpu.region"() ({
      %run_scoped3A = tpu.sem_alloc : memref<!tpu.dma_semaphore, #tpu.memory_space<semaphore_mem>>
      %dma_start3A = tpu.memref_slice %arg3[%add3A_58] : memref<24576xf32, #tpu.memory_space<hbm>> -> memref<128xf32, #tpu.memory_space<hbm>>
      %dma_start3A_124 = tpu.memref_slice %arg3[%add3A_58] : memref<24576xf32, #tpu.memory_space<hbm>> -> memref<128xf32, #tpu.memory_space<hbm>>
      tpu.enqueue_dma source(%dma_start3A_124 : memref<128xf32, #tpu.memory_space<hbm>>) target(%arg12 : memref<128xf32, #tpu.memory_space<vmem>>) target_semaphore(%run_scoped3A : memref<!tpu.dma_semaphore, #tpu.memory_space<semaphore_mem>>)
      %dma_wait3A = tpu.memref_slice %arg3[%add3A_58] : memref<24576xf32, #tpu.memory_space<hbm>> -> memref<128xf32, #tpu.memory_space<hbm>>
      %dma_wait3A_125 = tpu.memref_slice %arg3[%add3A_58] : memref<24576xf32, #tpu.memory_space<hbm>> -> memref<128xf32, #tpu.memory_space<hbm>>
      tpu.wait_dma2 semaphore(%run_scoped3A : memref<!tpu.dma_semaphore, #tpu.memory_space<semaphore_mem>>) src(%dma_wait3A_125 : memref<128xf32, #tpu.memory_space<hbm>>) dst(%arg12 : memref<128xf32, #tpu.memory_space<vmem>>)
      tpu.yield
    }) : () -> ()
    %add3A_59 = arith.constant 2048 : i32
    %add3A_60 = arith.addi %add3A_41, %add3A_59 : i32
    "tpu.region"() ({
      %run_scoped3A = tpu.sem_alloc : memref<!tpu.dma_semaphore, #tpu.memory_space<semaphore_mem>>
      %dma_start3A = tpu.memref_slice %arg3[%add3A_60] : memref<24576xf32, #tpu.memory_space<hbm>> -> memref<128xf32, #tpu.memory_space<hbm>>
      %dma_start3A_124 = tpu.memref_slice %arg3[%add3A_60] : memref<24576xf32, #tpu.memory_space<hbm>> -> memref<128xf32, #tpu.memory_space<hbm>>
      tpu.enqueue_dma source(%dma_start3A_124 : memref<128xf32, #tpu.memory_space<hbm>>) target(%arg13 : memref<128xf32, #tpu.memory_space<vmem>>) target_semaphore(%run_scoped3A : memref<!tpu.dma_semaphore, #tpu.memory_space<semaphore_mem>>)
      %dma_wait3A = tpu.memref_slice %arg3[%add3A_60] : memref<24576xf32, #tpu.memory_space<hbm>> -> memref<128xf32, #tpu.memory_space<hbm>>
      %dma_wait3A_125 = tpu.memref_slice %arg3[%add3A_60] : memref<24576xf32, #tpu.memory_space<hbm>> -> memref<128xf32, #tpu.memory_space<hbm>>
      tpu.wait_dma2 semaphore(%run_scoped3A : memref<!tpu.dma_semaphore, #tpu.memory_space<semaphore_mem>>) src(%dma_wait3A_125 : memref<128xf32, #tpu.memory_space<hbm>>) dst(%arg13 : memref<128xf32, #tpu.memory_space<vmem>>)
      tpu.yield
    }) : () -> ()
    "tpu.region"() ({
      %run_scoped3A = tpu.sem_alloc : memref<!tpu.dma_semaphore, #tpu.memory_space<semaphore_mem>>
      %dma_start3A = tpu.memref_slice %arg3[%add3A_41] : memref<24576xf32, #tpu.memory_space<hbm>> -> memref<128xf32, #tpu.memory_space<hbm>>
      %dma_start3A_124 = tpu.memref_slice %arg3[%add3A_41] : memref<24576xf32, #tpu.memory_space<hbm>> -> memref<128xf32, #tpu.memory_space<hbm>>
      tpu.enqueue_dma source(%dma_start3A_124 : memref<128xf32, #tpu.memory_space<hbm>>) target(%arg15 : memref<128xf32, #tpu.memory_space<vmem>>) target_semaphore(%run_scoped3A : memref<!tpu.dma_semaphore, #tpu.memory_space<semaphore_mem>>)
      %dma_wait3A = tpu.memref_slice %arg3[%add3A_41] : memref<24576xf32, #tpu.memory_space<hbm>> -> memref<128xf32, #tpu.memory_space<hbm>>
      %dma_wait3A_125 = tpu.memref_slice %arg3[%add3A_41] : memref<24576xf32, #tpu.memory_space<hbm>> -> memref<128xf32, #tpu.memory_space<hbm>>
      tpu.wait_dma2 semaphore(%run_scoped3A : memref<!tpu.dma_semaphore, #tpu.memory_space<semaphore_mem>>) src(%dma_wait3A_125 : memref<128xf32, #tpu.memory_space<hbm>>) dst(%arg15 : memref<128xf32, #tpu.memory_space<vmem>>)
      tpu.yield
    }) : () -> ()
    %add3A_61 = arith.constant 1024 : i32
    %add3A_62 = arith.addi %add3A_41, %add3A_61 : i32
    "tpu.region"() ({
      %run_scoped3A = tpu.sem_alloc : memref<!tpu.dma_semaphore, #tpu.memory_space<semaphore_mem>>
      %dma_start3A = tpu.memref_slice %arg3[%add3A_62] : memref<24576xf32, #tpu.memory_space<hbm>> -> memref<128xf32, #tpu.memory_space<hbm>>
      %dma_start3A_124 = tpu.memref_slice %arg3[%add3A_62] : memref<24576xf32, #tpu.memory_space<hbm>> -> memref<128xf32, #tpu.memory_space<hbm>>
      tpu.enqueue_dma source(%dma_start3A_124 : memref<128xf32, #tpu.memory_space<hbm>>) target(%arg16 : memref<128xf32, #tpu.memory_space<vmem>>) target_semaphore(%run_scoped3A : memref<!tpu.dma_semaphore, #tpu.memory_space<semaphore_mem>>)
      %dma_wait3A = tpu.memref_slice %arg3[%add3A_62] : memref<24576xf32, #tpu.memory_space<hbm>> -> memref<128xf32, #tpu.memory_space<hbm>>
      %dma_wait3A_125 = tpu.memref_slice %arg3[%add3A_62] : memref<24576xf32, #tpu.memory_space<hbm>> -> memref<128xf32, #tpu.memory_space<hbm>>
      tpu.wait_dma2 semaphore(%run_scoped3A : memref<!tpu.dma_semaphore, #tpu.memory_space<semaphore_mem>>) src(%dma_wait3A_125 : memref<128xf32, #tpu.memory_space<hbm>>) dst(%arg16 : memref<128xf32, #tpu.memory_space<vmem>>)
      tpu.yield
    }) : () -> ()
    %add3A_63 = arith.constant 2048 : i32
    %add3A_64 = arith.addi %add3A_41, %add3A_63 : i32
    "tpu.region"() ({
      %run_scoped3A = tpu.sem_alloc : memref<!tpu.dma_semaphore, #tpu.memory_space<semaphore_mem>>
      %dma_start3A = tpu.memref_slice %arg3[%add3A_64] : memref<24576xf32, #tpu.memory_space<hbm>> -> memref<128xf32, #tpu.memory_space<hbm>>
      %dma_start3A_124 = tpu.memref_slice %arg3[%add3A_64] : memref<24576xf32, #tpu.memory_space<hbm>> -> memref<128xf32, #tpu.memory_space<hbm>>
      tpu.enqueue_dma source(%dma_start3A_124 : memref<128xf32, #tpu.memory_space<hbm>>) target(%arg17 : memref<128xf32, #tpu.memory_space<vmem>>) target_semaphore(%run_scoped3A : memref<!tpu.dma_semaphore, #tpu.memory_space<semaphore_mem>>)
      %dma_wait3A = tpu.memref_slice %arg3[%add3A_64] : memref<24576xf32, #tpu.memory_space<hbm>> -> memref<128xf32, #tpu.memory_space<hbm>>
      %dma_wait3A_125 = tpu.memref_slice %arg3[%add3A_64] : memref<24576xf32, #tpu.memory_space<hbm>> -> memref<128xf32, #tpu.memory_space<hbm>>
      tpu.wait_dma2 semaphore(%run_scoped3A : memref<!tpu.dma_semaphore, #tpu.memory_space<semaphore_mem>>) src(%dma_wait3A_125 : memref<128xf32, #tpu.memory_space<hbm>>) dst(%arg17 : memref<128xf32, #tpu.memory_space<vmem>>)
      tpu.yield
    }) : () -> ()
    "tpu.region"() ({
      %run_scoped3A = tpu.sem_alloc : memref<!tpu.dma_semaphore, #tpu.memory_space<semaphore_mem>>
      tpu.enqueue_dma source(%arg4 : memref<16xf32, #tpu.memory_space<hbm>>) target(%arg18 : memref<16xf32, #tpu.memory_space<vmem>>) target_semaphore(%run_scoped3A : memref<!tpu.dma_semaphore, #tpu.memory_space<semaphore_mem>>)
      tpu.wait_dma2 semaphore(%run_scoped3A : memref<!tpu.dma_semaphore, #tpu.memory_space<semaphore_mem>>) src(%arg4 : memref<16xf32, #tpu.memory_space<hbm>>) dst(%arg18 : memref<16xf32, #tpu.memory_space<vmem>>)
      tpu.yield
    }) : () -> ()
    %scan3A_65 = arith.constant 0 : i32
    %scan3A_66 = arith.constant 0 : i32
    %scan3A_67 = arith.constant 8 : i32
    %scan3A_68 = arith.addi %scan3A_66, %scan3A_67 : i32
    %scan3A_69 = arith.constant 1 : i32
    %scan3A_70 = scf.for %scan3A_124 = %scan3A_66 to %scan3A_68 step %scan3A_69 iter_args(%scan3A_125 = %scan3A_65) -> (i32)  : i32 {
      %mul3A_126 = arith.constant 16 : i32
      %mul3A_127 = arith.muli %scan3A_124, %mul3A_126 : i32
      %get3A = arith.index_cast %mul3A_127 : i32 to index
      %get3A_128 = tpu.vector_load %arg15[%get3A] {strides = array<i32>} : memref<128xf32, #tpu.memory_space<vmem>>, vector<16xf32>,
      %bitcast3A = vector.bitcast %get3A_128 : vector<16xf32> to vector<16xi32>
      %add3A_129 = arith.constant 32767 : i32
      %add3A_130 = vector.broadcast %add3A_129 : i32 to vector<16xi32>
      %add3A_131 = arith.addi %bitcast3A, %add3A_130 : vector<16xi32>
      %shift_right_logical3A = arith.constant 16 : i32
      %shift_right_logical3A_132 = vector.broadcast %shift_right_logical3A : i32 to vector<16xi32>
      %shift_right_logical3A_133 = arith.shrui %bitcast3A, %shift_right_logical3A_132 : vector<16xi32>
      %and3A_134 = arith.constant 1 : i32
      %and3A_135 = vector.broadcast %and3A_134 : i32 to vector<16xi32>
      %and3A_136 = arith.andi %shift_right_logical3A_133, %and3A_135 : vector<16xi32>
      %add3A_137 = arith.addi %add3A_131, %and3A_136 : vector<16xi32>
      %and3A_138 = arith.constant -65536 : i32
      %and3A_139 = vector.broadcast %and3A_138 : i32 to vector<16xi32>
      %and3A_140 = arith.andi %add3A_137, %and3A_139 : vector<16xi32>
      %bitcast3A_141 = vector.bitcast %and3A_140 : vector<16xi32> to vector<16xf32>
      %mul3A_142 = arith.constant 16 : i32
      %mul3A_143 = arith.muli %scan3A_124, %mul3A_142 : i32
      %swap3A = arith.index_cast %mul3A_143 : i32 to index
      %swap3A_144 = tpu.vector_load %arg15[%swap3A] {strides = array<i32>} : memref<128xf32, #tpu.memory_space<vmem>>, vector<16xf32>,
      tpu.vector_store %arg15[%swap3A], %bitcast3A_141 {strides = array<i32>} : memref<128xf32, #tpu.memory_space<vmem>>, vector<16xf32>,
      %mul3A_145 = arith.constant 16 : i32
      %mul3A_146 = arith.muli %scan3A_124, %mul3A_145 : i32
      %get3A_147 = arith.index_cast %mul3A_146 : i32 to index
      %get3A_148 = tpu.vector_load %arg16[%get3A_147] {strides = array<i32>} : memref<128xf32, #tpu.memory_space<vmem>>, vector<16xf32>,
      %bitcast3A_149 = vector.bitcast %get3A_148 : vector<16xf32> to vector<16xi32>
      %add3A_150 = arith.constant 32767 : i32
      %add3A_151 = vector.broadcast %add3A_150 : i32 to vector<16xi32>
      %add3A_152 = arith.addi %bitcast3A_149, %add3A_151 : vector<16xi32>
      %shift_right_logical3A_153 = arith.constant 16 : i32
      %shift_right_logical3A_154 = vector.broadcast %shift_right_logical3A_153 : i32 to vector<16xi32>
      %shift_right_logical3A_155 = arith.shrui %bitcast3A_149, %shift_right_logical3A_154 : vector<16xi32>
      %and3A_156 = arith.constant 1 : i32
      %and3A_157 = vector.broadcast %and3A_156 : i32 to vector<16xi32>
      %and3A_158 = arith.andi %shift_right_logical3A_155, %and3A_157 : vector<16xi32>
      %add3A_159 = arith.addi %add3A_152, %and3A_158 : vector<16xi32>
      %and3A_160 = arith.constant -65536 : i32
      %and3A_161 = vector.broadcast %and3A_160 : i32 to vector<16xi32>
      %and3A_162 = arith.andi %add3A_159, %and3A_161 : vector<16xi32>
      %bitcast3A_163 = vector.bitcast %and3A_162 : vector<16xi32> to vector<16xf32>
      %mul3A_164 = arith.constant 16 : i32
      %mul3A_165 = arith.muli %scan3A_124, %mul3A_164 : i32
      %swap3A_166 = arith.index_cast %mul3A_165 : i32 to index
      %swap3A_167 = tpu.vector_load %arg16[%swap3A_166] {strides = array<i32>} : memref<128xf32, #tpu.memory_space<vmem>>, vector<16xf32>,
      tpu.vector_store %arg16[%swap3A_166], %bitcast3A_163 {strides = array<i32>} : memref<128xf32, #tpu.memory_space<vmem>>, vector<16xf32>,
      %mul3A_168 = arith.constant 16 : i32
      %mul3A_169 = arith.muli %scan3A_124, %mul3A_168 : i32
      %get3A_170 = arith.index_cast %mul3A_169 : i32 to index
      %get3A_171 = tpu.vector_load %arg17[%get3A_170] {strides = array<i32>} : memref<128xf32, #tpu.memory_space<vmem>>, vector<16xf32>,
      %bitcast3A_172 = vector.bitcast %get3A_171 : vector<16xf32> to vector<16xi32>
      %add3A_173 = arith.constant 32767 : i32
      %add3A_174 = vector.broadcast %add3A_173 : i32 to vector<16xi32>
      %add3A_175 = arith.addi %bitcast3A_172, %add3A_174 : vector<16xi32>
      %shift_right_logical3A_176 = arith.constant 16 : i32
      %shift_right_logical3A_177 = vector.broadcast %shift_right_logical3A_176 : i32 to vector<16xi32>
      %shift_right_logical3A_178 = arith.shrui %bitcast3A_172, %shift_right_logical3A_177 : vector<16xi32>
      %and3A_179 = arith.constant 1 : i32
      %and3A_180 = vector.broadcast %and3A_179 : i32 to vector<16xi32>
      %and3A_181 = arith.andi %shift_right_logical3A_178, %and3A_180 : vector<16xi32>
      %add3A_182 = arith.addi %add3A_175, %and3A_181 : vector<16xi32>
      %and3A_183 = arith.constant -65536 : i32
      %and3A_184 = vector.broadcast %and3A_183 : i32 to vector<16xi32>
      %and3A_185 = arith.andi %add3A_182, %and3A_184 : vector<16xi32>
      %bitcast3A_186 = vector.bitcast %and3A_185 : vector<16xi32> to vector<16xf32>
      %mul3A_187 = arith.constant 16 : i32
      %mul3A_188 = arith.muli %scan3A_124, %mul3A_187 : i32
      %swap3A_189 = arith.index_cast %mul3A_188 : i32 to index
      %swap3A_190 = tpu.vector_load %arg17[%swap3A_189] {strides = array<i32>} : memref<128xf32, #tpu.memory_space<vmem>>, vector<16xf32>,
      tpu.vector_store %arg17[%swap3A_189], %bitcast3A_186 {strides = array<i32>} : memref<128xf32, #tpu.memory_space<vmem>>, vector<16xf32>,
      %scan3A_191 = arith.constant 0 : i32
      scf.yield %scan3A_191 : i32
    }
    %scan3A_71 = arith.constant 8 : i32
    %scan3A_72 = arith.constant 0 : i32
    %scan3A_73 = arith.constant 0 : i32
    %scan3A_74 = arith.constant 8 : i32
    %scan3A_75 = arith.addi %scan3A_73, %scan3A_74 : i32
    %scan3A_76 = arith.constant 1 : i32
    %scan3A_77 = scf.for %scan3A_124 = %scan3A_73 to %scan3A_75 step %scan3A_76 iter_args(%scan3A_125 = %scan3A_72) -> (i32)  : i32 {
      %mul3A_126 = arith.constant 16 : i32
      %mul3A_127 = arith.muli %scan3A_124, %mul3A_126 : i32
      %get3A = arith.index_cast %mul3A_127 : i32 to index
      %get3A_128 = tpu.vector_load %arg11[%get3A] {strides = array<i32>} : memref<128xf32, #tpu.memory_space<vmem>>, vector<16xf32>,
      %mul3A_129 = arith.constant 16 : i32
      %mul3A_130 = arith.muli %scan3A_124, %mul3A_129 : i32
      %get3A_131 = arith.index_cast %mul3A_130 : i32 to index
      %get3A_132 = tpu.vector_load %arg12[%get3A_131] {strides = array<i32>} : memref<128xf32, #tpu.memory_space<vmem>>, vector<16xf32>,
      %mul3A_133 = arith.constant 16 : i32
      %mul3A_134 = arith.muli %scan3A_124, %mul3A_133 : i32
      %get3A_135 = arith.index_cast %mul3A_134 : i32 to index
      %get3A_136 = tpu.vector_load %arg13[%get3A_135] {strides = array<i32>} : memref<128xf32, #tpu.memory_space<vmem>>, vector<16xf32>,
      %mul3A_137 = arith.mulf %get3A_128, %get3A_128 : vector<16xf32>
      %mul3A_138 = arith.mulf %get3A_132, %get3A_132 : vector<16xf32>
      %add3A_139 = arith.addf %mul3A_137, %mul3A_138 : vector<16xf32>
      %mul3A_140 = arith.mulf %get3A_136, %get3A_136 : vector<16xf32>
      %add3A_141 = arith.addf %add3A_139, %mul3A_140 : vector<16xf32>
      %mul3A_142 = arith.constant 16 : i32
      %mul3A_143 = arith.muli %scan3A_124, %mul3A_142 : i32
      %swap3A = arith.index_cast %mul3A_143 : i32 to index
      %swap3A_144 = tpu.vector_load %arg14[%swap3A] {strides = array<i32>} : memref<128xf32, #tpu.memory_space<vmem>>, vector<16xf32>,
      tpu.vector_store %arg14[%swap3A], %add3A_141 {strides = array<i32>} : memref<128xf32, #tpu.memory_space<vmem>>, vector<16xf32>,
      %scan3A_145 = arith.constant 0 : i32
      scf.yield %scan3A_145 : i32
    }
    %scan3A_78 = arith.constant 8 : i32
    %scan3A_79 = arith.constant 0 : i32
    %scan3A_80 = arith.constant 0 : i32
    %scan3A_81 = arith.constant 32 : i32
    %scan3A_82 = arith.addi %scan3A_80, %scan3A_81 : i32
    %scan3A_83 = arith.constant 1 : i32
    %scan3A_84 = scf.for %scan3A_124 = %scan3A_80 to %scan3A_82 step %scan3A_83 iter_args(%scan3A_125 = %scan3A_79) -> (i32)  : i32 {
      %mul3A_126 = arith.constant 4 : i32
      %mul3A_127 = arith.muli %scan3A_124, %mul3A_126 : i32
      %broadcast_in_dim3A = arith.constant 0 : i32
      %broadcast_in_dim3A_128 = vector.broadcast %broadcast_in_dim3A : i32 to vector<16xi32>
      %add3A_129 = arith.constant 0 : i32
      %add3A_130 = arith.addi %mul3A_127, %add3A_129 : i32
      %add3A_131 = vector.broadcast %add3A_130 : i32 to vector<16xi32>
      %add3A_132 = arith.addi %broadcast_in_dim3A_128, %add3A_131 : vector<16xi32>
      %gather3A = tpu.vector_load_idx %arg15[%add3A_132] : memref<128xf32, #tpu.memory_space<vmem>>[vector<16xi32>], vector<16xf32>,
      %add3A_133 = arith.constant 1 : i32
      %add3A_134 = arith.addi %mul3A_127, %add3A_133 : i32
      %add3A_135 = vector.broadcast %add3A_134 : i32 to vector<16xi32>
      %add3A_136 = arith.addi %broadcast_in_dim3A_128, %add3A_135 : vector<16xi32>
      %gather3A_137 = tpu.vector_load_idx %arg15[%add3A_136] : memref<128xf32, #tpu.memory_space<vmem>>[vector<16xi32>], vector<16xf32>,
      %add3A_138 = arith.constant 2 : i32
      %add3A_139 = arith.addi %mul3A_127, %add3A_138 : i32
      %add3A_140 = vector.broadcast %add3A_139 : i32 to vector<16xi32>
      %add3A_141 = arith.addi %broadcast_in_dim3A_128, %add3A_140 : vector<16xi32>
      %gather3A_142 = tpu.vector_load_idx %arg15[%add3A_141] : memref<128xf32, #tpu.memory_space<vmem>>[vector<16xi32>], vector<16xf32>,
      %add3A_143 = arith.constant 3 : i32
      %add3A_144 = arith.addi %mul3A_127, %add3A_143 : i32
      %add3A_145 = vector.broadcast %add3A_144 : i32 to vector<16xi32>
      %add3A_146 = arith.addi %broadcast_in_dim3A_128, %add3A_145 : vector<16xi32>
      %gather3A_147 = tpu.vector_load_idx %arg15[%add3A_146] : memref<128xf32, #tpu.memory_space<vmem>>[vector<16xi32>], vector<16xf32>,
      %add3A_148 = arith.constant 0 : i32
      %add3A_149 = arith.addi %mul3A_127, %add3A_148 : i32
      %add3A_150 = vector.broadcast %add3A_149 : i32 to vector<16xi32>
      %add3A_151 = arith.addi %broadcast_in_dim3A_128, %add3A_150 : vector<16xi32>
      %gather3A_152 = tpu.vector_load_idx %arg16[%add3A_151] : memref<128xf32, #tpu.memory_space<vmem>>[vector<16xi32>], vector<16xf32>,
      %add3A_153 = arith.constant 1 : i32
      %add3A_154 = arith.addi %mul3A_127, %add3A_153 : i32
      %add3A_155 = vector.broadcast %add3A_154 : i32 to vector<16xi32>
      %add3A_156 = arith.addi %broadcast_in_dim3A_128, %add3A_155 : vector<16xi32>
      %gather3A_157 = tpu.vector_load_idx %arg16[%add3A_156] : memref<128xf32, #tpu.memory_space<vmem>>[vector<16xi32>], vector<16xf32>,
      %add3A_158 = arith.constant 2 : i32
      %add3A_159 = arith.addi %mul3A_127, %add3A_158 : i32
      %add3A_160 = vector.broadcast %add3A_159 : i32 to vector<16xi32>
      %add3A_161 = arith.addi %broadcast_in_dim3A_128, %add3A_160 : vector<16xi32>
      %gather3A_162 = tpu.vector_load_idx %arg16[%add3A_161] : memref<128xf32, #tpu.memory_space<vmem>>[vector<16xi32>], vector<16xf32>,
      %add3A_163 = arith.constant 3 : i32
      %add3A_164 = arith.addi %mul3A_127, %add3A_163 : i32
      %add3A_165 = vector.broadcast %add3A_164 : i32 to vector<16xi32>
      %add3A_166 = arith.addi %broadcast_in_dim3A_128, %add3A_165 : vector<16xi32>
      %gather3A_167 = tpu.vector_load_idx %arg16[%add3A_166] : memref<128xf32, #tpu.memory_space<vmem>>[vector<16xi32>], vector<16xf32>,
      %add3A_168 = arith.constant 0 : i32
      %add3A_169 = arith.addi %mul3A_127, %add3A_168 : i32
      %add3A_170 = vector.broadcast %add3A_169 : i32 to vector<16xi32>
      %add3A_171 = arith.addi %broadcast_in_dim3A_128, %add3A_170 : vector<16xi32>
      %gather3A_172 = tpu.vector_load_idx %arg17[%add3A_171] : memref<128xf32, #tpu.memory_space<vmem>>[vector<16xi32>], vector<16xf32>,
      %add3A_173 = arith.constant 1 : i32
      %add3A_174 = arith.addi %mul3A_127, %add3A_173 : i32
      %add3A_175 = vector.broadcast %add3A_174 : i32 to vector<16xi32>
      %add3A_176 = arith.addi %broadcast_in_dim3A_128, %add3A_175 : vector<16xi32>
      %gather3A_177 = tpu.vector_load_idx %arg17[%add3A_176] : memref<128xf32, #tpu.memory_space<vmem>>[vector<16xi32>], vector<16xf32>,
      %add3A_178 = arith.constant 2 : i32
      %add3A_179 = arith.addi %mul3A_127, %add3A_178 : i32
      %add3A_180 = vector.broadcast %add3A_179 : i32 to vector<16xi32>
      %add3A_181 = arith.addi %broadcast_in_dim3A_128, %add3A_180 : vector<16xi32>
      %gather3A_182 = tpu.vector_load_idx %arg17[%add3A_181] : memref<128xf32, #tpu.memory_space<vmem>>[vector<16xi32>], vector<16xf32>,
      %add3A_183 = arith.constant 3 : i32
      %add3A_184 = arith.addi %mul3A_127, %add3A_183 : i32
      %add3A_185 = vector.broadcast %add3A_184 : i32 to vector<16xi32>
      %add3A_186 = arith.addi %broadcast_in_dim3A_128, %add3A_185 : vector<16xi32>
      %gather3A_187 = tpu.vector_load_idx %arg17[%add3A_186] : memref<128xf32, #tpu.memory_space<vmem>>[vector<16xi32>], vector<16xf32>,
      %add3A_188 = arith.constant 0 : i32
      %add3A_189 = arith.addi %mul3A_127, %add3A_188 : i32
      %add3A_190 = vector.broadcast %add3A_189 : i32 to vector<16xi32>
      %add3A_191 = arith.addi %broadcast_in_dim3A_128, %add3A_190 : vector<16xi32>
      %gather3A_192 = tpu.vector_load_idx %arg14[%add3A_191] : memref<128xf32, #tpu.memory_space<vmem>>[vector<16xi32>], vector<16xf32>,
      %add3A_193 = arith.constant 1 : i32
      %add3A_194 = arith.addi %mul3A_127, %add3A_193 : i32
      %add3A_195 = vector.broadcast %add3A_194 : i32 to vector<16xi32>
      %add3A_196 = arith.addi %broadcast_in_dim3A_128, %add3A_195 : vector<16xi32>
      %gather3A_197 = tpu.vector_load_idx %arg14[%add3A_196] : memref<128xf32, #tpu.memory_space<vmem>>[vector<16xi32>], vector<16xf32>,
      %add3A_198 = arith.constant 2 : i32
      %add3A_199 = arith.addi %mul3A_127, %add3A_198 : i32
      %add3A_200 = vector.broadcast %add3A_199 : i32 to vector<16xi32>
      %add3A_201 = arith.addi %broadcast_in_dim3A_128, %add3A_200 : vector<16xi32>
      %gather3A_202 = tpu.vector_load_idx %arg14[%add3A_201] : memref<128xf32, #tpu.memory_space<vmem>>[vector<16xi32>], vector<16xf32>,
      %add3A_203 = arith.constant 3 : i32
      %add3A_204 = arith.addi %mul3A_127, %add3A_203 : i32
      %add3A_205 = vector.broadcast %add3A_204 : i32 to vector<16xi32>
      %add3A_206 = arith.addi %broadcast_in_dim3A_128, %add3A_205 : vector<16xi32>
      %gather3A_207 = tpu.vector_load_idx %arg14[%add3A_206] : memref<128xf32, #tpu.memory_space<vmem>>[vector<16xi32>], vector<16xf32>,
      %broadcast_in_dim3A_208 = arith.constant 0x7F800000 : f32
      %broadcast_in_dim3A_209 = vector.broadcast %broadcast_in_dim3A_208 : f32 to vector<16xf32>
      %swap3A = arith.constant 0 : index
      %swap3A_210 = tpu.vector_load %arg21[%swap3A] {strides = array<i32>} : memref<64xf32, #tpu.memory_space<vmem>>, vector<16xf32>,
      tpu.vector_store %arg21[%swap3A], %broadcast_in_dim3A_209 {strides = array<i32>} : memref<64xf32, #tpu.memory_space<vmem>>, vector<16xf32>,
      %broadcast_in_dim3A_211 = arith.constant 0 : i32
      %broadcast_in_dim3A_212 = vector.broadcast %broadcast_in_dim3A_211 : i32 to vector<16xi32>
      %swap3A_213 = arith.constant 0 : index
      %swap3A_214 = tpu.vector_load %arg22[%swap3A_213] {strides = array<i32>} : memref<64xi32, #tpu.memory_space<vmem>>, vector<16xi32>,
      tpu.vector_store %arg22[%swap3A_213], %broadcast_in_dim3A_212 {strides = array<i32>} : memref<64xi32, #tpu.memory_space<vmem>>, vector<16xi32>,
      %broadcast_in_dim3A_215 = arith.constant 0x7F800000 : f32
      %broadcast_in_dim3A_216 = vector.broadcast %broadcast_in_dim3A_215 : f32 to vector<16xf32>
      %swap3A_217 = arith.constant 16 : index
      %swap3A_218 = tpu.vector_load %arg21[%swap3A_217] {strides = array<i32>} : memref<64xf32, #tpu.memory_space<vmem>>, vector<16xf32>,
      tpu.vector_store %arg21[%swap3A_217], %broadcast_in_dim3A_216 {strides = array<i32>} : memref<64xf32, #tpu.memory_space<vmem>>, vector<16xf32>,
      %broadcast_in_dim3A_219 = arith.constant 0 : i32
      %broadcast_in_dim3A_220 = vector.broadcast %broadcast_in_dim3A_219 : i32 to vector<16xi32>
      %swap3A_221 = arith.constant 16 : index
      %swap3A_222 = tpu.vector_load %arg22[%swap3A_221] {strides = array<i32>} : memref<64xi32, #tpu.memory_space<vmem>>, vector<16xi32>,
      tpu.vector_store %arg22[%swap3A_221], %broadcast_in_dim3A_220 {strides = array<i32>} : memref<64xi32, #tpu.memory_space<vmem>>, vector<16xi32>,
      %broadcast_in_dim3A_223 = arith.constant 0x7F800000 : f32
      %broadcast_in_dim3A_224 = vector.broadcast %broadcast_in_dim3A_223 : f32 to vector<16xf32>
      %swap3A_225 = arith.constant 32 : index
      %swap3A_226 = tpu.vector_load %arg21[%swap3A_225] {strides = array<i32>} : memref<64xf32, #tpu.memory_space<vmem>>, vector<16xf32>,
      tpu.vector_store %arg21[%swap3A_225], %broadcast_in_dim3A_224 {strides = array<i32>} : memref<64xf32, #tpu.memory_space<vmem>>, vector<16xf32>,
      %broadcast_in_dim3A_227 = arith.constant 0 : i32
      %broadcast_in_dim3A_228 = vector.broadcast %broadcast_in_dim3A_227 : i32 to vector<16xi32>
      %swap3A_229 = arith.constant 32 : index
      %swap3A_230 = tpu.vector_load %arg22[%swap3A_229] {strides = array<i32>} : memref<64xi32, #tpu.memory_space<vmem>>, vector<16xi32>,
      tpu.vector_store %arg22[%swap3A_229], %broadcast_in_dim3A_228 {strides = array<i32>} : memref<64xi32, #tpu.memory_space<vmem>>, vector<16xi32>,
      %broadcast_in_dim3A_231 = arith.constant 0x7F800000 : f32
      %broadcast_in_dim3A_232 = vector.broadcast %broadcast_in_dim3A_231 : f32 to vector<16xf32>
      %swap3A_233 = arith.constant 48 : index
      %swap3A_234 = tpu.vector_load %arg21[%swap3A_233] {strides = array<i32>} : memref<64xf32, #tpu.memory_space<vmem>>, vector<16xf32>,
      tpu.vector_store %arg21[%swap3A_233], %broadcast_in_dim3A_232 {strides = array<i32>} : memref<64xf32, #tpu.memory_space<vmem>>, vector<16xf32>,
      %broadcast_in_dim3A_235 = arith.constant 0 : i32
      %broadcast_in_dim3A_236 = vector.broadcast %broadcast_in_dim3A_235 : i32 to vector<16xi32>
      %swap3A_237 = arith.constant 48 : index
      %swap3A_238 = tpu.vector_load %arg22[%swap3A_237] {strides = array<i32>} : memref<64xi32, #tpu.memory_space<vmem>>, vector<16xi32>,
      tpu.vector_store %arg22[%swap3A_237], %broadcast_in_dim3A_236 {strides = array<i32>} : memref<64xi32, #tpu.memory_space<vmem>>, vector<16xi32>,
      %scan3A_239 = arith.constant 0x7F800000 : f32
      %scan3A_240 = arith.constant 0x7F800000 : f32
      %scan3A_241 = arith.constant 0x7F800000 : f32
      %scan3A_242 = arith.constant 0x7F800000 : f32
      %scan3A_243 = arith.constant 0 : i32
      %scan3A_244 = arith.constant 0 : i32
      %scan3A_245 = arith.constant 0 : i32
      %scan3A_246 = arith.constant 0 : i32
      %scan3A_247 = arith.constant 0 : i32
      %mul3A_248 = arith.constant 16 : i32
      %mul3A_249 = arith.muli %scan3A_247, %mul3A_248 : i32
      %get3A = arith.index_cast %mul3A_249 : i32 to index
      %get3A_250 = tpu.vector_load %arg6[%get3A] {strides = array<i32>} : memref<16384xf32, #tpu.memory_space<vmem>>, vector<16xf32>,
      %mul3A_251 = arith.constant 16 : i32
      %mul3A_252 = arith.muli %scan3A_247, %mul3A_251 : i32
      %get3A_253 = arith.index_cast %mul3A_252 : i32 to index
      %get3A_254 = tpu.vector_load %arg7[%get3A_253] {strides = array<i32>} : memref<16384xf32, #tpu.memory_space<vmem>>, vector<16xf32>,
      %mul3A_255 = arith.constant 16 : i32
      %mul3A_256 = arith.muli %scan3A_247, %mul3A_255 : i32
      %get3A_257 = arith.index_cast %mul3A_256 : i32 to index
      %get3A_258 = tpu.vector_load %arg8[%get3A_257] {strides = array<i32>} : memref<16384xf32, #tpu.memory_space<vmem>>, vector<16xf32>,
      %mul3A_259 = arith.constant 16 : i32
      %mul3A_260 = arith.muli %scan3A_247, %mul3A_259 : i32
      %get3A_261 = arith.index_cast %mul3A_260 : i32 to index
      %get3A_262 = tpu.vector_load %arg9[%get3A_261] {strides = array<i32>} : memref<16384xf32, #tpu.memory_space<vmem>>, vector<16xf32>,
      %iota3A = tpu.iota {dimensions = array<i32: 0>} : vector<16xi32>
      %mul3A_263 = arith.constant 16 : i32
      %mul3A_264 = arith.muli %scan3A_247, %mul3A_263 : i32
      %add3A_265 = vector.broadcast %mul3A_264 : i32 to vector<16xi32>
      %add3A_266 = arith.addi %iota3A, %add3A_265 : vector<16xi32>
      %mul3A_267 = arith.mulf %gather3A, %get3A_250 : vector<16xf32>
      %mul3A_268 = arith.mulf %gather3A_152, %get3A_254 : vector<16xf32>
      %add3A_269 = arith.addf %mul3A_267, %mul3A_268 : vector<16xf32>
      %mul3A_270 = arith.mulf %gather3A_172, %get3A_258 : vector<16xf32>
      %add3A_271 = arith.addf %add3A_269, %mul3A_270 : vector<16xf32>
      %mul3A_272 = arith.constant 2.000000e+00 : f32
      %mul3A_273 = vector.broadcast %mul3A_272 : f32 to vector<16xf32>
      %mul3A_274 = arith.mulf %mul3A_273, %add3A_271 : vector<16xf32>
      %sub3A_275 = arith.subf %gather3A_192, %mul3A_274 : vector<16xf32>
      %add3A_276 = arith.addf %sub3A_275, %get3A_262 : vector<16xf32>
      %lt3A_277 = vector.broadcast %scan3A_239 : f32 to vector<16xf32>
      %lt3A_278 = arith.cmpf olt, %add3A_276, %lt3A_277 : vector<16xf32>
      %all_reduce_population_count3A = tpu.all_reduce %lt3A_278 {dim = 0 : i64, kind = #tpu.reduction_kind<sum>} : vector<16xi1> -> vector<16xi32>
      %reduce_max3A = arith.constant true
      %reduce_max3A_279 = vector.broadcast %reduce_max3A : i1 to vector<16xi1>
      %reduce_max3A_280 = arith.constant -2147483648 : i32
      %reduce_max3A_281 = vector.broadcast %reduce_max3A_280 : i32 to vector<16xi32>
      %reduce_max3A_282 = arith.xori %all_reduce_population_count3A, %reduce_max3A_281 : vector<16xi32>
      %reduce_max3A_283 = tpu.scan <max>, %reduce_max3A_282 masked %reduce_max3A_279 : vector<16xi32>, vector<16xi1> -> vector<16xi32>
      %reduce_max3A_284 = arith.xori %reduce_max3A_283, %reduce_max3A_281 : vector<16xi32>
      %reduce_max3A_285 = vector.extract %reduce_max3A_284[15] : i32 from vector<16xi32>
      %add3A_286 = arith.constant 0 : i32
      %add3A_287 = arith.addi %add3A_286, %scan3A_243 : i32
      %swap3A_288 = arith.index_cast %add3A_287 : i32 to index
      %swap3A_289 = tpu.vector_load %arg19[%swap3A_288] masked %lt3A_278 {strides = array<i32>} : memref<4224xf32, #tpu.memory_space<vmem>>, vector<16xf32>, vector<16xi1>
      tpu.vector_store %arg19[%swap3A_288], %add3A_276 masked %lt3A_278 {strides = array<i32>} : memref<4224xf32, #tpu.memory_space<vmem>>, vector<16xf32>, vector<16xi1>
      %add3A_290 = arith.constant 0 : i32
      %add3A_291 = arith.addi %add3A_290, %scan3A_243 : i32
      %swap3A_292 = arith.index_cast %add3A_291 : i32 to index
      %swap3A_293 = tpu.vector_load %arg20[%swap3A_292] masked %lt3A_278 {strides = array<i32>} : memref<4224xi32, #tpu.memory_space<vmem>>, vector<16xi32>, vector<16xi1>
      tpu.vector_store %arg20[%swap3A_292], %add3A_266 masked %lt3A_278 {strides = array<i32>} : memref<4224xi32, #tpu.memory_space<vmem>>, vector<16xi32>, vector<16xi1>
      %add3A_294 = arith.addi %scan3A_243, %reduce_max3A_285 : i32
      %mul3A_295 = arith.mulf %gather3A_137, %get3A_250 : vector<16xf32>
      %mul3A_296 = arith.mulf %gather3A_157, %get3A_254 : vector<16xf32>
      %add3A_297 = arith.addf %mul3A_295, %mul3A_296 : vector<16xf32>
      %mul3A_298 = arith.mulf %gather3A_177, %get3A_258 : vector<16xf32>
      %add3A_299 = arith.addf %add3A_297, %mul3A_298 : vector<16xf32>
      %mul3A_300 = arith.constant 2.000000e+00 : f32
      %mul3A_301 = vector.broadcast %mul3A_300 : f32 to vector<16xf32>
      %mul3A_302 = arith.mulf %mul3A_301, %add3A_299 : vector<16xf32>
      %sub3A_303 = arith.subf %gather3A_197, %mul3A_302 : vector<16xf32>
      %add3A_304 = arith.addf %sub3A_303, %get3A_262 : vector<16xf32>
      %lt3A_305 = vector.broadcast %scan3A_240 : f32 to vector<16xf32>
      %lt3A_306 = arith.cmpf olt, %add3A_304, %lt3A_305 : vector<16xf32>
      %all_reduce_population_count3A_307 = tpu.all_reduce %lt3A_306 {dim = 0 : i64, kind = #tpu.reduction_kind<sum>} : vector<16xi1> -> vector<16xi32>
      %reduce_max3A_308 = arith.constant true
      %reduce_max3A_309 = vector.broadcast %reduce_max3A_308 : i1 to vector<16xi1>
      %reduce_max3A_310 = arith.constant -2147483648 : i32
      %reduce_max3A_311 = vector.broadcast %reduce_max3A_310 : i32 to vector<16xi32>
      %reduce_max3A_312 = arith.xori %all_reduce_population_count3A_307, %reduce_max3A_311 : vector<16xi32>
      %reduce_max3A_313 = tpu.scan <max>, %reduce_max3A_312 masked %reduce_max3A_309 : vector<16xi32>, vector<16xi1> -> vector<16xi32>
      %reduce_max3A_314 = arith.xori %reduce_max3A_313, %reduce_max3A_311 : vector<16xi32>
      %reduce_max3A_315 = vector.extract %reduce_max3A_314[15] : i32 from vector<16xi32>
      %add3A_316 = arith.constant 1056 : i32
      %add3A_317 = arith.addi %add3A_316, %scan3A_244 : i32
      %swap3A_318 = arith.index_cast %add3A_317 : i32 to index
      %swap3A_319 = tpu.vector_load %arg19[%swap3A_318] masked %lt3A_306 {strides = array<i32>} : memref<4224xf32, #tpu.memory_space<vmem>>, vector<16xf32>, vector<16xi1>
      tpu.vector_store %arg19[%swap3A_318], %add3A_304 masked %lt3A_306 {strides = array<i32>} : memref<4224xf32, #tpu.memory_space<vmem>>, vector<16xf32>, vector<16xi1>
      %add3A_320 = arith.constant 1056 : i32
      %add3A_321 = arith.addi %add3A_320, %scan3A_244 : i32
      %swap3A_322 = arith.index_cast %add3A_321 : i32 to index
      %swap3A_323 = tpu.vector_load %arg20[%swap3A_322] masked %lt3A_306 {strides = array<i32>} : memref<4224xi32, #tpu.memory_space<vmem>>, vector<16xi32>, vector<16xi1>
      tpu.vector_store %arg20[%swap3A_322], %add3A_266 masked %lt3A_306 {strides = array<i32>} : memref<4224xi32, #tpu.memory_space<vmem>>, vector<16xi32>, vector<16xi1>
      %add3A_324 = arith.addi %scan3A_244, %reduce_max3A_315 : i32
      %mul3A_325 = arith.mulf %gather3A_142, %get3A_250 : vector<16xf32>
      %mul3A_326 = arith.mulf %gather3A_162, %get3A_254 : vector<16xf32>
      %add3A_327 = arith.addf %mul3A_325, %mul3A_326 : vector<16xf32>
      %mul3A_328 = arith.mulf %gather3A_182, %get3A_258 : vector<16xf32>
      %add3A_329 = arith.addf %add3A_327, %mul3A_328 : vector<16xf32>
      %mul3A_330 = arith.constant 2.000000e+00 : f32
      %mul3A_331 = vector.broadcast %mul3A_330 : f32 to vector<16xf32>
      %mul3A_332 = arith.mulf %mul3A_331, %add3A_329 : vector<16xf32>
      %sub3A_333 = arith.subf %gather3A_202, %mul3A_332 : vector<16xf32>
      %add3A_334 = arith.addf %sub3A_333, %get3A_262 : vector<16xf32>
      %lt3A_335 = vector.broadcast %scan3A_241 : f32 to vector<16xf32>
      %lt3A_336 = arith.cmpf olt, %add3A_334, %lt3A_335 : vector<16xf32>
      %all_reduce_population_count3A_337 = tpu.all_reduce %lt3A_336 {dim = 0 : i64, kind = #tpu.reduction_kind<sum>} : vector<16xi1> -> vector<16xi32>
      %reduce_max3A_338 = arith.constant true
      %reduce_max3A_339 = vector.broadcast %reduce_max3A_338 : i1 to vector<16xi1>
      %reduce_max3A_340 = arith.constant -2147483648 : i32
      %reduce_max3A_341 = vector.broadcast %reduce_max3A_340 : i32 to vector<16xi32>
      %reduce_max3A_342 = arith.xori %all_reduce_population_count3A_337, %reduce_max3A_341 : vector<16xi32>
      %reduce_max3A_343 = tpu.scan <max>, %reduce_max3A_342 masked %reduce_max3A_339 : vector<16xi32>, vector<16xi1> -> vector<16xi32>
      %reduce_max3A_344 = arith.xori %reduce_max3A_343, %reduce_max3A_341 : vector<16xi32>
      %reduce_max3A_345 = vector.extract %reduce_max3A_344[15] : i32 from vector<16xi32>
      %add3A_346 = arith.constant 2112 : i32
      %add3A_347 = arith.addi %add3A_346, %scan3A_245 : i32
      %swap3A_348 = arith.index_cast %add3A_347 : i32 to index
      %swap3A_349 = tpu.vector_load %arg19[%swap3A_348] masked %lt3A_336 {strides = array<i32>} : memref<4224xf32, #tpu.memory_space<vmem>>, vector<16xf32>, vector<16xi1>
      tpu.vector_store %arg19[%swap3A_348], %add3A_334 masked %lt3A_336 {strides = array<i32>} : memref<4224xf32, #tpu.memory_space<vmem>>, vector<16xf32>, vector<16xi1>
      %add3A_350 = arith.constant 2112 : i32
      %add3A_351 = arith.addi %add3A_350, %scan3A_245 : i32
      %swap3A_352 = arith.index_cast %add3A_351 : i32 to index
      %swap3A_353 = tpu.vector_load %arg20[%swap3A_352] masked %lt3A_336 {strides = array<i32>} : memref<4224xi32, #tpu.memory_space<vmem>>, vector<16xi32>, vector<16xi1>
      tpu.vector_store %arg20[%swap3A_352], %add3A_266 masked %lt3A_336 {strides = array<i32>} : memref<4224xi32, #tpu.memory_space<vmem>>, vector<16xi32>, vector<16xi1>
      %add3A_354 = arith.addi %scan3A_245, %reduce_max3A_345 : i32
      %mul3A_355 = arith.mulf %gather3A_147, %get3A_250 : vector<16xf32>
      %mul3A_356 = arith.mulf %gather3A_167, %get3A_254 : vector<16xf32>
      %add3A_357 = arith.addf %mul3A_355, %mul3A_356 : vector<16xf32>
      %mul3A_358 = arith.mulf %gather3A_187, %get3A_258 : vector<16xf32>
      %add3A_359 = arith.addf %add3A_357, %mul3A_358 : vector<16xf32>
      %mul3A_360 = arith.constant 2.000000e+00 : f32
      %mul3A_361 = vector.broadcast %mul3A_360 : f32 to vector<16xf32>
      %mul3A_362 = arith.mulf %mul3A_361, %add3A_359 : vector<16xf32>
      %sub3A_363 = arith.subf %gather3A_207, %mul3A_362 : vector<16xf32>
      %add3A_364 = arith.addf %sub3A_363, %get3A_262 : vector<16xf32>
      %lt3A_365 = vector.broadcast %scan3A_242 : f32 to vector<16xf32>
      %lt3A_366 = arith.cmpf olt, %add3A_364, %lt3A_365 : vector<16xf32>
      %all_reduce_population_count3A_367 = tpu.all_reduce %lt3A_366 {dim = 0 : i64, kind = #tpu.reduction_kind<sum>} : vector<16xi1> -> vector<16xi32>
      %reduce_max3A_368 = arith.constant true
      %reduce_max3A_369 = vector.broadcast %reduce_max3A_368 : i1 to vector<16xi1>
      %reduce_max3A_370 = arith.constant -2147483648 : i32
      %reduce_max3A_371 = vector.broadcast %reduce_max3A_370 : i32 to vector<16xi32>
      %reduce_max3A_372 = arith.xori %all_reduce_population_count3A_367, %reduce_max3A_371 : vector<16xi32>
      %reduce_max3A_373 = tpu.scan <max>, %reduce_max3A_372 masked %reduce_max3A_369 : vector<16xi32>, vector<16xi1> -> vector<16xi32>
      %reduce_max3A_374 = arith.xori %reduce_max3A_373, %reduce_max3A_371 : vector<16xi32>
      %reduce_max3A_375 = vector.extract %reduce_max3A_374[15] : i32 from vector<16xi32>
      %add3A_376 = arith.constant 3168 : i32
      %add3A_377 = arith.addi %add3A_376, %scan3A_246 : i32
      %swap3A_378 = arith.index_cast %add3A_377 : i32 to index
      %swap3A_379 = tpu.vector_load %arg19[%swap3A_378] masked %lt3A_366 {strides = array<i32>} : memref<4224xf32, #tpu.memory_space<vmem>>, vector<16xf32>, vector<16xi1>
      tpu.vector_store %arg19[%swap3A_378], %add3A_364 masked %lt3A_366 {strides = array<i32>} : memref<4224xf32, #tpu.memory_space<vmem>>, vector<16xf32>, vector<16xi1>
      %add3A_380 = arith.constant 3168 : i32
      %add3A_381 = arith.addi %add3A_380, %scan3A_246 : i32
      %swap3A_382 = arith.index_cast %add3A_381 : i32 to index
      %swap3A_383 = tpu.vector_load %arg20[%swap3A_382] masked %lt3A_366 {strides = array<i32>} : memref<4224xi32, #tpu.memory_space<vmem>>, vector<16xi32>, vector<16xi1>
      tpu.vector_store %arg20[%swap3A_382], %add3A_266 masked %lt3A_366 {strides = array<i32>} : memref<4224xi32, #tpu.memory_space<vmem>>, vector<16xi32>, vector<16xi1>
      %add3A_384 = arith.addi %scan3A_246, %reduce_max3A_375 : i32
      %scan3A_385 = arith.constant 1 : i32
      %get3A_386 = arith.constant 0 : index
      %get3A_387 = tpu.vector_load %arg21[%get3A_386] {strides = array<i32>} : memref<64xf32, #tpu.memory_space<vmem>>, vector<16xf32>,
      %get3A_388 = arith.constant 0 : index
      %get3A_389 = tpu.vector_load %arg22[%get3A_388] {strides = array<i32>} : memref<64xi32, #tpu.memory_space<vmem>>, vector<16xi32>,
      %while3A = arith.constant 0 : i32
      %while3A_390:3 = scf.while (%while3A_616 = %while3A, %while3A_617 = %get3A_387, %while3A_618 = %get3A_389) : (i32, vector<16xf32>, vector<16xi32>) -> (i32, vector<16xf32>, vector<16xi32>) {
        %lt3A_619 = arith.cmpi slt, %while3A_616, %add3A_294 : i32
        scf.condition(%lt3A_619) %while3A_616, %while3A_617, %while3A_618 : i32, vector<16xf32>, vector<16xi32>
      } do {
      ^bb0(%while3A_616: i32, %while3A_617: vector<16xf32>, %while3A_618: vector<16xi32>):
        %add3A_619 = arith.constant 0 : i32
        %add3A_620 = arith.addi %add3A_619, %while3A_616 : i32
        %get3A_621 = arith.index_cast %add3A_620 : i32 to index
        %get3A_622 = tpu.vector_load %arg19[%get3A_621] {strides = array<i32>} : memref<4224xf32, #tpu.memory_space<vmem>>, vector<16xf32>,
        %add3A_623 = arith.constant 0 : i32
        %add3A_624 = arith.addi %add3A_623, %while3A_616 : i32
        %get3A_625 = arith.index_cast %add3A_624 : i32 to index
        %get3A_626 = tpu.vector_load %arg20[%get3A_625] {strides = array<i32>} : memref<4224xi32, #tpu.memory_space<vmem>>, vector<16xi32>,
        %iota3A_627 = tpu.iota {dimensions = array<i32: 0>} : vector<16xi32>
        %sub3A_628 = arith.subi %add3A_294, %while3A_616 : i32
        %lt3A_629 = vector.broadcast %sub3A_628 : i32 to vector<16xi32>
        %lt3A_630 = arith.cmpi slt, %iota3A_627, %lt3A_629 : vector<16xi32>
        %jit3A_631 = arith.constant 0x7F800000 : f32
        %broadcast_in_dim3A_632 = vector.broadcast %jit3A_631 : f32 to vector<16xf32>
        %select_n3A_633 = arith.select %lt3A_630, %get3A_622, %broadcast_in_dim3A_632 : vector<16xi1>, vector<16xf32>
        %masked_sort3A = arith.constant dense<true> : vector<16xi1>
        %masked_sort3A_634, %masked_sort3A_635, %masked_sort3A_636 = tpu.sort %select_n3A_633, %get3A_626 masked %masked_sort3A : (vector<16xf32>, vector<16xi32>, vector<16xi1>) -> (vector<16xi1>, vector<16xf32>, vector<16xi32>)
        %rev3A = arith.constant 15 : i32
        %rev3A_637 = vector.broadcast %rev3A : i32 to vector<16xi32>
        %rev3A_638 = tpu.iota {dimensions = array<i32: 0>} : vector<16xi32>
        %rev3A_639 = arith.subi %rev3A_637, %rev3A_638 : vector<16xi32>
        %rev3A_640 = tpu.dynamic_gather %masked_sort3A_635[%rev3A_639] in [0] : vector<16xf32>, vector<16xi32> -> vector<16xf32>
        %rev3A_641 = arith.constant 15 : i32
        %rev3A_642 = vector.broadcast %rev3A_641 : i32 to vector<16xi32>
        %rev3A_643 = tpu.iota {dimensions = array<i32: 0>} : vector<16xi32>
        %rev3A_644 = arith.subi %rev3A_642, %rev3A_643 : vector<16xi32>
        %rev3A_645 = tpu.dynamic_gather %masked_sort3A_636[%rev3A_644] in [0] : vector<16xi32>, vector<16xi32> -> vector<16xi32>
        %le3A = arith.cmpf ole, %while3A_617, %rev3A_640 : vector<16xf32>
        %select_n3A_646 = arith.select %le3A, %while3A_617, %rev3A_640 : vector<16xi1>, vector<16xf32>
        %select_n3A_647 = arith.select %le3A, %while3A_618, %rev3A_645 : vector<16xi1>, vector<16xi32>
        %masked_sort3A_648 = arith.constant dense<true> : vector<16xi1>
        %masked_sort3A_649, %masked_sort3A_650, %masked_sort3A_651 = tpu.sort %select_n3A_646, %select_n3A_647 masked %masked_sort3A_648 : (vector<16xf32>, vector<16xi32>, vector<16xi1>) -> (vector<16xi1>, vector<16xf32>, vector<16xi32>)
        %add3A_652 = arith.constant 16 : i32
        %add3A_653 = arith.addi %while3A_616, %add3A_652 : i32
        scf.yield %add3A_653, %masked_sort3A_650, %masked_sort3A_651 : i32, vector<16xf32>, vector<16xi32>
      }
      %swap3A_391 = arith.constant 0 : index
      %swap3A_392 = tpu.vector_load %arg21[%swap3A_391] {strides = array<i32>} : memref<64xf32, #tpu.memory_space<vmem>>, vector<16xf32>,
      tpu.vector_store %arg21[%swap3A_391], %while3A_390#1 {strides = array<i32>} : memref<64xf32, #tpu.memory_space<vmem>>, vector<16xf32>,
      %swap3A_393 = arith.constant 0 : index
      %swap3A_394 = tpu.vector_load %arg22[%swap3A_393] {strides = array<i32>} : memref<64xi32, #tpu.memory_space<vmem>>, vector<16xi32>,
      tpu.vector_store %arg22[%swap3A_393], %while3A_390#2 {strides = array<i32>} : memref<64xi32, #tpu.memory_space<vmem>>, vector<16xi32>,
      %reduce_max3A_395 = arith.constant true
      %reduce_max3A_396 = vector.broadcast %reduce_max3A_395 : i1 to vector<16xi1>
      %reduce_max3A_397 = tpu.scan <max>, %while3A_390#1 masked %reduce_max3A_396 : vector<16xf32>, vector<16xi1> -> vector<16xf32>
      %reduce_max3A_398 = vector.extract %reduce_max3A_397[15] : f32 from vector<16xf32>
      %get3A_399 = arith.constant 16 : index
      %get3A_400 = tpu.vector_load %arg21[%get3A_399] {strides = array<i32>} : memref<64xf32, #tpu.memory_space<vmem>>, vector<16xf32>,
      %get3A_401 = arith.constant 16 : index
      %get3A_402 = tpu.vector_load %arg22[%get3A_401] {strides = array<i32>} : memref<64xi32, #tpu.memory_space<vmem>>, vector<16xi32>,
      %while3A_403 = arith.constant 0 : i32
      %while3A_404:3 = scf.while (%while3A_616 = %while3A_403, %while3A_617 = %get3A_400, %while3A_618 = %get3A_402) : (i32, vector<16xf32>, vector<16xi32>) -> (i32, vector<16xf32>, vector<16xi32>) {
        %lt3A_619 = arith.cmpi slt, %while3A_616, %add3A_324 : i32
        scf.condition(%lt3A_619) %while3A_616, %while3A_617, %while3A_618 : i32, vector<16xf32>, vector<16xi32>
      } do {
      ^bb0(%while3A_616: i32, %while3A_617: vector<16xf32>, %while3A_618: vector<16xi32>):
        %add3A_619 = arith.constant 1056 : i32
        %add3A_620 = arith.addi %add3A_619, %while3A_616 : i32
        %get3A_621 = arith.index_cast %add3A_620 : i32 to index
        %get3A_622 = tpu.vector_load %arg19[%get3A_621] {strides = array<i32>} : memref<4224xf32, #tpu.memory_space<vmem>>, vector<16xf32>,
        %add3A_623 = arith.constant 1056 : i32
        %add3A_624 = arith.addi %add3A_623, %while3A_616 : i32
        %get3A_625 = arith.index_cast %add3A_624 : i32 to index
        %get3A_626 = tpu.vector_load %arg20[%get3A_625] {strides = array<i32>} : memref<4224xi32, #tpu.memory_space<vmem>>, vector<16xi32>,
        %iota3A_627 = tpu.iota {dimensions = array<i32: 0>} : vector<16xi32>
        %sub3A_628 = arith.subi %add3A_324, %while3A_616 : i32
        %lt3A_629 = vector.broadcast %sub3A_628 : i32 to vector<16xi32>
        %lt3A_630 = arith.cmpi slt, %iota3A_627, %lt3A_629 : vector<16xi32>
        %jit3A_631 = arith.constant 0x7F800000 : f32
        %broadcast_in_dim3A_632 = vector.broadcast %jit3A_631 : f32 to vector<16xf32>
        %select_n3A_633 = arith.select %lt3A_630, %get3A_622, %broadcast_in_dim3A_632 : vector<16xi1>, vector<16xf32>
        %masked_sort3A = arith.constant dense<true> : vector<16xi1>
        %masked_sort3A_634, %masked_sort3A_635, %masked_sort3A_636 = tpu.sort %select_n3A_633, %get3A_626 masked %masked_sort3A : (vector<16xf32>, vector<16xi32>, vector<16xi1>) -> (vector<16xi1>, vector<16xf32>, vector<16xi32>)
        %rev3A = arith.constant 15 : i32
        %rev3A_637 = vector.broadcast %rev3A : i32 to vector<16xi32>
        %rev3A_638 = tpu.iota {dimensions = array<i32: 0>} : vector<16xi32>
        %rev3A_639 = arith.subi %rev3A_637, %rev3A_638 : vector<16xi32>
        %rev3A_640 = tpu.dynamic_gather %masked_sort3A_635[%rev3A_639] in [0] : vector<16xf32>, vector<16xi32> -> vector<16xf32>
        %rev3A_641 = arith.constant 15 : i32
        %rev3A_642 = vector.broadcast %rev3A_641 : i32 to vector<16xi32>
        %rev3A_643 = tpu.iota {dimensions = array<i32: 0>} : vector<16xi32>
        %rev3A_644 = arith.subi %rev3A_642, %rev3A_643 : vector<16xi32>
        %rev3A_645 = tpu.dynamic_gather %masked_sort3A_636[%rev3A_644] in [0] : vector<16xi32>, vector<16xi32> -> vector<16xi32>
        %le3A = arith.cmpf ole, %while3A_617, %rev3A_640 : vector<16xf32>
        %select_n3A_646 = arith.select %le3A, %while3A_617, %rev3A_640 : vector<16xi1>, vector<16xf32>
        %select_n3A_647 = arith.select %le3A, %while3A_618, %rev3A_645 : vector<16xi1>, vector<16xi32>
        %masked_sort3A_648 = arith.constant dense<true> : vector<16xi1>
        %masked_sort3A_649, %masked_sort3A_650, %masked_sort3A_651 = tpu.sort %select_n3A_646, %select_n3A_647 masked %masked_sort3A_648 : (vector<16xf32>, vector<16xi32>, vector<16xi1>) -> (vector<16xi1>, vector<16xf32>, vector<16xi32>)
        %add3A_652 = arith.constant 16 : i32
        %add3A_653 = arith.addi %while3A_616, %add3A_652 : i32
        scf.yield %add3A_653, %masked_sort3A_650, %masked_sort3A_651 : i32, vector<16xf32>, vector<16xi32>
      }
      %swap3A_405 = arith.constant 16 : index
      %swap3A_406 = tpu.vector_load %arg21[%swap3A_405] {strides = array<i32>} : memref<64xf32, #tpu.memory_space<vmem>>, vector<16xf32>,
      tpu.vector_store %arg21[%swap3A_405], %while3A_404#1 {strides = array<i32>} : memref<64xf32, #tpu.memory_space<vmem>>, vector<16xf32>,
      %swap3A_407 = arith.constant 16 : index
      %swap3A_408 = tpu.vector_load %arg22[%swap3A_407] {strides = array<i32>} : memref<64xi32, #tpu.memory_space<vmem>>, vector<16xi32>,
      tpu.vector_store %arg22[%swap3A_407], %while3A_404#2 {strides = array<i32>} : memref<64xi32, #tpu.memory_space<vmem>>, vector<16xi32>,
      %reduce_max3A_409 = arith.constant true
      %reduce_max3A_410 = vector.broadcast %reduce_max3A_409 : i1 to vector<16xi1>
      %reduce_max3A_411 = tpu.scan <max>, %while3A_404#1 masked %reduce_max3A_410 : vector<16xf32>, vector<16xi1> -> vector<16xf32>
      %reduce_max3A_412 = vector.extract %reduce_max3A_411[15] : f32 from vector<16xf32>
      %get3A_413 = arith.constant 32 : index
      %get3A_414 = tpu.vector_load %arg21[%get3A_413] {strides = array<i32>} : memref<64xf32, #tpu.memory_space<vmem>>, vector<16xf32>,
      %get3A_415 = arith.constant 32 : index
      %get3A_416 = tpu.vector_load %arg22[%get3A_415] {strides = array<i32>} : memref<64xi32, #tpu.memory_space<vmem>>, vector<16xi32>,
      %while3A_417 = arith.constant 0 : i32
      %while3A_418:3 = scf.while (%while3A_616 = %while3A_417, %while3A_617 = %get3A_414, %while3A_618 = %get3A_416) : (i32, vector<16xf32>, vector<16xi32>) -> (i32, vector<16xf32>, vector<16xi32>) {
        %lt3A_619 = arith.cmpi slt, %while3A_616, %add3A_354 : i32
        scf.condition(%lt3A_619) %while3A_616, %while3A_617, %while3A_618 : i32, vector<16xf32>, vector<16xi32>
      } do {
      ^bb0(%while3A_616: i32, %while3A_617: vector<16xf32>, %while3A_618: vector<16xi32>):
        %add3A_619 = arith.constant 2112 : i32
        %add3A_620 = arith.addi %add3A_619, %while3A_616 : i32
        %get3A_621 = arith.index_cast %add3A_620 : i32 to index
        %get3A_622 = tpu.vector_load %arg19[%get3A_621] {strides = array<i32>} : memref<4224xf32, #tpu.memory_space<vmem>>, vector<16xf32>,
        %add3A_623 = arith.constant 2112 : i32
        %add3A_624 = arith.addi %add3A_623, %while3A_616 : i32
        %get3A_625 = arith.index_cast %add3A_624 : i32 to index
        %get3A_626 = tpu.vector_load %arg20[%get3A_625] {strides = array<i32>} : memref<4224xi32, #tpu.memory_space<vmem>>, vector<16xi32>,
        %iota3A_627 = tpu.iota {dimensions = array<i32: 0>} : vector<16xi32>
        %sub3A_628 = arith.subi %add3A_354, %while3A_616 : i32
        %lt3A_629 = vector.broadcast %sub3A_628 : i32 to vector<16xi32>
        %lt3A_630 = arith.cmpi slt, %iota3A_627, %lt3A_629 : vector<16xi32>
        %jit3A_631 = arith.constant 0x7F800000 : f32
        %broadcast_in_dim3A_632 = vector.broadcast %jit3A_631 : f32 to vector<16xf32>
        %select_n3A_633 = arith.select %lt3A_630, %get3A_622, %broadcast_in_dim3A_632 : vector<16xi1>, vector<16xf32>
        %masked_sort3A = arith.constant dense<true> : vector<16xi1>
        %masked_sort3A_634, %masked_sort3A_635, %masked_sort3A_636 = tpu.sort %select_n3A_633, %get3A_626 masked %masked_sort3A : (vector<16xf32>, vector<16xi32>, vector<16xi1>) -> (vector<16xi1>, vector<16xf32>, vector<16xi32>)
        %rev3A = arith.constant 15 : i32
        %rev3A_637 = vector.broadcast %rev3A : i32 to vector<16xi32>
        %rev3A_638 = tpu.iota {dimensions = array<i32: 0>} : vector<16xi32>
        %rev3A_639 = arith.subi %rev3A_637, %rev3A_638 : vector<16xi32>
        %rev3A_640 = tpu.dynamic_gather %masked_sort3A_635[%rev3A_639] in [0] : vector<16xf32>, vector<16xi32> -> vector<16xf32>
        %rev3A_641 = arith.constant 15 : i32
        %rev3A_642 = vector.broadcast %rev3A_641 : i32 to vector<16xi32>
        %rev3A_643 = tpu.iota {dimensions = array<i32: 0>} : vector<16xi32>
        %rev3A_644 = arith.subi %rev3A_642, %rev3A_643 : vector<16xi32>
        %rev3A_645 = tpu.dynamic_gather %masked_sort3A_636[%rev3A_644] in [0] : vector<16xi32>, vector<16xi32> -> vector<16xi32>
        %le3A = arith.cmpf ole, %while3A_617, %rev3A_640 : vector<16xf32>
        %select_n3A_646 = arith.select %le3A, %while3A_617, %rev3A_640 : vector<16xi1>, vector<16xf32>
        %select_n3A_647 = arith.select %le3A, %while3A_618, %rev3A_645 : vector<16xi1>, vector<16xi32>
        %masked_sort3A_648 = arith.constant dense<true> : vector<16xi1>
        %masked_sort3A_649, %masked_sort3A_650, %masked_sort3A_651 = tpu.sort %select_n3A_646, %select_n3A_647 masked %masked_sort3A_648 : (vector<16xf32>, vector<16xi32>, vector<16xi1>) -> (vector<16xi1>, vector<16xf32>, vector<16xi32>)
        %add3A_652 = arith.constant 16 : i32
        %add3A_653 = arith.addi %while3A_616, %add3A_652 : i32
        scf.yield %add3A_653, %masked_sort3A_650, %masked_sort3A_651 : i32, vector<16xf32>, vector<16xi32>
      }
      %swap3A_419 = arith.constant 32 : index
      %swap3A_420 = tpu.vector_load %arg21[%swap3A_419] {strides = array<i32>} : memref<64xf32, #tpu.memory_space<vmem>>, vector<16xf32>,
      tpu.vector_store %arg21[%swap3A_419], %while3A_418#1 {strides = array<i32>} : memref<64xf32, #tpu.memory_space<vmem>>, vector<16xf32>,
      %swap3A_421 = arith.constant 32 : index
      %swap3A_422 = tpu.vector_load %arg22[%swap3A_421] {strides = array<i32>} : memref<64xi32, #tpu.memory_space<vmem>>, vector<16xi32>,
      tpu.vector_store %arg22[%swap3A_421], %while3A_418#2 {strides = array<i32>} : memref<64xi32, #tpu.memory_space<vmem>>, vector<16xi32>,
      %reduce_max3A_423 = arith.constant true
      %reduce_max3A_424 = vector.broadcast %reduce_max3A_423 : i1 to vector<16xi1>
      %reduce_max3A_425 = tpu.scan <max>, %while3A_418#1 masked %reduce_max3A_424 : vector<16xf32>, vector<16xi1> -> vector<16xf32>
      %reduce_max3A_426 = vector.extract %reduce_max3A_425[15] : f32 from vector<16xf32>
      %get3A_427 = arith.constant 48 : index
      %get3A_428 = tpu.vector_load %arg21[%get3A_427] {strides = array<i32>} : memref<64xf32, #tpu.memory_space<vmem>>, vector<16xf32>,
      %get3A_429 = arith.constant 48 : index
      %get3A_430 = tpu.vector_load %arg22[%get3A_429] {strides = array<i32>} : memref<64xi32, #tpu.memory_space<vmem>>, vector<16xi32>,
      %while3A_431 = arith.constant 0 : i32
      %while3A_432:3 = scf.while (%while3A_616 = %while3A_431, %while3A_617 = %get3A_428, %while3A_618 = %get3A_430) : (i32, vector<16xf32>, vector<16xi32>) -> (i32, vector<16xf32>, vector<16xi32>) {
        %lt3A_619 = arith.cmpi slt, %while3A_616, %add3A_384 : i32
        scf.condition(%lt3A_619) %while3A_616, %while3A_617, %while3A_618 : i32, vector<16xf32>, vector<16xi32>
      } do {
      ^bb0(%while3A_616: i32, %while3A_617: vector<16xf32>, %while3A_618: vector<16xi32>):
        %add3A_619 = arith.constant 3168 : i32
        %add3A_620 = arith.addi %add3A_619, %while3A_616 : i32
        %get3A_621 = arith.index_cast %add3A_620 : i32 to index
        %get3A_622 = tpu.vector_load %arg19[%get3A_621] {strides = array<i32>} : memref<4224xf32, #tpu.memory_space<vmem>>, vector<16xf32>,
        %add3A_623 = arith.constant 3168 : i32
        %add3A_624 = arith.addi %add3A_623, %while3A_616 : i32
        %get3A_625 = arith.index_cast %add3A_624 : i32 to index
        %get3A_626 = tpu.vector_load %arg20[%get3A_625] {strides = array<i32>} : memref<4224xi32, #tpu.memory_space<vmem>>, vector<16xi32>,
        %iota3A_627 = tpu.iota {dimensions = array<i32: 0>} : vector<16xi32>
        %sub3A_628 = arith.subi %add3A_384, %while3A_616 : i32
        %lt3A_629 = vector.broadcast %sub3A_628 : i32 to vector<16xi32>
        %lt3A_630 = arith.cmpi slt, %iota3A_627, %lt3A_629 : vector<16xi32>
        %jit3A_631 = arith.constant 0x7F800000 : f32
        %broadcast_in_dim3A_632 = vector.broadcast %jit3A_631 : f32 to vector<16xf32>
        %select_n3A_633 = arith.select %lt3A_630, %get3A_622, %broadcast_in_dim3A_632 : vector<16xi1>, vector<16xf32>
        %masked_sort3A = arith.constant dense<true> : vector<16xi1>
        %masked_sort3A_634, %masked_sort3A_635, %masked_sort3A_636 = tpu.sort %select_n3A_633, %get3A_626 masked %masked_sort3A : (vector<16xf32>, vector<16xi32>, vector<16xi1>) -> (vector<16xi1>, vector<16xf32>, vector<16xi32>)
        %rev3A = arith.constant 15 : i32
        %rev3A_637 = vector.broadcast %rev3A : i32 to vector<16xi32>
        %rev3A_638 = tpu.iota {dimensions = array<i32: 0>} : vector<16xi32>
        %rev3A_639 = arith.subi %rev3A_637, %rev3A_638 : vector<16xi32>
        %rev3A_640 = tpu.dynamic_gather %masked_sort3A_635[%rev3A_639] in [0] : vector<16xf32>, vector<16xi32> -> vector<16xf32>
        %rev3A_641 = arith.constant 15 : i32
        %rev3A_642 = vector.broadcast %rev3A_641 : i32 to vector<16xi32>
        %rev3A_643 = tpu.iota {dimensions = array<i32: 0>} : vector<16xi32>
        %rev3A_644 = arith.subi %rev3A_642, %rev3A_643 : vector<16xi32>
        %rev3A_645 = tpu.dynamic_gather %masked_sort3A_636[%rev3A_644] in [0] : vector<16xi32>, vector<16xi32> -> vector<16xi32>
        %le3A = arith.cmpf ole, %while3A_617, %rev3A_640 : vector<16xf32>
        %select_n3A_646 = arith.select %le3A, %while3A_617, %rev3A_640 : vector<16xi1>, vector<16xf32>
        %select_n3A_647 = arith.select %le3A, %while3A_618, %rev3A_645 : vector<16xi1>, vector<16xi32>
        %masked_sort3A_648 = arith.constant dense<true> : vector<16xi1>
        %masked_sort3A_649, %masked_sort3A_650, %masked_sort3A_651 = tpu.sort %select_n3A_646, %select_n3A_647 masked %masked_sort3A_648 : (vector<16xf32>, vector<16xi32>, vector<16xi1>) -> (vector<16xi1>, vector<16xf32>, vector<16xi32>)
        %add3A_652 = arith.constant 16 : i32
        %add3A_653 = arith.addi %while3A_616, %add3A_652 : i32
        scf.yield %add3A_653, %masked_sort3A_650, %masked_sort3A_651 : i32, vector<16xf32>, vector<16xi32>
      }
      %swap3A_433 = arith.constant 48 : index
      %swap3A_434 = tpu.vector_load %arg21[%swap3A_433] {strides = array<i32>} : memref<64xf32, #tpu.memory_space<vmem>>, vector<16xf32>,
      tpu.vector_store %arg21[%swap3A_433], %while3A_432#1 {strides = array<i32>} : memref<64xf32, #tpu.memory_space<vmem>>, vector<16xf32>,
      %swap3A_435 = arith.constant 48 : index
      %swap3A_436 = tpu.vector_load %arg22[%swap3A_435] {strides = array<i32>} : memref<64xi32, #tpu.memory_space<vmem>>, vector<16xi32>,
      tpu.vector_store %arg22[%swap3A_435], %while3A_432#2 {strides = array<i32>} : memref<64xi32, #tpu.memory_space<vmem>>, vector<16xi32>,
      %reduce_max3A_437 = arith.constant true
      %reduce_max3A_438 = vector.broadcast %reduce_max3A_437 : i1 to vector<16xi1>
      %reduce_max3A_439 = tpu.scan <max>, %while3A_432#1 masked %reduce_max3A_438 : vector<16xf32>, vector<16xi1> -> vector<16xf32>
      %reduce_max3A_440 = vector.extract %reduce_max3A_439[15] : f32 from vector<16xf32>
      %scan3A_441 = arith.constant 0 : i32
      %scan3A_442 = arith.constant 0 : i32
      %scan3A_443 = arith.constant 0 : i32
      %scan3A_444 = arith.constant 0 : i32
      %scan3A_445 = arith.constant 1 : i32
      %scan3A_446 = arith.constant 7 : i32
      %scan3A_447 = arith.addi %scan3A_445, %scan3A_446 : i32
      %scan3A_448 = arith.constant 1 : i32
      %scan3A_449:4 = scf.for %scan3A_616 = %scan3A_445 to %scan3A_447 step %scan3A_448 iter_args(%scan3A_617 = %scan3A_441, %scan3A_618 = %scan3A_442, %scan3A_619 = %scan3A_443, %scan3A_620 = %scan3A_444) -> (i32, i32, i32, i32)  : i32 {
        %mul3A_621 = arith.constant 16 : i32
        %mul3A_622 = arith.muli %scan3A_616, %mul3A_621 : i32
        %get3A_623 = arith.index_cast %mul3A_622 : i32 to index
        %get3A_624 = tpu.vector_load %arg6[%get3A_623] {strides = array<i32>} : memref<16384xf32, #tpu.memory_space<vmem>>, vector<16xf32>,
        %mul3A_625 = arith.constant 16 : i32
        %mul3A_626 = arith.muli %scan3A_616, %mul3A_625 : i32
        %get3A_627 = arith.index_cast %mul3A_626 : i32 to index
        %get3A_628 = tpu.vector_load %arg7[%get3A_627] {strides = array<i32>} : memref<16384xf32, #tpu.memory_space<vmem>>, vector<16xf32>,
        %mul3A_629 = arith.constant 16 : i32
        %mul3A_630 = arith.muli %scan3A_616, %mul3A_629 : i32
        %get3A_631 = arith.index_cast %mul3A_630 : i32 to index
        %get3A_632 = tpu.vector_load %arg8[%get3A_631] {strides = array<i32>} : memref<16384xf32, #tpu.memory_space<vmem>>, vector<16xf32>,
        %mul3A_633 = arith.constant 16 : i32
        %mul3A_634 = arith.muli %scan3A_616, %mul3A_633 : i32
        %get3A_635 = arith.index_cast %mul3A_634 : i32 to index
        %get3A_636 = tpu.vector_load %arg9[%get3A_635] {strides = array<i32>} : memref<16384xf32, #tpu.memory_space<vmem>>, vector<16xf32>,
        %iota3A_637 = tpu.iota {dimensions = array<i32: 0>} : vector<16xi32>
        %mul3A_638 = arith.constant 16 : i32
        %mul3A_639 = arith.muli %scan3A_616, %mul3A_638 : i32
        %add3A_640 = vector.broadcast %mul3A_639 : i32 to vector<16xi32>
        %add3A_641 = arith.addi %iota3A_637, %add3A_640 : vector<16xi32>
        %mul3A_642 = arith.mulf %gather3A, %get3A_624 : vector<16xf32>
        %mul3A_643 = arith.mulf %gather3A_152, %get3A_628 : vector<16xf32>
        %add3A_644 = arith.addf %mul3A_642, %mul3A_643 : vector<16xf32>
        %mul3A_645 = arith.mulf %gather3A_172, %get3A_632 : vector<16xf32>
        %add3A_646 = arith.addf %add3A_644, %mul3A_645 : vector<16xf32>
        %mul3A_647 = arith.constant 2.000000e+00 : f32
        %mul3A_648 = vector.broadcast %mul3A_647 : f32 to vector<16xf32>
        %mul3A_649 = arith.mulf %mul3A_648, %add3A_646 : vector<16xf32>
        %sub3A_650 = arith.subf %gather3A_192, %mul3A_649 : vector<16xf32>
        %add3A_651 = arith.addf %sub3A_650, %get3A_636 : vector<16xf32>
        %lt3A_652 = vector.broadcast %reduce_max3A_398 : f32 to vector<16xf32>
        %lt3A_653 = arith.cmpf olt, %add3A_651, %lt3A_652 : vector<16xf32>
        %all_reduce_population_count3A_654 = tpu.all_reduce %lt3A_653 {dim = 0 : i64, kind = #tpu.reduction_kind<sum>} : vector<16xi1> -> vector<16xi32>
        %reduce_max3A_655 = arith.constant true
        %reduce_max3A_656 = vector.broadcast %reduce_max3A_655 : i1 to vector<16xi1>
        %reduce_max3A_657 = arith.constant -2147483648 : i32
        %reduce_max3A_658 = vector.broadcast %reduce_max3A_657 : i32 to vector<16xi32>
        %reduce_max3A_659 = arith.xori %all_reduce_population_count3A_654, %reduce_max3A_658 : vector<16xi32>
        %reduce_max3A_660 = tpu.scan <max>, %reduce_max3A_659 masked %reduce_max3A_656 : vector<16xi32>, vector<16xi1> -> vector<16xi32>
        %reduce_max3A_661 = arith.xori %reduce_max3A_660, %reduce_max3A_658 : vector<16xi32>
        %reduce_max3A_662 = vector.extract %reduce_max3A_661[15] : i32 from vector<16xi32>
        %add3A_663 = arith.constant 0 : i32
        %add3A_664 = arith.addi %add3A_663, %scan3A_617 : i32
        %swap3A_665 = arith.index_cast %add3A_664 : i32 to index
        %swap3A_666 = tpu.vector_load %arg19[%swap3A_665] masked %lt3A_653 {strides = array<i32>} : memref<4224xf32, #tpu.memory_space<vmem>>, vector<16xf32>, vector<16xi1>
        tpu.vector_store %arg19[%swap3A_665], %add3A_651 masked %lt3A_653 {strides = array<i32>} : memref<4224xf32, #tpu.memory_space<vmem>>, vector<16xf32>, vector<16xi1>
        %add3A_667 = arith.constant 0 : i32
        %add3A_668 = arith.addi %add3A_667, %scan3A_617 : i32
        %swap3A_669 = arith.index_cast %add3A_668 : i32 to index
        %swap3A_670 = tpu.vector_load %arg20[%swap3A_669] masked %lt3A_653 {strides = array<i32>} : memref<4224xi32, #tpu.memory_space<vmem>>, vector<16xi32>, vector<16xi1>
        tpu.vector_store %arg20[%swap3A_669], %add3A_641 masked %lt3A_653 {strides = array<i32>} : memref<4224xi32, #tpu.memory_space<vmem>>, vector<16xi32>, vector<16xi1>
        %add3A_671 = arith.addi %scan3A_617, %reduce_max3A_662 : i32
        %mul3A_672 = arith.mulf %gather3A_137, %get3A_624 : vector<16xf32>
        %mul3A_673 = arith.mulf %gather3A_157, %get3A_628 : vector<16xf32>
        %add3A_674 = arith.addf %mul3A_672, %mul3A_673 : vector<16xf32>
        %mul3A_675 = arith.mulf %gather3A_177, %get3A_632 : vector<16xf32>
        %add3A_676 = arith.addf %add3A_674, %mul3A_675 : vector<16xf32>
        %mul3A_677 = arith.constant 2.000000e+00 : f32
        %mul3A_678 = vector.broadcast %mul3A_677 : f32 to vector<16xf32>
        %mul3A_679 = arith.mulf %mul3A_678, %add3A_676 : vector<16xf32>
        %sub3A_680 = arith.subf %gather3A_197, %mul3A_679 : vector<16xf32>
        %add3A_681 = arith.addf %sub3A_680, %get3A_636 : vector<16xf32>
        %lt3A_682 = vector.broadcast %reduce_max3A_412 : f32 to vector<16xf32>
        %lt3A_683 = arith.cmpf olt, %add3A_681, %lt3A_682 : vector<16xf32>
        %all_reduce_population_count3A_684 = tpu.all_reduce %lt3A_683 {dim = 0 : i64, kind = #tpu.reduction_kind<sum>} : vector<16xi1> -> vector<16xi32>
        %reduce_max3A_685 = arith.constant true
        %reduce_max3A_686 = vector.broadcast %reduce_max3A_685 : i1 to vector<16xi1>
        %reduce_max3A_687 = arith.constant -2147483648 : i32
        %reduce_max3A_688 = vector.broadcast %reduce_max3A_687 : i32 to vector<16xi32>
        %reduce_max3A_689 = arith.xori %all_reduce_population_count3A_684, %reduce_max3A_688 : vector<16xi32>
        %reduce_max3A_690 = tpu.scan <max>, %reduce_max3A_689 masked %reduce_max3A_686 : vector<16xi32>, vector<16xi1> -> vector<16xi32>
        %reduce_max3A_691 = arith.xori %reduce_max3A_690, %reduce_max3A_688 : vector<16xi32>
        %reduce_max3A_692 = vector.extract %reduce_max3A_691[15] : i32 from vector<16xi32>
        %add3A_693 = arith.constant 1056 : i32
        %add3A_694 = arith.addi %add3A_693, %scan3A_618 : i32
        %swap3A_695 = arith.index_cast %add3A_694 : i32 to index
        %swap3A_696 = tpu.vector_load %arg19[%swap3A_695] masked %lt3A_683 {strides = array<i32>} : memref<4224xf32, #tpu.memory_space<vmem>>, vector<16xf32>, vector<16xi1>
        tpu.vector_store %arg19[%swap3A_695], %add3A_681 masked %lt3A_683 {strides = array<i32>} : memref<4224xf32, #tpu.memory_space<vmem>>, vector<16xf32>, vector<16xi1>
        %add3A_697 = arith.constant 1056 : i32
        %add3A_698 = arith.addi %add3A_697, %scan3A_618 : i32
        %swap3A_699 = arith.index_cast %add3A_698 : i32 to index
        %swap3A_700 = tpu.vector_load %arg20[%swap3A_699] masked %lt3A_683 {strides = array<i32>} : memref<4224xi32, #tpu.memory_space<vmem>>, vector<16xi32>, vector<16xi1>
        tpu.vector_store %arg20[%swap3A_699], %add3A_641 masked %lt3A_683 {strides = array<i32>} : memref<4224xi32, #tpu.memory_space<vmem>>, vector<16xi32>, vector<16xi1>
        %add3A_701 = arith.addi %scan3A_618, %reduce_max3A_692 : i32
        %mul3A_702 = arith.mulf %gather3A_142, %get3A_624 : vector<16xf32>
        %mul3A_703 = arith.mulf %gather3A_162, %get3A_628 : vector<16xf32>
        %add3A_704 = arith.addf %mul3A_702, %mul3A_703 : vector<16xf32>
        %mul3A_705 = arith.mulf %gather3A_182, %get3A_632 : vector<16xf32>
        %add3A_706 = arith.addf %add3A_704, %mul3A_705 : vector<16xf32>
        %mul3A_707 = arith.constant 2.000000e+00 : f32
        %mul3A_708 = vector.broadcast %mul3A_707 : f32 to vector<16xf32>
        %mul3A_709 = arith.mulf %mul3A_708, %add3A_706 : vector<16xf32>
        %sub3A_710 = arith.subf %gather3A_202, %mul3A_709 : vector<16xf32>
        %add3A_711 = arith.addf %sub3A_710, %get3A_636 : vector<16xf32>
        %lt3A_712 = vector.broadcast %reduce_max3A_426 : f32 to vector<16xf32>
        %lt3A_713 = arith.cmpf olt, %add3A_711, %lt3A_712 : vector<16xf32>
        %all_reduce_population_count3A_714 = tpu.all_reduce %lt3A_713 {dim = 0 : i64, kind = #tpu.reduction_kind<sum>} : vector<16xi1> -> vector<16xi32>
        %reduce_max3A_715 = arith.constant true
        %reduce_max3A_716 = vector.broadcast %reduce_max3A_715 : i1 to vector<16xi1>
        %reduce_max3A_717 = arith.constant -2147483648 : i32
        %reduce_max3A_718 = vector.broadcast %reduce_max3A_717 : i32 to vector<16xi32>
        %reduce_max3A_719 = arith.xori %all_reduce_population_count3A_714, %reduce_max3A_718 : vector<16xi32>
        %reduce_max3A_720 = tpu.scan <max>, %reduce_max3A_719 masked %reduce_max3A_716 : vector<16xi32>, vector<16xi1> -> vector<16xi32>
        %reduce_max3A_721 = arith.xori %reduce_max3A_720, %reduce_max3A_718 : vector<16xi32>
        %reduce_max3A_722 = vector.extract %reduce_max3A_721[15] : i32 from vector<16xi32>
        %add3A_723 = arith.constant 2112 : i32
        %add3A_724 = arith.addi %add3A_723, %scan3A_619 : i32
        %swap3A_725 = arith.index_cast %add3A_724 : i32 to index
        %swap3A_726 = tpu.vector_load %arg19[%swap3A_725] masked %lt3A_713 {strides = array<i32>} : memref<4224xf32, #tpu.memory_space<vmem>>, vector<16xf32>, vector<16xi1>
        tpu.vector_store %arg19[%swap3A_725], %add3A_711 masked %lt3A_713 {strides = array<i32>} : memref<4224xf32, #tpu.memory_space<vmem>>, vector<16xf32>, vector<16xi1>
        %add3A_727 = arith.constant 2112 : i32
        %add3A_728 = arith.addi %add3A_727, %scan3A_619 : i32
        %swap3A_729 = arith.index_cast %add3A_728 : i32 to index
        %swap3A_730 = tpu.vector_load %arg20[%swap3A_729] masked %lt3A_713 {strides = array<i32>} : memref<4224xi32, #tpu.memory_space<vmem>>, vector<16xi32>, vector<16xi1>
        tpu.vector_store %arg20[%swap3A_729], %add3A_641 masked %lt3A_713 {strides = array<i32>} : memref<4224xi32, #tpu.memory_space<vmem>>, vector<16xi32>, vector<16xi1>
        %add3A_731 = arith.addi %scan3A_619, %reduce_max3A_722 : i32
        %mul3A_732 = arith.mulf %gather3A_147, %get3A_624 : vector<16xf32>
        %mul3A_733 = arith.mulf %gather3A_167, %get3A_628 : vector<16xf32>
        %add3A_734 = arith.addf %mul3A_732, %mul3A_733 : vector<16xf32>
        %mul3A_735 = arith.mulf %gather3A_187, %get3A_632 : vector<16xf32>
        %add3A_736 = arith.addf %add3A_734, %mul3A_735 : vector<16xf32>
        %mul3A_737 = arith.constant 2.000000e+00 : f32
        %mul3A_738 = vector.broadcast %mul3A_737 : f32 to vector<16xf32>
        %mul3A_739 = arith.mulf %mul3A_738, %add3A_736 : vector<16xf32>
        %sub3A_740 = arith.subf %gather3A_207, %mul3A_739 : vector<16xf32>
        %add3A_741 = arith.addf %sub3A_740, %get3A_636 : vector<16xf32>
        %lt3A_742 = vector.broadcast %reduce_max3A_440 : f32 to vector<16xf32>
        %lt3A_743 = arith.cmpf olt, %add3A_741, %lt3A_742 : vector<16xf32>
        %all_reduce_population_count3A_744 = tpu.all_reduce %lt3A_743 {dim = 0 : i64, kind = #tpu.reduction_kind<sum>} : vector<16xi1> -> vector<16xi32>
        %reduce_max3A_745 = arith.constant true
        %reduce_max3A_746 = vector.broadcast %reduce_max3A_745 : i1 to vector<16xi1>
        %reduce_max3A_747 = arith.constant -2147483648 : i32
        %reduce_max3A_748 = vector.broadcast %reduce_max3A_747 : i32 to vector<16xi32>
        %reduce_max3A_749 = arith.xori %all_reduce_population_count3A_744, %reduce_max3A_748 : vector<16xi32>
        %reduce_max3A_750 = tpu.scan <max>, %reduce_max3A_749 masked %reduce_max3A_746 : vector<16xi32>, vector<16xi1> -> vector<16xi32>
        %reduce_max3A_751 = arith.xori %reduce_max3A_750, %reduce_max3A_748 : vector<16xi32>
        %reduce_max3A_752 = vector.extract %reduce_max3A_751[15] : i32 from vector<16xi32>
        %add3A_753 = arith.constant 3168 : i32
        %add3A_754 = arith.addi %add3A_753, %scan3A_620 : i32
        %swap3A_755 = arith.index_cast %add3A_754 : i32 to index
        %swap3A_756 = tpu.vector_load %arg19[%swap3A_755] masked %lt3A_743 {strides = array<i32>} : memref<4224xf32, #tpu.memory_space<vmem>>, vector<16xf32>, vector<16xi1>
        tpu.vector_store %arg19[%swap3A_755], %add3A_741 masked %lt3A_743 {strides = array<i32>} : memref<4224xf32, #tpu.memory_space<vmem>>, vector<16xf32>, vector<16xi1>
        %add3A_757 = arith.constant 3168 : i32
        %add3A_758 = arith.addi %add3A_757, %scan3A_620 : i32
        %swap3A_759 = arith.index_cast %add3A_758 : i32 to index
        %swap3A_760 = tpu.vector_load %arg20[%swap3A_759] masked %lt3A_743 {strides = array<i32>} : memref<4224xi32, #tpu.memory_space<vmem>>, vector<16xi32>, vector<16xi1>
        tpu.vector_store %arg20[%swap3A_759], %add3A_641 masked %lt3A_743 {strides = array<i32>} : memref<4224xi32, #tpu.memory_space<vmem>>, vector<16xi32>, vector<16xi1>
        %add3A_761 = arith.addi %scan3A_620, %reduce_max3A_752 : i32
        scf.yield %add3A_671, %add3A_701, %add3A_731, %add3A_761 : i32, i32, i32, i32
      }
      %scan3A_450 = arith.constant 7 : i32
      %get3A_451 = arith.constant 0 : index
      %get3A_452 = tpu.vector_load %arg21[%get3A_451] {strides = array<i32>} : memref<64xf32, #tpu.memory_space<vmem>>, vector<16xf32>,
      %get3A_453 = arith.constant 0 : index
      %get3A_454 = tpu.vector_load %arg22[%get3A_453] {strides = array<i32>} : memref<64xi32, #tpu.memory_space<vmem>>, vector<16xi32>,
      %while3A_455 = arith.constant 0 : i32
      %while3A_456:3 = scf.while (%while3A_616 = %while3A_455, %while3A_617 = %get3A_452, %while3A_618 = %get3A_454) : (i32, vector<16xf32>, vector<16xi32>) -> (i32, vector<16xf32>, vector<16xi32>) {
        %lt3A_619 = arith.cmpi slt, %while3A_616, %scan3A_449#0 : i32
        scf.condition(%lt3A_619) %while3A_616, %while3A_617, %while3A_618 : i32, vector<16xf32>, vector<16xi32>
      } do {
      ^bb0(%while3A_616: i32, %while3A_617: vector<16xf32>, %while3A_618: vector<16xi32>):
        %add3A_619 = arith.constant 0 : i32
        %add3A_620 = arith.addi %add3A_619, %while3A_616 : i32
        %get3A_621 = arith.index_cast %add3A_620 : i32 to index
        %get3A_622 = tpu.vector_load %arg19[%get3A_621] {strides = array<i32>} : memref<4224xf32, #tpu.memory_space<vmem>>, vector<16xf32>,
        %add3A_623 = arith.constant 0 : i32
        %add3A_624 = arith.addi %add3A_623, %while3A_616 : i32
        %get3A_625 = arith.index_cast %add3A_624 : i32 to index
        %get3A_626 = tpu.vector_load %arg20[%get3A_625] {strides = array<i32>} : memref<4224xi32, #tpu.memory_space<vmem>>, vector<16xi32>,
        %iota3A_627 = tpu.iota {dimensions = array<i32: 0>} : vector<16xi32>
        %sub3A_628 = arith.subi %scan3A_449#0, %while3A_616 : i32
        %lt3A_629 = vector.broadcast %sub3A_628 : i32 to vector<16xi32>
        %lt3A_630 = arith.cmpi slt, %iota3A_627, %lt3A_629 : vector<16xi32>
        %jit3A_631 = arith.constant 0x7F800000 : f32
        %broadcast_in_dim3A_632 = vector.broadcast %jit3A_631 : f32 to vector<16xf32>
        %select_n3A_633 = arith.select %lt3A_630, %get3A_622, %broadcast_in_dim3A_632 : vector<16xi1>, vector<16xf32>
        %masked_sort3A = arith.constant dense<true> : vector<16xi1>
        %masked_sort3A_634, %masked_sort3A_635, %masked_sort3A_636 = tpu.sort %select_n3A_633, %get3A_626 masked %masked_sort3A : (vector<16xf32>, vector<16xi32>, vector<16xi1>) -> (vector<16xi1>, vector<16xf32>, vector<16xi32>)
        %rev3A = arith.constant 15 : i32
        %rev3A_637 = vector.broadcast %rev3A : i32 to vector<16xi32>
        %rev3A_638 = tpu.iota {dimensions = array<i32: 0>} : vector<16xi32>
        %rev3A_639 = arith.subi %rev3A_637, %rev3A_638 : vector<16xi32>
        %rev3A_640 = tpu.dynamic_gather %masked_sort3A_635[%rev3A_639] in [0] : vector<16xf32>, vector<16xi32> -> vector<16xf32>
        %rev3A_641 = arith.constant 15 : i32
        %rev3A_642 = vector.broadcast %rev3A_641 : i32 to vector<16xi32>
        %rev3A_643 = tpu.iota {dimensions = array<i32: 0>} : vector<16xi32>
        %rev3A_644 = arith.subi %rev3A_642, %rev3A_643 : vector<16xi32>
        %rev3A_645 = tpu.dynamic_gather %masked_sort3A_636[%rev3A_644] in [0] : vector<16xi32>, vector<16xi32> -> vector<16xi32>
        %le3A = arith.cmpf ole, %while3A_617, %rev3A_640 : vector<16xf32>
        %select_n3A_646 = arith.select %le3A, %while3A_617, %rev3A_640 : vector<16xi1>, vector<16xf32>
        %select_n3A_647 = arith.select %le3A, %while3A_618, %rev3A_645 : vector<16xi1>, vector<16xi32>
        %masked_sort3A_648 = arith.constant dense<true> : vector<16xi1>
        %masked_sort3A_649, %masked_sort3A_650, %masked_sort3A_651 = tpu.sort %select_n3A_646, %select_n3A_647 masked %masked_sort3A_648 : (vector<16xf32>, vector<16xi32>, vector<16xi1>) -> (vector<16xi1>, vector<16xf32>, vector<16xi32>)
        %add3A_652 = arith.constant 16 : i32
        %add3A_653 = arith.addi %while3A_616, %add3A_652 : i32
        scf.yield %add3A_653, %masked_sort3A_650, %masked_sort3A_651 : i32, vector<16xf32>, vector<16xi32>
      }
      %swap3A_457 = arith.constant 0 : index
      %swap3A_458 = tpu.vector_load %arg21[%swap3A_457] {strides = array<i32>} : memref<64xf32, #tpu.memory_space<vmem>>, vector<16xf32>,
      tpu.vector_store %arg21[%swap3A_457], %while3A_456#1 {strides = array<i32>} : memref<64xf32, #tpu.memory_space<vmem>>, vector<16xf32>,
      %swap3A_459 = arith.constant 0 : index
      %swap3A_460 = tpu.vector_load %arg22[%swap3A_459] {strides = array<i32>} : memref<64xi32, #tpu.memory_space<vmem>>, vector<16xi32>,
      tpu.vector_store %arg22[%swap3A_459], %while3A_456#2 {strides = array<i32>} : memref<64xi32, #tpu.memory_space<vmem>>, vector<16xi32>,
      %reduce_max3A_461 = arith.constant true
      %reduce_max3A_462 = vector.broadcast %reduce_max3A_461 : i1 to vector<16xi1>
      %reduce_max3A_463 = tpu.scan <max>, %while3A_456#1 masked %reduce_max3A_462 : vector<16xf32>, vector<16xi1> -> vector<16xf32>
      %reduce_max3A_464 = vector.extract %reduce_max3A_463[15] : f32 from vector<16xf32>
      %get3A_465 = arith.constant 16 : index
      %get3A_466 = tpu.vector_load %arg21[%get3A_465] {strides = array<i32>} : memref<64xf32, #tpu.memory_space<vmem>>, vector<16xf32>,
      %get3A_467 = arith.constant 16 : index
      %get3A_468 = tpu.vector_load %arg22[%get3A_467] {strides = array<i32>} : memref<64xi32, #tpu.memory_space<vmem>>, vector<16xi32>,
      %while3A_469 = arith.constant 0 : i32
      %while3A_470:3 = scf.while (%while3A_616 = %while3A_469, %while3A_617 = %get3A_466, %while3A_618 = %get3A_468) : (i32, vector<16xf32>, vector<16xi32>) -> (i32, vector<16xf32>, vector<16xi32>) {
        %lt3A_619 = arith.cmpi slt, %while3A_616, %scan3A_449#1 : i32
        scf.condition(%lt3A_619) %while3A_616, %while3A_617, %while3A_618 : i32, vector<16xf32>, vector<16xi32>
      } do {
      ^bb0(%while3A_616: i32, %while3A_617: vector<16xf32>, %while3A_618: vector<16xi32>):
        %add3A_619 = arith.constant 1056 : i32
        %add3A_620 = arith.addi %add3A_619, %while3A_616 : i32
        %get3A_621 = arith.index_cast %add3A_620 : i32 to index
        %get3A_622 = tpu.vector_load %arg19[%get3A_621] {strides = array<i32>} : memref<4224xf32, #tpu.memory_space<vmem>>, vector<16xf32>,
        %add3A_623 = arith.constant 1056 : i32
        %add3A_624 = arith.addi %add3A_623, %while3A_616 : i32
        %get3A_625 = arith.index_cast %add3A_624 : i32 to index
        %get3A_626 = tpu.vector_load %arg20[%get3A_625] {strides = array<i32>} : memref<4224xi32, #tpu.memory_space<vmem>>, vector<16xi32>,
        %iota3A_627 = tpu.iota {dimensions = array<i32: 0>} : vector<16xi32>
        %sub3A_628 = arith.subi %scan3A_449#1, %while3A_616 : i32
        %lt3A_629 = vector.broadcast %sub3A_628 : i32 to vector<16xi32>
        %lt3A_630 = arith.cmpi slt, %iota3A_627, %lt3A_629 : vector<16xi32>
        %jit3A_631 = arith.constant 0x7F800000 : f32
        %broadcast_in_dim3A_632 = vector.broadcast %jit3A_631 : f32 to vector<16xf32>
        %select_n3A_633 = arith.select %lt3A_630, %get3A_622, %broadcast_in_dim3A_632 : vector<16xi1>, vector<16xf32>
        %masked_sort3A = arith.constant dense<true> : vector<16xi1>
        %masked_sort3A_634, %masked_sort3A_635, %masked_sort3A_636 = tpu.sort %select_n3A_633, %get3A_626 masked %masked_sort3A : (vector<16xf32>, vector<16xi32>, vector<16xi1>) -> (vector<16xi1>, vector<16xf32>, vector<16xi32>)
        %rev3A = arith.constant 15 : i32
        %rev3A_637 = vector.broadcast %rev3A : i32 to vector<16xi32>
        %rev3A_638 = tpu.iota {dimensions = array<i32: 0>} : vector<16xi32>
        %rev3A_639 = arith.subi %rev3A_637, %rev3A_638 : vector<16xi32>
        %rev3A_640 = tpu.dynamic_gather %masked_sort3A_635[%rev3A_639] in [0] : vector<16xf32>, vector<16xi32> -> vector<16xf32>
        %rev3A_641 = arith.constant 15 : i32
        %rev3A_642 = vector.broadcast %rev3A_641 : i32 to vector<16xi32>
        %rev3A_643 = tpu.iota {dimensions = array<i32: 0>} : vector<16xi32>
        %rev3A_644 = arith.subi %rev3A_642, %rev3A_643 : vector<16xi32>
        %rev3A_645 = tpu.dynamic_gather %masked_sort3A_636[%rev3A_644] in [0] : vector<16xi32>, vector<16xi32> -> vector<16xi32>
        %le3A = arith.cmpf ole, %while3A_617, %rev3A_640 : vector<16xf32>
        %select_n3A_646 = arith.select %le3A, %while3A_617, %rev3A_640 : vector<16xi1>, vector<16xf32>
        %select_n3A_647 = arith.select %le3A, %while3A_618, %rev3A_645 : vector<16xi1>, vector<16xi32>
        %masked_sort3A_648 = arith.constant dense<true> : vector<16xi1>
        %masked_sort3A_649, %masked_sort3A_650, %masked_sort3A_651 = tpu.sort %select_n3A_646, %select_n3A_647 masked %masked_sort3A_648 : (vector<16xf32>, vector<16xi32>, vector<16xi1>) -> (vector<16xi1>, vector<16xf32>, vector<16xi32>)
        %add3A_652 = arith.constant 16 : i32
        %add3A_653 = arith.addi %while3A_616, %add3A_652 : i32
        scf.yield %add3A_653, %masked_sort3A_650, %masked_sort3A_651 : i32, vector<16xf32>, vector<16xi32>
      }
      %swap3A_471 = arith.constant 16 : index
      %swap3A_472 = tpu.vector_load %arg21[%swap3A_471] {strides = array<i32>} : memref<64xf32, #tpu.memory_space<vmem>>, vector<16xf32>,
      tpu.vector_store %arg21[%swap3A_471], %while3A_470#1 {strides = array<i32>} : memref<64xf32, #tpu.memory_space<vmem>>, vector<16xf32>,
      %swap3A_473 = arith.constant 16 : index
      %swap3A_474 = tpu.vector_load %arg22[%swap3A_473] {strides = array<i32>} : memref<64xi32, #tpu.memory_space<vmem>>, vector<16xi32>,
      tpu.vector_store %arg22[%swap3A_473], %while3A_470#2 {strides = array<i32>} : memref<64xi32, #tpu.memory_space<vmem>>, vector<16xi32>,
      %reduce_max3A_475 = arith.constant true
      %reduce_max3A_476 = vector.broadcast %reduce_max3A_475 : i1 to vector<16xi1>
      %reduce_max3A_477 = tpu.scan <max>, %while3A_470#1 masked %reduce_max3A_476 : vector<16xf32>, vector<16xi1> -> vector<16xf32>
      %reduce_max3A_478 = vector.extract %reduce_max3A_477[15] : f32 from vector<16xf32>
      %get3A_479 = arith.constant 32 : index
      %get3A_480 = tpu.vector_load %arg21[%get3A_479] {strides = array<i32>} : memref<64xf32, #tpu.memory_space<vmem>>, vector<16xf32>,
      %get3A_481 = arith.constant 32 : index
      %get3A_482 = tpu.vector_load %arg22[%get3A_481] {strides = array<i32>} : memref<64xi32, #tpu.memory_space<vmem>>, vector<16xi32>,
      %while3A_483 = arith.constant 0 : i32
      %while3A_484:3 = scf.while (%while3A_616 = %while3A_483, %while3A_617 = %get3A_480, %while3A_618 = %get3A_482) : (i32, vector<16xf32>, vector<16xi32>) -> (i32, vector<16xf32>, vector<16xi32>) {
        %lt3A_619 = arith.cmpi slt, %while3A_616, %scan3A_449#2 : i32
        scf.condition(%lt3A_619) %while3A_616, %while3A_617, %while3A_618 : i32, vector<16xf32>, vector<16xi32>
      } do {
      ^bb0(%while3A_616: i32, %while3A_617: vector<16xf32>, %while3A_618: vector<16xi32>):
        %add3A_619 = arith.constant 2112 : i32
        %add3A_620 = arith.addi %add3A_619, %while3A_616 : i32
        %get3A_621 = arith.index_cast %add3A_620 : i32 to index
        %get3A_622 = tpu.vector_load %arg19[%get3A_621] {strides = array<i32>} : memref<4224xf32, #tpu.memory_space<vmem>>, vector<16xf32>,
        %add3A_623 = arith.constant 2112 : i32
        %add3A_624 = arith.addi %add3A_623, %while3A_616 : i32
        %get3A_625 = arith.index_cast %add3A_624 : i32 to index
        %get3A_626 = tpu.vector_load %arg20[%get3A_625] {strides = array<i32>} : memref<4224xi32, #tpu.memory_space<vmem>>, vector<16xi32>,
        %iota3A_627 = tpu.iota {dimensions = array<i32: 0>} : vector<16xi32>
        %sub3A_628 = arith.subi %scan3A_449#2, %while3A_616 : i32
        %lt3A_629 = vector.broadcast %sub3A_628 : i32 to vector<16xi32>
        %lt3A_630 = arith.cmpi slt, %iota3A_627, %lt3A_629 : vector<16xi32>
        %jit3A_631 = arith.constant 0x7F800000 : f32
        %broadcast_in_dim3A_632 = vector.broadcast %jit3A_631 : f32 to vector<16xf32>
        %select_n3A_633 = arith.select %lt3A_630, %get3A_622, %broadcast_in_dim3A_632 : vector<16xi1>, vector<16xf32>
        %masked_sort3A = arith.constant dense<true> : vector<16xi1>
        %masked_sort3A_634, %masked_sort3A_635, %masked_sort3A_636 = tpu.sort %select_n3A_633, %get3A_626 masked %masked_sort3A : (vector<16xf32>, vector<16xi32>, vector<16xi1>) -> (vector<16xi1>, vector<16xf32>, vector<16xi32>)
        %rev3A = arith.constant 15 : i32
        %rev3A_637 = vector.broadcast %rev3A : i32 to vector<16xi32>
        %rev3A_638 = tpu.iota {dimensions = array<i32: 0>} : vector<16xi32>
        %rev3A_639 = arith.subi %rev3A_637, %rev3A_638 : vector<16xi32>
        %rev3A_640 = tpu.dynamic_gather %masked_sort3A_635[%rev3A_639] in [0] : vector<16xf32>, vector<16xi32> -> vector<16xf32>
        %rev3A_641 = arith.constant 15 : i32
        %rev3A_642 = vector.broadcast %rev3A_641 : i32 to vector<16xi32>
        %rev3A_643 = tpu.iota {dimensions = array<i32: 0>} : vector<16xi32>
        %rev3A_644 = arith.subi %rev3A_642, %rev3A_643 : vector<16xi32>
        %rev3A_645 = tpu.dynamic_gather %masked_sort3A_636[%rev3A_644] in [0] : vector<16xi32>, vector<16xi32> -> vector<16xi32>
        %le3A = arith.cmpf ole, %while3A_617, %rev3A_640 : vector<16xf32>
        %select_n3A_646 = arith.select %le3A, %while3A_617, %rev3A_640 : vector<16xi1>, vector<16xf32>
        %select_n3A_647 = arith.select %le3A, %while3A_618, %rev3A_645 : vector<16xi1>, vector<16xi32>
        %masked_sort3A_648 = arith.constant dense<true> : vector<16xi1>
        %masked_sort3A_649, %masked_sort3A_650, %masked_sort3A_651 = tpu.sort %select_n3A_646, %select_n3A_647 masked %masked_sort3A_648 : (vector<16xf32>, vector<16xi32>, vector<16xi1>) -> (vector<16xi1>, vector<16xf32>, vector<16xi32>)
        %add3A_652 = arith.constant 16 : i32
        %add3A_653 = arith.addi %while3A_616, %add3A_652 : i32
        scf.yield %add3A_653, %masked_sort3A_650, %masked_sort3A_651 : i32, vector<16xf32>, vector<16xi32>
      }
      %swap3A_485 = arith.constant 32 : index
      %swap3A_486 = tpu.vector_load %arg21[%swap3A_485] {strides = array<i32>} : memref<64xf32, #tpu.memory_space<vmem>>, vector<16xf32>,
      tpu.vector_store %arg21[%swap3A_485], %while3A_484#1 {strides = array<i32>} : memref<64xf32, #tpu.memory_space<vmem>>, vector<16xf32>,
      %swap3A_487 = arith.constant 32 : index
      %swap3A_488 = tpu.vector_load %arg22[%swap3A_487] {strides = array<i32>} : memref<64xi32, #tpu.memory_space<vmem>>, vector<16xi32>,
      tpu.vector_store %arg22[%swap3A_487], %while3A_484#2 {strides = array<i32>} : memref<64xi32, #tpu.memory_space<vmem>>, vector<16xi32>,
      %reduce_max3A_489 = arith.constant true
      %reduce_max3A_490 = vector.broadcast %reduce_max3A_489 : i1 to vector<16xi1>
      %reduce_max3A_491 = tpu.scan <max>, %while3A_484#1 masked %reduce_max3A_490 : vector<16xf32>, vector<16xi1> -> vector<16xf32>
      %reduce_max3A_492 = vector.extract %reduce_max3A_491[15] : f32 from vector<16xf32>
      %get3A_493 = arith.constant 48 : index
      %get3A_494 = tpu.vector_load %arg21[%get3A_493] {strides = array<i32>} : memref<64xf32, #tpu.memory_space<vmem>>, vector<16xf32>,
      %get3A_495 = arith.constant 48 : index
      %get3A_496 = tpu.vector_load %arg22[%get3A_495] {strides = array<i32>} : memref<64xi32, #tpu.memory_space<vmem>>, vector<16xi32>,
      %while3A_497 = arith.constant 0 : i32
      %while3A_498:3 = scf.while (%while3A_616 = %while3A_497, %while3A_617 = %get3A_494, %while3A_618 = %get3A_496) : (i32, vector<16xf32>, vector<16xi32>) -> (i32, vector<16xf32>, vector<16xi32>) {
        %lt3A_619 = arith.cmpi slt, %while3A_616, %scan3A_449#3 : i32
        scf.condition(%lt3A_619) %while3A_616, %while3A_617, %while3A_618 : i32, vector<16xf32>, vector<16xi32>
      } do {
      ^bb0(%while3A_616: i32, %while3A_617: vector<16xf32>, %while3A_618: vector<16xi32>):
        %add3A_619 = arith.constant 3168 : i32
        %add3A_620 = arith.addi %add3A_619, %while3A_616 : i32
        %get3A_621 = arith.index_cast %add3A_620 : i32 to index
        %get3A_622 = tpu.vector_load %arg19[%get3A_621] {strides = array<i32>} : memref<4224xf32, #tpu.memory_space<vmem>>, vector<16xf32>,
        %add3A_623 = arith.constant 3168 : i32
        %add3A_624 = arith.addi %add3A_623, %while3A_616 : i32
        %get3A_625 = arith.index_cast %add3A_624 : i32 to index
        %get3A_626 = tpu.vector_load %arg20[%get3A_625] {strides = array<i32>} : memref<4224xi32, #tpu.memory_space<vmem>>, vector<16xi32>,
        %iota3A_627 = tpu.iota {dimensions = array<i32: 0>} : vector<16xi32>
        %sub3A_628 = arith.subi %scan3A_449#3, %while3A_616 : i32
        %lt3A_629 = vector.broadcast %sub3A_628 : i32 to vector<16xi32>
        %lt3A_630 = arith.cmpi slt, %iota3A_627, %lt3A_629 : vector<16xi32>
        %jit3A_631 = arith.constant 0x7F800000 : f32
        %broadcast_in_dim3A_632 = vector.broadcast %jit3A_631 : f32 to vector<16xf32>
        %select_n3A_633 = arith.select %lt3A_630, %get3A_622, %broadcast_in_dim3A_632 : vector<16xi1>, vector<16xf32>
        %masked_sort3A = arith.constant dense<true> : vector<16xi1>
        %masked_sort3A_634, %masked_sort3A_635, %masked_sort3A_636 = tpu.sort %select_n3A_633, %get3A_626 masked %masked_sort3A : (vector<16xf32>, vector<16xi32>, vector<16xi1>) -> (vector<16xi1>, vector<16xf32>, vector<16xi32>)
        %rev3A = arith.constant 15 : i32
        %rev3A_637 = vector.broadcast %rev3A : i32 to vector<16xi32>
        %rev3A_638 = tpu.iota {dimensions = array<i32: 0>} : vector<16xi32>
        %rev3A_639 = arith.subi %rev3A_637, %rev3A_638 : vector<16xi32>
        %rev3A_640 = tpu.dynamic_gather %masked_sort3A_635[%rev3A_639] in [0] : vector<16xf32>, vector<16xi32> -> vector<16xf32>
        %rev3A_641 = arith.constant 15 : i32
        %rev3A_642 = vector.broadcast %rev3A_641 : i32 to vector<16xi32>
        %rev3A_643 = tpu.iota {dimensions = array<i32: 0>} : vector<16xi32>
        %rev3A_644 = arith.subi %rev3A_642, %rev3A_643 : vector<16xi32>
        %rev3A_645 = tpu.dynamic_gather %masked_sort3A_636[%rev3A_644] in [0] : vector<16xi32>, vector<16xi32> -> vector<16xi32>
        %le3A = arith.cmpf ole, %while3A_617, %rev3A_640 : vector<16xf32>
        %select_n3A_646 = arith.select %le3A, %while3A_617, %rev3A_640 : vector<16xi1>, vector<16xf32>
        %select_n3A_647 = arith.select %le3A, %while3A_618, %rev3A_645 : vector<16xi1>, vector<16xi32>
        %masked_sort3A_648 = arith.constant dense<true> : vector<16xi1>
        %masked_sort3A_649, %masked_sort3A_650, %masked_sort3A_651 = tpu.sort %select_n3A_646, %select_n3A_647 masked %masked_sort3A_648 : (vector<16xf32>, vector<16xi32>, vector<16xi1>) -> (vector<16xi1>, vector<16xf32>, vector<16xi32>)
        %add3A_652 = arith.constant 16 : i32
        %add3A_653 = arith.addi %while3A_616, %add3A_652 : i32
        scf.yield %add3A_653, %masked_sort3A_650, %masked_sort3A_651 : i32, vector<16xf32>, vector<16xi32>
      }
      %swap3A_499 = arith.constant 48 : index
      %swap3A_500 = tpu.vector_load %arg21[%swap3A_499] {strides = array<i32>} : memref<64xf32, #tpu.memory_space<vmem>>, vector<16xf32>,
      tpu.vector_store %arg21[%swap3A_499], %while3A_498#1 {strides = array<i32>} : memref<64xf32, #tpu.memory_space<vmem>>, vector<16xf32>,
      %swap3A_501 = arith.constant 48 : index
      %swap3A_502 = tpu.vector_load %arg22[%swap3A_501] {strides = array<i32>} : memref<64xi32, #tpu.memory_space<vmem>>, vector<16xi32>,
      tpu.vector_store %arg22[%swap3A_501], %while3A_498#2 {strides = array<i32>} : memref<64xi32, #tpu.memory_space<vmem>>, vector<16xi32>,
      %reduce_max3A_503 = arith.constant true
      %reduce_max3A_504 = vector.broadcast %reduce_max3A_503 : i1 to vector<16xi1>
      %reduce_max3A_505 = tpu.scan <max>, %while3A_498#1 masked %reduce_max3A_504 : vector<16xf32>, vector<16xi1> -> vector<16xf32>
      %reduce_max3A_506 = vector.extract %reduce_max3A_505[15] : f32 from vector<16xf32>
      %scan3A_507 = arith.constant 0 : i32
      %scan3A_508 = arith.constant 0 : i32
      %scan3A_509 = arith.constant 0 : i32
      %scan3A_510 = arith.constant 0 : i32
      %scan3A_511 = arith.constant 8 : i32
      %scan3A_512 = arith.constant 56 : i32
      %scan3A_513 = arith.addi %scan3A_511, %scan3A_512 : i32
      %scan3A_514 = arith.constant 1 : i32
      %scan3A_515:4 = scf.for %scan3A_616 = %scan3A_511 to %scan3A_513 step %scan3A_514 iter_args(%scan3A_617 = %scan3A_507, %scan3A_618 = %scan3A_508, %scan3A_619 = %scan3A_509, %scan3A_620 = %scan3A_510) -> (i32, i32, i32, i32)  : i32 {
        %mul3A_621 = arith.constant 16 : i32
        %mul3A_622 = arith.muli %scan3A_616, %mul3A_621 : i32
        %get3A_623 = arith.index_cast %mul3A_622 : i32 to index
        %get3A_624 = tpu.vector_load %arg6[%get3A_623] {strides = array<i32>} : memref<16384xf32, #tpu.memory_space<vmem>>, vector<16xf32>,
        %mul3A_625 = arith.constant 16 : i32
        %mul3A_626 = arith.muli %scan3A_616, %mul3A_625 : i32
        %get3A_627 = arith.index_cast %mul3A_626 : i32 to index
        %get3A_628 = tpu.vector_load %arg7[%get3A_627] {strides = array<i32>} : memref<16384xf32, #tpu.memory_space<vmem>>, vector<16xf32>,
        %mul3A_629 = arith.constant 16 : i32
        %mul3A_630 = arith.muli %scan3A_616, %mul3A_629 : i32
        %get3A_631 = arith.index_cast %mul3A_630 : i32 to index
        %get3A_632 = tpu.vector_load %arg8[%get3A_631] {strides = array<i32>} : memref<16384xf32, #tpu.memory_space<vmem>>, vector<16xf32>,
        %mul3A_633 = arith.constant 16 : i32
        %mul3A_634 = arith.muli %scan3A_616, %mul3A_633 : i32
        %get3A_635 = arith.index_cast %mul3A_634 : i32 to index
        %get3A_636 = tpu.vector_load %arg9[%get3A_635] {strides = array<i32>} : memref<16384xf32, #tpu.memory_space<vmem>>, vector<16xf32>,
        %iota3A_637 = tpu.iota {dimensions = array<i32: 0>} : vector<16xi32>
        %mul3A_638 = arith.constant 16 : i32
        %mul3A_639 = arith.muli %scan3A_616, %mul3A_638 : i32
        %add3A_640 = vector.broadcast %mul3A_639 : i32 to vector<16xi32>
        %add3A_641 = arith.addi %iota3A_637, %add3A_640 : vector<16xi32>
        %mul3A_642 = arith.mulf %gather3A, %get3A_624 : vector<16xf32>
        %mul3A_643 = arith.mulf %gather3A_152, %get3A_628 : vector<16xf32>
        %add3A_644 = arith.addf %mul3A_642, %mul3A_643 : vector<16xf32>
        %mul3A_645 = arith.mulf %gather3A_172, %get3A_632 : vector<16xf32>
        %add3A_646 = arith.addf %add3A_644, %mul3A_645 : vector<16xf32>
        %mul3A_647 = arith.constant 2.000000e+00 : f32
        %mul3A_648 = vector.broadcast %mul3A_647 : f32 to vector<16xf32>
        %mul3A_649 = arith.mulf %mul3A_648, %add3A_646 : vector<16xf32>
        %sub3A_650 = arith.subf %gather3A_192, %mul3A_649 : vector<16xf32>
        %add3A_651 = arith.addf %sub3A_650, %get3A_636 : vector<16xf32>
        %lt3A_652 = vector.broadcast %reduce_max3A_464 : f32 to vector<16xf32>
        %lt3A_653 = arith.cmpf olt, %add3A_651, %lt3A_652 : vector<16xf32>
        %all_reduce_population_count3A_654 = tpu.all_reduce %lt3A_653 {dim = 0 : i64, kind = #tpu.reduction_kind<sum>} : vector<16xi1> -> vector<16xi32>
        %reduce_max3A_655 = arith.constant true
        %reduce_max3A_656 = vector.broadcast %reduce_max3A_655 : i1 to vector<16xi1>
        %reduce_max3A_657 = arith.constant -2147483648 : i32
        %reduce_max3A_658 = vector.broadcast %reduce_max3A_657 : i32 to vector<16xi32>
        %reduce_max3A_659 = arith.xori %all_reduce_population_count3A_654, %reduce_max3A_658 : vector<16xi32>
        %reduce_max3A_660 = tpu.scan <max>, %reduce_max3A_659 masked %reduce_max3A_656 : vector<16xi32>, vector<16xi1> -> vector<16xi32>
        %reduce_max3A_661 = arith.xori %reduce_max3A_660, %reduce_max3A_658 : vector<16xi32>
        %reduce_max3A_662 = vector.extract %reduce_max3A_661[15] : i32 from vector<16xi32>
        %add3A_663 = arith.constant 0 : i32
        %add3A_664 = arith.addi %add3A_663, %scan3A_617 : i32
        %swap3A_665 = arith.index_cast %add3A_664 : i32 to index
        %swap3A_666 = tpu.vector_load %arg19[%swap3A_665] masked %lt3A_653 {strides = array<i32>} : memref<4224xf32, #tpu.memory_space<vmem>>, vector<16xf32>, vector<16xi1>
        tpu.vector_store %arg19[%swap3A_665], %add3A_651 masked %lt3A_653 {strides = array<i32>} : memref<4224xf32, #tpu.memory_space<vmem>>, vector<16xf32>, vector<16xi1>
        %add3A_667 = arith.constant 0 : i32
        %add3A_668 = arith.addi %add3A_667, %scan3A_617 : i32
        %swap3A_669 = arith.index_cast %add3A_668 : i32 to index
        %swap3A_670 = tpu.vector_load %arg20[%swap3A_669] masked %lt3A_653 {strides = array<i32>} : memref<4224xi32, #tpu.memory_space<vmem>>, vector<16xi32>, vector<16xi1>
        tpu.vector_store %arg20[%swap3A_669], %add3A_641 masked %lt3A_653 {strides = array<i32>} : memref<4224xi32, #tpu.memory_space<vmem>>, vector<16xi32>, vector<16xi1>
        %add3A_671 = arith.addi %scan3A_617, %reduce_max3A_662 : i32
        %mul3A_672 = arith.mulf %gather3A_137, %get3A_624 : vector<16xf32>
        %mul3A_673 = arith.mulf %gather3A_157, %get3A_628 : vector<16xf32>
        %add3A_674 = arith.addf %mul3A_672, %mul3A_673 : vector<16xf32>
        %mul3A_675 = arith.mulf %gather3A_177, %get3A_632 : vector<16xf32>
        %add3A_676 = arith.addf %add3A_674, %mul3A_675 : vector<16xf32>
        %mul3A_677 = arith.constant 2.000000e+00 : f32
        %mul3A_678 = vector.broadcast %mul3A_677 : f32 to vector<16xf32>
        %mul3A_679 = arith.mulf %mul3A_678, %add3A_676 : vector<16xf32>
        %sub3A_680 = arith.subf %gather3A_197, %mul3A_679 : vector<16xf32>
        %add3A_681 = arith.addf %sub3A_680, %get3A_636 : vector<16xf32>
        %lt3A_682 = vector.broadcast %reduce_max3A_478 : f32 to vector<16xf32>
        %lt3A_683 = arith.cmpf olt, %add3A_681, %lt3A_682 : vector<16xf32>
        %all_reduce_population_count3A_684 = tpu.all_reduce %lt3A_683 {dim = 0 : i64, kind = #tpu.reduction_kind<sum>} : vector<16xi1> -> vector<16xi32>
        %reduce_max3A_685 = arith.constant true
        %reduce_max3A_686 = vector.broadcast %reduce_max3A_685 : i1 to vector<16xi1>
        %reduce_max3A_687 = arith.constant -2147483648 : i32
        %reduce_max3A_688 = vector.broadcast %reduce_max3A_687 : i32 to vector<16xi32>
        %reduce_max3A_689 = arith.xori %all_reduce_population_count3A_684, %reduce_max3A_688 : vector<16xi32>
        %reduce_max3A_690 = tpu.scan <max>, %reduce_max3A_689 masked %reduce_max3A_686 : vector<16xi32>, vector<16xi1> -> vector<16xi32>
        %reduce_max3A_691 = arith.xori %reduce_max3A_690, %reduce_max3A_688 : vector<16xi32>
        %reduce_max3A_692 = vector.extract %reduce_max3A_691[15] : i32 from vector<16xi32>
        %add3A_693 = arith.constant 1056 : i32
        %add3A_694 = arith.addi %add3A_693, %scan3A_618 : i32
        %swap3A_695 = arith.index_cast %add3A_694 : i32 to index
        %swap3A_696 = tpu.vector_load %arg19[%swap3A_695] masked %lt3A_683 {strides = array<i32>} : memref<4224xf32, #tpu.memory_space<vmem>>, vector<16xf32>, vector<16xi1>
        tpu.vector_store %arg19[%swap3A_695], %add3A_681 masked %lt3A_683 {strides = array<i32>} : memref<4224xf32, #tpu.memory_space<vmem>>, vector<16xf32>, vector<16xi1>
        %add3A_697 = arith.constant 1056 : i32
        %add3A_698 = arith.addi %add3A_697, %scan3A_618 : i32
        %swap3A_699 = arith.index_cast %add3A_698 : i32 to index
        %swap3A_700 = tpu.vector_load %arg20[%swap3A_699] masked %lt3A_683 {strides = array<i32>} : memref<4224xi32, #tpu.memory_space<vmem>>, vector<16xi32>, vector<16xi1>
        tpu.vector_store %arg20[%swap3A_699], %add3A_641 masked %lt3A_683 {strides = array<i32>} : memref<4224xi32, #tpu.memory_space<vmem>>, vector<16xi32>, vector<16xi1>
        %add3A_701 = arith.addi %scan3A_618, %reduce_max3A_692 : i32
        %mul3A_702 = arith.mulf %gather3A_142, %get3A_624 : vector<16xf32>
        %mul3A_703 = arith.mulf %gather3A_162, %get3A_628 : vector<16xf32>
        %add3A_704 = arith.addf %mul3A_702, %mul3A_703 : vector<16xf32>
        %mul3A_705 = arith.mulf %gather3A_182, %get3A_632 : vector<16xf32>
        %add3A_706 = arith.addf %add3A_704, %mul3A_705 : vector<16xf32>
        %mul3A_707 = arith.constant 2.000000e+00 : f32
        %mul3A_708 = vector.broadcast %mul3A_707 : f32 to vector<16xf32>
        %mul3A_709 = arith.mulf %mul3A_708, %add3A_706 : vector<16xf32>
        %sub3A_710 = arith.subf %gather3A_202, %mul3A_709 : vector<16xf32>
        %add3A_711 = arith.addf %sub3A_710, %get3A_636 : vector<16xf32>
        %lt3A_712 = vector.broadcast %reduce_max3A_492 : f32 to vector<16xf32>
        %lt3A_713 = arith.cmpf olt, %add3A_711, %lt3A_712 : vector<16xf32>
        %all_reduce_population_count3A_714 = tpu.all_reduce %lt3A_713 {dim = 0 : i64, kind = #tpu.reduction_kind<sum>} : vector<16xi1> -> vector<16xi32>
        %reduce_max3A_715 = arith.constant true
        %reduce_max3A_716 = vector.broadcast %reduce_max3A_715 : i1 to vector<16xi1>
        %reduce_max3A_717 = arith.constant -2147483648 : i32
        %reduce_max3A_718 = vector.broadcast %reduce_max3A_717 : i32 to vector<16xi32>
        %reduce_max3A_719 = arith.xori %all_reduce_population_count3A_714, %reduce_max3A_718 : vector<16xi32>
        %reduce_max3A_720 = tpu.scan <max>, %reduce_max3A_719 masked %reduce_max3A_716 : vector<16xi32>, vector<16xi1> -> vector<16xi32>
        %reduce_max3A_721 = arith.xori %reduce_max3A_720, %reduce_max3A_718 : vector<16xi32>
        %reduce_max3A_722 = vector.extract %reduce_max3A_721[15] : i32 from vector<16xi32>
        %add3A_723 = arith.constant 2112 : i32
        %add3A_724 = arith.addi %add3A_723, %scan3A_619 : i32
        %swap3A_725 = arith.index_cast %add3A_724 : i32 to index
        %swap3A_726 = tpu.vector_load %arg19[%swap3A_725] masked %lt3A_713 {strides = array<i32>} : memref<4224xf32, #tpu.memory_space<vmem>>, vector<16xf32>, vector<16xi1>
        tpu.vector_store %arg19[%swap3A_725], %add3A_711 masked %lt3A_713 {strides = array<i32>} : memref<4224xf32, #tpu.memory_space<vmem>>, vector<16xf32>, vector<16xi1>
        %add3A_727 = arith.constant 2112 : i32
        %add3A_728 = arith.addi %add3A_727, %scan3A_619 : i32
        %swap3A_729 = arith.index_cast %add3A_728 : i32 to index
        %swap3A_730 = tpu.vector_load %arg20[%swap3A_729] masked %lt3A_713 {strides = array<i32>} : memref<4224xi32, #tpu.memory_space<vmem>>, vector<16xi32>, vector<16xi1>
        tpu.vector_store %arg20[%swap3A_729], %add3A_641 masked %lt3A_713 {strides = array<i32>} : memref<4224xi32, #tpu.memory_space<vmem>>, vector<16xi32>, vector<16xi1>
        %add3A_731 = arith.addi %scan3A_619, %reduce_max3A_722 : i32
        %mul3A_732 = arith.mulf %gather3A_147, %get3A_624 : vector<16xf32>
        %mul3A_733 = arith.mulf %gather3A_167, %get3A_628 : vector<16xf32>
        %add3A_734 = arith.addf %mul3A_732, %mul3A_733 : vector<16xf32>
        %mul3A_735 = arith.mulf %gather3A_187, %get3A_632 : vector<16xf32>
        %add3A_736 = arith.addf %add3A_734, %mul3A_735 : vector<16xf32>
        %mul3A_737 = arith.constant 2.000000e+00 : f32
        %mul3A_738 = vector.broadcast %mul3A_737 : f32 to vector<16xf32>
        %mul3A_739 = arith.mulf %mul3A_738, %add3A_736 : vector<16xf32>
        %sub3A_740 = arith.subf %gather3A_207, %mul3A_739 : vector<16xf32>
        %add3A_741 = arith.addf %sub3A_740, %get3A_636 : vector<16xf32>
        %lt3A_742 = vector.broadcast %reduce_max3A_506 : f32 to vector<16xf32>
        %lt3A_743 = arith.cmpf olt, %add3A_741, %lt3A_742 : vector<16xf32>
        %all_reduce_population_count3A_744 = tpu.all_reduce %lt3A_743 {dim = 0 : i64, kind = #tpu.reduction_kind<sum>} : vector<16xi1> -> vector<16xi32>
        %reduce_max3A_745 = arith.constant true
        %reduce_max3A_746 = vector.broadcast %reduce_max3A_745 : i1 to vector<16xi1>
        %reduce_max3A_747 = arith.constant -2147483648 : i32
        %reduce_max3A_748 = vector.broadcast %reduce_max3A_747 : i32 to vector<16xi32>
        %reduce_max3A_749 = arith.xori %all_reduce_population_count3A_744, %reduce_max3A_748 : vector<16xi32>
        %reduce_max3A_750 = tpu.scan <max>, %reduce_max3A_749 masked %reduce_max3A_746 : vector<16xi32>, vector<16xi1> -> vector<16xi32>
        %reduce_max3A_751 = arith.xori %reduce_max3A_750, %reduce_max3A_748 : vector<16xi32>
        %reduce_max3A_752 = vector.extract %reduce_max3A_751[15] : i32 from vector<16xi32>
        %add3A_753 = arith.constant 3168 : i32
        %add3A_754 = arith.addi %add3A_753, %scan3A_620 : i32
        %swap3A_755 = arith.index_cast %add3A_754 : i32 to index
        %swap3A_756 = tpu.vector_load %arg19[%swap3A_755] masked %lt3A_743 {strides = array<i32>} : memref<4224xf32, #tpu.memory_space<vmem>>, vector<16xf32>, vector<16xi1>
        tpu.vector_store %arg19[%swap3A_755], %add3A_741 masked %lt3A_743 {strides = array<i32>} : memref<4224xf32, #tpu.memory_space<vmem>>, vector<16xf32>, vector<16xi1>
        %add3A_757 = arith.constant 3168 : i32
        %add3A_758 = arith.addi %add3A_757, %scan3A_620 : i32
        %swap3A_759 = arith.index_cast %add3A_758 : i32 to index
        %swap3A_760 = tpu.vector_load %arg20[%swap3A_759] masked %lt3A_743 {strides = array<i32>} : memref<4224xi32, #tpu.memory_space<vmem>>, vector<16xi32>, vector<16xi1>
        tpu.vector_store %arg20[%swap3A_759], %add3A_641 masked %lt3A_743 {strides = array<i32>} : memref<4224xi32, #tpu.memory_space<vmem>>, vector<16xi32>, vector<16xi1>
        %add3A_761 = arith.addi %scan3A_620, %reduce_max3A_752 : i32
        scf.yield %add3A_671, %add3A_701, %add3A_731, %add3A_761 : i32, i32, i32, i32
      }
      %scan3A_516 = arith.constant 56 : i32
      %get3A_517 = arith.constant 0 : index
      %get3A_518 = tpu.vector_load %arg21[%get3A_517] {strides = array<i32>} : memref<64xf32, #tpu.memory_space<vmem>>, vector<16xf32>,
      %get3A_519 = arith.constant 0 : index
      %get3A_520 = tpu.vector_load %arg22[%get3A_519] {strides = array<i32>} : memref<64xi32, #tpu.memory_space<vmem>>, vector<16xi32>,
      %while3A_521 = arith.constant 0 : i32
      %while3A_522:3 = scf.while (%while3A_616 = %while3A_521, %while3A_617 = %get3A_518, %while3A_618 = %get3A_520) : (i32, vector<16xf32>, vector<16xi32>) -> (i32, vector<16xf32>, vector<16xi32>) {
        %lt3A_619 = arith.cmpi slt, %while3A_616, %scan3A_515#0 : i32
        scf.condition(%lt3A_619) %while3A_616, %while3A_617, %while3A_618 : i32, vector<16xf32>, vector<16xi32>
      } do {
      ^bb0(%while3A_616: i32, %while3A_617: vector<16xf32>, %while3A_618: vector<16xi32>):
        %add3A_619 = arith.constant 0 : i32
        %add3A_620 = arith.addi %add3A_619, %while3A_616 : i32
        %get3A_621 = arith.index_cast %add3A_620 : i32 to index
        %get3A_622 = tpu.vector_load %arg19[%get3A_621] {strides = array<i32>} : memref<4224xf32, #tpu.memory_space<vmem>>, vector<16xf32>,
        %add3A_623 = arith.constant 0 : i32
        %add3A_624 = arith.addi %add3A_623, %while3A_616 : i32
        %get3A_625 = arith.index_cast %add3A_624 : i32 to index
        %get3A_626 = tpu.vector_load %arg20[%get3A_625] {strides = array<i32>} : memref<4224xi32, #tpu.memory_space<vmem>>, vector<16xi32>,
        %iota3A_627 = tpu.iota {dimensions = array<i32: 0>} : vector<16xi32>
        %sub3A_628 = arith.subi %scan3A_515#0, %while3A_616 : i32
        %lt3A_629 = vector.broadcast %sub3A_628 : i32 to vector<16xi32>
        %lt3A_630 = arith.cmpi slt, %iota3A_627, %lt3A_629 : vector<16xi32>
        %jit3A_631 = arith.constant 0x7F800000 : f32
        %broadcast_in_dim3A_632 = vector.broadcast %jit3A_631 : f32 to vector<16xf32>
        %select_n3A_633 = arith.select %lt3A_630, %get3A_622, %broadcast_in_dim3A_632 : vector<16xi1>, vector<16xf32>
        %masked_sort3A = arith.constant dense<true> : vector<16xi1>
        %masked_sort3A_634, %masked_sort3A_635, %masked_sort3A_636 = tpu.sort %select_n3A_633, %get3A_626 masked %masked_sort3A : (vector<16xf32>, vector<16xi32>, vector<16xi1>) -> (vector<16xi1>, vector<16xf32>, vector<16xi32>)
        %rev3A = arith.constant 15 : i32
        %rev3A_637 = vector.broadcast %rev3A : i32 to vector<16xi32>
        %rev3A_638 = tpu.iota {dimensions = array<i32: 0>} : vector<16xi32>
        %rev3A_639 = arith.subi %rev3A_637, %rev3A_638 : vector<16xi32>
        %rev3A_640 = tpu.dynamic_gather %masked_sort3A_635[%rev3A_639] in [0] : vector<16xf32>, vector<16xi32> -> vector<16xf32>
        %rev3A_641 = arith.constant 15 : i32
        %rev3A_642 = vector.broadcast %rev3A_641 : i32 to vector<16xi32>
        %rev3A_643 = tpu.iota {dimensions = array<i32: 0>} : vector<16xi32>
        %rev3A_644 = arith.subi %rev3A_642, %rev3A_643 : vector<16xi32>
        %rev3A_645 = tpu.dynamic_gather %masked_sort3A_636[%rev3A_644] in [0] : vector<16xi32>, vector<16xi32> -> vector<16xi32>
        %le3A = arith.cmpf ole, %while3A_617, %rev3A_640 : vector<16xf32>
        %select_n3A_646 = arith.select %le3A, %while3A_617, %rev3A_640 : vector<16xi1>, vector<16xf32>
        %select_n3A_647 = arith.select %le3A, %while3A_618, %rev3A_645 : vector<16xi1>, vector<16xi32>
        %masked_sort3A_648 = arith.constant dense<true> : vector<16xi1>
        %masked_sort3A_649, %masked_sort3A_650, %masked_sort3A_651 = tpu.sort %select_n3A_646, %select_n3A_647 masked %masked_sort3A_648 : (vector<16xf32>, vector<16xi32>, vector<16xi1>) -> (vector<16xi1>, vector<16xf32>, vector<16xi32>)
        %add3A_652 = arith.constant 16 : i32
        %add3A_653 = arith.addi %while3A_616, %add3A_652 : i32
        scf.yield %add3A_653, %masked_sort3A_650, %masked_sort3A_651 : i32, vector<16xf32>, vector<16xi32>
      }
      %swap3A_523 = arith.constant 0 : index
      %swap3A_524 = tpu.vector_load %arg21[%swap3A_523] {strides = array<i32>} : memref<64xf32, #tpu.memory_space<vmem>>, vector<16xf32>,
      tpu.vector_store %arg21[%swap3A_523], %while3A_522#1 {strides = array<i32>} : memref<64xf32, #tpu.memory_space<vmem>>, vector<16xf32>,
      %swap3A_525 = arith.constant 0 : index
      %swap3A_526 = tpu.vector_load %arg22[%swap3A_525] {strides = array<i32>} : memref<64xi32, #tpu.memory_space<vmem>>, vector<16xi32>,
      tpu.vector_store %arg22[%swap3A_525], %while3A_522#2 {strides = array<i32>} : memref<64xi32, #tpu.memory_space<vmem>>, vector<16xi32>,
      %reduce_max3A_527 = arith.constant true
      %reduce_max3A_528 = vector.broadcast %reduce_max3A_527 : i1 to vector<16xi1>
      %reduce_max3A_529 = tpu.scan <max>, %while3A_522#1 masked %reduce_max3A_528 : vector<16xf32>, vector<16xi1> -> vector<16xf32>
      %reduce_max3A_530 = vector.extract %reduce_max3A_529[15] : f32 from vector<16xf32>
      %get3A_531 = arith.constant 16 : index
      %get3A_532 = tpu.vector_load %arg21[%get3A_531] {strides = array<i32>} : memref<64xf32, #tpu.memory_space<vmem>>, vector<16xf32>,
      %get3A_533 = arith.constant 16 : index
      %get3A_534 = tpu.vector_load %arg22[%get3A_533] {strides = array<i32>} : memref<64xi32, #tpu.memory_space<vmem>>, vector<16xi32>,
      %while3A_535 = arith.constant 0 : i32
      %while3A_536:3 = scf.while (%while3A_616 = %while3A_535, %while3A_617 = %get3A_532, %while3A_618 = %get3A_534) : (i32, vector<16xf32>, vector<16xi32>) -> (i32, vector<16xf32>, vector<16xi32>) {
        %lt3A_619 = arith.cmpi slt, %while3A_616, %scan3A_515#1 : i32
        scf.condition(%lt3A_619) %while3A_616, %while3A_617, %while3A_618 : i32, vector<16xf32>, vector<16xi32>
      } do {
      ^bb0(%while3A_616: i32, %while3A_617: vector<16xf32>, %while3A_618: vector<16xi32>):
        %add3A_619 = arith.constant 1056 : i32
        %add3A_620 = arith.addi %add3A_619, %while3A_616 : i32
        %get3A_621 = arith.index_cast %add3A_620 : i32 to index
        %get3A_622 = tpu.vector_load %arg19[%get3A_621] {strides = array<i32>} : memref<4224xf32, #tpu.memory_space<vmem>>, vector<16xf32>,
        %add3A_623 = arith.constant 1056 : i32
        %add3A_624 = arith.addi %add3A_623, %while3A_616 : i32
        %get3A_625 = arith.index_cast %add3A_624 : i32 to index
        %get3A_626 = tpu.vector_load %arg20[%get3A_625] {strides = array<i32>} : memref<4224xi32, #tpu.memory_space<vmem>>, vector<16xi32>,
        %iota3A_627 = tpu.iota {dimensions = array<i32: 0>} : vector<16xi32>
        %sub3A_628 = arith.subi %scan3A_515#1, %while3A_616 : i32
        %lt3A_629 = vector.broadcast %sub3A_628 : i32 to vector<16xi32>
        %lt3A_630 = arith.cmpi slt, %iota3A_627, %lt3A_629 : vector<16xi32>
        %jit3A_631 = arith.constant 0x7F800000 : f32
        %broadcast_in_dim3A_632 = vector.broadcast %jit3A_631 : f32 to vector<16xf32>
        %select_n3A_633 = arith.select %lt3A_630, %get3A_622, %broadcast_in_dim3A_632 : vector<16xi1>, vector<16xf32>
        %masked_sort3A = arith.constant dense<true> : vector<16xi1>
        %masked_sort3A_634, %masked_sort3A_635, %masked_sort3A_636 = tpu.sort %select_n3A_633, %get3A_626 masked %masked_sort3A : (vector<16xf32>, vector<16xi32>, vector<16xi1>) -> (vector<16xi1>, vector<16xf32>, vector<16xi32>)
        %rev3A = arith.constant 15 : i32
        %rev3A_637 = vector.broadcast %rev3A : i32 to vector<16xi32>
        %rev3A_638 = tpu.iota {dimensions = array<i32: 0>} : vector<16xi32>
        %rev3A_639 = arith.subi %rev3A_637, %rev3A_638 : vector<16xi32>
        %rev3A_640 = tpu.dynamic_gather %masked_sort3A_635[%rev3A_639] in [0] : vector<16xf32>, vector<16xi32> -> vector<16xf32>
        %rev3A_641 = arith.constant 15 : i32
        %rev3A_642 = vector.broadcast %rev3A_641 : i32 to vector<16xi32>
        %rev3A_643 = tpu.iota {dimensions = array<i32: 0>} : vector<16xi32>
        %rev3A_644 = arith.subi %rev3A_642, %rev3A_643 : vector<16xi32>
        %rev3A_645 = tpu.dynamic_gather %masked_sort3A_636[%rev3A_644] in [0] : vector<16xi32>, vector<16xi32> -> vector<16xi32>
        %le3A = arith.cmpf ole, %while3A_617, %rev3A_640 : vector<16xf32>
        %select_n3A_646 = arith.select %le3A, %while3A_617, %rev3A_640 : vector<16xi1>, vector<16xf32>
        %select_n3A_647 = arith.select %le3A, %while3A_618, %rev3A_645 : vector<16xi1>, vector<16xi32>
        %masked_sort3A_648 = arith.constant dense<true> : vector<16xi1>
        %masked_sort3A_649, %masked_sort3A_650, %masked_sort3A_651 = tpu.sort %select_n3A_646, %select_n3A_647 masked %masked_sort3A_648 : (vector<16xf32>, vector<16xi32>, vector<16xi1>) -> (vector<16xi1>, vector<16xf32>, vector<16xi32>)
        %add3A_652 = arith.constant 16 : i32
        %add3A_653 = arith.addi %while3A_616, %add3A_652 : i32
        scf.yield %add3A_653, %masked_sort3A_650, %masked_sort3A_651 : i32, vector<16xf32>, vector<16xi32>
      }
      %swap3A_537 = arith.constant 16 : index
      %swap3A_538 = tpu.vector_load %arg21[%swap3A_537] {strides = array<i32>} : memref<64xf32, #tpu.memory_space<vmem>>, vector<16xf32>,
      tpu.vector_store %arg21[%swap3A_537], %while3A_536#1 {strides = array<i32>} : memref<64xf32, #tpu.memory_space<vmem>>, vector<16xf32>,
      %swap3A_539 = arith.constant 16 : index
      %swap3A_540 = tpu.vector_load %arg22[%swap3A_539] {strides = array<i32>} : memref<64xi32, #tpu.memory_space<vmem>>, vector<16xi32>,
      tpu.vector_store %arg22[%swap3A_539], %while3A_536#2 {strides = array<i32>} : memref<64xi32, #tpu.memory_space<vmem>>, vector<16xi32>,
      %reduce_max3A_541 = arith.constant true
      %reduce_max3A_542 = vector.broadcast %reduce_max3A_541 : i1 to vector<16xi1>
      %reduce_max3A_543 = tpu.scan <max>, %while3A_536#1 masked %reduce_max3A_542 : vector<16xf32>, vector<16xi1> -> vector<16xf32>
      %reduce_max3A_544 = vector.extract %reduce_max3A_543[15] : f32 from vector<16xf32>
      %get3A_545 = arith.constant 32 : index
      %get3A_546 = tpu.vector_load %arg21[%get3A_545] {strides = array<i32>} : memref<64xf32, #tpu.memory_space<vmem>>, vector<16xf32>,
      %get3A_547 = arith.constant 32 : index
      %get3A_548 = tpu.vector_load %arg22[%get3A_547] {strides = array<i32>} : memref<64xi32, #tpu.memory_space<vmem>>, vector<16xi32>,
      %while3A_549 = arith.constant 0 : i32
      %while3A_550:3 = scf.while (%while3A_616 = %while3A_549, %while3A_617 = %get3A_546, %while3A_618 = %get3A_548) : (i32, vector<16xf32>, vector<16xi32>) -> (i32, vector<16xf32>, vector<16xi32>) {
        %lt3A_619 = arith.cmpi slt, %while3A_616, %scan3A_515#2 : i32
        scf.condition(%lt3A_619) %while3A_616, %while3A_617, %while3A_618 : i32, vector<16xf32>, vector<16xi32>
      } do {
      ^bb0(%while3A_616: i32, %while3A_617: vector<16xf32>, %while3A_618: vector<16xi32>):
        %add3A_619 = arith.constant 2112 : i32
        %add3A_620 = arith.addi %add3A_619, %while3A_616 : i32
        %get3A_621 = arith.index_cast %add3A_620 : i32 to index
        %get3A_622 = tpu.vector_load %arg19[%get3A_621] {strides = array<i32>} : memref<4224xf32, #tpu.memory_space<vmem>>, vector<16xf32>,
        %add3A_623 = arith.constant 2112 : i32
        %add3A_624 = arith.addi %add3A_623, %while3A_616 : i32
        %get3A_625 = arith.index_cast %add3A_624 : i32 to index
        %get3A_626 = tpu.vector_load %arg20[%get3A_625] {strides = array<i32>} : memref<4224xi32, #tpu.memory_space<vmem>>, vector<16xi32>,
        %iota3A_627 = tpu.iota {dimensions = array<i32: 0>} : vector<16xi32>
        %sub3A_628 = arith.subi %scan3A_515#2, %while3A_616 : i32
        %lt3A_629 = vector.broadcast %sub3A_628 : i32 to vector<16xi32>
        %lt3A_630 = arith.cmpi slt, %iota3A_627, %lt3A_629 : vector<16xi32>
        %jit3A_631 = arith.constant 0x7F800000 : f32
        %broadcast_in_dim3A_632 = vector.broadcast %jit3A_631 : f32 to vector<16xf32>
        %select_n3A_633 = arith.select %lt3A_630, %get3A_622, %broadcast_in_dim3A_632 : vector<16xi1>, vector<16xf32>
        %masked_sort3A = arith.constant dense<true> : vector<16xi1>
        %masked_sort3A_634, %masked_sort3A_635, %masked_sort3A_636 = tpu.sort %select_n3A_633, %get3A_626 masked %masked_sort3A : (vector<16xf32>, vector<16xi32>, vector<16xi1>) -> (vector<16xi1>, vector<16xf32>, vector<16xi32>)
        %rev3A = arith.constant 15 : i32
        %rev3A_637 = vector.broadcast %rev3A : i32 to vector<16xi32>
        %rev3A_638 = tpu.iota {dimensions = array<i32: 0>} : vector<16xi32>
        %rev3A_639 = arith.subi %rev3A_637, %rev3A_638 : vector<16xi32>
        %rev3A_640 = tpu.dynamic_gather %masked_sort3A_635[%rev3A_639] in [0] : vector<16xf32>, vector<16xi32> -> vector<16xf32>
        %rev3A_641 = arith.constant 15 : i32
        %rev3A_642 = vector.broadcast %rev3A_641 : i32 to vector<16xi32>
        %rev3A_643 = tpu.iota {dimensions = array<i32: 0>} : vector<16xi32>
        %rev3A_644 = arith.subi %rev3A_642, %rev3A_643 : vector<16xi32>
        %rev3A_645 = tpu.dynamic_gather %masked_sort3A_636[%rev3A_644] in [0] : vector<16xi32>, vector<16xi32> -> vector<16xi32>
        %le3A = arith.cmpf ole, %while3A_617, %rev3A_640 : vector<16xf32>
        %select_n3A_646 = arith.select %le3A, %while3A_617, %rev3A_640 : vector<16xi1>, vector<16xf32>
        %select_n3A_647 = arith.select %le3A, %while3A_618, %rev3A_645 : vector<16xi1>, vector<16xi32>
        %masked_sort3A_648 = arith.constant dense<true> : vector<16xi1>
        %masked_sort3A_649, %masked_sort3A_650, %masked_sort3A_651 = tpu.sort %select_n3A_646, %select_n3A_647 masked %masked_sort3A_648 : (vector<16xf32>, vector<16xi32>, vector<16xi1>) -> (vector<16xi1>, vector<16xf32>, vector<16xi32>)
        %add3A_652 = arith.constant 16 : i32
        %add3A_653 = arith.addi %while3A_616, %add3A_652 : i32
        scf.yield %add3A_653, %masked_sort3A_650, %masked_sort3A_651 : i32, vector<16xf32>, vector<16xi32>
      }
      %swap3A_551 = arith.constant 32 : index
      %swap3A_552 = tpu.vector_load %arg21[%swap3A_551] {strides = array<i32>} : memref<64xf32, #tpu.memory_space<vmem>>, vector<16xf32>,
      tpu.vector_store %arg21[%swap3A_551], %while3A_550#1 {strides = array<i32>} : memref<64xf32, #tpu.memory_space<vmem>>, vector<16xf32>,
      %swap3A_553 = arith.constant 32 : index
      %swap3A_554 = tpu.vector_load %arg22[%swap3A_553] {strides = array<i32>} : memref<64xi32, #tpu.memory_space<vmem>>, vector<16xi32>,
      tpu.vector_store %arg22[%swap3A_553], %while3A_550#2 {strides = array<i32>} : memref<64xi32, #tpu.memory_space<vmem>>, vector<16xi32>,
      %reduce_max3A_555 = arith.constant true
      %reduce_max3A_556 = vector.broadcast %reduce_max3A_555 : i1 to vector<16xi1>
      %reduce_max3A_557 = tpu.scan <max>, %while3A_550#1 masked %reduce_max3A_556 : vector<16xf32>, vector<16xi1> -> vector<16xf32>
      %reduce_max3A_558 = vector.extract %reduce_max3A_557[15] : f32 from vector<16xf32>
      %get3A_559 = arith.constant 48 : index
      %get3A_560 = tpu.vector_load %arg21[%get3A_559] {strides = array<i32>} : memref<64xf32, #tpu.memory_space<vmem>>, vector<16xf32>,
      %get3A_561 = arith.constant 48 : index
      %get3A_562 = tpu.vector_load %arg22[%get3A_561] {strides = array<i32>} : memref<64xi32, #tpu.memory_space<vmem>>, vector<16xi32>,
      %while3A_563 = arith.constant 0 : i32
      %while3A_564:3 = scf.while (%while3A_616 = %while3A_563, %while3A_617 = %get3A_560, %while3A_618 = %get3A_562) : (i32, vector<16xf32>, vector<16xi32>) -> (i32, vector<16xf32>, vector<16xi32>) {
        %lt3A_619 = arith.cmpi slt, %while3A_616, %scan3A_515#3 : i32
        scf.condition(%lt3A_619) %while3A_616, %while3A_617, %while3A_618 : i32, vector<16xf32>, vector<16xi32>
      } do {
      ^bb0(%while3A_616: i32, %while3A_617: vector<16xf32>, %while3A_618: vector<16xi32>):
        %add3A_619 = arith.constant 3168 : i32
        %add3A_620 = arith.addi %add3A_619, %while3A_616 : i32
        %get3A_621 = arith.index_cast %add3A_620 : i32 to index
        %get3A_622 = tpu.vector_load %arg19[%get3A_621] {strides = array<i32>} : memref<4224xf32, #tpu.memory_space<vmem>>, vector<16xf32>,
        %add3A_623 = arith.constant 3168 : i32
        %add3A_624 = arith.addi %add3A_623, %while3A_616 : i32
        %get3A_625 = arith.index_cast %add3A_624 : i32 to index
        %get3A_626 = tpu.vector_load %arg20[%get3A_625] {strides = array<i32>} : memref<4224xi32, #tpu.memory_space<vmem>>, vector<16xi32>,
        %iota3A_627 = tpu.iota {dimensions = array<i32: 0>} : vector<16xi32>
        %sub3A_628 = arith.subi %scan3A_515#3, %while3A_616 : i32
        %lt3A_629 = vector.broadcast %sub3A_628 : i32 to vector<16xi32>
        %lt3A_630 = arith.cmpi slt, %iota3A_627, %lt3A_629 : vector<16xi32>
        %jit3A_631 = arith.constant 0x7F800000 : f32
        %broadcast_in_dim3A_632 = vector.broadcast %jit3A_631 : f32 to vector<16xf32>
        %select_n3A_633 = arith.select %lt3A_630, %get3A_622, %broadcast_in_dim3A_632 : vector<16xi1>, vector<16xf32>
        %masked_sort3A = arith.constant dense<true> : vector<16xi1>
        %masked_sort3A_634, %masked_sort3A_635, %masked_sort3A_636 = tpu.sort %select_n3A_633, %get3A_626 masked %masked_sort3A : (vector<16xf32>, vector<16xi32>, vector<16xi1>) -> (vector<16xi1>, vector<16xf32>, vector<16xi32>)
        %rev3A = arith.constant 15 : i32
        %rev3A_637 = vector.broadcast %rev3A : i32 to vector<16xi32>
        %rev3A_638 = tpu.iota {dimensions = array<i32: 0>} : vector<16xi32>
        %rev3A_639 = arith.subi %rev3A_637, %rev3A_638 : vector<16xi32>
        %rev3A_640 = tpu.dynamic_gather %masked_sort3A_635[%rev3A_639] in [0] : vector<16xf32>, vector<16xi32> -> vector<16xf32>
        %rev3A_641 = arith.constant 15 : i32
        %rev3A_642 = vector.broadcast %rev3A_641 : i32 to vector<16xi32>
        %rev3A_643 = tpu.iota {dimensions = array<i32: 0>} : vector<16xi32>
        %rev3A_644 = arith.subi %rev3A_642, %rev3A_643 : vector<16xi32>
        %rev3A_645 = tpu.dynamic_gather %masked_sort3A_636[%rev3A_644] in [0] : vector<16xi32>, vector<16xi32> -> vector<16xi32>
        %le3A = arith.cmpf ole, %while3A_617, %rev3A_640 : vector<16xf32>
        %select_n3A_646 = arith.select %le3A, %while3A_617, %rev3A_640 : vector<16xi1>, vector<16xf32>
        %select_n3A_647 = arith.select %le3A, %while3A_618, %rev3A_645 : vector<16xi1>, vector<16xi32>
        %masked_sort3A_648 = arith.constant dense<true> : vector<16xi1>
        %masked_sort3A_649, %masked_sort3A_650, %masked_sort3A_651 = tpu.sort %select_n3A_646, %select_n3A_647 masked %masked_sort3A_648 : (vector<16xf32>, vector<16xi32>, vector<16xi1>) -> (vector<16xi1>, vector<16xf32>, vector<16xi32>)
        %add3A_652 = arith.constant 16 : i32
        %add3A_653 = arith.addi %while3A_616, %add3A_652 : i32
        scf.yield %add3A_653, %masked_sort3A_650, %masked_sort3A_651 : i32, vector<16xf32>, vector<16xi32>
      }
      %swap3A_565 = arith.constant 48 : index
      %swap3A_566 = tpu.vector_load %arg21[%swap3A_565] {strides = array<i32>} : memref<64xf32, #tpu.memory_space<vmem>>, vector<16xf32>,
      tpu.vector_store %arg21[%swap3A_565], %while3A_564#1 {strides = array<i32>} : memref<64xf32, #tpu.memory_space<vmem>>, vector<16xf32>,
      %swap3A_567 = arith.constant 48 : index
      %swap3A_568 = tpu.vector_load %arg22[%swap3A_567] {strides = array<i32>} : memref<64xi32, #tpu.memory_space<vmem>>, vector<16xi32>,
      tpu.vector_store %arg22[%swap3A_567], %while3A_564#2 {strides = array<i32>} : memref<64xi32, #tpu.memory_space<vmem>>, vector<16xi32>,
      %reduce_max3A_569 = arith.constant true
      %reduce_max3A_570 = vector.broadcast %reduce_max3A_569 : i1 to vector<16xi1>
      %reduce_max3A_571 = tpu.scan <max>, %while3A_564#1 masked %reduce_max3A_570 : vector<16xf32>, vector<16xi1> -> vector<16xf32>
      %reduce_max3A_572 = vector.extract %reduce_max3A_571[15] : f32 from vector<16xf32>
      %scan3A_573 = arith.constant 0 : i32
      %scan3A_574 = arith.constant 0 : i32
      %scan3A_575 = arith.constant 0 : i32
      %scan3A_576 = arith.constant 0 : i32
      %scan3A_577 = arith.constant 0 : i32
      %scan3A_578 = arith.constant 15 : i32
      %scan3A_579 = arith.addi %scan3A_577, %scan3A_578 : i32
      %scan3A_580 = arith.constant 1 : i32
      %scan3A_581:8 = scf.for %scan3A_616 = %scan3A_577 to %scan3A_579 step %scan3A_580 iter_args(%scan3A_617 = %scan3A_573, %scan3A_618 = %scan3A_574, %scan3A_619 = %scan3A_575, %scan3A_620 = %scan3A_576, %scan3A_621 = %reduce_max3A_530, %scan3A_622 = %reduce_max3A_544, %scan3A_623 = %reduce_max3A_558, %scan3A_624 = %reduce_max3A_572) -> (i32, i32, i32, i32, f32, f32, f32, f32)  : i32 {
        %mul3A_625 = arith.constant 64 : i32
        %mul3A_626 = arith.muli %scan3A_616, %mul3A_625 : i32
        %add3A_627 = arith.constant 64 : i32
        %add3A_628 = arith.addi %add3A_627, %mul3A_626 : i32
        %mul3A_629 = arith.constant 64 : i32
        %mul3A_630 = arith.muli %scan3A_616, %mul3A_629 : i32
        %add3A_631 = arith.constant 128 : i32
        %add3A_632 = arith.addi %add3A_631, %mul3A_630 : i32
        %while3A_633 = arith.subi %add3A_632, %add3A_628 : i32
        %while3A_634 = arith.addi %add3A_628, %while3A_633 : i32
        %while3A_635 = arith.constant 1 : i32
        %while3A_636 = arith.divsi %while3A_633, %while3A_635 : i32
        %while3A_637 = arith.muli %while3A_636, %while3A_635 : i32
        %while3A_638 = arith.addi %add3A_628, %while3A_637 : i32
        %while3A_639 = arith.constant 1 : i32
        %while3A_640:4 = scf.for %while3A_703 = %add3A_628 to %while3A_638 step %while3A_639 iter_args(%while3A_704 = %scan3A_617, %while3A_705 = %scan3A_618, %while3A_706 = %scan3A_619, %while3A_707 = %scan3A_620) -> (i32, i32, i32, i32)  : i32 {
          %mul3A_708 = arith.constant 16 : i32
          %mul3A_709 = arith.muli %while3A_703, %mul3A_708 : i32
          %get3A_710 = arith.index_cast %mul3A_709 : i32 to index
          %get3A_711 = tpu.vector_load %arg6[%get3A_710] {strides = array<i32>} : memref<16384xf32, #tpu.memory_space<vmem>>, vector<16xf32>,
          %mul3A_712 = arith.constant 16 : i32
          %mul3A_713 = arith.muli %while3A_703, %mul3A_712 : i32
          %get3A_714 = arith.index_cast %mul3A_713 : i32 to index
          %get3A_715 = tpu.vector_load %arg7[%get3A_714] {strides = array<i32>} : memref<16384xf32, #tpu.memory_space<vmem>>, vector<16xf32>,
          %mul3A_716 = arith.constant 16 : i32
          %mul3A_717 = arith.muli %while3A_703, %mul3A_716 : i32
          %get3A_718 = arith.index_cast %mul3A_717 : i32 to index
          %get3A_719 = tpu.vector_load %arg8[%get3A_718] {strides = array<i32>} : memref<16384xf32, #tpu.memory_space<vmem>>, vector<16xf32>,
          %mul3A_720 = arith.constant 16 : i32
          %mul3A_721 = arith.muli %while3A_703, %mul3A_720 : i32
          %get3A_722 = arith.index_cast %mul3A_721 : i32 to index
          %get3A_723 = tpu.vector_load %arg9[%get3A_722] {strides = array<i32>} : memref<16384xf32, #tpu.memory_space<vmem>>, vector<16xf32>,
          %iota3A_724 = tpu.iota {dimensions = array<i32: 0>} : vector<16xi32>
          %mul3A_725 = arith.constant 16 : i32
          %mul3A_726 = arith.muli %while3A_703, %mul3A_725 : i32
          %add3A_727 = vector.broadcast %mul3A_726 : i32 to vector<16xi32>
          %add3A_728 = arith.addi %iota3A_724, %add3A_727 : vector<16xi32>
          %mul3A_729 = arith.mulf %gather3A, %get3A_711 : vector<16xf32>
          %mul3A_730 = arith.mulf %gather3A_152, %get3A_715 : vector<16xf32>
          %add3A_731 = arith.addf %mul3A_729, %mul3A_730 : vector<16xf32>
          %mul3A_732 = arith.mulf %gather3A_172, %get3A_719 : vector<16xf32>
          %add3A_733 = arith.addf %add3A_731, %mul3A_732 : vector<16xf32>
          %mul3A_734 = arith.constant 2.000000e+00 : f32
          %mul3A_735 = vector.broadcast %mul3A_734 : f32 to vector<16xf32>
          %mul3A_736 = arith.mulf %mul3A_735, %add3A_733 : vector<16xf32>
          %sub3A_737 = arith.subf %gather3A_192, %mul3A_736 : vector<16xf32>
          %add3A_738 = arith.addf %sub3A_737, %get3A_723 : vector<16xf32>
          %lt3A_739 = vector.broadcast %scan3A_621 : f32 to vector<16xf32>
          %lt3A_740 = arith.cmpf olt, %add3A_738, %lt3A_739 : vector<16xf32>
          %all_reduce_population_count3A_741 = tpu.all_reduce %lt3A_740 {dim = 0 : i64, kind = #tpu.reduction_kind<sum>} : vector<16xi1> -> vector<16xi32>
          %reduce_max3A_742 = arith.constant true
          %reduce_max3A_743 = vector.broadcast %reduce_max3A_742 : i1 to vector<16xi1>
          %reduce_max3A_744 = arith.constant -2147483648 : i32
          %reduce_max3A_745 = vector.broadcast %reduce_max3A_744 : i32 to vector<16xi32>
          %reduce_max3A_746 = arith.xori %all_reduce_population_count3A_741, %reduce_max3A_745 : vector<16xi32>
          %reduce_max3A_747 = tpu.scan <max>, %reduce_max3A_746 masked %reduce_max3A_743 : vector<16xi32>, vector<16xi1> -> vector<16xi32>
          %reduce_max3A_748 = arith.xori %reduce_max3A_747, %reduce_max3A_745 : vector<16xi32>
          %reduce_max3A_749 = vector.extract %reduce_max3A_748[15] : i32 from vector<16xi32>
          %add3A_750 = arith.constant 0 : i32
          %add3A_751 = arith.addi %add3A_750, %while3A_704 : i32
          %swap3A_752 = arith.index_cast %add3A_751 : i32 to index
          %swap3A_753 = tpu.vector_load %arg19[%swap3A_752] masked %lt3A_740 {strides = array<i32>} : memref<4224xf32, #tpu.memory_space<vmem>>, vector<16xf32>, vector<16xi1>
          tpu.vector_store %arg19[%swap3A_752], %add3A_738 masked %lt3A_740 {strides = array<i32>} : memref<4224xf32, #tpu.memory_space<vmem>>, vector<16xf32>, vector<16xi1>
          %add3A_754 = arith.constant 0 : i32
          %add3A_755 = arith.addi %add3A_754, %while3A_704 : i32
          %swap3A_756 = arith.index_cast %add3A_755 : i32 to index
          %swap3A_757 = tpu.vector_load %arg20[%swap3A_756] masked %lt3A_740 {strides = array<i32>} : memref<4224xi32, #tpu.memory_space<vmem>>, vector<16xi32>, vector<16xi1>
          tpu.vector_store %arg20[%swap3A_756], %add3A_728 masked %lt3A_740 {strides = array<i32>} : memref<4224xi32, #tpu.memory_space<vmem>>, vector<16xi32>, vector<16xi1>
          %add3A_758 = arith.addi %while3A_704, %reduce_max3A_749 : i32
          %mul3A_759 = arith.mulf %gather3A_137, %get3A_711 : vector<16xf32>
          %mul3A_760 = arith.mulf %gather3A_157, %get3A_715 : vector<16xf32>
          %add3A_761 = arith.addf %mul3A_759, %mul3A_760 : vector<16xf32>
          %mul3A_762 = arith.mulf %gather3A_177, %get3A_719 : vector<16xf32>
          %add3A_763 = arith.addf %add3A_761, %mul3A_762 : vector<16xf32>
          %mul3A_764 = arith.constant 2.000000e+00 : f32
          %mul3A_765 = vector.broadcast %mul3A_764 : f32 to vector<16xf32>
          %mul3A_766 = arith.mulf %mul3A_765, %add3A_763 : vector<16xf32>
          %sub3A_767 = arith.subf %gather3A_197, %mul3A_766 : vector<16xf32>
          %add3A_768 = arith.addf %sub3A_767, %get3A_723 : vector<16xf32>
          %lt3A_769 = vector.broadcast %scan3A_622 : f32 to vector<16xf32>
          %lt3A_770 = arith.cmpf olt, %add3A_768, %lt3A_769 : vector<16xf32>
          %all_reduce_population_count3A_771 = tpu.all_reduce %lt3A_770 {dim = 0 : i64, kind = #tpu.reduction_kind<sum>} : vector<16xi1> -> vector<16xi32>
          %reduce_max3A_772 = arith.constant true
          %reduce_max3A_773 = vector.broadcast %reduce_max3A_772 : i1 to vector<16xi1>
          %reduce_max3A_774 = arith.constant -2147483648 : i32
          %reduce_max3A_775 = vector.broadcast %reduce_max3A_774 : i32 to vector<16xi32>
          %reduce_max3A_776 = arith.xori %all_reduce_population_count3A_771, %reduce_max3A_775 : vector<16xi32>
          %reduce_max3A_777 = tpu.scan <max>, %reduce_max3A_776 masked %reduce_max3A_773 : vector<16xi32>, vector<16xi1> -> vector<16xi32>
          %reduce_max3A_778 = arith.xori %reduce_max3A_777, %reduce_max3A_775 : vector<16xi32>
          %reduce_max3A_779 = vector.extract %reduce_max3A_778[15] : i32 from vector<16xi32>
          %add3A_780 = arith.constant 1056 : i32
          %add3A_781 = arith.addi %add3A_780, %while3A_705 : i32
          %swap3A_782 = arith.index_cast %add3A_781 : i32 to index
          %swap3A_783 = tpu.vector_load %arg19[%swap3A_782] masked %lt3A_770 {strides = array<i32>} : memref<4224xf32, #tpu.memory_space<vmem>>, vector<16xf32>, vector<16xi1>
          tpu.vector_store %arg19[%swap3A_782], %add3A_768 masked %lt3A_770 {strides = array<i32>} : memref<4224xf32, #tpu.memory_space<vmem>>, vector<16xf32>, vector<16xi1>
          %add3A_784 = arith.constant 1056 : i32
          %add3A_785 = arith.addi %add3A_784, %while3A_705 : i32
          %swap3A_786 = arith.index_cast %add3A_785 : i32 to index
          %swap3A_787 = tpu.vector_load %arg20[%swap3A_786] masked %lt3A_770 {strides = array<i32>} : memref<4224xi32, #tpu.memory_space<vmem>>, vector<16xi32>, vector<16xi1>
          tpu.vector_store %arg20[%swap3A_786], %add3A_728 masked %lt3A_770 {strides = array<i32>} : memref<4224xi32, #tpu.memory_space<vmem>>, vector<16xi32>, vector<16xi1>
          %add3A_788 = arith.addi %while3A_705, %reduce_max3A_779 : i32
          %mul3A_789 = arith.mulf %gather3A_142, %get3A_711 : vector<16xf32>
          %mul3A_790 = arith.mulf %gather3A_162, %get3A_715 : vector<16xf32>
          %add3A_791 = arith.addf %mul3A_789, %mul3A_790 : vector<16xf32>
          %mul3A_792 = arith.mulf %gather3A_182, %get3A_719 : vector<16xf32>
          %add3A_793 = arith.addf %add3A_791, %mul3A_792 : vector<16xf32>
          %mul3A_794 = arith.constant 2.000000e+00 : f32
          %mul3A_795 = vector.broadcast %mul3A_794 : f32 to vector<16xf32>
          %mul3A_796 = arith.mulf %mul3A_795, %add3A_793 : vector<16xf32>
          %sub3A_797 = arith.subf %gather3A_202, %mul3A_796 : vector<16xf32>
          %add3A_798 = arith.addf %sub3A_797, %get3A_723 : vector<16xf32>
          %lt3A_799 = vector.broadcast %scan3A_623 : f32 to vector<16xf32>
          %lt3A_800 = arith.cmpf olt, %add3A_798, %lt3A_799 : vector<16xf32>
          %all_reduce_population_count3A_801 = tpu.all_reduce %lt3A_800 {dim = 0 : i64, kind = #tpu.reduction_kind<sum>} : vector<16xi1> -> vector<16xi32>
          %reduce_max3A_802 = arith.constant true
          %reduce_max3A_803 = vector.broadcast %reduce_max3A_802 : i1 to vector<16xi1>
          %reduce_max3A_804 = arith.constant -2147483648 : i32
          %reduce_max3A_805 = vector.broadcast %reduce_max3A_804 : i32 to vector<16xi32>
          %reduce_max3A_806 = arith.xori %all_reduce_population_count3A_801, %reduce_max3A_805 : vector<16xi32>
          %reduce_max3A_807 = tpu.scan <max>, %reduce_max3A_806 masked %reduce_max3A_803 : vector<16xi32>, vector<16xi1> -> vector<16xi32>
          %reduce_max3A_808 = arith.xori %reduce_max3A_807, %reduce_max3A_805 : vector<16xi32>
          %reduce_max3A_809 = vector.extract %reduce_max3A_808[15] : i32 from vector<16xi32>
          %add3A_810 = arith.constant 2112 : i32
          %add3A_811 = arith.addi %add3A_810, %while3A_706 : i32
          %swap3A_812 = arith.index_cast %add3A_811 : i32 to index
          %swap3A_813 = tpu.vector_load %arg19[%swap3A_812] masked %lt3A_800 {strides = array<i32>} : memref<4224xf32, #tpu.memory_space<vmem>>, vector<16xf32>, vector<16xi1>
          tpu.vector_store %arg19[%swap3A_812], %add3A_798 masked %lt3A_800 {strides = array<i32>} : memref<4224xf32, #tpu.memory_space<vmem>>, vector<16xf32>, vector<16xi1>
          %add3A_814 = arith.constant 2112 : i32
          %add3A_815 = arith.addi %add3A_814, %while3A_706 : i32
          %swap3A_816 = arith.index_cast %add3A_815 : i32 to index
          %swap3A_817 = tpu.vector_load %arg20[%swap3A_816] masked %lt3A_800 {strides = array<i32>} : memref<4224xi32, #tpu.memory_space<vmem>>, vector<16xi32>, vector<16xi1>
          tpu.vector_store %arg20[%swap3A_816], %add3A_728 masked %lt3A_800 {strides = array<i32>} : memref<4224xi32, #tpu.memory_space<vmem>>, vector<16xi32>, vector<16xi1>
          %add3A_818 = arith.addi %while3A_706, %reduce_max3A_809 : i32
          %mul3A_819 = arith.mulf %gather3A_147, %get3A_711 : vector<16xf32>
          %mul3A_820 = arith.mulf %gather3A_167, %get3A_715 : vector<16xf32>
          %add3A_821 = arith.addf %mul3A_819, %mul3A_820 : vector<16xf32>
          %mul3A_822 = arith.mulf %gather3A_187, %get3A_719 : vector<16xf32>
          %add3A_823 = arith.addf %add3A_821, %mul3A_822 : vector<16xf32>
          %mul3A_824 = arith.constant 2.000000e+00 : f32
          %mul3A_825 = vector.broadcast %mul3A_824 : f32 to vector<16xf32>
          %mul3A_826 = arith.mulf %mul3A_825, %add3A_823 : vector<16xf32>
          %sub3A_827 = arith.subf %gather3A_207, %mul3A_826 : vector<16xf32>
          %add3A_828 = arith.addf %sub3A_827, %get3A_723 : vector<16xf32>
          %lt3A_829 = vector.broadcast %scan3A_624 : f32 to vector<16xf32>
          %lt3A_830 = arith.cmpf olt, %add3A_828, %lt3A_829 : vector<16xf32>
          %all_reduce_population_count3A_831 = tpu.all_reduce %lt3A_830 {dim = 0 : i64, kind = #tpu.reduction_kind<sum>} : vector<16xi1> -> vector<16xi32>
          %reduce_max3A_832 = arith.constant true
          %reduce_max3A_833 = vector.broadcast %reduce_max3A_832 : i1 to vector<16xi1>
          %reduce_max3A_834 = arith.constant -2147483648 : i32
          %reduce_max3A_835 = vector.broadcast %reduce_max3A_834 : i32 to vector<16xi32>
          %reduce_max3A_836 = arith.xori %all_reduce_population_count3A_831, %reduce_max3A_835 : vector<16xi32>
          %reduce_max3A_837 = tpu.scan <max>, %reduce_max3A_836 masked %reduce_max3A_833 : vector<16xi32>, vector<16xi1> -> vector<16xi32>
          %reduce_max3A_838 = arith.xori %reduce_max3A_837, %reduce_max3A_835 : vector<16xi32>
          %reduce_max3A_839 = vector.extract %reduce_max3A_838[15] : i32 from vector<16xi32>
          %add3A_840 = arith.constant 3168 : i32
          %add3A_841 = arith.addi %add3A_840, %while3A_707 : i32
          %swap3A_842 = arith.index_cast %add3A_841 : i32 to index
          %swap3A_843 = tpu.vector_load %arg19[%swap3A_842] masked %lt3A_830 {strides = array<i32>} : memref<4224xf32, #tpu.memory_space<vmem>>, vector<16xf32>, vector<16xi1>
          tpu.vector_store %arg19[%swap3A_842], %add3A_828 masked %lt3A_830 {strides = array<i32>} : memref<4224xf32, #tpu.memory_space<vmem>>, vector<16xf32>, vector<16xi1>
          %add3A_844 = arith.constant 3168 : i32
          %add3A_845 = arith.addi %add3A_844, %while3A_707 : i32
          %swap3A_846 = arith.index_cast %add3A_845 : i32 to index
          %swap3A_847 = tpu.vector_load %arg20[%swap3A_846] masked %lt3A_830 {strides = array<i32>} : memref<4224xi32, #tpu.memory_space<vmem>>, vector<16xi32>, vector<16xi1>
          tpu.vector_store %arg20[%swap3A_846], %add3A_728 masked %lt3A_830 {strides = array<i32>} : memref<4224xi32, #tpu.memory_space<vmem>>, vector<16xi32>, vector<16xi1>
          %add3A_848 = arith.addi %while3A_707, %reduce_max3A_839 : i32
          scf.yield %add3A_758, %add3A_788, %add3A_818, %add3A_848 : i32, i32, i32, i32
        }
        %while3A_641 = arith.constant 1 : i32
        %while3A_642:4 = scf.for %while3A_703 = %while3A_638 to %while3A_634 step %while3A_641 iter_args(%while3A_704 = %while3A_640#0, %while3A_705 = %while3A_640#1, %while3A_706 = %while3A_640#2, %while3A_707 = %while3A_640#3) -> (i32, i32, i32, i32)  : i32 {
          %mul3A_708 = arith.constant 16 : i32
          %mul3A_709 = arith.muli %while3A_703, %mul3A_708 : i32
          %get3A_710 = arith.index_cast %mul3A_709 : i32 to index
          %get3A_711 = tpu.vector_load %arg6[%get3A_710] {strides = array<i32>} : memref<16384xf32, #tpu.memory_space<vmem>>, vector<16xf32>,
          %mul3A_712 = arith.constant 16 : i32
          %mul3A_713 = arith.muli %while3A_703, %mul3A_712 : i32
          %get3A_714 = arith.index_cast %mul3A_713 : i32 to index
          %get3A_715 = tpu.vector_load %arg7[%get3A_714] {strides = array<i32>} : memref<16384xf32, #tpu.memory_space<vmem>>, vector<16xf32>,
          %mul3A_716 = arith.constant 16 : i32
          %mul3A_717 = arith.muli %while3A_703, %mul3A_716 : i32
          %get3A_718 = arith.index_cast %mul3A_717 : i32 to index
          %get3A_719 = tpu.vector_load %arg8[%get3A_718] {strides = array<i32>} : memref<16384xf32, #tpu.memory_space<vmem>>, vector<16xf32>,
          %mul3A_720 = arith.constant 16 : i32
          %mul3A_721 = arith.muli %while3A_703, %mul3A_720 : i32
          %get3A_722 = arith.index_cast %mul3A_721 : i32 to index
          %get3A_723 = tpu.vector_load %arg9[%get3A_722] {strides = array<i32>} : memref<16384xf32, #tpu.memory_space<vmem>>, vector<16xf32>,
          %iota3A_724 = tpu.iota {dimensions = array<i32: 0>} : vector<16xi32>
          %mul3A_725 = arith.constant 16 : i32
          %mul3A_726 = arith.muli %while3A_703, %mul3A_725 : i32
          %add3A_727 = vector.broadcast %mul3A_726 : i32 to vector<16xi32>
          %add3A_728 = arith.addi %iota3A_724, %add3A_727 : vector<16xi32>
          %mul3A_729 = arith.mulf %gather3A, %get3A_711 : vector<16xf32>
          %mul3A_730 = arith.mulf %gather3A_152, %get3A_715 : vector<16xf32>
          %add3A_731 = arith.addf %mul3A_729, %mul3A_730 : vector<16xf32>
          %mul3A_732 = arith.mulf %gather3A_172, %get3A_719 : vector<16xf32>
          %add3A_733 = arith.addf %add3A_731, %mul3A_732 : vector<16xf32>
          %mul3A_734 = arith.constant 2.000000e+00 : f32
          %mul3A_735 = vector.broadcast %mul3A_734 : f32 to vector<16xf32>
          %mul3A_736 = arith.mulf %mul3A_735, %add3A_733 : vector<16xf32>
          %sub3A_737 = arith.subf %gather3A_192, %mul3A_736 : vector<16xf32>
          %add3A_738 = arith.addf %sub3A_737, %get3A_723 : vector<16xf32>
          %lt3A_739 = vector.broadcast %scan3A_621 : f32 to vector<16xf32>
          %lt3A_740 = arith.cmpf olt, %add3A_738, %lt3A_739 : vector<16xf32>
          %all_reduce_population_count3A_741 = tpu.all_reduce %lt3A_740 {dim = 0 : i64, kind = #tpu.reduction_kind<sum>} : vector<16xi1> -> vector<16xi32>
          %reduce_max3A_742 = arith.constant true
          %reduce_max3A_743 = vector.broadcast %reduce_max3A_742 : i1 to vector<16xi1>
          %reduce_max3A_744 = arith.constant -2147483648 : i32
          %reduce_max3A_745 = vector.broadcast %reduce_max3A_744 : i32 to vector<16xi32>
          %reduce_max3A_746 = arith.xori %all_reduce_population_count3A_741, %reduce_max3A_745 : vector<16xi32>
          %reduce_max3A_747 = tpu.scan <max>, %reduce_max3A_746 masked %reduce_max3A_743 : vector<16xi32>, vector<16xi1> -> vector<16xi32>
          %reduce_max3A_748 = arith.xori %reduce_max3A_747, %reduce_max3A_745 : vector<16xi32>
          %reduce_max3A_749 = vector.extract %reduce_max3A_748[15] : i32 from vector<16xi32>
          %add3A_750 = arith.constant 0 : i32
          %add3A_751 = arith.addi %add3A_750, %while3A_704 : i32
          %swap3A_752 = arith.index_cast %add3A_751 : i32 to index
          %swap3A_753 = tpu.vector_load %arg19[%swap3A_752] masked %lt3A_740 {strides = array<i32>} : memref<4224xf32, #tpu.memory_space<vmem>>, vector<16xf32>, vector<16xi1>
          tpu.vector_store %arg19[%swap3A_752], %add3A_738 masked %lt3A_740 {strides = array<i32>} : memref<4224xf32, #tpu.memory_space<vmem>>, vector<16xf32>, vector<16xi1>
          %add3A_754 = arith.constant 0 : i32
          %add3A_755 = arith.addi %add3A_754, %while3A_704 : i32
          %swap3A_756 = arith.index_cast %add3A_755 : i32 to index
          %swap3A_757 = tpu.vector_load %arg20[%swap3A_756] masked %lt3A_740 {strides = array<i32>} : memref<4224xi32, #tpu.memory_space<vmem>>, vector<16xi32>, vector<16xi1>
          tpu.vector_store %arg20[%swap3A_756], %add3A_728 masked %lt3A_740 {strides = array<i32>} : memref<4224xi32, #tpu.memory_space<vmem>>, vector<16xi32>, vector<16xi1>
          %add3A_758 = arith.addi %while3A_704, %reduce_max3A_749 : i32
          %mul3A_759 = arith.mulf %gather3A_137, %get3A_711 : vector<16xf32>
          %mul3A_760 = arith.mulf %gather3A_157, %get3A_715 : vector<16xf32>
          %add3A_761 = arith.addf %mul3A_759, %mul3A_760 : vector<16xf32>
          %mul3A_762 = arith.mulf %gather3A_177, %get3A_719 : vector<16xf32>
          %add3A_763 = arith.addf %add3A_761, %mul3A_762 : vector<16xf32>
          %mul3A_764 = arith.constant 2.000000e+00 : f32
          %mul3A_765 = vector.broadcast %mul3A_764 : f32 to vector<16xf32>
          %mul3A_766 = arith.mulf %mul3A_765, %add3A_763 : vector<16xf32>
          %sub3A_767 = arith.subf %gather3A_197, %mul3A_766 : vector<16xf32>
          %add3A_768 = arith.addf %sub3A_767, %get3A_723 : vector<16xf32>
          %lt3A_769 = vector.broadcast %scan3A_622 : f32 to vector<16xf32>
          %lt3A_770 = arith.cmpf olt, %add3A_768, %lt3A_769 : vector<16xf32>
          %all_reduce_population_count3A_771 = tpu.all_reduce %lt3A_770 {dim = 0 : i64, kind = #tpu.reduction_kind<sum>} : vector<16xi1> -> vector<16xi32>
          %reduce_max3A_772 = arith.constant true
          %reduce_max3A_773 = vector.broadcast %reduce_max3A_772 : i1 to vector<16xi1>
          %reduce_max3A_774 = arith.constant -2147483648 : i32
          %reduce_max3A_775 = vector.broadcast %reduce_max3A_774 : i32 to vector<16xi32>
          %reduce_max3A_776 = arith.xori %all_reduce_population_count3A_771, %reduce_max3A_775 : vector<16xi32>
          %reduce_max3A_777 = tpu.scan <max>, %reduce_max3A_776 masked %reduce_max3A_773 : vector<16xi32>, vector<16xi1> -> vector<16xi32>
          %reduce_max3A_778 = arith.xori %reduce_max3A_777, %reduce_max3A_775 : vector<16xi32>
          %reduce_max3A_779 = vector.extract %reduce_max3A_778[15] : i32 from vector<16xi32>
          %add3A_780 = arith.constant 1056 : i32
          %add3A_781 = arith.addi %add3A_780, %while3A_705 : i32
          %swap3A_782 = arith.index_cast %add3A_781 : i32 to index
          %swap3A_783 = tpu.vector_load %arg19[%swap3A_782] masked %lt3A_770 {strides = array<i32>} : memref<4224xf32, #tpu.memory_space<vmem>>, vector<16xf32>, vector<16xi1>
          tpu.vector_store %arg19[%swap3A_782], %add3A_768 masked %lt3A_770 {strides = array<i32>} : memref<4224xf32, #tpu.memory_space<vmem>>, vector<16xf32>, vector<16xi1>
          %add3A_784 = arith.constant 1056 : i32
          %add3A_785 = arith.addi %add3A_784, %while3A_705 : i32
          %swap3A_786 = arith.index_cast %add3A_785 : i32 to index
          %swap3A_787 = tpu.vector_load %arg20[%swap3A_786] masked %lt3A_770 {strides = array<i32>} : memref<4224xi32, #tpu.memory_space<vmem>>, vector<16xi32>, vector<16xi1>
          tpu.vector_store %arg20[%swap3A_786], %add3A_728 masked %lt3A_770 {strides = array<i32>} : memref<4224xi32, #tpu.memory_space<vmem>>, vector<16xi32>, vector<16xi1>
          %add3A_788 = arith.addi %while3A_705, %reduce_max3A_779 : i32
          %mul3A_789 = arith.mulf %gather3A_142, %get3A_711 : vector<16xf32>
          %mul3A_790 = arith.mulf %gather3A_162, %get3A_715 : vector<16xf32>
          %add3A_791 = arith.addf %mul3A_789, %mul3A_790 : vector<16xf32>
          %mul3A_792 = arith.mulf %gather3A_182, %get3A_719 : vector<16xf32>
          %add3A_793 = arith.addf %add3A_791, %mul3A_792 : vector<16xf32>
          %mul3A_794 = arith.constant 2.000000e+00 : f32
          %mul3A_795 = vector.broadcast %mul3A_794 : f32 to vector<16xf32>
          %mul3A_796 = arith.mulf %mul3A_795, %add3A_793 : vector<16xf32>
          %sub3A_797 = arith.subf %gather3A_202, %mul3A_796 : vector<16xf32>
          %add3A_798 = arith.addf %sub3A_797, %get3A_723 : vector<16xf32>
          %lt3A_799 = vector.broadcast %scan3A_623 : f32 to vector<16xf32>
          %lt3A_800 = arith.cmpf olt, %add3A_798, %lt3A_799 : vector<16xf32>
          %all_reduce_population_count3A_801 = tpu.all_reduce %lt3A_800 {dim = 0 : i64, kind = #tpu.reduction_kind<sum>} : vector<16xi1> -> vector<16xi32>
          %reduce_max3A_802 = arith.constant true
          %reduce_max3A_803 = vector.broadcast %reduce_max3A_802 : i1 to vector<16xi1>
          %reduce_max3A_804 = arith.constant -2147483648 : i32
          %reduce_max3A_805 = vector.broadcast %reduce_max3A_804 : i32 to vector<16xi32>
          %reduce_max3A_806 = arith.xori %all_reduce_population_count3A_801, %reduce_max3A_805 : vector<16xi32>
          %reduce_max3A_807 = tpu.scan <max>, %reduce_max3A_806 masked %reduce_max3A_803 : vector<16xi32>, vector<16xi1> -> vector<16xi32>
          %reduce_max3A_808 = arith.xori %reduce_max3A_807, %reduce_max3A_805 : vector<16xi32>
          %reduce_max3A_809 = vector.extract %reduce_max3A_808[15] : i32 from vector<16xi32>
          %add3A_810 = arith.constant 2112 : i32
          %add3A_811 = arith.addi %add3A_810, %while3A_706 : i32
          %swap3A_812 = arith.index_cast %add3A_811 : i32 to index
          %swap3A_813 = tpu.vector_load %arg19[%swap3A_812] masked %lt3A_800 {strides = array<i32>} : memref<4224xf32, #tpu.memory_space<vmem>>, vector<16xf32>, vector<16xi1>
          tpu.vector_store %arg19[%swap3A_812], %add3A_798 masked %lt3A_800 {strides = array<i32>} : memref<4224xf32, #tpu.memory_space<vmem>>, vector<16xf32>, vector<16xi1>
          %add3A_814 = arith.constant 2112 : i32
          %add3A_815 = arith.addi %add3A_814, %while3A_706 : i32
          %swap3A_816 = arith.index_cast %add3A_815 : i32 to index
          %swap3A_817 = tpu.vector_load %arg20[%swap3A_816] masked %lt3A_800 {strides = array<i32>} : memref<4224xi32, #tpu.memory_space<vmem>>, vector<16xi32>, vector<16xi1>
          tpu.vector_store %arg20[%swap3A_816], %add3A_728 masked %lt3A_800 {strides = array<i32>} : memref<4224xi32, #tpu.memory_space<vmem>>, vector<16xi32>, vector<16xi1>
          %add3A_818 = arith.addi %while3A_706, %reduce_max3A_809 : i32
          %mul3A_819 = arith.mulf %gather3A_147, %get3A_711 : vector<16xf32>
          %mul3A_820 = arith.mulf %gather3A_167, %get3A_715 : vector<16xf32>
          %add3A_821 = arith.addf %mul3A_819, %mul3A_820 : vector<16xf32>
          %mul3A_822 = arith.mulf %gather3A_187, %get3A_719 : vector<16xf32>
          %add3A_823 = arith.addf %add3A_821, %mul3A_822 : vector<16xf32>
          %mul3A_824 = arith.constant 2.000000e+00 : f32
          %mul3A_825 = vector.broadcast %mul3A_824 : f32 to vector<16xf32>
          %mul3A_826 = arith.mulf %mul3A_825, %add3A_823 : vector<16xf32>
          %sub3A_827 = arith.subf %gather3A_207, %mul3A_826 : vector<16xf32>
          %add3A_828 = arith.addf %sub3A_827, %get3A_723 : vector<16xf32>
          %lt3A_829 = vector.broadcast %scan3A_624 : f32 to vector<16xf32>
          %lt3A_830 = arith.cmpf olt, %add3A_828, %lt3A_829 : vector<16xf32>
          %all_reduce_population_count3A_831 = tpu.all_reduce %lt3A_830 {dim = 0 : i64, kind = #tpu.reduction_kind<sum>} : vector<16xi1> -> vector<16xi32>
          %reduce_max3A_832 = arith.constant true
          %reduce_max3A_833 = vector.broadcast %reduce_max3A_832 : i1 to vector<16xi1>
          %reduce_max3A_834 = arith.constant -2147483648 : i32
          %reduce_max3A_835 = vector.broadcast %reduce_max3A_834 : i32 to vector<16xi32>
          %reduce_max3A_836 = arith.xori %all_reduce_population_count3A_831, %reduce_max3A_835 : vector<16xi32>
          %reduce_max3A_837 = tpu.scan <max>, %reduce_max3A_836 masked %reduce_max3A_833 : vector<16xi32>, vector<16xi1> -> vector<16xi32>
          %reduce_max3A_838 = arith.xori %reduce_max3A_837, %reduce_max3A_835 : vector<16xi32>
          %reduce_max3A_839 = vector.extract %reduce_max3A_838[15] : i32 from vector<16xi32>
          %add3A_840 = arith.constant 3168 : i32
          %add3A_841 = arith.addi %add3A_840, %while3A_707 : i32
          %swap3A_842 = arith.index_cast %add3A_841 : i32 to index
          %swap3A_843 = tpu.vector_load %arg19[%swap3A_842] masked %lt3A_830 {strides = array<i32>} : memref<4224xf32, #tpu.memory_space<vmem>>, vector<16xf32>, vector<16xi1>
          tpu.vector_store %arg19[%swap3A_842], %add3A_828 masked %lt3A_830 {strides = array<i32>} : memref<4224xf32, #tpu.memory_space<vmem>>, vector<16xf32>, vector<16xi1>
          %add3A_844 = arith.constant 3168 : i32
          %add3A_845 = arith.addi %add3A_844, %while3A_707 : i32
          %swap3A_846 = arith.index_cast %add3A_845 : i32 to index
          %swap3A_847 = tpu.vector_load %arg20[%swap3A_846] masked %lt3A_830 {strides = array<i32>} : memref<4224xi32, #tpu.memory_space<vmem>>, vector<16xi32>, vector<16xi1>
          tpu.vector_store %arg20[%swap3A_846], %add3A_728 masked %lt3A_830 {strides = array<i32>} : memref<4224xi32, #tpu.memory_space<vmem>>, vector<16xi32>, vector<16xi1>
          %add3A_848 = arith.addi %while3A_707, %reduce_max3A_839 : i32
          scf.yield %add3A_758, %add3A_788, %add3A_818, %add3A_848 : i32, i32, i32, i32
        }
        %get3A_643 = arith.constant 0 : index
        %get3A_644 = tpu.vector_load %arg21[%get3A_643] {strides = array<i32>} : memref<64xf32, #tpu.memory_space<vmem>>, vector<16xf32>,
        %get3A_645 = arith.constant 0 : index
        %get3A_646 = tpu.vector_load %arg22[%get3A_645] {strides = array<i32>} : memref<64xi32, #tpu.memory_space<vmem>>, vector<16xi32>,
        %while3A_647 = arith.constant 0 : i32
        %while3A_648:3 = scf.while (%while3A_703 = %while3A_647, %while3A_704 = %get3A_644, %while3A_705 = %get3A_646) : (i32, vector<16xf32>, vector<16xi32>) -> (i32, vector<16xf32>, vector<16xi32>) {
          %lt3A_706 = arith.cmpi slt, %while3A_703, %while3A_642#0 : i32
          scf.condition(%lt3A_706) %while3A_703, %while3A_704, %while3A_705 : i32, vector<16xf32>, vector<16xi32>
        } do {
        ^bb0(%while3A_703: i32, %while3A_704: vector<16xf32>, %while3A_705: vector<16xi32>):
          %add3A_706 = arith.constant 0 : i32
          %add3A_707 = arith.addi %add3A_706, %while3A_703 : i32
          %get3A_708 = arith.index_cast %add3A_707 : i32 to index
          %get3A_709 = tpu.vector_load %arg19[%get3A_708] {strides = array<i32>} : memref<4224xf32, #tpu.memory_space<vmem>>, vector<16xf32>,
          %add3A_710 = arith.constant 0 : i32
          %add3A_711 = arith.addi %add3A_710, %while3A_703 : i32
          %get3A_712 = arith.index_cast %add3A_711 : i32 to index
          %get3A_713 = tpu.vector_load %arg20[%get3A_712] {strides = array<i32>} : memref<4224xi32, #tpu.memory_space<vmem>>, vector<16xi32>,
          %iota3A_714 = tpu.iota {dimensions = array<i32: 0>} : vector<16xi32>
          %sub3A_715 = arith.subi %while3A_642#0, %while3A_703 : i32
          %lt3A_716 = vector.broadcast %sub3A_715 : i32 to vector<16xi32>
          %lt3A_717 = arith.cmpi slt, %iota3A_714, %lt3A_716 : vector<16xi32>
          %jit3A_718 = arith.constant 0x7F800000 : f32
          %broadcast_in_dim3A_719 = vector.broadcast %jit3A_718 : f32 to vector<16xf32>
          %select_n3A_720 = arith.select %lt3A_717, %get3A_709, %broadcast_in_dim3A_719 : vector<16xi1>, vector<16xf32>
          %masked_sort3A = arith.constant dense<true> : vector<16xi1>
          %masked_sort3A_721, %masked_sort3A_722, %masked_sort3A_723 = tpu.sort %select_n3A_720, %get3A_713 masked %masked_sort3A : (vector<16xf32>, vector<16xi32>, vector<16xi1>) -> (vector<16xi1>, vector<16xf32>, vector<16xi32>)
          %rev3A = arith.constant 15 : i32
          %rev3A_724 = vector.broadcast %rev3A : i32 to vector<16xi32>
          %rev3A_725 = tpu.iota {dimensions = array<i32: 0>} : vector<16xi32>
          %rev3A_726 = arith.subi %rev3A_724, %rev3A_725 : vector<16xi32>
          %rev3A_727 = tpu.dynamic_gather %masked_sort3A_722[%rev3A_726] in [0] : vector<16xf32>, vector<16xi32> -> vector<16xf32>
          %rev3A_728 = arith.constant 15 : i32
          %rev3A_729 = vector.broadcast %rev3A_728 : i32 to vector<16xi32>
          %rev3A_730 = tpu.iota {dimensions = array<i32: 0>} : vector<16xi32>
          %rev3A_731 = arith.subi %rev3A_729, %rev3A_730 : vector<16xi32>
          %rev3A_732 = tpu.dynamic_gather %masked_sort3A_723[%rev3A_731] in [0] : vector<16xi32>, vector<16xi32> -> vector<16xi32>
          %le3A = arith.cmpf ole, %while3A_704, %rev3A_727 : vector<16xf32>
          %select_n3A_733 = arith.select %le3A, %while3A_704, %rev3A_727 : vector<16xi1>, vector<16xf32>
          %select_n3A_734 = arith.select %le3A, %while3A_705, %rev3A_732 : vector<16xi1>, vector<16xi32>
          %masked_sort3A_735 = arith.constant dense<true> : vector<16xi1>
          %masked_sort3A_736, %masked_sort3A_737, %masked_sort3A_738 = tpu.sort %select_n3A_733, %select_n3A_734 masked %masked_sort3A_735 : (vector<16xf32>, vector<16xi32>, vector<16xi1>) -> (vector<16xi1>, vector<16xf32>, vector<16xi32>)
          %add3A_739 = arith.constant 16 : i32
          %add3A_740 = arith.addi %while3A_703, %add3A_739 : i32
          scf.yield %add3A_740, %masked_sort3A_737, %masked_sort3A_738 : i32, vector<16xf32>, vector<16xi32>
        }
        %swap3A_649 = arith.constant 0 : index
        %swap3A_650 = tpu.vector_load %arg21[%swap3A_649] {strides = array<i32>} : memref<64xf32, #tpu.memory_space<vmem>>, vector<16xf32>,
        tpu.vector_store %arg21[%swap3A_649], %while3A_648#1 {strides = array<i32>} : memref<64xf32, #tpu.memory_space<vmem>>, vector<16xf32>,
        %swap3A_651 = arith.constant 0 : index
        %swap3A_652 = tpu.vector_load %arg22[%swap3A_651] {strides = array<i32>} : memref<64xi32, #tpu.memory_space<vmem>>, vector<16xi32>,
        tpu.vector_store %arg22[%swap3A_651], %while3A_648#2 {strides = array<i32>} : memref<64xi32, #tpu.memory_space<vmem>>, vector<16xi32>,
        %reduce_max3A_653 = arith.constant true
        %reduce_max3A_654 = vector.broadcast %reduce_max3A_653 : i1 to vector<16xi1>
        %reduce_max3A_655 = tpu.scan <max>, %while3A_648#1 masked %reduce_max3A_654 : vector<16xf32>, vector<16xi1> -> vector<16xf32>
        %reduce_max3A_656 = vector.extract %reduce_max3A_655[15] : f32 from vector<16xf32>
        %get3A_657 = arith.constant 16 : index
        %get3A_658 = tpu.vector_load %arg21[%get3A_657] {strides = array<i32>} : memref<64xf32, #tpu.memory_space<vmem>>, vector<16xf32>,
        %get3A_659 = arith.constant 16 : index
        %get3A_660 = tpu.vector_load %arg22[%get3A_659] {strides = array<i32>} : memref<64xi32, #tpu.memory_space<vmem>>, vector<16xi32>,
        %while3A_661 = arith.constant 0 : i32
        %while3A_662:3 = scf.while (%while3A_703 = %while3A_661, %while3A_704 = %get3A_658, %while3A_705 = %get3A_660) : (i32, vector<16xf32>, vector<16xi32>) -> (i32, vector<16xf32>, vector<16xi32>) {
          %lt3A_706 = arith.cmpi slt, %while3A_703, %while3A_642#1 : i32
          scf.condition(%lt3A_706) %while3A_703, %while3A_704, %while3A_705 : i32, vector<16xf32>, vector<16xi32>
        } do {
        ^bb0(%while3A_703: i32, %while3A_704: vector<16xf32>, %while3A_705: vector<16xi32>):
          %add3A_706 = arith.constant 1056 : i32
          %add3A_707 = arith.addi %add3A_706, %while3A_703 : i32
          %get3A_708 = arith.index_cast %add3A_707 : i32 to index
          %get3A_709 = tpu.vector_load %arg19[%get3A_708] {strides = array<i32>} : memref<4224xf32, #tpu.memory_space<vmem>>, vector<16xf32>,
          %add3A_710 = arith.constant 1056 : i32
          %add3A_711 = arith.addi %add3A_710, %while3A_703 : i32
          %get3A_712 = arith.index_cast %add3A_711 : i32 to index
          %get3A_713 = tpu.vector_load %arg20[%get3A_712] {strides = array<i32>} : memref<4224xi32, #tpu.memory_space<vmem>>, vector<16xi32>,
          %iota3A_714 = tpu.iota {dimensions = array<i32: 0>} : vector<16xi32>
          %sub3A_715 = arith.subi %while3A_642#1, %while3A_703 : i32
          %lt3A_716 = vector.broadcast %sub3A_715 : i32 to vector<16xi32>
          %lt3A_717 = arith.cmpi slt, %iota3A_714, %lt3A_716 : vector<16xi32>
          %jit3A_718 = arith.constant 0x7F800000 : f32
          %broadcast_in_dim3A_719 = vector.broadcast %jit3A_718 : f32 to vector<16xf32>
          %select_n3A_720 = arith.select %lt3A_717, %get3A_709, %broadcast_in_dim3A_719 : vector<16xi1>, vector<16xf32>
          %masked_sort3A = arith.constant dense<true> : vector<16xi1>
          %masked_sort3A_721, %masked_sort3A_722, %masked_sort3A_723 = tpu.sort %select_n3A_720, %get3A_713 masked %masked_sort3A : (vector<16xf32>, vector<16xi32>, vector<16xi1>) -> (vector<16xi1>, vector<16xf32>, vector<16xi32>)
          %rev3A = arith.constant 15 : i32
          %rev3A_724 = vector.broadcast %rev3A : i32 to vector<16xi32>
          %rev3A_725 = tpu.iota {dimensions = array<i32: 0>} : vector<16xi32>
          %rev3A_726 = arith.subi %rev3A_724, %rev3A_725 : vector<16xi32>
          %rev3A_727 = tpu.dynamic_gather %masked_sort3A_722[%rev3A_726] in [0] : vector<16xf32>, vector<16xi32> -> vector<16xf32>
          %rev3A_728 = arith.constant 15 : i32
          %rev3A_729 = vector.broadcast %rev3A_728 : i32 to vector<16xi32>
          %rev3A_730 = tpu.iota {dimensions = array<i32: 0>} : vector<16xi32>
          %rev3A_731 = arith.subi %rev3A_729, %rev3A_730 : vector<16xi32>
          %rev3A_732 = tpu.dynamic_gather %masked_sort3A_723[%rev3A_731] in [0] : vector<16xi32>, vector<16xi32> -> vector<16xi32>
          %le3A = arith.cmpf ole, %while3A_704, %rev3A_727 : vector<16xf32>
          %select_n3A_733 = arith.select %le3A, %while3A_704, %rev3A_727 : vector<16xi1>, vector<16xf32>
          %select_n3A_734 = arith.select %le3A, %while3A_705, %rev3A_732 : vector<16xi1>, vector<16xi32>
          %masked_sort3A_735 = arith.constant dense<true> : vector<16xi1>
          %masked_sort3A_736, %masked_sort3A_737, %masked_sort3A_738 = tpu.sort %select_n3A_733, %select_n3A_734 masked %masked_sort3A_735 : (vector<16xf32>, vector<16xi32>, vector<16xi1>) -> (vector<16xi1>, vector<16xf32>, vector<16xi32>)
          %add3A_739 = arith.constant 16 : i32
          %add3A_740 = arith.addi %while3A_703, %add3A_739 : i32
          scf.yield %add3A_740, %masked_sort3A_737, %masked_sort3A_738 : i32, vector<16xf32>, vector<16xi32>
        }
        %swap3A_663 = arith.constant 16 : index
        %swap3A_664 = tpu.vector_load %arg21[%swap3A_663] {strides = array<i32>} : memref<64xf32, #tpu.memory_space<vmem>>, vector<16xf32>,
        tpu.vector_store %arg21[%swap3A_663], %while3A_662#1 {strides = array<i32>} : memref<64xf32, #tpu.memory_space<vmem>>, vector<16xf32>,
        %swap3A_665 = arith.constant 16 : index
        %swap3A_666 = tpu.vector_load %arg22[%swap3A_665] {strides = array<i32>} : memref<64xi32, #tpu.memory_space<vmem>>, vector<16xi32>,
        tpu.vector_store %arg22[%swap3A_665], %while3A_662#2 {strides = array<i32>} : memref<64xi32, #tpu.memory_space<vmem>>, vector<16xi32>,
        %reduce_max3A_667 = arith.constant true
        %reduce_max3A_668 = vector.broadcast %reduce_max3A_667 : i1 to vector<16xi1>
        %reduce_max3A_669 = tpu.scan <max>, %while3A_662#1 masked %reduce_max3A_668 : vector<16xf32>, vector<16xi1> -> vector<16xf32>
        %reduce_max3A_670 = vector.extract %reduce_max3A_669[15] : f32 from vector<16xf32>
        %get3A_671 = arith.constant 32 : index
        %get3A_672 = tpu.vector_load %arg21[%get3A_671] {strides = array<i32>} : memref<64xf32, #tpu.memory_space<vmem>>, vector<16xf32>,
        %get3A_673 = arith.constant 32 : index
        %get3A_674 = tpu.vector_load %arg22[%get3A_673] {strides = array<i32>} : memref<64xi32, #tpu.memory_space<vmem>>, vector<16xi32>,
        %while3A_675 = arith.constant 0 : i32
        %while3A_676:3 = scf.while (%while3A_703 = %while3A_675, %while3A_704 = %get3A_672, %while3A_705 = %get3A_674) : (i32, vector<16xf32>, vector<16xi32>) -> (i32, vector<16xf32>, vector<16xi32>) {
          %lt3A_706 = arith.cmpi slt, %while3A_703, %while3A_642#2 : i32
          scf.condition(%lt3A_706) %while3A_703, %while3A_704, %while3A_705 : i32, vector<16xf32>, vector<16xi32>
        } do {
        ^bb0(%while3A_703: i32, %while3A_704: vector<16xf32>, %while3A_705: vector<16xi32>):
          %add3A_706 = arith.constant 2112 : i32
          %add3A_707 = arith.addi %add3A_706, %while3A_703 : i32
          %get3A_708 = arith.index_cast %add3A_707 : i32 to index
          %get3A_709 = tpu.vector_load %arg19[%get3A_708] {strides = array<i32>} : memref<4224xf32, #tpu.memory_space<vmem>>, vector<16xf32>,
          %add3A_710 = arith.constant 2112 : i32
          %add3A_711 = arith.addi %add3A_710, %while3A_703 : i32
          %get3A_712 = arith.index_cast %add3A_711 : i32 to index
          %get3A_713 = tpu.vector_load %arg20[%get3A_712] {strides = array<i32>} : memref<4224xi32, #tpu.memory_space<vmem>>, vector<16xi32>,
          %iota3A_714 = tpu.iota {dimensions = array<i32: 0>} : vector<16xi32>
          %sub3A_715 = arith.subi %while3A_642#2, %while3A_703 : i32
          %lt3A_716 = vector.broadcast %sub3A_715 : i32 to vector<16xi32>
          %lt3A_717 = arith.cmpi slt, %iota3A_714, %lt3A_716 : vector<16xi32>
          %jit3A_718 = arith.constant 0x7F800000 : f32
          %broadcast_in_dim3A_719 = vector.broadcast %jit3A_718 : f32 to vector<16xf32>
          %select_n3A_720 = arith.select %lt3A_717, %get3A_709, %broadcast_in_dim3A_719 : vector<16xi1>, vector<16xf32>
          %masked_sort3A = arith.constant dense<true> : vector<16xi1>
          %masked_sort3A_721, %masked_sort3A_722, %masked_sort3A_723 = tpu.sort %select_n3A_720, %get3A_713 masked %masked_sort3A : (vector<16xf32>, vector<16xi32>, vector<16xi1>) -> (vector<16xi1>, vector<16xf32>, vector<16xi32>)
          %rev3A = arith.constant 15 : i32
          %rev3A_724 = vector.broadcast %rev3A : i32 to vector<16xi32>
          %rev3A_725 = tpu.iota {dimensions = array<i32: 0>} : vector<16xi32>
          %rev3A_726 = arith.subi %rev3A_724, %rev3A_725 : vector<16xi32>
          %rev3A_727 = tpu.dynamic_gather %masked_sort3A_722[%rev3A_726] in [0] : vector<16xf32>, vector<16xi32> -> vector<16xf32>
          %rev3A_728 = arith.constant 15 : i32
          %rev3A_729 = vector.broadcast %rev3A_728 : i32 to vector<16xi32>
          %rev3A_730 = tpu.iota {dimensions = array<i32: 0>} : vector<16xi32>
          %rev3A_731 = arith.subi %rev3A_729, %rev3A_730 : vector<16xi32>
          %rev3A_732 = tpu.dynamic_gather %masked_sort3A_723[%rev3A_731] in [0] : vector<16xi32>, vector<16xi32> -> vector<16xi32>
          %le3A = arith.cmpf ole, %while3A_704, %rev3A_727 : vector<16xf32>
          %select_n3A_733 = arith.select %le3A, %while3A_704, %rev3A_727 : vector<16xi1>, vector<16xf32>
          %select_n3A_734 = arith.select %le3A, %while3A_705, %rev3A_732 : vector<16xi1>, vector<16xi32>
          %masked_sort3A_735 = arith.constant dense<true> : vector<16xi1>
          %masked_sort3A_736, %masked_sort3A_737, %masked_sort3A_738 = tpu.sort %select_n3A_733, %select_n3A_734 masked %masked_sort3A_735 : (vector<16xf32>, vector<16xi32>, vector<16xi1>) -> (vector<16xi1>, vector<16xf32>, vector<16xi32>)
          %add3A_739 = arith.constant 16 : i32
          %add3A_740 = arith.addi %while3A_703, %add3A_739 : i32
          scf.yield %add3A_740, %masked_sort3A_737, %masked_sort3A_738 : i32, vector<16xf32>, vector<16xi32>
        }
        %swap3A_677 = arith.constant 32 : index
        %swap3A_678 = tpu.vector_load %arg21[%swap3A_677] {strides = array<i32>} : memref<64xf32, #tpu.memory_space<vmem>>, vector<16xf32>,
        tpu.vector_store %arg21[%swap3A_677], %while3A_676#1 {strides = array<i32>} : memref<64xf32, #tpu.memory_space<vmem>>, vector<16xf32>,
        %swap3A_679 = arith.constant 32 : index
        %swap3A_680 = tpu.vector_load %arg22[%swap3A_679] {strides = array<i32>} : memref<64xi32, #tpu.memory_space<vmem>>, vector<16xi32>,
        tpu.vector_store %arg22[%swap3A_679], %while3A_676#2 {strides = array<i32>} : memref<64xi32, #tpu.memory_space<vmem>>, vector<16xi32>,
        %reduce_max3A_681 = arith.constant true
        %reduce_max3A_682 = vector.broadcast %reduce_max3A_681 : i1 to vector<16xi1>
        %reduce_max3A_683 = tpu.scan <max>, %while3A_676#1 masked %reduce_max3A_682 : vector<16xf32>, vector<16xi1> -> vector<16xf32>
        %reduce_max3A_684 = vector.extract %reduce_max3A_683[15] : f32 from vector<16xf32>
        %get3A_685 = arith.constant 48 : index
        %get3A_686 = tpu.vector_load %arg21[%get3A_685] {strides = array<i32>} : memref<64xf32, #tpu.memory_space<vmem>>, vector<16xf32>,
        %get3A_687 = arith.constant 48 : index
        %get3A_688 = tpu.vector_load %arg22[%get3A_687] {strides = array<i32>} : memref<64xi32, #tpu.memory_space<vmem>>, vector<16xi32>,
        %while3A_689 = arith.constant 0 : i32
        %while3A_690:3 = scf.while (%while3A_703 = %while3A_689, %while3A_704 = %get3A_686, %while3A_705 = %get3A_688) : (i32, vector<16xf32>, vector<16xi32>) -> (i32, vector<16xf32>, vector<16xi32>) {
          %lt3A_706 = arith.cmpi slt, %while3A_703, %while3A_642#3 : i32
          scf.condition(%lt3A_706) %while3A_703, %while3A_704, %while3A_705 : i32, vector<16xf32>, vector<16xi32>
        } do {
        ^bb0(%while3A_703: i32, %while3A_704: vector<16xf32>, %while3A_705: vector<16xi32>):
          %add3A_706 = arith.constant 3168 : i32
          %add3A_707 = arith.addi %add3A_706, %while3A_703 : i32
          %get3A_708 = arith.index_cast %add3A_707 : i32 to index
          %get3A_709 = tpu.vector_load %arg19[%get3A_708] {strides = array<i32>} : memref<4224xf32, #tpu.memory_space<vmem>>, vector<16xf32>,
          %add3A_710 = arith.constant 3168 : i32
          %add3A_711 = arith.addi %add3A_710, %while3A_703 : i32
          %get3A_712 = arith.index_cast %add3A_711 : i32 to index
          %get3A_713 = tpu.vector_load %arg20[%get3A_712] {strides = array<i32>} : memref<4224xi32, #tpu.memory_space<vmem>>, vector<16xi32>,
          %iota3A_714 = tpu.iota {dimensions = array<i32: 0>} : vector<16xi32>
          %sub3A_715 = arith.subi %while3A_642#3, %while3A_703 : i32
          %lt3A_716 = vector.broadcast %sub3A_715 : i32 to vector<16xi32>
          %lt3A_717 = arith.cmpi slt, %iota3A_714, %lt3A_716 : vector<16xi32>
          %jit3A_718 = arith.constant 0x7F800000 : f32
          %broadcast_in_dim3A_719 = vector.broadcast %jit3A_718 : f32 to vector<16xf32>
          %select_n3A_720 = arith.select %lt3A_717, %get3A_709, %broadcast_in_dim3A_719 : vector<16xi1>, vector<16xf32>
          %masked_sort3A = arith.constant dense<true> : vector<16xi1>
          %masked_sort3A_721, %masked_sort3A_722, %masked_sort3A_723 = tpu.sort %select_n3A_720, %get3A_713 masked %masked_sort3A : (vector<16xf32>, vector<16xi32>, vector<16xi1>) -> (vector<16xi1>, vector<16xf32>, vector<16xi32>)
          %rev3A = arith.constant 15 : i32
          %rev3A_724 = vector.broadcast %rev3A : i32 to vector<16xi32>
          %rev3A_725 = tpu.iota {dimensions = array<i32: 0>} : vector<16xi32>
          %rev3A_726 = arith.subi %rev3A_724, %rev3A_725 : vector<16xi32>
          %rev3A_727 = tpu.dynamic_gather %masked_sort3A_722[%rev3A_726] in [0] : vector<16xf32>, vector<16xi32> -> vector<16xf32>
          %rev3A_728 = arith.constant 15 : i32
          %rev3A_729 = vector.broadcast %rev3A_728 : i32 to vector<16xi32>
          %rev3A_730 = tpu.iota {dimensions = array<i32: 0>} : vector<16xi32>
          %rev3A_731 = arith.subi %rev3A_729, %rev3A_730 : vector<16xi32>
          %rev3A_732 = tpu.dynamic_gather %masked_sort3A_723[%rev3A_731] in [0] : vector<16xi32>, vector<16xi32> -> vector<16xi32>
          %le3A = arith.cmpf ole, %while3A_704, %rev3A_727 : vector<16xf32>
          %select_n3A_733 = arith.select %le3A, %while3A_704, %rev3A_727 : vector<16xi1>, vector<16xf32>
          %select_n3A_734 = arith.select %le3A, %while3A_705, %rev3A_732 : vector<16xi1>, vector<16xi32>
          %masked_sort3A_735 = arith.constant dense<true> : vector<16xi1>
          %masked_sort3A_736, %masked_sort3A_737, %masked_sort3A_738 = tpu.sort %select_n3A_733, %select_n3A_734 masked %masked_sort3A_735 : (vector<16xf32>, vector<16xi32>, vector<16xi1>) -> (vector<16xi1>, vector<16xf32>, vector<16xi32>)
          %add3A_739 = arith.constant 16 : i32
          %add3A_740 = arith.addi %while3A_703, %add3A_739 : i32
          scf.yield %add3A_740, %masked_sort3A_737, %masked_sort3A_738 : i32, vector<16xf32>, vector<16xi32>
        }
        %swap3A_691 = arith.constant 48 : index
        %swap3A_692 = tpu.vector_load %arg21[%swap3A_691] {strides = array<i32>} : memref<64xf32, #tpu.memory_space<vmem>>, vector<16xf32>,
        tpu.vector_store %arg21[%swap3A_691], %while3A_690#1 {strides = array<i32>} : memref<64xf32, #tpu.memory_space<vmem>>, vector<16xf32>,
        %swap3A_693 = arith.constant 48 : index
        %swap3A_694 = tpu.vector_load %arg22[%swap3A_693] {strides = array<i32>} : memref<64xi32, #tpu.memory_space<vmem>>, vector<16xi32>,
        tpu.vector_store %arg22[%swap3A_693], %while3A_690#2 {strides = array<i32>} : memref<64xi32, #tpu.memory_space<vmem>>, vector<16xi32>,
        %reduce_max3A_695 = arith.constant true
        %reduce_max3A_696 = vector.broadcast %reduce_max3A_695 : i1 to vector<16xi1>
        %reduce_max3A_697 = tpu.scan <max>, %while3A_690#1 masked %reduce_max3A_696 : vector<16xf32>, vector<16xi1> -> vector<16xf32>
        %reduce_max3A_698 = vector.extract %reduce_max3A_697[15] : f32 from vector<16xf32>
        %scan3A_699 = arith.constant 0 : i32
        %scan3A_700 = arith.constant 0 : i32
        %scan3A_701 = arith.constant 0 : i32
        %scan3A_702 = arith.constant 0 : i32
        scf.yield %scan3A_699, %scan3A_700, %scan3A_701, %scan3A_702, %reduce_max3A_656, %reduce_max3A_670, %reduce_max3A_684, %reduce_max3A_698 : i32, i32, i32, i32, f32, f32, f32, f32
      }
      %scan3A_582 = arith.constant 15 : i32
      %get3A_583 = arith.constant 0 : index
      %get3A_584 = tpu.vector_load %arg22[%get3A_583] {strides = array<i32>} : memref<64xi32, #tpu.memory_space<vmem>>, vector<16xi32>,
      %add3A_585 = arith.constant 0 : i32
      %add3A_586 = arith.addi %mul3A_127, %add3A_585 : i32
      %mul3A_587 = arith.constant 16 : i32
      %mul3A_588 = arith.muli %add3A_586, %mul3A_587 : i32
      %swap3A_589 = arith.index_cast %mul3A_588 : i32 to index
      %swap3A_590 = tpu.vector_load %arg23[%swap3A_589] {strides = array<i32>} : memref<2048xi32, #tpu.memory_space<vmem>>, vector<16xi32>,
      tpu.vector_store %arg23[%swap3A_589], %get3A_584 {strides = array<i32>} : memref<2048xi32, #tpu.memory_space<vmem>>, vector<16xi32>,
      %get3A_591 = arith.constant 16 : index
      %get3A_592 = tpu.vector_load %arg22[%get3A_591] {strides = array<i32>} : memref<64xi32, #tpu.memory_space<vmem>>, vector<16xi32>,
      %add3A_593 = arith.constant 1 : i32
      %add3A_594 = arith.addi %mul3A_127, %add3A_593 : i32
      %mul3A_595 = arith.constant 16 : i32
      %mul3A_596 = arith.muli %add3A_594, %mul3A_595 : i32
      %swap3A_597 = arith.index_cast %mul3A_596 : i32 to index
      %swap3A_598 = tpu.vector_load %arg23[%swap3A_597] {strides = array<i32>} : memref<2048xi32, #tpu.memory_space<vmem>>, vector<16xi32>,
      tpu.vector_store %arg23[%swap3A_597], %get3A_592 {strides = array<i32>} : memref<2048xi32, #tpu.memory_space<vmem>>, vector<16xi32>,
      %get3A_599 = arith.constant 32 : index
      %get3A_600 = tpu.vector_load %arg22[%get3A_599] {strides = array<i32>} : memref<64xi32, #tpu.memory_space<vmem>>, vector<16xi32>,
      %add3A_601 = arith.constant 2 : i32
      %add3A_602 = arith.addi %mul3A_127, %add3A_601 : i32
      %mul3A_603 = arith.constant 16 : i32
      %mul3A_604 = arith.muli %add3A_602, %mul3A_603 : i32
      %swap3A_605 = arith.index_cast %mul3A_604 : i32 to index
      %swap3A_606 = tpu.vector_load %arg23[%swap3A_605] {strides = array<i32>} : memref<2048xi32, #tpu.memory_space<vmem>>, vector<16xi32>,
      tpu.vector_store %arg23[%swap3A_605], %get3A_600 {strides = array<i32>} : memref<2048xi32, #tpu.memory_space<vmem>>, vector<16xi32>,
      %get3A_607 = arith.constant 48 : index
      %get3A_608 = tpu.vector_load %arg22[%get3A_607] {strides = array<i32>} : memref<64xi32, #tpu.memory_space<vmem>>, vector<16xi32>,
      %add3A_609 = arith.constant 3 : i32
      %add3A_610 = arith.addi %mul3A_127, %add3A_609 : i32
      %mul3A_611 = arith.constant 16 : i32
      %mul3A_612 = arith.muli %add3A_610, %mul3A_611 : i32
      %swap3A_613 = arith.index_cast %mul3A_612 : i32 to index
      %swap3A_614 = tpu.vector_load %arg23[%swap3A_613] {strides = array<i32>} : memref<2048xi32, #tpu.memory_space<vmem>>, vector<16xi32>,
      tpu.vector_store %arg23[%swap3A_613], %get3A_608 {strides = array<i32>} : memref<2048xi32, #tpu.memory_space<vmem>>, vector<16xi32>,
      %scan3A_615 = arith.constant 0 : i32
      scf.yield %scan3A_615 : i32
    }
    %scan3A_85 = arith.constant 32 : i32
    %add3A_86 = arith.constant 0 : i32
    %add3A_87 = arith.addi %mul3A_36, %add3A_86 : i32
    "tpu.region"() ({
      %run_scoped3A = tpu.sem_alloc : memref<!tpu.dma_semaphore, #tpu.memory_space<semaphore_mem>>
      %dma_start3A = tpu.memref_slice %arg2[%add3A_87] : memref<393216xf32, #tpu.memory_space<hbm>> -> memref<16384xf32, #tpu.memory_space<hbm>>
      %dma_start3A_124 = tpu.memref_slice %arg2[%add3A_87] : memref<393216xf32, #tpu.memory_space<hbm>> -> memref<16384xf32, #tpu.memory_space<hbm>>
      tpu.enqueue_dma source(%dma_start3A_124 : memref<16384xf32, #tpu.memory_space<hbm>>) target(%arg10 : memref<16384xf32, #tpu.memory_space<vmem>>) target_semaphore(%run_scoped3A : memref<!tpu.dma_semaphore, #tpu.memory_space<semaphore_mem>>)
      %dma_wait3A = tpu.memref_slice %arg2[%add3A_87] : memref<393216xf32, #tpu.memory_space<hbm>> -> memref<16384xf32, #tpu.memory_space<hbm>>
      %dma_wait3A_125 = tpu.memref_slice %arg2[%add3A_87] : memref<393216xf32, #tpu.memory_space<hbm>> -> memref<16384xf32, #tpu.memory_space<hbm>>
      tpu.wait_dma2 semaphore(%run_scoped3A : memref<!tpu.dma_semaphore, #tpu.memory_space<semaphore_mem>>) src(%dma_wait3A_125 : memref<16384xf32, #tpu.memory_space<hbm>>) dst(%arg10 : memref<16384xf32, #tpu.memory_space<vmem>>)
      tpu.yield
    }) : () -> ()
    %scan3A_88 = arith.constant 0 : i32
    %scan3A_89 = arith.constant 0 : i32
    %scan3A_90 = arith.constant 128 : i32
    %scan3A_91 = arith.addi %scan3A_89, %scan3A_90 : i32
    %scan3A_92 = arith.constant 1 : i32
    %scan3A_93 = scf.for %scan3A_124 = %scan3A_89 to %scan3A_91 step %scan3A_92 iter_args(%scan3A_125 = %scan3A_88) -> (i32)  : i32 {
      %mul3A_126 = arith.constant 16 : i32
      %mul3A_127 = arith.muli %scan3A_124, %mul3A_126 : i32
      %get3A = arith.index_cast %mul3A_127 : i32 to index
      %get3A_128 = tpu.vector_load %arg23[%get3A] {strides = array<i32>} : memref<2048xi32, #tpu.memory_space<vmem>>, vector<16xi32>,
      %gather3A = tpu.vector_load_idx %arg10[%get3A_128] : memref<16384xf32, #tpu.memory_space<vmem>>[vector<16xi32>], vector<16xf32>,
      %mul3A_129 = arith.constant 16 : i32
      %mul3A_130 = arith.muli %scan3A_124, %mul3A_129 : i32
      %swap3A = arith.index_cast %mul3A_130 : i32 to index
      %swap3A_131 = tpu.vector_load %arg24[%swap3A] {strides = array<i32>} : memref<2048xf32, #tpu.memory_space<vmem>>, vector<16xf32>,
      tpu.vector_store %arg24[%swap3A], %gather3A {strides = array<i32>} : memref<2048xf32, #tpu.memory_space<vmem>>, vector<16xf32>,
      %scan3A_132 = arith.constant 0 : i32
      scf.yield %scan3A_132 : i32
    }
    %scan3A_94 = arith.constant 128 : i32
    %add3A_95 = arith.constant 16384 : i32
    %add3A_96 = arith.addi %mul3A_36, %add3A_95 : i32
    "tpu.region"() ({
      %run_scoped3A = tpu.sem_alloc : memref<!tpu.dma_semaphore, #tpu.memory_space<semaphore_mem>>
      %dma_start3A = tpu.memref_slice %arg2[%add3A_96] : memref<393216xf32, #tpu.memory_space<hbm>> -> memref<16384xf32, #tpu.memory_space<hbm>>
      %dma_start3A_124 = tpu.memref_slice %arg2[%add3A_96] : memref<393216xf32, #tpu.memory_space<hbm>> -> memref<16384xf32, #tpu.memory_space<hbm>>
      tpu.enqueue_dma source(%dma_start3A_124 : memref<16384xf32, #tpu.memory_space<hbm>>) target(%arg10 : memref<16384xf32, #tpu.memory_space<vmem>>) target_semaphore(%run_scoped3A : memref<!tpu.dma_semaphore, #tpu.memory_space<semaphore_mem>>)
      %dma_wait3A = tpu.memref_slice %arg2[%add3A_96] : memref<393216xf32, #tpu.memory_space<hbm>> -> memref<16384xf32, #tpu.memory_space<hbm>>
      %dma_wait3A_125 = tpu.memref_slice %arg2[%add3A_96] : memref<393216xf32, #tpu.memory_space<hbm>> -> memref<16384xf32, #tpu.memory_space<hbm>>
      tpu.wait_dma2 semaphore(%run_scoped3A : memref<!tpu.dma_semaphore, #tpu.memory_space<semaphore_mem>>) src(%dma_wait3A_125 : memref<16384xf32, #tpu.memory_space<hbm>>) dst(%arg10 : memref<16384xf32, #tpu.memory_space<vmem>>)
      tpu.yield
    }) : () -> ()
    %scan3A_97 = arith.constant 0 : i32
    %scan3A_98 = arith.constant 0 : i32
    %scan3A_99 = arith.constant 128 : i32
    %scan3A_100 = arith.addi %scan3A_98, %scan3A_99 : i32
    %scan3A_101 = arith.constant 1 : i32
    %scan3A_102 = scf.for %scan3A_124 = %scan3A_98 to %scan3A_100 step %scan3A_101 iter_args(%scan3A_125 = %scan3A_97) -> (i32)  : i32 {
      %mul3A_126 = arith.constant 16 : i32
      %mul3A_127 = arith.muli %scan3A_124, %mul3A_126 : i32
      %get3A = arith.index_cast %mul3A_127 : i32 to index
      %get3A_128 = tpu.vector_load %arg23[%get3A] {strides = array<i32>} : memref<2048xi32, #tpu.memory_space<vmem>>, vector<16xi32>,
      %gather3A = tpu.vector_load_idx %arg10[%get3A_128] : memref<16384xf32, #tpu.memory_space<vmem>>[vector<16xi32>], vector<16xf32>,
      %mul3A_129 = arith.constant 16 : i32
      %mul3A_130 = arith.muli %scan3A_124, %mul3A_129 : i32
      %swap3A = arith.index_cast %mul3A_130 : i32 to index
      %swap3A_131 = tpu.vector_load %arg25[%swap3A] {strides = array<i32>} : memref<2048xf32, #tpu.memory_space<vmem>>, vector<16xf32>,
      tpu.vector_store %arg25[%swap3A], %gather3A {strides = array<i32>} : memref<2048xf32, #tpu.memory_space<vmem>>, vector<16xf32>,
      %scan3A_132 = arith.constant 0 : i32
      scf.yield %scan3A_132 : i32
    }
    %scan3A_103 = arith.constant 128 : i32
    %add3A_104 = arith.constant 32768 : i32
    %add3A_105 = arith.addi %mul3A_36, %add3A_104 : i32
    "tpu.region"() ({
      %run_scoped3A = tpu.sem_alloc : memref<!tpu.dma_semaphore, #tpu.memory_space<semaphore_mem>>
      %dma_start3A = tpu.memref_slice %arg2[%add3A_105] : memref<393216xf32, #tpu.memory_space<hbm>> -> memref<16384xf32, #tpu.memory_space<hbm>>
      %dma_start3A_124 = tpu.memref_slice %arg2[%add3A_105] : memref<393216xf32, #tpu.memory_space<hbm>> -> memref<16384xf32, #tpu.memory_space<hbm>>
      tpu.enqueue_dma source(%dma_start3A_124 : memref<16384xf32, #tpu.memory_space<hbm>>) target(%arg10 : memref<16384xf32, #tpu.memory_space<vmem>>) target_semaphore(%run_scoped3A : memref<!tpu.dma_semaphore, #tpu.memory_space<semaphore_mem>>)
      %dma_wait3A = tpu.memref_slice %arg2[%add3A_105] : memref<393216xf32, #tpu.memory_space<hbm>> -> memref<16384xf32, #tpu.memory_space<hbm>>
      %dma_wait3A_125 = tpu.memref_slice %arg2[%add3A_105] : memref<393216xf32, #tpu.memory_space<hbm>> -> memref<16384xf32, #tpu.memory_space<hbm>>
      tpu.wait_dma2 semaphore(%run_scoped3A : memref<!tpu.dma_semaphore, #tpu.memory_space<semaphore_mem>>) src(%dma_wait3A_125 : memref<16384xf32, #tpu.memory_space<hbm>>) dst(%arg10 : memref<16384xf32, #tpu.memory_space<vmem>>)
      tpu.yield
    }) : () -> ()
    %scan3A_106 = arith.constant 0 : i32
    %scan3A_107 = arith.constant 0 : i32
    %scan3A_108 = arith.constant 128 : i32
    %scan3A_109 = arith.addi %scan3A_107, %scan3A_108 : i32
    %scan3A_110 = arith.constant 1 : i32
    %scan3A_111 = scf.for %scan3A_124 = %scan3A_107 to %scan3A_109 step %scan3A_110 iter_args(%scan3A_125 = %scan3A_106) -> (i32)  : i32 {
      %mul3A_126 = arith.constant 16 : i32
      %mul3A_127 = arith.muli %scan3A_124, %mul3A_126 : i32
      %get3A = arith.index_cast %mul3A_127 : i32 to index
      %get3A_128 = tpu.vector_load %arg23[%get3A] {strides = array<i32>} : memref<2048xi32, #tpu.memory_space<vmem>>, vector<16xi32>,
      %gather3A = tpu.vector_load_idx %arg10[%get3A_128] : memref<16384xf32, #tpu.memory_space<vmem>>[vector<16xi32>], vector<16xf32>,
      %mul3A_129 = arith.constant 16 : i32
      %mul3A_130 = arith.muli %scan3A_124, %mul3A_129 : i32
      %swap3A = arith.index_cast %mul3A_130 : i32 to index
      %swap3A_131 = tpu.vector_load %arg26[%swap3A] {strides = array<i32>} : memref<2048xf32, #tpu.memory_space<vmem>>, vector<16xf32>,
      tpu.vector_store %arg26[%swap3A], %gather3A {strides = array<i32>} : memref<2048xf32, #tpu.memory_space<vmem>>, vector<16xf32>,
      %scan3A_132 = arith.constant 0 : i32
      scf.yield %scan3A_132 : i32
    }
    %scan3A_112 = arith.constant 128 : i32
    %scan3A_113 = arith.constant 0 : i32
    %scan3A_114 = arith.constant 0 : i32
    %scan3A_115 = arith.constant 8 : i32
    %scan3A_116 = arith.addi %scan3A_114, %scan3A_115 : i32
    %scan3A_117 = arith.constant 1 : i32
    %scan3A_118 = scf.for %scan3A_124 = %scan3A_114 to %scan3A_116 step %scan3A_117 iter_args(%scan3A_125 = %scan3A_113) -> (i32)  : i32 {
      %mul3A_126 = arith.constant 16 : i32
      %mul3A_127 = arith.muli %scan3A_124, %mul3A_126 : i32
      %get3A = arith.index_cast %mul3A_127 : i32 to index
      %get3A_128 = tpu.vector_load %arg11[%get3A] {strides = array<i32>} : memref<128xf32, #tpu.memory_space<vmem>>, vector<16xf32>,
      %mul3A_129 = arith.constant 16 : i32
      %mul3A_130 = arith.muli %scan3A_124, %mul3A_129 : i32
      %get3A_131 = arith.index_cast %mul3A_130 : i32 to index
      %get3A_132 = tpu.vector_load %arg12[%get3A_131] {strides = array<i32>} : memref<128xf32, #tpu.memory_space<vmem>>, vector<16xf32>,
      %mul3A_133 = arith.constant 16 : i32
      %mul3A_134 = arith.muli %scan3A_124, %mul3A_133 : i32
      %get3A_135 = arith.index_cast %mul3A_134 : i32 to index
      %get3A_136 = tpu.vector_load %arg13[%get3A_135] {strides = array<i32>} : memref<128xf32, #tpu.memory_space<vmem>>, vector<16xf32>,
      %iota3A = tpu.iota {dimensions = array<i32: 0>} : vector<16xi32>
      %mul3A_137 = arith.constant 256 : i32
      %mul3A_138 = arith.muli %scan3A_124, %mul3A_137 : i32
      %mul3A_139 = arith.constant 16 : i32
      %mul3A_140 = vector.broadcast %mul3A_139 : i32 to vector<16xi32>
      %mul3A_141 = arith.muli %iota3A, %mul3A_140 : vector<16xi32>
      %add3A_142 = vector.broadcast %mul3A_138 : i32 to vector<16xi32>
      %add3A_143 = arith.addi %add3A_142, %mul3A_141 : vector<16xi32>
      %get3A_144 = arith.constant 0 : index
      %get3A_145 = tpu.vector_load %arg18[%get3A_144] {strides = array<i32>} : memref<16xf32, #tpu.memory_space<vmem>>, vector<16xf32>,
      %broadcast_in_dim3A = arith.constant 0x7F800000 : f32
      %broadcast_in_dim3A_146 = vector.broadcast %broadcast_in_dim3A : f32 to vector<16xf32>
      %add3A_147 = arith.constant 0 : i32
      %add3A_148 = vector.broadcast %add3A_147 : i32 to vector<16xi32>
      %add3A_149 = arith.addi %add3A_143, %add3A_148 : vector<16xi32>
      %gather3A = tpu.vector_load_idx %arg24[%add3A_149] : memref<2048xf32, #tpu.memory_space<vmem>>[vector<16xi32>], vector<16xf32>,
      %gather3A_150 = tpu.vector_load_idx %arg25[%add3A_149] : memref<2048xf32, #tpu.memory_space<vmem>>[vector<16xi32>], vector<16xf32>,
      %gather3A_151 = tpu.vector_load_idx %arg26[%add3A_149] : memref<2048xf32, #tpu.memory_space<vmem>>[vector<16xi32>], vector<16xf32>,
      %sub3A_152 = arith.subf %gather3A, %get3A_128 : vector<16xf32>
      %sub3A_153 = arith.subf %gather3A_150, %get3A_132 : vector<16xf32>
      %sub3A_154 = arith.subf %gather3A_151, %get3A_136 : vector<16xf32>
      %mul3A_155 = arith.mulf %sub3A_152, %sub3A_152 : vector<16xf32>
      %mul3A_156 = arith.mulf %sub3A_153, %sub3A_153 : vector<16xf32>
      %add3A_157 = arith.addf %mul3A_155, %mul3A_156 : vector<16xf32>
      %mul3A_158 = arith.mulf %sub3A_154, %sub3A_154 : vector<16xf32>
      %add3A_159 = arith.addf %add3A_157, %mul3A_158 : vector<16xf32>
      %swap3A = arith.constant 0 : index
      %swap3A_160 = tpu.vector_load %arg27[%swap3A] {strides = array<i32>} : memref<256xf32, #tpu.memory_space<vmem>>, vector<16xf32>,
      tpu.vector_store %arg27[%swap3A], %gather3A {strides = array<i32>} : memref<256xf32, #tpu.memory_space<vmem>>, vector<16xf32>,
      %swap3A_161 = arith.constant 0 : index
      %swap3A_162 = tpu.vector_load %arg28[%swap3A_161] {strides = array<i32>} : memref<256xf32, #tpu.memory_space<vmem>>, vector<16xf32>,
      tpu.vector_store %arg28[%swap3A_161], %gather3A_150 {strides = array<i32>} : memref<256xf32, #tpu.memory_space<vmem>>, vector<16xf32>,
      %swap3A_163 = arith.constant 0 : index
      %swap3A_164 = tpu.vector_load %arg29[%swap3A_163] {strides = array<i32>} : memref<256xf32, #tpu.memory_space<vmem>>, vector<16xf32>,
      tpu.vector_store %arg29[%swap3A_163], %gather3A_151 {strides = array<i32>} : memref<256xf32, #tpu.memory_space<vmem>>, vector<16xf32>,
      %swap3A_165 = arith.constant 0 : index
      %swap3A_166 = tpu.vector_load %arg30[%swap3A_165] {strides = array<i32>} : memref<256xf32, #tpu.memory_space<vmem>>, vector<16xf32>,
      tpu.vector_store %arg30[%swap3A_165], %add3A_159 {strides = array<i32>} : memref<256xf32, #tpu.memory_space<vmem>>, vector<16xf32>,
      %min3A = arith.minimumf %broadcast_in_dim3A_146, %add3A_159 : vector<16xf32>
      %add3A_167 = arith.constant 1 : i32
      %add3A_168 = vector.broadcast %add3A_167 : i32 to vector<16xi32>
      %add3A_169 = arith.addi %add3A_143, %add3A_168 : vector<16xi32>
      %gather3A_170 = tpu.vector_load_idx %arg24[%add3A_169] : memref<2048xf32, #tpu.memory_space<vmem>>[vector<16xi32>], vector<16xf32>,
      %gather3A_171 = tpu.vector_load_idx %arg25[%add3A_169] : memref<2048xf32, #tpu.memory_space<vmem>>[vector<16xi32>], vector<16xf32>,
      %gather3A_172 = tpu.vector_load_idx %arg26[%add3A_169] : memref<2048xf32, #tpu.memory_space<vmem>>[vector<16xi32>], vector<16xf32>,
      %sub3A_173 = arith.subf %gather3A_170, %get3A_128 : vector<16xf32>
      %sub3A_174 = arith.subf %gather3A_171, %get3A_132 : vector<16xf32>
      %sub3A_175 = arith.subf %gather3A_172, %get3A_136 : vector<16xf32>
      %mul3A_176 = arith.mulf %sub3A_173, %sub3A_173 : vector<16xf32>
      %mul3A_177 = arith.mulf %sub3A_174, %sub3A_174 : vector<16xf32>
      %add3A_178 = arith.addf %mul3A_176, %mul3A_177 : vector<16xf32>
      %mul3A_179 = arith.mulf %sub3A_175, %sub3A_175 : vector<16xf32>
      %add3A_180 = arith.addf %add3A_178, %mul3A_179 : vector<16xf32>
      %swap3A_181 = arith.constant 16 : index
      %swap3A_182 = tpu.vector_load %arg27[%swap3A_181] {strides = array<i32>} : memref<256xf32, #tpu.memory_space<vmem>>, vector<16xf32>,
      tpu.vector_store %arg27[%swap3A_181], %gather3A_170 {strides = array<i32>} : memref<256xf32, #tpu.memory_space<vmem>>, vector<16xf32>,
      %swap3A_183 = arith.constant 16 : index
      %swap3A_184 = tpu.vector_load %arg28[%swap3A_183] {strides = array<i32>} : memref<256xf32, #tpu.memory_space<vmem>>, vector<16xf32>,
      tpu.vector_store %arg28[%swap3A_183], %gather3A_171 {strides = array<i32>} : memref<256xf32, #tpu.memory_space<vmem>>, vector<16xf32>,
      %swap3A_185 = arith.constant 16 : index
      %swap3A_186 = tpu.vector_load %arg29[%swap3A_185] {strides = array<i32>} : memref<256xf32, #tpu.memory_space<vmem>>, vector<16xf32>,
      tpu.vector_store %arg29[%swap3A_185], %gather3A_172 {strides = array<i32>} : memref<256xf32, #tpu.memory_space<vmem>>, vector<16xf32>,
      %swap3A_187 = arith.constant 16 : index
      %swap3A_188 = tpu.vector_load %arg30[%swap3A_187] {strides = array<i32>} : memref<256xf32, #tpu.memory_space<vmem>>, vector<16xf32>,
      tpu.vector_store %arg30[%swap3A_187], %add3A_180 {strides = array<i32>} : memref<256xf32, #tpu.memory_space<vmem>>, vector<16xf32>,
      %min3A_189 = arith.minimumf %min3A, %add3A_180 : vector<16xf32>
      %add3A_190 = arith.constant 2 : i32
      %add3A_191 = vector.broadcast %add3A_190 : i32 to vector<16xi32>
      %add3A_192 = arith.addi %add3A_143, %add3A_191 : vector<16xi32>
      %gather3A_193 = tpu.vector_load_idx %arg24[%add3A_192] : memref<2048xf32, #tpu.memory_space<vmem>>[vector<16xi32>], vector<16xf32>,
      %gather3A_194 = tpu.vector_load_idx %arg25[%add3A_192] : memref<2048xf32, #tpu.memory_space<vmem>>[vector<16xi32>], vector<16xf32>,
      %gather3A_195 = tpu.vector_load_idx %arg26[%add3A_192] : memref<2048xf32, #tpu.memory_space<vmem>>[vector<16xi32>], vector<16xf32>,
      %sub3A_196 = arith.subf %gather3A_193, %get3A_128 : vector<16xf32>
      %sub3A_197 = arith.subf %gather3A_194, %get3A_132 : vector<16xf32>
      %sub3A_198 = arith.subf %gather3A_195, %get3A_136 : vector<16xf32>
      %mul3A_199 = arith.mulf %sub3A_196, %sub3A_196 : vector<16xf32>
      %mul3A_200 = arith.mulf %sub3A_197, %sub3A_197 : vector<16xf32>
      %add3A_201 = arith.addf %mul3A_199, %mul3A_200 : vector<16xf32>
      %mul3A_202 = arith.mulf %sub3A_198, %sub3A_198 : vector<16xf32>
      %add3A_203 = arith.addf %add3A_201, %mul3A_202 : vector<16xf32>
      %swap3A_204 = arith.constant 32 : index
      %swap3A_205 = tpu.vector_load %arg27[%swap3A_204] {strides = array<i32>} : memref<256xf32, #tpu.memory_space<vmem>>, vector<16xf32>,
      tpu.vector_store %arg27[%swap3A_204], %gather3A_193 {strides = array<i32>} : memref<256xf32, #tpu.memory_space<vmem>>, vector<16xf32>,
      %swap3A_206 = arith.constant 32 : index
      %swap3A_207 = tpu.vector_load %arg28[%swap3A_206] {strides = array<i32>} : memref<256xf32, #tpu.memory_space<vmem>>, vector<16xf32>,
      tpu.vector_store %arg28[%swap3A_206], %gather3A_194 {strides = array<i32>} : memref<256xf32, #tpu.memory_space<vmem>>, vector<16xf32>,
      %swap3A_208 = arith.constant 32 : index
      %swap3A_209 = tpu.vector_load %arg29[%swap3A_208] {strides = array<i32>} : memref<256xf32, #tpu.memory_space<vmem>>, vector<16xf32>,
      tpu.vector_store %arg29[%swap3A_208], %gather3A_195 {strides = array<i32>} : memref<256xf32, #tpu.memory_space<vmem>>, vector<16xf32>,
      %swap3A_210 = arith.constant 32 : index
      %swap3A_211 = tpu.vector_load %arg30[%swap3A_210] {strides = array<i32>} : memref<256xf32, #tpu.memory_space<vmem>>, vector<16xf32>,
      tpu.vector_store %arg30[%swap3A_210], %add3A_203 {strides = array<i32>} : memref<256xf32, #tpu.memory_space<vmem>>, vector<16xf32>,
      %min3A_212 = arith.minimumf %min3A_189, %add3A_203 : vector<16xf32>
      %add3A_213 = arith.constant 3 : i32
      %add3A_214 = vector.broadcast %add3A_213 : i32 to vector<16xi32>
      %add3A_215 = arith.addi %add3A_143, %add3A_214 : vector<16xi32>
      %gather3A_216 = tpu.vector_load_idx %arg24[%add3A_215] : memref<2048xf32, #tpu.memory_space<vmem>>[vector<16xi32>], vector<16xf32>,
      %gather3A_217 = tpu.vector_load_idx %arg25[%add3A_215] : memref<2048xf32, #tpu.memory_space<vmem>>[vector<16xi32>], vector<16xf32>,
      %gather3A_218 = tpu.vector_load_idx %arg26[%add3A_215] : memref<2048xf32, #tpu.memory_space<vmem>>[vector<16xi32>], vector<16xf32>,
      %sub3A_219 = arith.subf %gather3A_216, %get3A_128 : vector<16xf32>
      %sub3A_220 = arith.subf %gather3A_217, %get3A_132 : vector<16xf32>
      %sub3A_221 = arith.subf %gather3A_218, %get3A_136 : vector<16xf32>
      %mul3A_222 = arith.mulf %sub3A_219, %sub3A_219 : vector<16xf32>
      %mul3A_223 = arith.mulf %sub3A_220, %sub3A_220 : vector<16xf32>
      %add3A_224 = arith.addf %mul3A_222, %mul3A_223 : vector<16xf32>
      %mul3A_225 = arith.mulf %sub3A_221, %sub3A_221 : vector<16xf32>
      %add3A_226 = arith.addf %add3A_224, %mul3A_225 : vector<16xf32>
      %swap3A_227 = arith.constant 48 : index
      %swap3A_228 = tpu.vector_load %arg27[%swap3A_227] {strides = array<i32>} : memref<256xf32, #tpu.memory_space<vmem>>, vector<16xf32>,
      tpu.vector_store %arg27[%swap3A_227], %gather3A_216 {strides = array<i32>} : memref<256xf32, #tpu.memory_space<vmem>>, vector<16xf32>,
      %swap3A_229 = arith.constant 48 : index
      %swap3A_230 = tpu.vector_load %arg28[%swap3A_229] {strides = array<i32>} : memref<256xf32, #tpu.memory_space<vmem>>, vector<16xf32>,
      tpu.vector_store %arg28[%swap3A_229], %gather3A_217 {strides = array<i32>} : memref<256xf32, #tpu.memory_space<vmem>>, vector<16xf32>,
      %swap3A_231 = arith.constant 48 : index
      %swap3A_232 = tpu.vector_load %arg29[%swap3A_231] {strides = array<i32>} : memref<256xf32, #tpu.memory_space<vmem>>, vector<16xf32>,
      tpu.vector_store %arg29[%swap3A_231], %gather3A_218 {strides = array<i32>} : memref<256xf32, #tpu.memory_space<vmem>>, vector<16xf32>,
      %swap3A_233 = arith.constant 48 : index
      %swap3A_234 = tpu.vector_load %arg30[%swap3A_233] {strides = array<i32>} : memref<256xf32, #tpu.memory_space<vmem>>, vector<16xf32>,
      tpu.vector_store %arg30[%swap3A_233], %add3A_226 {strides = array<i32>} : memref<256xf32, #tpu.memory_space<vmem>>, vector<16xf32>,
      %min3A_235 = arith.minimumf %min3A_212, %add3A_226 : vector<16xf32>
      %add3A_236 = arith.constant 4 : i32
      %add3A_237 = vector.broadcast %add3A_236 : i32 to vector<16xi32>
      %add3A_238 = arith.addi %add3A_143, %add3A_237 : vector<16xi32>
      %gather3A_239 = tpu.vector_load_idx %arg24[%add3A_238] : memref<2048xf32, #tpu.memory_space<vmem>>[vector<16xi32>], vector<16xf32>,
      %gather3A_240 = tpu.vector_load_idx %arg25[%add3A_238] : memref<2048xf32, #tpu.memory_space<vmem>>[vector<16xi32>], vector<16xf32>,
      %gather3A_241 = tpu.vector_load_idx %arg26[%add3A_238] : memref<2048xf32, #tpu.memory_space<vmem>>[vector<16xi32>], vector<16xf32>,
      %sub3A_242 = arith.subf %gather3A_239, %get3A_128 : vector<16xf32>
      %sub3A_243 = arith.subf %gather3A_240, %get3A_132 : vector<16xf32>
      %sub3A_244 = arith.subf %gather3A_241, %get3A_136 : vector<16xf32>
      %mul3A_245 = arith.mulf %sub3A_242, %sub3A_242 : vector<16xf32>
      %mul3A_246 = arith.mulf %sub3A_243, %sub3A_243 : vector<16xf32>
      %add3A_247 = arith.addf %mul3A_245, %mul3A_246 : vector<16xf32>
      %mul3A_248 = arith.mulf %sub3A_244, %sub3A_244 : vector<16xf32>
      %add3A_249 = arith.addf %add3A_247, %mul3A_248 : vector<16xf32>
      %swap3A_250 = arith.constant 64 : index
      %swap3A_251 = tpu.vector_load %arg27[%swap3A_250] {strides = array<i32>} : memref<256xf32, #tpu.memory_space<vmem>>, vector<16xf32>,
      tpu.vector_store %arg27[%swap3A_250], %gather3A_239 {strides = array<i32>} : memref<256xf32, #tpu.memory_space<vmem>>, vector<16xf32>,
      %swap3A_252 = arith.constant 64 : index
      %swap3A_253 = tpu.vector_load %arg28[%swap3A_252] {strides = array<i32>} : memref<256xf32, #tpu.memory_space<vmem>>, vector<16xf32>,
      tpu.vector_store %arg28[%swap3A_252], %gather3A_240 {strides = array<i32>} : memref<256xf32, #tpu.memory_space<vmem>>, vector<16xf32>,
      %swap3A_254 = arith.constant 64 : index
      %swap3A_255 = tpu.vector_load %arg29[%swap3A_254] {strides = array<i32>} : memref<256xf32, #tpu.memory_space<vmem>>, vector<16xf32>,
      tpu.vector_store %arg29[%swap3A_254], %gather3A_241 {strides = array<i32>} : memref<256xf32, #tpu.memory_space<vmem>>, vector<16xf32>,
      %swap3A_256 = arith.constant 64 : index
      %swap3A_257 = tpu.vector_load %arg30[%swap3A_256] {strides = array<i32>} : memref<256xf32, #tpu.memory_space<vmem>>, vector<16xf32>,
      tpu.vector_store %arg30[%swap3A_256], %add3A_249 {strides = array<i32>} : memref<256xf32, #tpu.memory_space<vmem>>, vector<16xf32>,
      %min3A_258 = arith.minimumf %min3A_235, %add3A_249 : vector<16xf32>
      %add3A_259 = arith.constant 5 : i32
      %add3A_260 = vector.broadcast %add3A_259 : i32 to vector<16xi32>
      %add3A_261 = arith.addi %add3A_143, %add3A_260 : vector<16xi32>
      %gather3A_262 = tpu.vector_load_idx %arg24[%add3A_261] : memref<2048xf32, #tpu.memory_space<vmem>>[vector<16xi32>], vector<16xf32>,
      %gather3A_263 = tpu.vector_load_idx %arg25[%add3A_261] : memref<2048xf32, #tpu.memory_space<vmem>>[vector<16xi32>], vector<16xf32>,
      %gather3A_264 = tpu.vector_load_idx %arg26[%add3A_261] : memref<2048xf32, #tpu.memory_space<vmem>>[vector<16xi32>], vector<16xf32>,
      %sub3A_265 = arith.subf %gather3A_262, %get3A_128 : vector<16xf32>
      %sub3A_266 = arith.subf %gather3A_263, %get3A_132 : vector<16xf32>
      %sub3A_267 = arith.subf %gather3A_264, %get3A_136 : vector<16xf32>
      %mul3A_268 = arith.mulf %sub3A_265, %sub3A_265 : vector<16xf32>
      %mul3A_269 = arith.mulf %sub3A_266, %sub3A_266 : vector<16xf32>
      %add3A_270 = arith.addf %mul3A_268, %mul3A_269 : vector<16xf32>
      %mul3A_271 = arith.mulf %sub3A_267, %sub3A_267 : vector<16xf32>
      %add3A_272 = arith.addf %add3A_270, %mul3A_271 : vector<16xf32>
      %swap3A_273 = arith.constant 80 : index
      %swap3A_274 = tpu.vector_load %arg27[%swap3A_273] {strides = array<i32>} : memref<256xf32, #tpu.memory_space<vmem>>, vector<16xf32>,
      tpu.vector_store %arg27[%swap3A_273], %gather3A_262 {strides = array<i32>} : memref<256xf32, #tpu.memory_space<vmem>>, vector<16xf32>,
      %swap3A_275 = arith.constant 80 : index
      %swap3A_276 = tpu.vector_load %arg28[%swap3A_275] {strides = array<i32>} : memref<256xf32, #tpu.memory_space<vmem>>, vector<16xf32>,
      tpu.vector_store %arg28[%swap3A_275], %gather3A_263 {strides = array<i32>} : memref<256xf32, #tpu.memory_space<vmem>>, vector<16xf32>,
      %swap3A_277 = arith.constant 80 : index
      %swap3A_278 = tpu.vector_load %arg29[%swap3A_277] {strides = array<i32>} : memref<256xf32, #tpu.memory_space<vmem>>, vector<16xf32>,
      tpu.vector_store %arg29[%swap3A_277], %gather3A_264 {strides = array<i32>} : memref<256xf32, #tpu.memory_space<vmem>>, vector<16xf32>,
      %swap3A_279 = arith.constant 80 : index
      %swap3A_280 = tpu.vector_load %arg30[%swap3A_279] {strides = array<i32>} : memref<256xf32, #tpu.memory_space<vmem>>, vector<16xf32>,
      tpu.vector_store %arg30[%swap3A_279], %add3A_272 {strides = array<i32>} : memref<256xf32, #tpu.memory_space<vmem>>, vector<16xf32>,
      %min3A_281 = arith.minimumf %min3A_258, %add3A_272 : vector<16xf32>
      %add3A_282 = arith.constant 6 : i32
      %add3A_283 = vector.broadcast %add3A_282 : i32 to vector<16xi32>
      %add3A_284 = arith.addi %add3A_143, %add3A_283 : vector<16xi32>
      %gather3A_285 = tpu.vector_load_idx %arg24[%add3A_284] : memref<2048xf32, #tpu.memory_space<vmem>>[vector<16xi32>], vector<16xf32>,
      %gather3A_286 = tpu.vector_load_idx %arg25[%add3A_284] : memref<2048xf32, #tpu.memory_space<vmem>>[vector<16xi32>], vector<16xf32>,
      %gather3A_287 = tpu.vector_load_idx %arg26[%add3A_284] : memref<2048xf32, #tpu.memory_space<vmem>>[vector<16xi32>], vector<16xf32>,
      %sub3A_288 = arith.subf %gather3A_285, %get3A_128 : vector<16xf32>
      %sub3A_289 = arith.subf %gather3A_286, %get3A_132 : vector<16xf32>
      %sub3A_290 = arith.subf %gather3A_287, %get3A_136 : vector<16xf32>
      %mul3A_291 = arith.mulf %sub3A_288, %sub3A_288 : vector<16xf32>
      %mul3A_292 = arith.mulf %sub3A_289, %sub3A_289 : vector<16xf32>
      %add3A_293 = arith.addf %mul3A_291, %mul3A_292 : vector<16xf32>
      %mul3A_294 = arith.mulf %sub3A_290, %sub3A_290 : vector<16xf32>
      %add3A_295 = arith.addf %add3A_293, %mul3A_294 : vector<16xf32>
      %swap3A_296 = arith.constant 96 : index
      %swap3A_297 = tpu.vector_load %arg27[%swap3A_296] {strides = array<i32>} : memref<256xf32, #tpu.memory_space<vmem>>, vector<16xf32>,
      tpu.vector_store %arg27[%swap3A_296], %gather3A_285 {strides = array<i32>} : memref<256xf32, #tpu.memory_space<vmem>>, vector<16xf32>,
      %swap3A_298 = arith.constant 96 : index
      %swap3A_299 = tpu.vector_load %arg28[%swap3A_298] {strides = array<i32>} : memref<256xf32, #tpu.memory_space<vmem>>, vector<16xf32>,
      tpu.vector_store %arg28[%swap3A_298], %gather3A_286 {strides = array<i32>} : memref<256xf32, #tpu.memory_space<vmem>>, vector<16xf32>,
      %swap3A_300 = arith.constant 96 : index
      %swap3A_301 = tpu.vector_load %arg29[%swap3A_300] {strides = array<i32>} : memref<256xf32, #tpu.memory_space<vmem>>, vector<16xf32>,
      tpu.vector_store %arg29[%swap3A_300], %gather3A_287 {strides = array<i32>} : memref<256xf32, #tpu.memory_space<vmem>>, vector<16xf32>,
      %swap3A_302 = arith.constant 96 : index
      %swap3A_303 = tpu.vector_load %arg30[%swap3A_302] {strides = array<i32>} : memref<256xf32, #tpu.memory_space<vmem>>, vector<16xf32>,
      tpu.vector_store %arg30[%swap3A_302], %add3A_295 {strides = array<i32>} : memref<256xf32, #tpu.memory_space<vmem>>, vector<16xf32>,
      %min3A_304 = arith.minimumf %min3A_281, %add3A_295 : vector<16xf32>
      %add3A_305 = arith.constant 7 : i32
      %add3A_306 = vector.broadcast %add3A_305 : i32 to vector<16xi32>
      %add3A_307 = arith.addi %add3A_143, %add3A_306 : vector<16xi32>
      %gather3A_308 = tpu.vector_load_idx %arg24[%add3A_307] : memref<2048xf32, #tpu.memory_space<vmem>>[vector<16xi32>], vector<16xf32>,
      %gather3A_309 = tpu.vector_load_idx %arg25[%add3A_307] : memref<2048xf32, #tpu.memory_space<vmem>>[vector<16xi32>], vector<16xf32>,
      %gather3A_310 = tpu.vector_load_idx %arg26[%add3A_307] : memref<2048xf32, #tpu.memory_space<vmem>>[vector<16xi32>], vector<16xf32>,
      %sub3A_311 = arith.subf %gather3A_308, %get3A_128 : vector<16xf32>
      %sub3A_312 = arith.subf %gather3A_309, %get3A_132 : vector<16xf32>
      %sub3A_313 = arith.subf %gather3A_310, %get3A_136 : vector<16xf32>
      %mul3A_314 = arith.mulf %sub3A_311, %sub3A_311 : vector<16xf32>
      %mul3A_315 = arith.mulf %sub3A_312, %sub3A_312 : vector<16xf32>
      %add3A_316 = arith.addf %mul3A_314, %mul3A_315 : vector<16xf32>
      %mul3A_317 = arith.mulf %sub3A_313, %sub3A_313 : vector<16xf32>
      %add3A_318 = arith.addf %add3A_316, %mul3A_317 : vector<16xf32>
      %swap3A_319 = arith.constant 112 : index
      %swap3A_320 = tpu.vector_load %arg27[%swap3A_319] {strides = array<i32>} : memref<256xf32, #tpu.memory_space<vmem>>, vector<16xf32>,
      tpu.vector_store %arg27[%swap3A_319], %gather3A_308 {strides = array<i32>} : memref<256xf32, #tpu.memory_space<vmem>>, vector<16xf32>,
      %swap3A_321 = arith.constant 112 : index
      %swap3A_322 = tpu.vector_load %arg28[%swap3A_321] {strides = array<i32>} : memref<256xf32, #tpu.memory_space<vmem>>, vector<16xf32>,
      tpu.vector_store %arg28[%swap3A_321], %gather3A_309 {strides = array<i32>} : memref<256xf32, #tpu.memory_space<vmem>>, vector<16xf32>,
      %swap3A_323 = arith.constant 112 : index
      %swap3A_324 = tpu.vector_load %arg29[%swap3A_323] {strides = array<i32>} : memref<256xf32, #tpu.memory_space<vmem>>, vector<16xf32>,
      tpu.vector_store %arg29[%swap3A_323], %gather3A_310 {strides = array<i32>} : memref<256xf32, #tpu.memory_space<vmem>>, vector<16xf32>,
      %swap3A_325 = arith.constant 112 : index
      %swap3A_326 = tpu.vector_load %arg30[%swap3A_325] {strides = array<i32>} : memref<256xf32, #tpu.memory_space<vmem>>, vector<16xf32>,
      tpu.vector_store %arg30[%swap3A_325], %add3A_318 {strides = array<i32>} : memref<256xf32, #tpu.memory_space<vmem>>, vector<16xf32>,
      %min3A_327 = arith.minimumf %min3A_304, %add3A_318 : vector<16xf32>
      %add3A_328 = arith.constant 8 : i32
      %add3A_329 = vector.broadcast %add3A_328 : i32 to vector<16xi32>
      %add3A_330 = arith.addi %add3A_143, %add3A_329 : vector<16xi32>
      %gather3A_331 = tpu.vector_load_idx %arg24[%add3A_330] : memref<2048xf32, #tpu.memory_space<vmem>>[vector<16xi32>], vector<16xf32>,
      %gather3A_332 = tpu.vector_load_idx %arg25[%add3A_330] : memref<2048xf32, #tpu.memory_space<vmem>>[vector<16xi32>], vector<16xf32>,
      %gather3A_333 = tpu.vector_load_idx %arg26[%add3A_330] : memref<2048xf32, #tpu.memory_space<vmem>>[vector<16xi32>], vector<16xf32>,
      %sub3A_334 = arith.subf %gather3A_331, %get3A_128 : vector<16xf32>
      %sub3A_335 = arith.subf %gather3A_332, %get3A_132 : vector<16xf32>
      %sub3A_336 = arith.subf %gather3A_333, %get3A_136 : vector<16xf32>
      %mul3A_337 = arith.mulf %sub3A_334, %sub3A_334 : vector<16xf32>
      %mul3A_338 = arith.mulf %sub3A_335, %sub3A_335 : vector<16xf32>
      %add3A_339 = arith.addf %mul3A_337, %mul3A_338 : vector<16xf32>
      %mul3A_340 = arith.mulf %sub3A_336, %sub3A_336 : vector<16xf32>
      %add3A_341 = arith.addf %add3A_339, %mul3A_340 : vector<16xf32>
      %swap3A_342 = arith.constant 128 : index
      %swap3A_343 = tpu.vector_load %arg27[%swap3A_342] {strides = array<i32>} : memref<256xf32, #tpu.memory_space<vmem>>, vector<16xf32>,
      tpu.vector_store %arg27[%swap3A_342], %gather3A_331 {strides = array<i32>} : memref<256xf32, #tpu.memory_space<vmem>>, vector<16xf32>,
      %swap3A_344 = arith.constant 128 : index
      %swap3A_345 = tpu.vector_load %arg28[%swap3A_344] {strides = array<i32>} : memref<256xf32, #tpu.memory_space<vmem>>, vector<16xf32>,
      tpu.vector_store %arg28[%swap3A_344], %gather3A_332 {strides = array<i32>} : memref<256xf32, #tpu.memory_space<vmem>>, vector<16xf32>,
      %swap3A_346 = arith.constant 128 : index
      %swap3A_347 = tpu.vector_load %arg29[%swap3A_346] {strides = array<i32>} : memref<256xf32, #tpu.memory_space<vmem>>, vector<16xf32>,
      tpu.vector_store %arg29[%swap3A_346], %gather3A_333 {strides = array<i32>} : memref<256xf32, #tpu.memory_space<vmem>>, vector<16xf32>,
      %swap3A_348 = arith.constant 128 : index
      %swap3A_349 = tpu.vector_load %arg30[%swap3A_348] {strides = array<i32>} : memref<256xf32, #tpu.memory_space<vmem>>, vector<16xf32>,
      tpu.vector_store %arg30[%swap3A_348], %add3A_341 {strides = array<i32>} : memref<256xf32, #tpu.memory_space<vmem>>, vector<16xf32>,
      %min3A_350 = arith.minimumf %min3A_327, %add3A_341 : vector<16xf32>
      %add3A_351 = arith.constant 9 : i32
      %add3A_352 = vector.broadcast %add3A_351 : i32 to vector<16xi32>
      %add3A_353 = arith.addi %add3A_143, %add3A_352 : vector<16xi32>
      %gather3A_354 = tpu.vector_load_idx %arg24[%add3A_353] : memref<2048xf32, #tpu.memory_space<vmem>>[vector<16xi32>], vector<16xf32>,
      %gather3A_355 = tpu.vector_load_idx %arg25[%add3A_353] : memref<2048xf32, #tpu.memory_space<vmem>>[vector<16xi32>], vector<16xf32>,
      %gather3A_356 = tpu.vector_load_idx %arg26[%add3A_353] : memref<2048xf32, #tpu.memory_space<vmem>>[vector<16xi32>], vector<16xf32>,
      %sub3A_357 = arith.subf %gather3A_354, %get3A_128 : vector<16xf32>
      %sub3A_358 = arith.subf %gather3A_355, %get3A_132 : vector<16xf32>
      %sub3A_359 = arith.subf %gather3A_356, %get3A_136 : vector<16xf32>
      %mul3A_360 = arith.mulf %sub3A_357, %sub3A_357 : vector<16xf32>
      %mul3A_361 = arith.mulf %sub3A_358, %sub3A_358 : vector<16xf32>
      %add3A_362 = arith.addf %mul3A_360, %mul3A_361 : vector<16xf32>
      %mul3A_363 = arith.mulf %sub3A_359, %sub3A_359 : vector<16xf32>
      %add3A_364 = arith.addf %add3A_362, %mul3A_363 : vector<16xf32>
      %swap3A_365 = arith.constant 144 : index
      %swap3A_366 = tpu.vector_load %arg27[%swap3A_365] {strides = array<i32>} : memref<256xf32, #tpu.memory_space<vmem>>, vector<16xf32>,
      tpu.vector_store %arg27[%swap3A_365], %gather3A_354 {strides = array<i32>} : memref<256xf32, #tpu.memory_space<vmem>>, vector<16xf32>,
      %swap3A_367 = arith.constant 144 : index
      %swap3A_368 = tpu.vector_load %arg28[%swap3A_367] {strides = array<i32>} : memref<256xf32, #tpu.memory_space<vmem>>, vector<16xf32>,
      tpu.vector_store %arg28[%swap3A_367], %gather3A_355 {strides = array<i32>} : memref<256xf32, #tpu.memory_space<vmem>>, vector<16xf32>,
      %swap3A_369 = arith.constant 144 : index
      %swap3A_370 = tpu.vector_load %arg29[%swap3A_369] {strides = array<i32>} : memref<256xf32, #tpu.memory_space<vmem>>, vector<16xf32>,
      tpu.vector_store %arg29[%swap3A_369], %gather3A_356 {strides = array<i32>} : memref<256xf32, #tpu.memory_space<vmem>>, vector<16xf32>,
      %swap3A_371 = arith.constant 144 : index
      %swap3A_372 = tpu.vector_load %arg30[%swap3A_371] {strides = array<i32>} : memref<256xf32, #tpu.memory_space<vmem>>, vector<16xf32>,
      tpu.vector_store %arg30[%swap3A_371], %add3A_364 {strides = array<i32>} : memref<256xf32, #tpu.memory_space<vmem>>, vector<16xf32>,
      %min3A_373 = arith.minimumf %min3A_350, %add3A_364 : vector<16xf32>
      %add3A_374 = arith.constant 10 : i32
      %add3A_375 = vector.broadcast %add3A_374 : i32 to vector<16xi32>
      %add3A_376 = arith.addi %add3A_143, %add3A_375 : vector<16xi32>
      %gather3A_377 = tpu.vector_load_idx %arg24[%add3A_376] : memref<2048xf32, #tpu.memory_space<vmem>>[vector<16xi32>], vector<16xf32>,
      %gather3A_378 = tpu.vector_load_idx %arg25[%add3A_376] : memref<2048xf32, #tpu.memory_space<vmem>>[vector<16xi32>], vector<16xf32>,
      %gather3A_379 = tpu.vector_load_idx %arg26[%add3A_376] : memref<2048xf32, #tpu.memory_space<vmem>>[vector<16xi32>], vector<16xf32>,
      %sub3A_380 = arith.subf %gather3A_377, %get3A_128 : vector<16xf32>
      %sub3A_381 = arith.subf %gather3A_378, %get3A_132 : vector<16xf32>
      %sub3A_382 = arith.subf %gather3A_379, %get3A_136 : vector<16xf32>
      %mul3A_383 = arith.mulf %sub3A_380, %sub3A_380 : vector<16xf32>
      %mul3A_384 = arith.mulf %sub3A_381, %sub3A_381 : vector<16xf32>
      %add3A_385 = arith.addf %mul3A_383, %mul3A_384 : vector<16xf32>
      %mul3A_386 = arith.mulf %sub3A_382, %sub3A_382 : vector<16xf32>
      %add3A_387 = arith.addf %add3A_385, %mul3A_386 : vector<16xf32>
      %swap3A_388 = arith.constant 160 : index
      %swap3A_389 = tpu.vector_load %arg27[%swap3A_388] {strides = array<i32>} : memref<256xf32, #tpu.memory_space<vmem>>, vector<16xf32>,
      tpu.vector_store %arg27[%swap3A_388], %gather3A_377 {strides = array<i32>} : memref<256xf32, #tpu.memory_space<vmem>>, vector<16xf32>,
      %swap3A_390 = arith.constant 160 : index
      %swap3A_391 = tpu.vector_load %arg28[%swap3A_390] {strides = array<i32>} : memref<256xf32, #tpu.memory_space<vmem>>, vector<16xf32>,
      tpu.vector_store %arg28[%swap3A_390], %gather3A_378 {strides = array<i32>} : memref<256xf32, #tpu.memory_space<vmem>>, vector<16xf32>,
      %swap3A_392 = arith.constant 160 : index
      %swap3A_393 = tpu.vector_load %arg29[%swap3A_392] {strides = array<i32>} : memref<256xf32, #tpu.memory_space<vmem>>, vector<16xf32>,
      tpu.vector_store %arg29[%swap3A_392], %gather3A_379 {strides = array<i32>} : memref<256xf32, #tpu.memory_space<vmem>>, vector<16xf32>,
      %swap3A_394 = arith.constant 160 : index
      %swap3A_395 = tpu.vector_load %arg30[%swap3A_394] {strides = array<i32>} : memref<256xf32, #tpu.memory_space<vmem>>, vector<16xf32>,
      tpu.vector_store %arg30[%swap3A_394], %add3A_387 {strides = array<i32>} : memref<256xf32, #tpu.memory_space<vmem>>, vector<16xf32>,
      %min3A_396 = arith.minimumf %min3A_373, %add3A_387 : vector<16xf32>
      %add3A_397 = arith.constant 11 : i32
      %add3A_398 = vector.broadcast %add3A_397 : i32 to vector<16xi32>
      %add3A_399 = arith.addi %add3A_143, %add3A_398 : vector<16xi32>
      %gather3A_400 = tpu.vector_load_idx %arg24[%add3A_399] : memref<2048xf32, #tpu.memory_space<vmem>>[vector<16xi32>], vector<16xf32>,
      %gather3A_401 = tpu.vector_load_idx %arg25[%add3A_399] : memref<2048xf32, #tpu.memory_space<vmem>>[vector<16xi32>], vector<16xf32>,
      %gather3A_402 = tpu.vector_load_idx %arg26[%add3A_399] : memref<2048xf32, #tpu.memory_space<vmem>>[vector<16xi32>], vector<16xf32>,
      %sub3A_403 = arith.subf %gather3A_400, %get3A_128 : vector<16xf32>
      %sub3A_404 = arith.subf %gather3A_401, %get3A_132 : vector<16xf32>
      %sub3A_405 = arith.subf %gather3A_402, %get3A_136 : vector<16xf32>
      %mul3A_406 = arith.mulf %sub3A_403, %sub3A_403 : vector<16xf32>
      %mul3A_407 = arith.mulf %sub3A_404, %sub3A_404 : vector<16xf32>
      %add3A_408 = arith.addf %mul3A_406, %mul3A_407 : vector<16xf32>
      %mul3A_409 = arith.mulf %sub3A_405, %sub3A_405 : vector<16xf32>
      %add3A_410 = arith.addf %add3A_408, %mul3A_409 : vector<16xf32>
      %swap3A_411 = arith.constant 176 : index
      %swap3A_412 = tpu.vector_load %arg27[%swap3A_411] {strides = array<i32>} : memref<256xf32, #tpu.memory_space<vmem>>, vector<16xf32>,
      tpu.vector_store %arg27[%swap3A_411], %gather3A_400 {strides = array<i32>} : memref<256xf32, #tpu.memory_space<vmem>>, vector<16xf32>,
      %swap3A_413 = arith.constant 176 : index
      %swap3A_414 = tpu.vector_load %arg28[%swap3A_413] {strides = array<i32>} : memref<256xf32, #tpu.memory_space<vmem>>, vector<16xf32>,
      tpu.vector_store %arg28[%swap3A_413], %gather3A_401 {strides = array<i32>} : memref<256xf32, #tpu.memory_space<vmem>>, vector<16xf32>,
      %swap3A_415 = arith.constant 176 : index
      %swap3A_416 = tpu.vector_load %arg29[%swap3A_415] {strides = array<i32>} : memref<256xf32, #tpu.memory_space<vmem>>, vector<16xf32>,
      tpu.vector_store %arg29[%swap3A_415], %gather3A_402 {strides = array<i32>} : memref<256xf32, #tpu.memory_space<vmem>>, vector<16xf32>,
      %swap3A_417 = arith.constant 176 : index
      %swap3A_418 = tpu.vector_load %arg30[%swap3A_417] {strides = array<i32>} : memref<256xf32, #tpu.memory_space<vmem>>, vector<16xf32>,
      tpu.vector_store %arg30[%swap3A_417], %add3A_410 {strides = array<i32>} : memref<256xf32, #tpu.memory_space<vmem>>, vector<16xf32>,
      %min3A_419 = arith.minimumf %min3A_396, %add3A_410 : vector<16xf32>
      %add3A_420 = arith.constant 12 : i32
      %add3A_421 = vector.broadcast %add3A_420 : i32 to vector<16xi32>
      %add3A_422 = arith.addi %add3A_143, %add3A_421 : vector<16xi32>
      %gather3A_423 = tpu.vector_load_idx %arg24[%add3A_422] : memref<2048xf32, #tpu.memory_space<vmem>>[vector<16xi32>], vector<16xf32>,
      %gather3A_424 = tpu.vector_load_idx %arg25[%add3A_422] : memref<2048xf32, #tpu.memory_space<vmem>>[vector<16xi32>], vector<16xf32>,
      %gather3A_425 = tpu.vector_load_idx %arg26[%add3A_422] : memref<2048xf32, #tpu.memory_space<vmem>>[vector<16xi32>], vector<16xf32>,
      %sub3A_426 = arith.subf %gather3A_423, %get3A_128 : vector<16xf32>
      %sub3A_427 = arith.subf %gather3A_424, %get3A_132 : vector<16xf32>
      %sub3A_428 = arith.subf %gather3A_425, %get3A_136 : vector<16xf32>
      %mul3A_429 = arith.mulf %sub3A_426, %sub3A_426 : vector<16xf32>
      %mul3A_430 = arith.mulf %sub3A_427, %sub3A_427 : vector<16xf32>
      %add3A_431 = arith.addf %mul3A_429, %mul3A_430 : vector<16xf32>
      %mul3A_432 = arith.mulf %sub3A_428, %sub3A_428 : vector<16xf32>
      %add3A_433 = arith.addf %add3A_431, %mul3A_432 : vector<16xf32>
      %swap3A_434 = arith.constant 192 : index
      %swap3A_435 = tpu.vector_load %arg27[%swap3A_434] {strides = array<i32>} : memref<256xf32, #tpu.memory_space<vmem>>, vector<16xf32>,
      tpu.vector_store %arg27[%swap3A_434], %gather3A_423 {strides = array<i32>} : memref<256xf32, #tpu.memory_space<vmem>>, vector<16xf32>,
      %swap3A_436 = arith.constant 192 : index
      %swap3A_437 = tpu.vector_load %arg28[%swap3A_436] {strides = array<i32>} : memref<256xf32, #tpu.memory_space<vmem>>, vector<16xf32>,
      tpu.vector_store %arg28[%swap3A_436], %gather3A_424 {strides = array<i32>} : memref<256xf32, #tpu.memory_space<vmem>>, vector<16xf32>,
      %swap3A_438 = arith.constant 192 : index
      %swap3A_439 = tpu.vector_load %arg29[%swap3A_438] {strides = array<i32>} : memref<256xf32, #tpu.memory_space<vmem>>, vector<16xf32>,
      tpu.vector_store %arg29[%swap3A_438], %gather3A_425 {strides = array<i32>} : memref<256xf32, #tpu.memory_space<vmem>>, vector<16xf32>,
      %swap3A_440 = arith.constant 192 : index
      %swap3A_441 = tpu.vector_load %arg30[%swap3A_440] {strides = array<i32>} : memref<256xf32, #tpu.memory_space<vmem>>, vector<16xf32>,
      tpu.vector_store %arg30[%swap3A_440], %add3A_433 {strides = array<i32>} : memref<256xf32, #tpu.memory_space<vmem>>, vector<16xf32>,
      %min3A_442 = arith.minimumf %min3A_419, %add3A_433 : vector<16xf32>
      %add3A_443 = arith.constant 13 : i32
      %add3A_444 = vector.broadcast %add3A_443 : i32 to vector<16xi32>
      %add3A_445 = arith.addi %add3A_143, %add3A_444 : vector<16xi32>
      %gather3A_446 = tpu.vector_load_idx %arg24[%add3A_445] : memref<2048xf32, #tpu.memory_space<vmem>>[vector<16xi32>], vector<16xf32>,
      %gather3A_447 = tpu.vector_load_idx %arg25[%add3A_445] : memref<2048xf32, #tpu.memory_space<vmem>>[vector<16xi32>], vector<16xf32>,
      %gather3A_448 = tpu.vector_load_idx %arg26[%add3A_445] : memref<2048xf32, #tpu.memory_space<vmem>>[vector<16xi32>], vector<16xf32>,
      %sub3A_449 = arith.subf %gather3A_446, %get3A_128 : vector<16xf32>
      %sub3A_450 = arith.subf %gather3A_447, %get3A_132 : vector<16xf32>
      %sub3A_451 = arith.subf %gather3A_448, %get3A_136 : vector<16xf32>
      %mul3A_452 = arith.mulf %sub3A_449, %sub3A_449 : vector<16xf32>
      %mul3A_453 = arith.mulf %sub3A_450, %sub3A_450 : vector<16xf32>
      %add3A_454 = arith.addf %mul3A_452, %mul3A_453 : vector<16xf32>
      %mul3A_455 = arith.mulf %sub3A_451, %sub3A_451 : vector<16xf32>
      %add3A_456 = arith.addf %add3A_454, %mul3A_455 : vector<16xf32>
      %swap3A_457 = arith.constant 208 : index
      %swap3A_458 = tpu.vector_load %arg27[%swap3A_457] {strides = array<i32>} : memref<256xf32, #tpu.memory_space<vmem>>, vector<16xf32>,
      tpu.vector_store %arg27[%swap3A_457], %gather3A_446 {strides = array<i32>} : memref<256xf32, #tpu.memory_space<vmem>>, vector<16xf32>,
      %swap3A_459 = arith.constant 208 : index
      %swap3A_460 = tpu.vector_load %arg28[%swap3A_459] {strides = array<i32>} : memref<256xf32, #tpu.memory_space<vmem>>, vector<16xf32>,
      tpu.vector_store %arg28[%swap3A_459], %gather3A_447 {strides = array<i32>} : memref<256xf32, #tpu.memory_space<vmem>>, vector<16xf32>,
      %swap3A_461 = arith.constant 208 : index
      %swap3A_462 = tpu.vector_load %arg29[%swap3A_461] {strides = array<i32>} : memref<256xf32, #tpu.memory_space<vmem>>, vector<16xf32>,
      tpu.vector_store %arg29[%swap3A_461], %gather3A_448 {strides = array<i32>} : memref<256xf32, #tpu.memory_space<vmem>>, vector<16xf32>,
      %swap3A_463 = arith.constant 208 : index
      %swap3A_464 = tpu.vector_load %arg30[%swap3A_463] {strides = array<i32>} : memref<256xf32, #tpu.memory_space<vmem>>, vector<16xf32>,
      tpu.vector_store %arg30[%swap3A_463], %add3A_456 {strides = array<i32>} : memref<256xf32, #tpu.memory_space<vmem>>, vector<16xf32>,
      %min3A_465 = arith.minimumf %min3A_442, %add3A_456 : vector<16xf32>
      %add3A_466 = arith.constant 14 : i32
      %add3A_467 = vector.broadcast %add3A_466 : i32 to vector<16xi32>
      %add3A_468 = arith.addi %add3A_143, %add3A_467 : vector<16xi32>
      %gather3A_469 = tpu.vector_load_idx %arg24[%add3A_468] : memref<2048xf32, #tpu.memory_space<vmem>>[vector<16xi32>], vector<16xf32>,
      %gather3A_470 = tpu.vector_load_idx %arg25[%add3A_468] : memref<2048xf32, #tpu.memory_space<vmem>>[vector<16xi32>], vector<16xf32>,
      %gather3A_471 = tpu.vector_load_idx %arg26[%add3A_468] : memref<2048xf32, #tpu.memory_space<vmem>>[vector<16xi32>], vector<16xf32>,
      %sub3A_472 = arith.subf %gather3A_469, %get3A_128 : vector<16xf32>
      %sub3A_473 = arith.subf %gather3A_470, %get3A_132 : vector<16xf32>
      %sub3A_474 = arith.subf %gather3A_471, %get3A_136 : vector<16xf32>
      %mul3A_475 = arith.mulf %sub3A_472, %sub3A_472 : vector<16xf32>
      %mul3A_476 = arith.mulf %sub3A_473, %sub3A_473 : vector<16xf32>
      %add3A_477 = arith.addf %mul3A_475, %mul3A_476 : vector<16xf32>
      %mul3A_478 = arith.mulf %sub3A_474, %sub3A_474 : vector<16xf32>
      %add3A_479 = arith.addf %add3A_477, %mul3A_478 : vector<16xf32>
      %swap3A_480 = arith.constant 224 : index
      %swap3A_481 = tpu.vector_load %arg27[%swap3A_480] {strides = array<i32>} : memref<256xf32, #tpu.memory_space<vmem>>, vector<16xf32>,
      tpu.vector_store %arg27[%swap3A_480], %gather3A_469 {strides = array<i32>} : memref<256xf32, #tpu.memory_space<vmem>>, vector<16xf32>,
      %swap3A_482 = arith.constant 224 : index
      %swap3A_483 = tpu.vector_load %arg28[%swap3A_482] {strides = array<i32>} : memref<256xf32, #tpu.memory_space<vmem>>, vector<16xf32>,
      tpu.vector_store %arg28[%swap3A_482], %gather3A_470 {strides = array<i32>} : memref<256xf32, #tpu.memory_space<vmem>>, vector<16xf32>,
      %swap3A_484 = arith.constant 224 : index
      %swap3A_485 = tpu.vector_load %arg29[%swap3A_484] {strides = array<i32>} : memref<256xf32, #tpu.memory_space<vmem>>, vector<16xf32>,
      tpu.vector_store %arg29[%swap3A_484], %gather3A_471 {strides = array<i32>} : memref<256xf32, #tpu.memory_space<vmem>>, vector<16xf32>,
      %swap3A_486 = arith.constant 224 : index
      %swap3A_487 = tpu.vector_load %arg30[%swap3A_486] {strides = array<i32>} : memref<256xf32, #tpu.memory_space<vmem>>, vector<16xf32>,
      tpu.vector_store %arg30[%swap3A_486], %add3A_479 {strides = array<i32>} : memref<256xf32, #tpu.memory_space<vmem>>, vector<16xf32>,
      %min3A_488 = arith.minimumf %min3A_465, %add3A_479 : vector<16xf32>
      %add3A_489 = arith.constant 15 : i32
      %add3A_490 = vector.broadcast %add3A_489 : i32 to vector<16xi32>
      %add3A_491 = arith.addi %add3A_143, %add3A_490 : vector<16xi32>
      %gather3A_492 = tpu.vector_load_idx %arg24[%add3A_491] : memref<2048xf32, #tpu.memory_space<vmem>>[vector<16xi32>], vector<16xf32>,
      %gather3A_493 = tpu.vector_load_idx %arg25[%add3A_491] : memref<2048xf32, #tpu.memory_space<vmem>>[vector<16xi32>], vector<16xf32>,
      %gather3A_494 = tpu.vector_load_idx %arg26[%add3A_491] : memref<2048xf32, #tpu.memory_space<vmem>>[vector<16xi32>], vector<16xf32>,
      %sub3A_495 = arith.subf %gather3A_492, %get3A_128 : vector<16xf32>
      %sub3A_496 = arith.subf %gather3A_493, %get3A_132 : vector<16xf32>
      %sub3A_497 = arith.subf %gather3A_494, %get3A_136 : vector<16xf32>
      %mul3A_498 = arith.mulf %sub3A_495, %sub3A_495 : vector<16xf32>
      %mul3A_499 = arith.mulf %sub3A_496, %sub3A_496 : vector<16xf32>
      %add3A_500 = arith.addf %mul3A_498, %mul3A_499 : vector<16xf32>
      %mul3A_501 = arith.mulf %sub3A_497, %sub3A_497 : vector<16xf32>
      %add3A_502 = arith.addf %add3A_500, %mul3A_501 : vector<16xf32>
      %swap3A_503 = arith.constant 240 : index
      %swap3A_504 = tpu.vector_load %arg27[%swap3A_503] {strides = array<i32>} : memref<256xf32, #tpu.memory_space<vmem>>, vector<16xf32>,
      tpu.vector_store %arg27[%swap3A_503], %gather3A_492 {strides = array<i32>} : memref<256xf32, #tpu.memory_space<vmem>>, vector<16xf32>,
      %swap3A_505 = arith.constant 240 : index
      %swap3A_506 = tpu.vector_load %arg28[%swap3A_505] {strides = array<i32>} : memref<256xf32, #tpu.memory_space<vmem>>, vector<16xf32>,
      tpu.vector_store %arg28[%swap3A_505], %gather3A_493 {strides = array<i32>} : memref<256xf32, #tpu.memory_space<vmem>>, vector<16xf32>,
      %swap3A_507 = arith.constant 240 : index
      %swap3A_508 = tpu.vector_load %arg29[%swap3A_507] {strides = array<i32>} : memref<256xf32, #tpu.memory_space<vmem>>, vector<16xf32>,
      tpu.vector_store %arg29[%swap3A_507], %gather3A_494 {strides = array<i32>} : memref<256xf32, #tpu.memory_space<vmem>>, vector<16xf32>,
      %swap3A_509 = arith.constant 240 : index
      %swap3A_510 = tpu.vector_load %arg30[%swap3A_509] {strides = array<i32>} : memref<256xf32, #tpu.memory_space<vmem>>, vector<16xf32>,
      tpu.vector_store %arg30[%swap3A_509], %add3A_502 {strides = array<i32>} : memref<256xf32, #tpu.memory_space<vmem>>, vector<16xf32>,
      %min3A_511 = arith.minimumf %min3A_488, %add3A_502 : vector<16xf32>
      %broadcast_in_dim3A_512 = arith.constant 0.000000e+00 : f32
      %broadcast_in_dim3A_513 = vector.broadcast %broadcast_in_dim3A_512 : f32 to vector<16xf32>
      %broadcast_in_dim3A_514 = arith.constant 0.000000e+00 : f32
      %broadcast_in_dim3A_515 = vector.broadcast %broadcast_in_dim3A_514 : f32 to vector<16xf32>
      %broadcast_in_dim3A_516 = arith.constant 0.000000e+00 : f32
      %broadcast_in_dim3A_517 = vector.broadcast %broadcast_in_dim3A_516 : f32 to vector<16xf32>
      %broadcast_in_dim3A_518 = arith.constant 0.000000e+00 : f32
      %broadcast_in_dim3A_519 = vector.broadcast %broadcast_in_dim3A_518 : f32 to vector<16xf32>
      %get3A_520 = arith.constant 0 : index
      %get3A_521 = tpu.vector_load %arg30[%get3A_520] {strides = array<i32>} : memref<256xf32, #tpu.memory_space<vmem>>, vector<16xf32>,
      %sub3A_522 = arith.subf %min3A_511, %get3A_521 : vector<16xf32>
      %mul3A_523 = arith.mulf %sub3A_522, %get3A_145 : vector<16xf32>
      %exp3A = math.exp %mul3A_523 : vector<16xf32>
      %add3A_524 = arith.addf %broadcast_in_dim3A_513, %exp3A : vector<16xf32>
      %get3A_525 = arith.constant 0 : index
      %get3A_526 = tpu.vector_load %arg27[%get3A_525] {strides = array<i32>} : memref<256xf32, #tpu.memory_space<vmem>>, vector<16xf32>,
      %mul3A_527 = arith.mulf %exp3A, %get3A_526 : vector<16xf32>
      %add3A_528 = arith.addf %broadcast_in_dim3A_515, %mul3A_527 : vector<16xf32>
      %get3A_529 = arith.constant 0 : index
      %get3A_530 = tpu.vector_load %arg28[%get3A_529] {strides = array<i32>} : memref<256xf32, #tpu.memory_space<vmem>>, vector<16xf32>,
      %mul3A_531 = arith.mulf %exp3A, %get3A_530 : vector<16xf32>
      %add3A_532 = arith.addf %broadcast_in_dim3A_517, %mul3A_531 : vector<16xf32>
      %get3A_533 = arith.constant 0 : index
      %get3A_534 = tpu.vector_load %arg29[%get3A_533] {strides = array<i32>} : memref<256xf32, #tpu.memory_space<vmem>>, vector<16xf32>,
      %mul3A_535 = arith.mulf %exp3A, %get3A_534 : vector<16xf32>
      %add3A_536 = arith.addf %broadcast_in_dim3A_519, %mul3A_535 : vector<16xf32>
      %get3A_537 = arith.constant 16 : index
      %get3A_538 = tpu.vector_load %arg30[%get3A_537] {strides = array<i32>} : memref<256xf32, #tpu.memory_space<vmem>>, vector<16xf32>,
      %sub3A_539 = arith.subf %min3A_511, %get3A_538 : vector<16xf32>
      %mul3A_540 = arith.mulf %sub3A_539, %get3A_145 : vector<16xf32>
      %exp3A_541 = math.exp %mul3A_540 : vector<16xf32>
      %add3A_542 = arith.addf %add3A_524, %exp3A_541 : vector<16xf32>
      %get3A_543 = arith.constant 16 : index
      %get3A_544 = tpu.vector_load %arg27[%get3A_543] {strides = array<i32>} : memref<256xf32, #tpu.memory_space<vmem>>, vector<16xf32>,
      %mul3A_545 = arith.mulf %exp3A_541, %get3A_544 : vector<16xf32>
      %add3A_546 = arith.addf %add3A_528, %mul3A_545 : vector<16xf32>
      %get3A_547 = arith.constant 16 : index
      %get3A_548 = tpu.vector_load %arg28[%get3A_547] {strides = array<i32>} : memref<256xf32, #tpu.memory_space<vmem>>, vector<16xf32>,
      %mul3A_549 = arith.mulf %exp3A_541, %get3A_548 : vector<16xf32>
      %add3A_550 = arith.addf %add3A_532, %mul3A_549 : vector<16xf32>
      %get3A_551 = arith.constant 16 : index
      %get3A_552 = tpu.vector_load %arg29[%get3A_551] {strides = array<i32>} : memref<256xf32, #tpu.memory_space<vmem>>, vector<16xf32>,
      %mul3A_553 = arith.mulf %exp3A_541, %get3A_552 : vector<16xf32>
      %add3A_554 = arith.addf %add3A_536, %mul3A_553 : vector<16xf32>
      %get3A_555 = arith.constant 32 : index
      %get3A_556 = tpu.vector_load %arg30[%get3A_555] {strides = array<i32>} : memref<256xf32, #tpu.memory_space<vmem>>, vector<16xf32>,
      %sub3A_557 = arith.subf %min3A_511, %get3A_556 : vector<16xf32>
      %mul3A_558 = arith.mulf %sub3A_557, %get3A_145 : vector<16xf32>
      %exp3A_559 = math.exp %mul3A_558 : vector<16xf32>
      %add3A_560 = arith.addf %add3A_542, %exp3A_559 : vector<16xf32>
      %get3A_561 = arith.constant 32 : index
      %get3A_562 = tpu.vector_load %arg27[%get3A_561] {strides = array<i32>} : memref<256xf32, #tpu.memory_space<vmem>>, vector<16xf32>,
      %mul3A_563 = arith.mulf %exp3A_559, %get3A_562 : vector<16xf32>
      %add3A_564 = arith.addf %add3A_546, %mul3A_563 : vector<16xf32>
      %get3A_565 = arith.constant 32 : index
      %get3A_566 = tpu.vector_load %arg28[%get3A_565] {strides = array<i32>} : memref<256xf32, #tpu.memory_space<vmem>>, vector<16xf32>,
      %mul3A_567 = arith.mulf %exp3A_559, %get3A_566 : vector<16xf32>
      %add3A_568 = arith.addf %add3A_550, %mul3A_567 : vector<16xf32>
      %get3A_569 = arith.constant 32 : index
      %get3A_570 = tpu.vector_load %arg29[%get3A_569] {strides = array<i32>} : memref<256xf32, #tpu.memory_space<vmem>>, vector<16xf32>,
      %mul3A_571 = arith.mulf %exp3A_559, %get3A_570 : vector<16xf32>
      %add3A_572 = arith.addf %add3A_554, %mul3A_571 : vector<16xf32>
      %get3A_573 = arith.constant 48 : index
      %get3A_574 = tpu.vector_load %arg30[%get3A_573] {strides = array<i32>} : memref<256xf32, #tpu.memory_space<vmem>>, vector<16xf32>,
      %sub3A_575 = arith.subf %min3A_511, %get3A_574 : vector<16xf32>
      %mul3A_576 = arith.mulf %sub3A_575, %get3A_145 : vector<16xf32>
      %exp3A_577 = math.exp %mul3A_576 : vector<16xf32>
      %add3A_578 = arith.addf %add3A_560, %exp3A_577 : vector<16xf32>
      %get3A_579 = arith.constant 48 : index
      %get3A_580 = tpu.vector_load %arg27[%get3A_579] {strides = array<i32>} : memref<256xf32, #tpu.memory_space<vmem>>, vector<16xf32>,
      %mul3A_581 = arith.mulf %exp3A_577, %get3A_580 : vector<16xf32>
      %add3A_582 = arith.addf %add3A_564, %mul3A_581 : vector<16xf32>
      %get3A_583 = arith.constant 48 : index
      %get3A_584 = tpu.vector_load %arg28[%get3A_583] {strides = array<i32>} : memref<256xf32, #tpu.memory_space<vmem>>, vector<16xf32>,
      %mul3A_585 = arith.mulf %exp3A_577, %get3A_584 : vector<16xf32>
      %add3A_586 = arith.addf %add3A_568, %mul3A_585 : vector<16xf32>
      %get3A_587 = arith.constant 48 : index
      %get3A_588 = tpu.vector_load %arg29[%get3A_587] {strides = array<i32>} : memref<256xf32, #tpu.memory_space<vmem>>, vector<16xf32>,
      %mul3A_589 = arith.mulf %exp3A_577, %get3A_588 : vector<16xf32>
      %add3A_590 = arith.addf %add3A_572, %mul3A_589 : vector<16xf32>
      %get3A_591 = arith.constant 64 : index
      %get3A_592 = tpu.vector_load %arg30[%get3A_591] {strides = array<i32>} : memref<256xf32, #tpu.memory_space<vmem>>, vector<16xf32>,
      %sub3A_593 = arith.subf %min3A_511, %get3A_592 : vector<16xf32>
      %mul3A_594 = arith.mulf %sub3A_593, %get3A_145 : vector<16xf32>
      %exp3A_595 = math.exp %mul3A_594 : vector<16xf32>
      %add3A_596 = arith.addf %add3A_578, %exp3A_595 : vector<16xf32>
      %get3A_597 = arith.constant 64 : index
      %get3A_598 = tpu.vector_load %arg27[%get3A_597] {strides = array<i32>} : memref<256xf32, #tpu.memory_space<vmem>>, vector<16xf32>,
      %mul3A_599 = arith.mulf %exp3A_595, %get3A_598 : vector<16xf32>
      %add3A_600 = arith.addf %add3A_582, %mul3A_599 : vector<16xf32>
      %get3A_601 = arith.constant 64 : index
      %get3A_602 = tpu.vector_load %arg28[%get3A_601] {strides = array<i32>} : memref<256xf32, #tpu.memory_space<vmem>>, vector<16xf32>,
      %mul3A_603 = arith.mulf %exp3A_595, %get3A_602 : vector<16xf32>
      %add3A_604 = arith.addf %add3A_586, %mul3A_603 : vector<16xf32>
      %get3A_605 = arith.constant 64 : index
      %get3A_606 = tpu.vector_load %arg29[%get3A_605] {strides = array<i32>} : memref<256xf32, #tpu.memory_space<vmem>>, vector<16xf32>,
      %mul3A_607 = arith.mulf %exp3A_595, %get3A_606 : vector<16xf32>
      %add3A_608 = arith.addf %add3A_590, %mul3A_607 : vector<16xf32>
      %get3A_609 = arith.constant 80 : index
      %get3A_610 = tpu.vector_load %arg30[%get3A_609] {strides = array<i32>} : memref<256xf32, #tpu.memory_space<vmem>>, vector<16xf32>,
      %sub3A_611 = arith.subf %min3A_511, %get3A_610 : vector<16xf32>
      %mul3A_612 = arith.mulf %sub3A_611, %get3A_145 : vector<16xf32>
      %exp3A_613 = math.exp %mul3A_612 : vector<16xf32>
      %add3A_614 = arith.addf %add3A_596, %exp3A_613 : vector<16xf32>
      %get3A_615 = arith.constant 80 : index
      %get3A_616 = tpu.vector_load %arg27[%get3A_615] {strides = array<i32>} : memref<256xf32, #tpu.memory_space<vmem>>, vector<16xf32>,
      %mul3A_617 = arith.mulf %exp3A_613, %get3A_616 : vector<16xf32>
      %add3A_618 = arith.addf %add3A_600, %mul3A_617 : vector<16xf32>
      %get3A_619 = arith.constant 80 : index
      %get3A_620 = tpu.vector_load %arg28[%get3A_619] {strides = array<i32>} : memref<256xf32, #tpu.memory_space<vmem>>, vector<16xf32>,
      %mul3A_621 = arith.mulf %exp3A_613, %get3A_620 : vector<16xf32>
      %add3A_622 = arith.addf %add3A_604, %mul3A_621 : vector<16xf32>
      %get3A_623 = arith.constant 80 : index
      %get3A_624 = tpu.vector_load %arg29[%get3A_623] {strides = array<i32>} : memref<256xf32, #tpu.memory_space<vmem>>, vector<16xf32>,
      %mul3A_625 = arith.mulf %exp3A_613, %get3A_624 : vector<16xf32>
      %add3A_626 = arith.addf %add3A_608, %mul3A_625 : vector<16xf32>
      %get3A_627 = arith.constant 96 : index
      %get3A_628 = tpu.vector_load %arg30[%get3A_627] {strides = array<i32>} : memref<256xf32, #tpu.memory_space<vmem>>, vector<16xf32>,
      %sub3A_629 = arith.subf %min3A_511, %get3A_628 : vector<16xf32>
      %mul3A_630 = arith.mulf %sub3A_629, %get3A_145 : vector<16xf32>
      %exp3A_631 = math.exp %mul3A_630 : vector<16xf32>
      %add3A_632 = arith.addf %add3A_614, %exp3A_631 : vector<16xf32>
      %get3A_633 = arith.constant 96 : index
      %get3A_634 = tpu.vector_load %arg27[%get3A_633] {strides = array<i32>} : memref<256xf32, #tpu.memory_space<vmem>>, vector<16xf32>,
      %mul3A_635 = arith.mulf %exp3A_631, %get3A_634 : vector<16xf32>
      %add3A_636 = arith.addf %add3A_618, %mul3A_635 : vector<16xf32>
      %get3A_637 = arith.constant 96 : index
      %get3A_638 = tpu.vector_load %arg28[%get3A_637] {strides = array<i32>} : memref<256xf32, #tpu.memory_space<vmem>>, vector<16xf32>,
      %mul3A_639 = arith.mulf %exp3A_631, %get3A_638 : vector<16xf32>
      %add3A_640 = arith.addf %add3A_622, %mul3A_639 : vector<16xf32>
      %get3A_641 = arith.constant 96 : index
      %get3A_642 = tpu.vector_load %arg29[%get3A_641] {strides = array<i32>} : memref<256xf32, #tpu.memory_space<vmem>>, vector<16xf32>,
      %mul3A_643 = arith.mulf %exp3A_631, %get3A_642 : vector<16xf32>
      %add3A_644 = arith.addf %add3A_626, %mul3A_643 : vector<16xf32>
      %get3A_645 = arith.constant 112 : index
      %get3A_646 = tpu.vector_load %arg30[%get3A_645] {strides = array<i32>} : memref<256xf32, #tpu.memory_space<vmem>>, vector<16xf32>,
      %sub3A_647 = arith.subf %min3A_511, %get3A_646 : vector<16xf32>
      %mul3A_648 = arith.mulf %sub3A_647, %get3A_145 : vector<16xf32>
      %exp3A_649 = math.exp %mul3A_648 : vector<16xf32>
      %add3A_650 = arith.addf %add3A_632, %exp3A_649 : vector<16xf32>
      %get3A_651 = arith.constant 112 : index
      %get3A_652 = tpu.vector_load %arg27[%get3A_651] {strides = array<i32>} : memref<256xf32, #tpu.memory_space<vmem>>, vector<16xf32>,
      %mul3A_653 = arith.mulf %exp3A_649, %get3A_652 : vector<16xf32>
      %add3A_654 = arith.addf %add3A_636, %mul3A_653 : vector<16xf32>
      %get3A_655 = arith.constant 112 : index
      %get3A_656 = tpu.vector_load %arg28[%get3A_655] {strides = array<i32>} : memref<256xf32, #tpu.memory_space<vmem>>, vector<16xf32>,
      %mul3A_657 = arith.mulf %exp3A_649, %get3A_656 : vector<16xf32>
      %add3A_658 = arith.addf %add3A_640, %mul3A_657 : vector<16xf32>
      %get3A_659 = arith.constant 112 : index
      %get3A_660 = tpu.vector_load %arg29[%get3A_659] {strides = array<i32>} : memref<256xf32, #tpu.memory_space<vmem>>, vector<16xf32>,
      %mul3A_661 = arith.mulf %exp3A_649, %get3A_660 : vector<16xf32>
      %add3A_662 = arith.addf %add3A_644, %mul3A_661 : vector<16xf32>
      %get3A_663 = arith.constant 128 : index
      %get3A_664 = tpu.vector_load %arg30[%get3A_663] {strides = array<i32>} : memref<256xf32, #tpu.memory_space<vmem>>, vector<16xf32>,
      %sub3A_665 = arith.subf %min3A_511, %get3A_664 : vector<16xf32>
      %mul3A_666 = arith.mulf %sub3A_665, %get3A_145 : vector<16xf32>
      %exp3A_667 = math.exp %mul3A_666 : vector<16xf32>
      %add3A_668 = arith.addf %add3A_650, %exp3A_667 : vector<16xf32>
      %get3A_669 = arith.constant 128 : index
      %get3A_670 = tpu.vector_load %arg27[%get3A_669] {strides = array<i32>} : memref<256xf32, #tpu.memory_space<vmem>>, vector<16xf32>,
      %mul3A_671 = arith.mulf %exp3A_667, %get3A_670 : vector<16xf32>
      %add3A_672 = arith.addf %add3A_654, %mul3A_671 : vector<16xf32>
      %get3A_673 = arith.constant 128 : index
      %get3A_674 = tpu.vector_load %arg28[%get3A_673] {strides = array<i32>} : memref<256xf32, #tpu.memory_space<vmem>>, vector<16xf32>,
      %mul3A_675 = arith.mulf %exp3A_667, %get3A_674 : vector<16xf32>
      %add3A_676 = arith.addf %add3A_658, %mul3A_675 : vector<16xf32>
      %get3A_677 = arith.constant 128 : index
      %get3A_678 = tpu.vector_load %arg29[%get3A_677] {strides = array<i32>} : memref<256xf32, #tpu.memory_space<vmem>>, vector<16xf32>,
      %mul3A_679 = arith.mulf %exp3A_667, %get3A_678 : vector<16xf32>
      %add3A_680 = arith.addf %add3A_662, %mul3A_679 : vector<16xf32>
      %get3A_681 = arith.constant 144 : index
      %get3A_682 = tpu.vector_load %arg30[%get3A_681] {strides = array<i32>} : memref<256xf32, #tpu.memory_space<vmem>>, vector<16xf32>,
      %sub3A_683 = arith.subf %min3A_511, %get3A_682 : vector<16xf32>
      %mul3A_684 = arith.mulf %sub3A_683, %get3A_145 : vector<16xf32>
      %exp3A_685 = math.exp %mul3A_684 : vector<16xf32>
      %add3A_686 = arith.addf %add3A_668, %exp3A_685 : vector<16xf32>
      %get3A_687 = arith.constant 144 : index
      %get3A_688 = tpu.vector_load %arg27[%get3A_687] {strides = array<i32>} : memref<256xf32, #tpu.memory_space<vmem>>, vector<16xf32>,
      %mul3A_689 = arith.mulf %exp3A_685, %get3A_688 : vector<16xf32>
      %add3A_690 = arith.addf %add3A_672, %mul3A_689 : vector<16xf32>
      %get3A_691 = arith.constant 144 : index
      %get3A_692 = tpu.vector_load %arg28[%get3A_691] {strides = array<i32>} : memref<256xf32, #tpu.memory_space<vmem>>, vector<16xf32>,
      %mul3A_693 = arith.mulf %exp3A_685, %get3A_692 : vector<16xf32>
      %add3A_694 = arith.addf %add3A_676, %mul3A_693 : vector<16xf32>
      %get3A_695 = arith.constant 144 : index
      %get3A_696 = tpu.vector_load %arg29[%get3A_695] {strides = array<i32>} : memref<256xf32, #tpu.memory_space<vmem>>, vector<16xf32>,
      %mul3A_697 = arith.mulf %exp3A_685, %get3A_696 : vector<16xf32>
      %add3A_698 = arith.addf %add3A_680, %mul3A_697 : vector<16xf32>
      %get3A_699 = arith.constant 160 : index
      %get3A_700 = tpu.vector_load %arg30[%get3A_699] {strides = array<i32>} : memref<256xf32, #tpu.memory_space<vmem>>, vector<16xf32>,
      %sub3A_701 = arith.subf %min3A_511, %get3A_700 : vector<16xf32>
      %mul3A_702 = arith.mulf %sub3A_701, %get3A_145 : vector<16xf32>
      %exp3A_703 = math.exp %mul3A_702 : vector<16xf32>
      %add3A_704 = arith.addf %add3A_686, %exp3A_703 : vector<16xf32>
      %get3A_705 = arith.constant 160 : index
      %get3A_706 = tpu.vector_load %arg27[%get3A_705] {strides = array<i32>} : memref<256xf32, #tpu.memory_space<vmem>>, vector<16xf32>,
      %mul3A_707 = arith.mulf %exp3A_703, %get3A_706 : vector<16xf32>
      %add3A_708 = arith.addf %add3A_690, %mul3A_707 : vector<16xf32>
      %get3A_709 = arith.constant 160 : index
      %get3A_710 = tpu.vector_load %arg28[%get3A_709] {strides = array<i32>} : memref<256xf32, #tpu.memory_space<vmem>>, vector<16xf32>,
      %mul3A_711 = arith.mulf %exp3A_703, %get3A_710 : vector<16xf32>
      %add3A_712 = arith.addf %add3A_694, %mul3A_711 : vector<16xf32>
      %get3A_713 = arith.constant 160 : index
      %get3A_714 = tpu.vector_load %arg29[%get3A_713] {strides = array<i32>} : memref<256xf32, #tpu.memory_space<vmem>>, vector<16xf32>,
      %mul3A_715 = arith.mulf %exp3A_703, %get3A_714 : vector<16xf32>
      %add3A_716 = arith.addf %add3A_698, %mul3A_715 : vector<16xf32>
      %get3A_717 = arith.constant 176 : index
      %get3A_718 = tpu.vector_load %arg30[%get3A_717] {strides = array<i32>} : memref<256xf32, #tpu.memory_space<vmem>>, vector<16xf32>,
      %sub3A_719 = arith.subf %min3A_511, %get3A_718 : vector<16xf32>
      %mul3A_720 = arith.mulf %sub3A_719, %get3A_145 : vector<16xf32>
      %exp3A_721 = math.exp %mul3A_720 : vector<16xf32>
      %add3A_722 = arith.addf %add3A_704, %exp3A_721 : vector<16xf32>
      %get3A_723 = arith.constant 176 : index
      %get3A_724 = tpu.vector_load %arg27[%get3A_723] {strides = array<i32>} : memref<256xf32, #tpu.memory_space<vmem>>, vector<16xf32>,
      %mul3A_725 = arith.mulf %exp3A_721, %get3A_724 : vector<16xf32>
      %add3A_726 = arith.addf %add3A_708, %mul3A_725 : vector<16xf32>
      %get3A_727 = arith.constant 176 : index
      %get3A_728 = tpu.vector_load %arg28[%get3A_727] {strides = array<i32>} : memref<256xf32, #tpu.memory_space<vmem>>, vector<16xf32>,
      %mul3A_729 = arith.mulf %exp3A_721, %get3A_728 : vector<16xf32>
      %add3A_730 = arith.addf %add3A_712, %mul3A_729 : vector<16xf32>
      %get3A_731 = arith.constant 176 : index
      %get3A_732 = tpu.vector_load %arg29[%get3A_731] {strides = array<i32>} : memref<256xf32, #tpu.memory_space<vmem>>, vector<16xf32>,
      %mul3A_733 = arith.mulf %exp3A_721, %get3A_732 : vector<16xf32>
      %add3A_734 = arith.addf %add3A_716, %mul3A_733 : vector<16xf32>
      %get3A_735 = arith.constant 192 : index
      %get3A_736 = tpu.vector_load %arg30[%get3A_735] {strides = array<i32>} : memref<256xf32, #tpu.memory_space<vmem>>, vector<16xf32>,
      %sub3A_737 = arith.subf %min3A_511, %get3A_736 : vector<16xf32>
      %mul3A_738 = arith.mulf %sub3A_737, %get3A_145 : vector<16xf32>
      %exp3A_739 = math.exp %mul3A_738 : vector<16xf32>
      %add3A_740 = arith.addf %add3A_722, %exp3A_739 : vector<16xf32>
      %get3A_741 = arith.constant 192 : index
      %get3A_742 = tpu.vector_load %arg27[%get3A_741] {strides = array<i32>} : memref<256xf32, #tpu.memory_space<vmem>>, vector<16xf32>,
      %mul3A_743 = arith.mulf %exp3A_739, %get3A_742 : vector<16xf32>
      %add3A_744 = arith.addf %add3A_726, %mul3A_743 : vector<16xf32>
      %get3A_745 = arith.constant 192 : index
      %get3A_746 = tpu.vector_load %arg28[%get3A_745] {strides = array<i32>} : memref<256xf32, #tpu.memory_space<vmem>>, vector<16xf32>,
      %mul3A_747 = arith.mulf %exp3A_739, %get3A_746 : vector<16xf32>
      %add3A_748 = arith.addf %add3A_730, %mul3A_747 : vector<16xf32>
      %get3A_749 = arith.constant 192 : index
      %get3A_750 = tpu.vector_load %arg29[%get3A_749] {strides = array<i32>} : memref<256xf32, #tpu.memory_space<vmem>>, vector<16xf32>,
      %mul3A_751 = arith.mulf %exp3A_739, %get3A_750 : vector<16xf32>
      %add3A_752 = arith.addf %add3A_734, %mul3A_751 : vector<16xf32>
      %get3A_753 = arith.constant 208 : index
      %get3A_754 = tpu.vector_load %arg30[%get3A_753] {strides = array<i32>} : memref<256xf32, #tpu.memory_space<vmem>>, vector<16xf32>,
      %sub3A_755 = arith.subf %min3A_511, %get3A_754 : vector<16xf32>
      %mul3A_756 = arith.mulf %sub3A_755, %get3A_145 : vector<16xf32>
      %exp3A_757 = math.exp %mul3A_756 : vector<16xf32>
      %add3A_758 = arith.addf %add3A_740, %exp3A_757 : vector<16xf32>
      %get3A_759 = arith.constant 208 : index
      %get3A_760 = tpu.vector_load %arg27[%get3A_759] {strides = array<i32>} : memref<256xf32, #tpu.memory_space<vmem>>, vector<16xf32>,
      %mul3A_761 = arith.mulf %exp3A_757, %get3A_760 : vector<16xf32>
      %add3A_762 = arith.addf %add3A_744, %mul3A_761 : vector<16xf32>
      %get3A_763 = arith.constant 208 : index
      %get3A_764 = tpu.vector_load %arg28[%get3A_763] {strides = array<i32>} : memref<256xf32, #tpu.memory_space<vmem>>, vector<16xf32>,
      %mul3A_765 = arith.mulf %exp3A_757, %get3A_764 : vector<16xf32>
      %add3A_766 = arith.addf %add3A_748, %mul3A_765 : vector<16xf32>
      %get3A_767 = arith.constant 208 : index
      %get3A_768 = tpu.vector_load %arg29[%get3A_767] {strides = array<i32>} : memref<256xf32, #tpu.memory_space<vmem>>, vector<16xf32>,
      %mul3A_769 = arith.mulf %exp3A_757, %get3A_768 : vector<16xf32>
      %add3A_770 = arith.addf %add3A_752, %mul3A_769 : vector<16xf32>
      %get3A_771 = arith.constant 224 : index
      %get3A_772 = tpu.vector_load %arg30[%get3A_771] {strides = array<i32>} : memref<256xf32, #tpu.memory_space<vmem>>, vector<16xf32>,
      %sub3A_773 = arith.subf %min3A_511, %get3A_772 : vector<16xf32>
      %mul3A_774 = arith.mulf %sub3A_773, %get3A_145 : vector<16xf32>
      %exp3A_775 = math.exp %mul3A_774 : vector<16xf32>
      %add3A_776 = arith.addf %add3A_758, %exp3A_775 : vector<16xf32>
      %get3A_777 = arith.constant 224 : index
      %get3A_778 = tpu.vector_load %arg27[%get3A_777] {strides = array<i32>} : memref<256xf32, #tpu.memory_space<vmem>>, vector<16xf32>,
      %mul3A_779 = arith.mulf %exp3A_775, %get3A_778 : vector<16xf32>
      %add3A_780 = arith.addf %add3A_762, %mul3A_779 : vector<16xf32>
      %get3A_781 = arith.constant 224 : index
      %get3A_782 = tpu.vector_load %arg28[%get3A_781] {strides = array<i32>} : memref<256xf32, #tpu.memory_space<vmem>>, vector<16xf32>,
      %mul3A_783 = arith.mulf %exp3A_775, %get3A_782 : vector<16xf32>
      %add3A_784 = arith.addf %add3A_766, %mul3A_783 : vector<16xf32>
      %get3A_785 = arith.constant 224 : index
      %get3A_786 = tpu.vector_load %arg29[%get3A_785] {strides = array<i32>} : memref<256xf32, #tpu.memory_space<vmem>>, vector<16xf32>,
      %mul3A_787 = arith.mulf %exp3A_775, %get3A_786 : vector<16xf32>
      %add3A_788 = arith.addf %add3A_770, %mul3A_787 : vector<16xf32>
      %get3A_789 = arith.constant 240 : index
      %get3A_790 = tpu.vector_load %arg30[%get3A_789] {strides = array<i32>} : memref<256xf32, #tpu.memory_space<vmem>>, vector<16xf32>,
      %sub3A_791 = arith.subf %min3A_511, %get3A_790 : vector<16xf32>
      %mul3A_792 = arith.mulf %sub3A_791, %get3A_145 : vector<16xf32>
      %exp3A_793 = math.exp %mul3A_792 : vector<16xf32>
      %add3A_794 = arith.addf %add3A_776, %exp3A_793 : vector<16xf32>
      %get3A_795 = arith.constant 240 : index
      %get3A_796 = tpu.vector_load %arg27[%get3A_795] {strides = array<i32>} : memref<256xf32, #tpu.memory_space<vmem>>, vector<16xf32>,
      %mul3A_797 = arith.mulf %exp3A_793, %get3A_796 : vector<16xf32>
      %add3A_798 = arith.addf %add3A_780, %mul3A_797 : vector<16xf32>
      %get3A_799 = arith.constant 240 : index
      %get3A_800 = tpu.vector_load %arg28[%get3A_799] {strides = array<i32>} : memref<256xf32, #tpu.memory_space<vmem>>, vector<16xf32>,
      %mul3A_801 = arith.mulf %exp3A_793, %get3A_800 : vector<16xf32>
      %add3A_802 = arith.addf %add3A_784, %mul3A_801 : vector<16xf32>
      %get3A_803 = arith.constant 240 : index
      %get3A_804 = tpu.vector_load %arg29[%get3A_803] {strides = array<i32>} : memref<256xf32, #tpu.memory_space<vmem>>, vector<16xf32>,
      %mul3A_805 = arith.mulf %exp3A_793, %get3A_804 : vector<16xf32>
      %add3A_806 = arith.addf %add3A_788, %mul3A_805 : vector<16xf32>
      %div3A_807 = arith.divf %add3A_798, %add3A_794 : vector<16xf32>
      %mul3A_808 = arith.constant 16 : i32
      %mul3A_809 = arith.muli %scan3A_124, %mul3A_808 : i32
      %swap3A_810 = arith.index_cast %mul3A_809 : i32 to index
      %swap3A_811 = tpu.vector_load %arg31[%swap3A_810] {strides = array<i32>} : memref<128xf32, #tpu.memory_space<vmem>>, vector<16xf32>,
      tpu.vector_store %arg31[%swap3A_810], %div3A_807 {strides = array<i32>} : memref<128xf32, #tpu.memory_space<vmem>>, vector<16xf32>,
      %div3A_812 = arith.divf %add3A_802, %add3A_794 : vector<16xf32>
      %mul3A_813 = arith.constant 16 : i32
      %mul3A_814 = arith.muli %scan3A_124, %mul3A_813 : i32
      %swap3A_815 = arith.index_cast %mul3A_814 : i32 to index
      %swap3A_816 = tpu.vector_load %arg32[%swap3A_815] {strides = array<i32>} : memref<128xf32, #tpu.memory_space<vmem>>, vector<16xf32>,
      tpu.vector_store %arg32[%swap3A_815], %div3A_812 {strides = array<i32>} : memref<128xf32, #tpu.memory_space<vmem>>, vector<16xf32>,
      %div3A_817 = arith.divf %add3A_806, %add3A_794 : vector<16xf32>
      %mul3A_818 = arith.constant 16 : i32
      %mul3A_819 = arith.muli %scan3A_124, %mul3A_818 : i32
      %swap3A_820 = arith.index_cast %mul3A_819 : i32 to index
      %swap3A_821 = tpu.vector_load %arg33[%swap3A_820] {strides = array<i32>} : memref<128xf32, #tpu.memory_space<vmem>>, vector<16xf32>,
      tpu.vector_store %arg33[%swap3A_820], %div3A_817 {strides = array<i32>} : memref<128xf32, #tpu.memory_space<vmem>>, vector<16xf32>,
      %scan3A_822 = arith.constant 0 : i32
      scf.yield %scan3A_822 : i32
    }
    %scan3A_119 = arith.constant 8 : i32
    "tpu.region"() ({
      %run_scoped3A = tpu.sem_alloc : memref<!tpu.dma_semaphore, #tpu.memory_space<semaphore_mem>>
      %dma_start3A = tpu.memref_slice %arg5[%add3A_46] : memref<12288xf32, #tpu.memory_space<hbm>> -> memref<128xf32, #tpu.memory_space<hbm>>
      %dma_start3A_124 = tpu.memref_slice %arg5[%add3A_46] : memref<12288xf32, #tpu.memory_space<hbm>> -> memref<128xf32, #tpu.memory_space<hbm>>
      tpu.enqueue_dma source(%arg31 : memref<128xf32, #tpu.memory_space<vmem>>) target(%dma_start3A_124 : memref<128xf32, #tpu.memory_space<hbm>>) target_semaphore(%run_scoped3A : memref<!tpu.dma_semaphore, #tpu.memory_space<semaphore_mem>>)
      %dma_wait3A = tpu.memref_slice %arg5[%add3A_46] : memref<12288xf32, #tpu.memory_space<hbm>> -> memref<128xf32, #tpu.memory_space<hbm>>
      %dma_wait3A_125 = tpu.memref_slice %arg5[%add3A_46] : memref<12288xf32, #tpu.memory_space<hbm>> -> memref<128xf32, #tpu.memory_space<hbm>>
      tpu.wait_dma2 semaphore(%run_scoped3A : memref<!tpu.dma_semaphore, #tpu.memory_space<semaphore_mem>>) src(%arg31 : memref<128xf32, #tpu.memory_space<vmem>>) dst(%dma_wait3A_125 : memref<128xf32, #tpu.memory_space<hbm>>)
      tpu.yield
    }) : () -> ()
    %add3A_120 = arith.constant 512 : i32
    %add3A_121 = arith.addi %add3A_46, %add3A_120 : i32
    "tpu.region"() ({
      %run_scoped3A = tpu.sem_alloc : memref<!tpu.dma_semaphore, #tpu.memory_space<semaphore_mem>>
      %dma_start3A = tpu.memref_slice %arg5[%add3A_121] : memref<12288xf32, #tpu.memory_space<hbm>> -> memref<128xf32, #tpu.memory_space<hbm>>
      %dma_start3A_124 = tpu.memref_slice %arg5[%add3A_121] : memref<12288xf32, #tpu.memory_space<hbm>> -> memref<128xf32, #tpu.memory_space<hbm>>
      tpu.enqueue_dma source(%arg32 : memref<128xf32, #tpu.memory_space<vmem>>) target(%dma_start3A_124 : memref<128xf32, #tpu.memory_space<hbm>>) target_semaphore(%run_scoped3A : memref<!tpu.dma_semaphore, #tpu.memory_space<semaphore_mem>>)
      %dma_wait3A = tpu.memref_slice %arg5[%add3A_121] : memref<12288xf32, #tpu.memory_space<hbm>> -> memref<128xf32, #tpu.memory_space<hbm>>
      %dma_wait3A_125 = tpu.memref_slice %arg5[%add3A_121] : memref<12288xf32, #tpu.memory_space<hbm>> -> memref<128xf32, #tpu.memory_space<hbm>>
      tpu.wait_dma2 semaphore(%run_scoped3A : memref<!tpu.dma_semaphore, #tpu.memory_space<semaphore_mem>>) src(%arg32 : memref<128xf32, #tpu.memory_space<vmem>>) dst(%dma_wait3A_125 : memref<128xf32, #tpu.memory_space<hbm>>)
      tpu.yield
    }) : () -> ()
    %add3A_122 = arith.constant 1024 : i32
    %add3A_123 = arith.addi %add3A_46, %add3A_122 : i32
    "tpu.region"() ({
      %run_scoped3A = tpu.sem_alloc : memref<!tpu.dma_semaphore, #tpu.memory_space<semaphore_mem>>
      %dma_start3A = tpu.memref_slice %arg5[%add3A_123] : memref<12288xf32, #tpu.memory_space<hbm>> -> memref<128xf32, #tpu.memory_space<hbm>>
      %dma_start3A_124 = tpu.memref_slice %arg5[%add3A_123] : memref<12288xf32, #tpu.memory_space<hbm>> -> memref<128xf32, #tpu.memory_space<hbm>>
      tpu.enqueue_dma source(%arg33 : memref<128xf32, #tpu.memory_space<vmem>>) target(%dma_start3A_124 : memref<128xf32, #tpu.memory_space<hbm>>) target_semaphore(%run_scoped3A : memref<!tpu.dma_semaphore, #tpu.memory_space<semaphore_mem>>)
      %dma_wait3A = tpu.memref_slice %arg5[%add3A_123] : memref<12288xf32, #tpu.memory_space<hbm>> -> memref<128xf32, #tpu.memory_space<hbm>>
      %dma_wait3A_125 = tpu.memref_slice %arg5[%add3A_123] : memref<12288xf32, #tpu.memory_space<hbm>> -> memref<128xf32, #tpu.memory_space<hbm>>
      tpu.wait_dma2 semaphore(%run_scoped3A : memref<!tpu.dma_semaphore, #tpu.memory_space<semaphore_mem>>) src(%arg33 : memref<128xf32, #tpu.memory_space<vmem>>) dst(%dma_wait3A_125 : memref<128xf32, #tpu.memory_space<hbm>>)
      tpu.yield
    }) : () -> ()
    return
  }
}

module attributes {stable_mosaic.version = 14 : i64} {
  func.func @_tc_body(%arg0: i32, %arg1: i32, %arg2: memref<1x3x16384xf32, #tpu.memory_space<vmem>>, %arg3: memref<1x128x3xf32, #tpu.memory_space<vmem>>, %arg4: memref<1xf32, #tpu.memory_space<smem>>, %arg5: memref<1x128x3xf32, #tpu.memory_space<vmem>>) attributes {dimension_semantics = [#tpu.dimension_semantics<arbitrary>, #tpu.dimension_semantics<arbitrary>], iteration_bounds = array<i64: 8, 4>, scalar_prefetch = 0 : i64, scratch_operands = 0 : i64, tpu.core_type = #tpu.core_type<tc>, window_params = [{transform_indices = @transform_0, window_bounds = array<i64: 1, 3, 16384>}, {transform_indices = @transform_1, window_bounds = array<i64: 1, 128, 3>}, {transform_indices = @transform_2, window_bounds = array<i64: 1>}, {transform_indices = @transform_3, window_bounds = array<i64: 1, 128, 3>}]} {
    %get3A = arith.constant 0 : index
    %get3A_0 = arith.constant 0 : index
    %get3A_1 = arith.constant 0 : index
    %get3A_2 = vector.load %arg2[%get3A, %get3A_0, %get3A_1] : memref<1x3x16384xf32, #tpu.memory_space<vmem>>, vector<1x3x16384xf32>
    %get3A_3 = vector.shape_cast %get3A_2 : vector<1x3x16384xf32> to vector<3x16384xf32>
    %get3A_4 = arith.constant 0 : index
    %get3A_5 = arith.constant 0 : index
    %get3A_6 = arith.constant 0 : index
    %get3A_7 = vector.load %arg3[%get3A_4, %get3A_5, %get3A_6] : memref<1x128x3xf32, #tpu.memory_space<vmem>>, vector<1x128x3xf32>
    %get3A_8 = vector.shape_cast %get3A_7 : vector<1x128x3xf32> to vector<128x3xf32>
    %slice3A = vector.extract_strided_slice %get3A_3 {offsets = [0, 0], sizes = [1, 16384], strides = [1, 1]} : vector<3x16384xf32> to vector<1x16384xf32>
    %slice3A_9 = vector.extract_strided_slice %get3A_3 {offsets = [1, 0], sizes = [1, 16384], strides = [1, 1]} : vector<3x16384xf32> to vector<1x16384xf32>
    %slice3A_10 = vector.extract_strided_slice %get3A_3 {offsets = [2, 0], sizes = [1, 16384], strides = [1, 1]} : vector<3x16384xf32> to vector<1x16384xf32>
    %slice3A_11 = vector.extract_strided_slice %get3A_8 {offsets = [0, 0], sizes = [128, 1], strides = [1, 1]} : vector<128x3xf32> to vector<128x1xf32>
    %slice3A_12 = vector.extract_strided_slice %get3A_8 {offsets = [0, 1], sizes = [128, 1], strides = [1, 1]} : vector<128x3xf32> to vector<128x1xf32>
    %slice3A_13 = vector.extract_strided_slice %get3A_8 {offsets = [0, 2], sizes = [128, 1], strides = [1, 1]} : vector<128x3xf32> to vector<128x1xf32>
    %mul3A = arith.mulf %slice3A, %slice3A : vector<1x16384xf32>
    %mul3A_14 = arith.mulf %slice3A_9, %slice3A_9 : vector<1x16384xf32>
    %add3A = arith.addf %mul3A, %mul3A_14 : vector<1x16384xf32>
    %mul3A_15 = arith.mulf %slice3A_10, %slice3A_10 : vector<1x16384xf32>
    %add3A_16 = arith.addf %add3A, %mul3A_15 : vector<1x16384xf32>
    %mul3A_17 = arith.mulf %slice3A_11, %slice3A_11 : vector<128x1xf32>
    %mul3A_18 = arith.mulf %slice3A_12, %slice3A_12 : vector<128x1xf32>
    %add3A_19 = arith.addf %mul3A_17, %mul3A_18 : vector<128x1xf32>
    %mul3A_20 = arith.mulf %slice3A_13, %slice3A_13 : vector<128x1xf32>
    %add3A_21 = arith.addf %add3A_19, %mul3A_20 : vector<128x1xf32>
    %convert_element_type3A = arith.truncf %slice3A : vector<1x16384xf32> to vector<1x16384xbf16>
    %convert_element_type3A_22 = arith.extf %convert_element_type3A : vector<1x16384xbf16> to vector<1x16384xf32>
    %convert_element_type3A_23 = arith.truncf %slice3A_9 : vector<1x16384xf32> to vector<1x16384xbf16>
    %convert_element_type3A_24 = arith.extf %convert_element_type3A_23 : vector<1x16384xbf16> to vector<1x16384xf32>
    %convert_element_type3A_25 = arith.truncf %slice3A_10 : vector<1x16384xf32> to vector<1x16384xbf16>
    %convert_element_type3A_26 = arith.extf %convert_element_type3A_25 : vector<1x16384xbf16> to vector<1x16384xf32>
    %convert_element_type3A_27 = arith.truncf %slice3A_11 : vector<128x1xf32> to vector<128x1xbf16>
    %convert_element_type3A_28 = arith.extf %convert_element_type3A_27 : vector<128x1xbf16> to vector<128x1xf32>
    %convert_element_type3A_29 = arith.truncf %slice3A_12 : vector<128x1xf32> to vector<128x1xbf16>
    %convert_element_type3A_30 = arith.extf %convert_element_type3A_29 : vector<128x1xbf16> to vector<128x1xf32>
    %convert_element_type3A_31 = arith.truncf %slice3A_13 : vector<128x1xf32> to vector<128x1xbf16>
    %convert_element_type3A_32 = arith.extf %convert_element_type3A_31 : vector<128x1xbf16> to vector<128x1xf32>
    %mul3A_33 = vector.broadcast %convert_element_type3A_28 : vector<128x1xf32> to vector<128x16384xf32>
    %mul3A_34 = vector.broadcast %convert_element_type3A_22 : vector<1x16384xf32> to vector<128x16384xf32>
    %mul3A_35 = arith.mulf %mul3A_33, %mul3A_34 : vector<128x16384xf32>
    %mul3A_36 = vector.broadcast %convert_element_type3A_30 : vector<128x1xf32> to vector<128x16384xf32>
    %mul3A_37 = vector.broadcast %convert_element_type3A_24 : vector<1x16384xf32> to vector<128x16384xf32>
    %mul3A_38 = arith.mulf %mul3A_36, %mul3A_37 : vector<128x16384xf32>
    %add3A_39 = arith.addf %mul3A_35, %mul3A_38 : vector<128x16384xf32>
    %mul3A_40 = vector.broadcast %convert_element_type3A_32 : vector<128x1xf32> to vector<128x16384xf32>
    %mul3A_41 = vector.broadcast %convert_element_type3A_26 : vector<1x16384xf32> to vector<128x16384xf32>
    %mul3A_42 = arith.mulf %mul3A_40, %mul3A_41 : vector<128x16384xf32>
    %add3A_43 = arith.addf %add3A_39, %mul3A_42 : vector<128x16384xf32>
    %mul3A_44 = arith.constant 2.000000e+00 : f32
    %mul3A_45 = vector.broadcast %mul3A_44 : f32 to vector<128x16384xf32>
    %mul3A_46 = arith.mulf %mul3A_45, %add3A_43 : vector<128x16384xf32>
    %sub3A = vector.broadcast %add3A_21 : vector<128x1xf32> to vector<128x16384xf32>
    %sub3A_47 = arith.subf %sub3A, %mul3A_46 : vector<128x16384xf32>
    %add3A_48 = vector.broadcast %add3A_16 : vector<1x16384xf32> to vector<128x16384xf32>
    %add3A_49 = arith.addf %sub3A_47, %add3A_48 : vector<128x16384xf32>
    %mul3A_50 = vector.broadcast %slice3A_11 : vector<128x1xf32> to vector<128x16384xf32>
    %mul3A_51 = vector.broadcast %slice3A : vector<1x16384xf32> to vector<128x16384xf32>
    %mul3A_52 = arith.mulf %mul3A_50, %mul3A_51 : vector<128x16384xf32>
    %mul3A_53 = vector.broadcast %slice3A_12 : vector<128x1xf32> to vector<128x16384xf32>
    %mul3A_54 = vector.broadcast %slice3A_9 : vector<1x16384xf32> to vector<128x16384xf32>
    %mul3A_55 = arith.mulf %mul3A_53, %mul3A_54 : vector<128x16384xf32>
    %add3A_56 = arith.addf %mul3A_52, %mul3A_55 : vector<128x16384xf32>
    %mul3A_57 = vector.broadcast %slice3A_13 : vector<128x1xf32> to vector<128x16384xf32>
    %mul3A_58 = vector.broadcast %slice3A_10 : vector<1x16384xf32> to vector<128x16384xf32>
    %mul3A_59 = arith.mulf %mul3A_57, %mul3A_58 : vector<128x16384xf32>
    %add3A_60 = arith.addf %add3A_56, %mul3A_59 : vector<128x16384xf32>
    %mul3A_61 = arith.constant 2.000000e+00 : f32
    %mul3A_62 = vector.broadcast %mul3A_61 : f32 to vector<128x16384xf32>
    %mul3A_63 = arith.mulf %mul3A_62, %add3A_60 : vector<128x16384xf32>
    %sub3A_64 = vector.broadcast %add3A_21 : vector<128x1xf32> to vector<128x16384xf32>
    %sub3A_65 = arith.subf %sub3A_64, %mul3A_63 : vector<128x16384xf32>
    %add3A_66 = vector.broadcast %add3A_16 : vector<1x16384xf32> to vector<128x16384xf32>
    %add3A_67 = arith.addf %sub3A_65, %add3A_66 : vector<128x16384xf32>
    %reduce_min3A = arith.constant dense<0x7F800000> : vector<128xf32>
    %reduce_min3A_68 = vector.multi_reduction <minimumf>, %add3A_49, %reduce_min3A [1] : vector<128x16384xf32> to vector<128xf32>
    %broadcast_in_dim3A = vector.shape_cast %reduce_min3A_68 : vector<128xf32> to vector<128x1xf32>
    %gt3A = vector.broadcast %broadcast_in_dim3A : vector<128x1xf32> to vector<128x16384xf32>
    %gt3A_69 = arith.cmpf ogt, %add3A_49, %gt3A : vector<128x16384xf32>
    %jit3A = arith.constant 0x7F800000 : f32
    %broadcast_in_dim3A_70 = vector.broadcast %jit3A : f32 to vector<128x16384xf32>
    %select_n3A = arith.select %gt3A_69, %add3A_49, %broadcast_in_dim3A_70 : vector<128x16384xi1>, vector<128x16384xf32>
    %reduce_min3A_71 = arith.constant dense<0x7F800000> : vector<128xf32>
    %reduce_min3A_72 = vector.multi_reduction <minimumf>, %select_n3A, %reduce_min3A_71 [1] : vector<128x16384xf32> to vector<128xf32>
    %broadcast_in_dim3A_73 = vector.shape_cast %reduce_min3A_72 : vector<128xf32> to vector<128x1xf32>
    %gt3A_74 = vector.broadcast %broadcast_in_dim3A_73 : vector<128x1xf32> to vector<128x16384xf32>
    %gt3A_75 = arith.cmpf ogt, %add3A_49, %gt3A_74 : vector<128x16384xf32>
    %jit3A_76 = arith.constant 0x7F800000 : f32
    %broadcast_in_dim3A_77 = vector.broadcast %jit3A_76 : f32 to vector<128x16384xf32>
    %select_n3A_78 = arith.select %gt3A_75, %add3A_49, %broadcast_in_dim3A_77 : vector<128x16384xi1>, vector<128x16384xf32>
    %reduce_min3A_79 = arith.constant dense<0x7F800000> : vector<128xf32>
    %reduce_min3A_80 = vector.multi_reduction <minimumf>, %select_n3A_78, %reduce_min3A_79 [1] : vector<128x16384xf32> to vector<128xf32>
    %broadcast_in_dim3A_81 = vector.shape_cast %reduce_min3A_80 : vector<128xf32> to vector<128x1xf32>
    %gt3A_82 = vector.broadcast %broadcast_in_dim3A_81 : vector<128x1xf32> to vector<128x16384xf32>
    %gt3A_83 = arith.cmpf ogt, %add3A_49, %gt3A_82 : vector<128x16384xf32>
    %jit3A_84 = arith.constant 0x7F800000 : f32
    %broadcast_in_dim3A_85 = vector.broadcast %jit3A_84 : f32 to vector<128x16384xf32>
    %select_n3A_86 = arith.select %gt3A_83, %add3A_49, %broadcast_in_dim3A_85 : vector<128x16384xi1>, vector<128x16384xf32>
    %reduce_min3A_87 = arith.constant dense<0x7F800000> : vector<128xf32>
    %reduce_min3A_88 = vector.multi_reduction <minimumf>, %select_n3A_86, %reduce_min3A_87 [1] : vector<128x16384xf32> to vector<128xf32>
    %broadcast_in_dim3A_89 = vector.shape_cast %reduce_min3A_88 : vector<128xf32> to vector<128x1xf32>
    %gt3A_90 = vector.broadcast %broadcast_in_dim3A_89 : vector<128x1xf32> to vector<128x16384xf32>
    %gt3A_91 = arith.cmpf ogt, %add3A_49, %gt3A_90 : vector<128x16384xf32>
    %jit3A_92 = arith.constant 0x7F800000 : f32
    %broadcast_in_dim3A_93 = vector.broadcast %jit3A_92 : f32 to vector<128x16384xf32>
    %select_n3A_94 = arith.select %gt3A_91, %add3A_49, %broadcast_in_dim3A_93 : vector<128x16384xi1>, vector<128x16384xf32>
    %reduce_min3A_95 = arith.constant dense<0x7F800000> : vector<128xf32>
    %reduce_min3A_96 = vector.multi_reduction <minimumf>, %select_n3A_94, %reduce_min3A_95 [1] : vector<128x16384xf32> to vector<128xf32>
    %broadcast_in_dim3A_97 = vector.shape_cast %reduce_min3A_96 : vector<128xf32> to vector<128x1xf32>
    %gt3A_98 = vector.broadcast %broadcast_in_dim3A_97 : vector<128x1xf32> to vector<128x16384xf32>
    %gt3A_99 = arith.cmpf ogt, %add3A_49, %gt3A_98 : vector<128x16384xf32>
    %jit3A_100 = arith.constant 0x7F800000 : f32
    %broadcast_in_dim3A_101 = vector.broadcast %jit3A_100 : f32 to vector<128x16384xf32>
    %select_n3A_102 = arith.select %gt3A_99, %add3A_49, %broadcast_in_dim3A_101 : vector<128x16384xi1>, vector<128x16384xf32>
    %reduce_min3A_103 = arith.constant dense<0x7F800000> : vector<128xf32>
    %reduce_min3A_104 = vector.multi_reduction <minimumf>, %select_n3A_102, %reduce_min3A_103 [1] : vector<128x16384xf32> to vector<128xf32>
    %broadcast_in_dim3A_105 = vector.shape_cast %reduce_min3A_104 : vector<128xf32> to vector<128x1xf32>
    %gt3A_106 = vector.broadcast %broadcast_in_dim3A_105 : vector<128x1xf32> to vector<128x16384xf32>
    %gt3A_107 = arith.cmpf ogt, %add3A_49, %gt3A_106 : vector<128x16384xf32>
    %jit3A_108 = arith.constant 0x7F800000 : f32
    %broadcast_in_dim3A_109 = vector.broadcast %jit3A_108 : f32 to vector<128x16384xf32>
    %select_n3A_110 = arith.select %gt3A_107, %add3A_49, %broadcast_in_dim3A_109 : vector<128x16384xi1>, vector<128x16384xf32>
    %reduce_min3A_111 = arith.constant dense<0x7F800000> : vector<128xf32>
    %reduce_min3A_112 = vector.multi_reduction <minimumf>, %select_n3A_110, %reduce_min3A_111 [1] : vector<128x16384xf32> to vector<128xf32>
    %broadcast_in_dim3A_113 = vector.shape_cast %reduce_min3A_112 : vector<128xf32> to vector<128x1xf32>
    %gt3A_114 = vector.broadcast %broadcast_in_dim3A_113 : vector<128x1xf32> to vector<128x16384xf32>
    %gt3A_115 = arith.cmpf ogt, %add3A_49, %gt3A_114 : vector<128x16384xf32>
    %jit3A_116 = arith.constant 0x7F800000 : f32
    %broadcast_in_dim3A_117 = vector.broadcast %jit3A_116 : f32 to vector<128x16384xf32>
    %select_n3A_118 = arith.select %gt3A_115, %add3A_49, %broadcast_in_dim3A_117 : vector<128x16384xi1>, vector<128x16384xf32>
    %reduce_min3A_119 = arith.constant dense<0x7F800000> : vector<128xf32>
    %reduce_min3A_120 = vector.multi_reduction <minimumf>, %select_n3A_118, %reduce_min3A_119 [1] : vector<128x16384xf32> to vector<128xf32>
    %broadcast_in_dim3A_121 = vector.shape_cast %reduce_min3A_120 : vector<128xf32> to vector<128x1xf32>
    %gt3A_122 = vector.broadcast %broadcast_in_dim3A_121 : vector<128x1xf32> to vector<128x16384xf32>
    %gt3A_123 = arith.cmpf ogt, %add3A_49, %gt3A_122 : vector<128x16384xf32>
    %jit3A_124 = arith.constant 0x7F800000 : f32
    %broadcast_in_dim3A_125 = vector.broadcast %jit3A_124 : f32 to vector<128x16384xf32>
    %select_n3A_126 = arith.select %gt3A_123, %add3A_49, %broadcast_in_dim3A_125 : vector<128x16384xi1>, vector<128x16384xf32>
    %reduce_min3A_127 = arith.constant dense<0x7F800000> : vector<128xf32>
    %reduce_min3A_128 = vector.multi_reduction <minimumf>, %select_n3A_126, %reduce_min3A_127 [1] : vector<128x16384xf32> to vector<128xf32>
    %broadcast_in_dim3A_129 = vector.shape_cast %reduce_min3A_128 : vector<128xf32> to vector<128x1xf32>
    %gt3A_130 = vector.broadcast %broadcast_in_dim3A_129 : vector<128x1xf32> to vector<128x16384xf32>
    %gt3A_131 = arith.cmpf ogt, %add3A_49, %gt3A_130 : vector<128x16384xf32>
    %jit3A_132 = arith.constant 0x7F800000 : f32
    %broadcast_in_dim3A_133 = vector.broadcast %jit3A_132 : f32 to vector<128x16384xf32>
    %select_n3A_134 = arith.select %gt3A_131, %add3A_49, %broadcast_in_dim3A_133 : vector<128x16384xi1>, vector<128x16384xf32>
    %reduce_min3A_135 = arith.constant dense<0x7F800000> : vector<128xf32>
    %reduce_min3A_136 = vector.multi_reduction <minimumf>, %select_n3A_134, %reduce_min3A_135 [1] : vector<128x16384xf32> to vector<128xf32>
    %broadcast_in_dim3A_137 = vector.shape_cast %reduce_min3A_136 : vector<128xf32> to vector<128x1xf32>
    %gt3A_138 = vector.broadcast %broadcast_in_dim3A_137 : vector<128x1xf32> to vector<128x16384xf32>
    %gt3A_139 = arith.cmpf ogt, %add3A_49, %gt3A_138 : vector<128x16384xf32>
    %jit3A_140 = arith.constant 0x7F800000 : f32
    %broadcast_in_dim3A_141 = vector.broadcast %jit3A_140 : f32 to vector<128x16384xf32>
    %select_n3A_142 = arith.select %gt3A_139, %add3A_49, %broadcast_in_dim3A_141 : vector<128x16384xi1>, vector<128x16384xf32>
    %reduce_min3A_143 = arith.constant dense<0x7F800000> : vector<128xf32>
    %reduce_min3A_144 = vector.multi_reduction <minimumf>, %select_n3A_142, %reduce_min3A_143 [1] : vector<128x16384xf32> to vector<128xf32>
    %broadcast_in_dim3A_145 = vector.shape_cast %reduce_min3A_144 : vector<128xf32> to vector<128x1xf32>
    %gt3A_146 = vector.broadcast %broadcast_in_dim3A_145 : vector<128x1xf32> to vector<128x16384xf32>
    %gt3A_147 = arith.cmpf ogt, %add3A_49, %gt3A_146 : vector<128x16384xf32>
    %jit3A_148 = arith.constant 0x7F800000 : f32
    %broadcast_in_dim3A_149 = vector.broadcast %jit3A_148 : f32 to vector<128x16384xf32>
    %select_n3A_150 = arith.select %gt3A_147, %add3A_49, %broadcast_in_dim3A_149 : vector<128x16384xi1>, vector<128x16384xf32>
    %reduce_min3A_151 = arith.constant dense<0x7F800000> : vector<128xf32>
    %reduce_min3A_152 = vector.multi_reduction <minimumf>, %select_n3A_150, %reduce_min3A_151 [1] : vector<128x16384xf32> to vector<128xf32>
    %broadcast_in_dim3A_153 = vector.shape_cast %reduce_min3A_152 : vector<128xf32> to vector<128x1xf32>
    %gt3A_154 = vector.broadcast %broadcast_in_dim3A_153 : vector<128x1xf32> to vector<128x16384xf32>
    %gt3A_155 = arith.cmpf ogt, %add3A_49, %gt3A_154 : vector<128x16384xf32>
    %jit3A_156 = arith.constant 0x7F800000 : f32
    %broadcast_in_dim3A_157 = vector.broadcast %jit3A_156 : f32 to vector<128x16384xf32>
    %select_n3A_158 = arith.select %gt3A_155, %add3A_49, %broadcast_in_dim3A_157 : vector<128x16384xi1>, vector<128x16384xf32>
    %reduce_min3A_159 = arith.constant dense<0x7F800000> : vector<128xf32>
    %reduce_min3A_160 = vector.multi_reduction <minimumf>, %select_n3A_158, %reduce_min3A_159 [1] : vector<128x16384xf32> to vector<128xf32>
    %broadcast_in_dim3A_161 = vector.shape_cast %reduce_min3A_160 : vector<128xf32> to vector<128x1xf32>
    %gt3A_162 = vector.broadcast %broadcast_in_dim3A_161 : vector<128x1xf32> to vector<128x16384xf32>
    %gt3A_163 = arith.cmpf ogt, %add3A_49, %gt3A_162 : vector<128x16384xf32>
    %jit3A_164 = arith.constant 0x7F800000 : f32
    %broadcast_in_dim3A_165 = vector.broadcast %jit3A_164 : f32 to vector<128x16384xf32>
    %select_n3A_166 = arith.select %gt3A_163, %add3A_49, %broadcast_in_dim3A_165 : vector<128x16384xi1>, vector<128x16384xf32>
    %reduce_min3A_167 = arith.constant dense<0x7F800000> : vector<128xf32>
    %reduce_min3A_168 = vector.multi_reduction <minimumf>, %select_n3A_166, %reduce_min3A_167 [1] : vector<128x16384xf32> to vector<128xf32>
    %broadcast_in_dim3A_169 = vector.shape_cast %reduce_min3A_168 : vector<128xf32> to vector<128x1xf32>
    %gt3A_170 = vector.broadcast %broadcast_in_dim3A_169 : vector<128x1xf32> to vector<128x16384xf32>
    %gt3A_171 = arith.cmpf ogt, %add3A_49, %gt3A_170 : vector<128x16384xf32>
    %jit3A_172 = arith.constant 0x7F800000 : f32
    %broadcast_in_dim3A_173 = vector.broadcast %jit3A_172 : f32 to vector<128x16384xf32>
    %select_n3A_174 = arith.select %gt3A_171, %add3A_49, %broadcast_in_dim3A_173 : vector<128x16384xi1>, vector<128x16384xf32>
    %reduce_min3A_175 = arith.constant dense<0x7F800000> : vector<128xf32>
    %reduce_min3A_176 = vector.multi_reduction <minimumf>, %select_n3A_174, %reduce_min3A_175 [1] : vector<128x16384xf32> to vector<128xf32>
    %broadcast_in_dim3A_177 = vector.shape_cast %reduce_min3A_176 : vector<128xf32> to vector<128x1xf32>
    %gt3A_178 = vector.broadcast %broadcast_in_dim3A_177 : vector<128x1xf32> to vector<128x16384xf32>
    %gt3A_179 = arith.cmpf ogt, %add3A_49, %gt3A_178 : vector<128x16384xf32>
    %jit3A_180 = arith.constant 0x7F800000 : f32
    %broadcast_in_dim3A_181 = vector.broadcast %jit3A_180 : f32 to vector<128x16384xf32>
    %select_n3A_182 = arith.select %gt3A_179, %add3A_49, %broadcast_in_dim3A_181 : vector<128x16384xi1>, vector<128x16384xf32>
    %reduce_min3A_183 = arith.constant dense<0x7F800000> : vector<128xf32>
    %reduce_min3A_184 = vector.multi_reduction <minimumf>, %select_n3A_182, %reduce_min3A_183 [1] : vector<128x16384xf32> to vector<128xf32>
    %broadcast_in_dim3A_185 = vector.shape_cast %reduce_min3A_184 : vector<128xf32> to vector<128x1xf32>
    %le3A = vector.broadcast %broadcast_in_dim3A_185 : vector<128x1xf32> to vector<128x16384xf32>
    %le3A_186 = arith.cmpf ole, %add3A_49, %le3A : vector<128x16384xf32>
    %jit3A_187 = arith.constant 0x7F800000 : f32
    %broadcast_in_dim3A_188 = vector.broadcast %jit3A_187 : f32 to vector<128x16384xf32>
    %select_n3A_189 = arith.select %le3A_186, %add3A_67, %broadcast_in_dim3A_188 : vector<128x16384xi1>, vector<128x16384xf32>
    %reduce_min3A_190 = arith.constant dense<0x7F800000> : vector<128xf32>
    %reduce_min3A_191 = vector.multi_reduction <minimumf>, %select_n3A_189, %reduce_min3A_190 [1] : vector<128x16384xf32> to vector<128xf32>
    %broadcast_in_dim3A_192 = vector.shape_cast %reduce_min3A_191 : vector<128xf32> to vector<128x1xf32>
    %get3A_193 = arith.constant 0 : index
    %get3A_194 = memref.load %arg4[%get3A_193] : memref<1xf32, #tpu.memory_space<smem>>
    %sub3A_195 = vector.broadcast %broadcast_in_dim3A_192 : vector<128x1xf32> to vector<128x16384xf32>
    %sub3A_196 = arith.subf %sub3A_195, %add3A_67 : vector<128x16384xf32>
    %mul3A_197 = vector.broadcast %get3A_194 : f32 to vector<128x16384xf32>
    %mul3A_198 = arith.mulf %sub3A_196, %mul3A_197 : vector<128x16384xf32>
    %exp3A = math.exp %mul3A_198 : vector<128x16384xf32>
    %jit3A_199 = arith.constant 0.000000e+00 : f32
    %broadcast_in_dim3A_200 = vector.broadcast %jit3A_199 : f32 to vector<128x16384xf32>
    %select_n3A_201 = arith.select %le3A_186, %exp3A, %broadcast_in_dim3A_200 : vector<128x16384xi1>, vector<128x16384xf32>
    %reduce_sum3A = arith.constant dense<0.000000e+00> : vector<128xf32>
    %reduce_sum3A_202 = vector.multi_reduction <add>, %select_n3A_201, %reduce_sum3A [1] : vector<128x16384xf32> to vector<128xf32>
    %broadcast_in_dim3A_203 = vector.shape_cast %reduce_sum3A_202 : vector<128xf32> to vector<128x1xf32>
    %mul3A_204 = vector.broadcast %slice3A : vector<1x16384xf32> to vector<128x16384xf32>
    %mul3A_205 = arith.mulf %select_n3A_201, %mul3A_204 : vector<128x16384xf32>
    %reduce_sum3A_206 = arith.constant dense<0.000000e+00> : vector<128xf32>
    %reduce_sum3A_207 = vector.multi_reduction <add>, %mul3A_205, %reduce_sum3A_206 [1] : vector<128x16384xf32> to vector<128xf32>
    %broadcast_in_dim3A_208 = vector.shape_cast %reduce_sum3A_207 : vector<128xf32> to vector<128x1xf32>
    %mul3A_209 = vector.broadcast %slice3A_9 : vector<1x16384xf32> to vector<128x16384xf32>
    %mul3A_210 = arith.mulf %select_n3A_201, %mul3A_209 : vector<128x16384xf32>
    %reduce_sum3A_211 = arith.constant dense<0.000000e+00> : vector<128xf32>
    %reduce_sum3A_212 = vector.multi_reduction <add>, %mul3A_210, %reduce_sum3A_211 [1] : vector<128x16384xf32> to vector<128xf32>
    %broadcast_in_dim3A_213 = vector.shape_cast %reduce_sum3A_212 : vector<128xf32> to vector<128x1xf32>
    %mul3A_214 = vector.broadcast %slice3A_10 : vector<1x16384xf32> to vector<128x16384xf32>
    %mul3A_215 = arith.mulf %select_n3A_201, %mul3A_214 : vector<128x16384xf32>
    %reduce_sum3A_216 = arith.constant dense<0.000000e+00> : vector<128xf32>
    %reduce_sum3A_217 = vector.multi_reduction <add>, %mul3A_215, %reduce_sum3A_216 [1] : vector<128x16384xf32> to vector<128xf32>
    %broadcast_in_dim3A_218 = vector.shape_cast %reduce_sum3A_217 : vector<128xf32> to vector<128x1xf32>
    %div3A = arith.constant 1.000000e+00 : f32
    %div3A_219 = vector.broadcast %div3A : f32 to vector<128x1xf32>
    %div3A_220 = arith.divf %div3A_219, %broadcast_in_dim3A_203 : vector<128x1xf32>
    %mul3A_221 = arith.mulf %broadcast_in_dim3A_208, %div3A_220 : vector<128x1xf32>
    %mul3A_222 = arith.mulf %broadcast_in_dim3A_213, %div3A_220 : vector<128x1xf32>
    %mul3A_223 = arith.mulf %broadcast_in_dim3A_218, %div3A_220 : vector<128x1xf32>
    %concatenate3A = tpu.concatenate %mul3A_221, %mul3A_222, %mul3A_223 in 1 : vector<128x1xf32>, vector<128x1xf32>, vector<128x1xf32> -> vector<128x3xf32>
    %swap3A = arith.constant 0 : index
    %swap3A_224 = arith.constant 0 : index
    %swap3A_225 = arith.constant 0 : index
    %swap3A_226 = vector.load %arg5[%swap3A, %swap3A_224, %swap3A_225] : memref<1x128x3xf32, #tpu.memory_space<vmem>>, vector<1x128x3xf32>
    %swap3A_227 = vector.shape_cast %swap3A_226 : vector<1x128x3xf32> to vector<128x3xf32>
    %swap3A_228 = vector.shape_cast %concatenate3A : vector<128x3xf32> to vector<1x128x3xf32>
    tpu.vector_store %arg5[%swap3A, %swap3A_224, %swap3A_225], %swap3A_228 {strides = array<i32>} : memref<1x128x3xf32, #tpu.memory_space<vmem>>, vector<1x128x3xf32>,
    return
  }
  func.func @transform_0(%arg0: i32, %arg1: i32) -> (i32, i32, i32) {
    %c0_i32 = arith.constant 0 : i32
    %c0_i32_0 = arith.constant 0 : i32
    %c0_i32_1 = arith.constant 0 : i32
    return %arg0, %c0_i32, %c0_i32_0 : i32, i32, i32
  }
  func.func @transform_1(%arg0: i32, %arg1: i32) -> (i32, i32, i32) {
    %c0_i32 = arith.constant 0 : i32
    %c0_i32_0 = arith.constant 0 : i32
    return %arg0, %arg1, %c0_i32 : i32, i32, i32
  }
  func.func @transform_2(%arg0: i32, %arg1: i32) -> i32 {
    %c0_i32 = arith.constant 0 : i32
    %c0_i32_0 = arith.constant 0 : i32
    return %c0_i32 : i32
  }
  func.func @transform_3(%arg0: i32, %arg1: i32) -> (i32, i32, i32) {
    %c0_i32 = arith.constant 0 : i32
    %c0_i32_0 = arith.constant 0 : i32
    return %arg0, %arg1, %c0_i32 : i32, i32, i32
  }
}

</mosaic_0001>

<sc_bundles>
// kernel: kernel.4.cloned.1.call-start
scs
__scs_entry_jumppad:
0x0: {  	(pc) =	sbr.rel $0x88, $3  }
0x1: {  	(tag) =	ssettag $0x0;
	lr =	simm.s32 $0x1  }
0x2: {  	[smem:$0x3F9E] =	sst lr;
	_ =	strace $0xD0000000  }
0x3: {  	_ = 	snop  }
0x4: {  	_ = 	snop  }
0x5: {  	_ = 	snop  }
0x6: {  	_ = 	snop  }
0x7: {  	_ = 	snop  }
__scs_overlays_trampoline_lowered:
0x8: {  	[smem:$0x3FAD] =	sst s0  }
0x9: {  	[smem:$0x3FAE] =	sst s1  }
0xa: {  	[smem:$0x3FAF] =	sst s2  }
0xb: {  	[smem:$0x3FB0] =	sst s3  }
0xc: {  	[smem:$0x3FB1] =	sst s4  }
0xd: {  	[smem:$0x3FB2] =	sst s5  }
0xe: {  	[smem:$0x3FB3] =	sst s6  }
0xf: {  	[smem:$0x3FB4] =	sst s7  }
0x10: {  	[smem:$0x3FB5] =	sst s8  }
0x11: {  	[smem:$0x3FB6] =	sst s9;
	s0 =	simm.s32 @!p0 $0x0  }
0x12: {  	s1 =	sld [smem:$0x3F9C];
	s0 =	simm.s32 @p0 $0x1  }
0x13: {  	[smem:$0x3FB7] =	sst s0;
	s0 =	simm.s32 @!p1 $0x0  }
0x14: {  	s2 =	sld [smem:$0x3F9B];
	s0 =	simm.s32 @p1 $0x1  }
0x15: {  	[smem:$0x3FB8] =	sst s0;
	s0 =	simm.s32 @!p2 $0x0  }
0x16: {  	s3 =	sld [smem:$0x3FDB];
	s0 =	simm.s32 @p2 $0x1  }
0x17: {  	s4 =	simm.s32 $0x1BF5;
	[smem:$0x3FBA] =	sst s0  }
0x18: {  	s0 =	sld [smem:$0x3F9D];
	_ =	swait.ge [sflag:s4], $0x0  }
0x19: {  	s7 =	sld [smem:$0x3F9E]  }
0x1a: {  	s8 =	sadd.s32 $0xFFFFE003, lr  }
0x1b: {  	s9 =	sadd.s32 $0xFFFFFEF7, lr;
	s5 =	simm.s32 $0xFFFFFFFF;
	p2 =	slt.u32 s8, $0xFFFFF086  }
0x1c: {  	p1 =	slt.u32 s9, $0xF7A;
	s5 =	simm.s32 @!p2 $0x0  }
0x1d: {  	s5 =	simm.s32 @p1 $0x1;
	p0 =	seq.s32 s7, s2  }
0x1e: {  	s7 =	smul.u32 @!p0 $0xF7A, s2;
	p2 =	seq.s32 @!p0 s5, $0x0  }
0x1f: {  	s9 =	smul.u32 $0xF7A, s1;
	s8 =	simm.s32 @!p0 $0x1BF5;
	p2 =	por !p2, p0  }
0x20: {  	[sflag:s8] =	ssyncset.s32 @!p0 $0xFFFFF086;
	s6 =	sadd.s32 @!p0 s3, s7;
	s7 =	simm.s32 @!p0 $0x108  }
0x21: {  	s3 =	sadd.s32 s3, s9;
	s6 =	sadd.s32 @!p0 $0x88, s6;
	s7 =	simm.s32 @p2 $0x1082  }
0x22: {  	[simem:s7], [sflag:s8] =	dma.local @!p0 [hbm:s6], $0xF7A  }
0x23: {  	s9 =	sor.u32 $0xD0000000, s2;
	s6 =	simm.s32 $0x108;
	_ =	swait.ge @!p0 [sflag:s8], $0x0  }
0x24: {  	s3 =	sadd.s32 $0x88, s3;
	s6 =	simm.s32 @!p1 $0x1082;
	[sflag:s4] =	ssyncset.s32 $0xFFFFF086  }
0x25: {  	[simem:s6], [sflag:s4] =	dma.local [hbm:s3], $0xF7A  }
0x26: {  	[smem:$0x3F9E] =	sst s1;
	(tag) =	ssettag s2;
	_ =	strace s9  }
0x27: {  	s1 =	sld [smem:$0x3FAE]  }
0x28: {  	s2 =	sld [smem:$0x3FAF]  }
0x29: {  	s4 =	sld [smem:$0x3FB1]  }
0x2a: {  	p0 =	seq.s32 s5, $0x0;
	s5 =	sld [smem:$0x3FB2]  }
0x2b: {  	s6 =	sld [smem:$0x3FB3]  }
0x2c: {  	s7 =	sld [smem:$0x3FB4]  }
0x2d: {  	s3 =	simm.s32 $0x108;
	s8 =	sld [smem:$0x3FB5]  }
0x2e: {  	s3 =	simm.s32 @!p0 $0x1082;
	s9 =	sld [smem:$0x3FB6]  }
0x2f: {  	lr =	sadd.s32 s0, s3;
	s0 =	sld [smem:$0x3FAD]  }
0x30: {  	s3 =	sld [smem:$0x3FB0]  }
0x31: {  	[smem:$0x3FB9] =	sst s10  }
0x32: {  	s10 =	sld [smem:$0x3FB7];
	_ =	sdelay $0x3  }
0x33: {  	p0 =	seq.s32 s10, $0x1;
	s10 =	sld [smem:$0x3FB9];
	_ =	sdelay $0x3  }
0x34: {  	[smem:$0x3FB9] =	sst s10  }
0x35: {  	s10 =	sld [smem:$0x3FB8];
	_ =	sdelay $0x3  }
0x36: {  	p1 =	seq.s32 s10, $0x1;
	s10 =	sld [smem:$0x3FB9];
	_ =	sdelay $0x3  }
0x37: {  	[smem:$0x3FB9] =	sst s10  }
0x38: {  	s10 =	sld [smem:$0x3FBA]  }
0x39: {  	_ = 	snop;
	(pc) =	sbr.ind lr, $3  }
0x3a: {  	_ = 	snop  }
0x3b: {  	_ = 	snop  }
0x3c: {  	p2 =	seq.s32 s10, $0x1;
	s10 =	sld [smem:$0x3FB9]  }
0x3d: {  	_ =	shalt  }
0x3e: {  	_ =	shalt  }
0x3f: {  	_ =	shalt  }
0x40: {  	_ =	shalt  }
0x41: {  	_ =	shalt  }
0x42: {  	_ =	shalt  }
0x43: {  	_ =	shalt  }
0x44: {  	_ =	shalt  }
0x45: {  	_ =	shalt  }
0x46: {  	_ =	shalt  }
0x47: {  	_ =	shalt  }
0x48: {  	_ =	shalt  }
0x49: {  	_ =	shalt  }
0x4a: {  	_ =	shalt  }
0x4b: {  	_ =	shalt  }
0x4c: {  	_ =	shalt  }
0x4d: {  	_ =	shalt  }
0x4e: {  	_ =	shalt  }
0x4f: {  	_ =	shalt  }
0x50: {  	_ =	shalt  }
0x51: {  	_ =	shalt  }
0x52: {  	_ =	shalt  }
0x53: {  	_ =	shalt  }
0x54: {  	_ =	shalt  }
0x55: {  	_ =	shalt  }
0x56: {  	_ =	shalt  }
0x57: {  	_ =	shalt  }
0x58: {  	_ =	shalt  }
0x59: {  	_ =	shalt  }
0x5a: {  	_ =	shalt  }
0x5b: {  	_ =	shalt  }
0x5c: {  	_ =	shalt  }
0x5d: {  	_ =	shalt  }
0x5e: {  	_ =	shalt  }
0x5f: {  	_ =	shalt  }
0x60: {  	_ =	shalt  }
0x61: {  	_ =	shalt  }
0x62: {  	_ =	shalt  }
0x63: {  	_ =	shalt  }
0x64: {  	_ =	shalt  }
0x65: {  	_ =	shalt  }
0x66: {  	_ =	shalt  }
0x67: {  	_ =	shalt  }
0x68: {  	_ =	shalt  }
0x69: {  	_ =	shalt  }
0x6a: {  	_ =	shalt  }
0x6b: {  	_ =	shalt  }
0x6c: {  	_ =	shalt  }
0x6d: {  	_ =	shalt  }
0x6e: {  	_ =	shalt  }
0x6f: {  	_ =	shalt  }
0x70: {  	_ =	shalt  }
0x71: {  	_ =	shalt  }
0x72: {  	_ =	shalt  }
0x73: {  	_ =	shalt  }
0x74: {  	_ =	shalt  }
0x75: {  	_ =	shalt  }
0x76: {  	_ =	shalt  }
0x77: {  	_ =	shalt  }
0x78: {  	_ =	shalt  }
0x79: {  	_ =	shalt  }
0x7a: {  	_ =	shalt  }
0x7b: {  	_ =	shalt  }
0x7c: {  	_ =	shalt  }
0x7d: {  	_ =	shalt  }
0x7e: {  	_ =	shalt  }
0x7f: {  	_ =	shalt  }
0x80: {  	_ =	shalt  }
0x81: {  	_ =	shalt  }
0x82: {  	_ =	shalt  }
0x83: {  	_ =	shalt  }
0x84: {  	_ =	shalt  }
0x85: {  	_ =	shalt  }
0x86: {  	_ =	shalt  }
0x87: {  	_ =	shalt  }
.Lfunc_end0:
.L_simem_size_0:
called_computation_lowered:
.L_overlay_start_0:
0x88: {  	s2 =	sld [smem:$0x3FD9]  }
0x89: {  	s3 =	sld [smem:$0x3FFE];
	_ =	sdelay $0x1  }
0x8a: {  	s1 =	srdreg.scid  }
0x8b: {  	s0 =	sand.u32 $0x1, s1  }
0x8c: {  	s17 =	sshll.u32 s0, $0xA;
	s2 =	sadd.s32 s3, s2  }
0x8d: {  	s2 =	sadd.s32 s2, s17  }
0x8e: {  	[smem:$0x3FC5] =	sst s2  }
0x8f: {  	_ = 	snop  }
0x90: {  	s2 =	sld [smem:$0x3FD0];
	(tm) =	ssettm $0x1  }
0x91: {  	s18 =	sld [smem:$0x3FFB];
	_ =	sdelay $0x3  }
0x92: {  	_ =	strace s18  }
0x93: {  	s3 =	sld [smem:$0x3FFC];
	_ =	sdelay $0x3  }
0x94: {  	_ =	strace s3  }
0x95: {  	s3 =	sld [smem:$0x3FFD];
	_ =	sdelay $0x3  }
0x96: {  	_ =	strace s3  }
0x97: {  	_ =	strace $0x8FFFFFFF  }
0x98: {  	s19 =	sld [smem:$0x3FDB];
	_ =	sdelay $0x1  }
0x99: {  	s4 =	simm.s32 $_scs_section_size  }
0x9a: {  	s5 =	simm.s32 $_size__tile_overlayer_lowered;
	s6 =	simm.s32 $_tile_overlayer_lowered  }
0x9b: {  	s22 =	simm.s32 $0x1BFF;
	s21 =	sshll.u32 s6, $0x1;
	s3 =	sadd.s32 s4, s19  }
0x9c: {  	s7 =	simm.s32 $0x0;
	s20 =	sshll.u32 s5, $0x1;
	s5 =	sadd.s32 s21, s3  }
0x9d: {  	[timem:s7], [sflag:s22] =	dma.local [hbm:s5], s20  }
0x9e: {  	_ =	swait.ge [sflag:s22], s20  }
0x9f: {  	s4 =	ssub.s32 $0x0, s20;
	[sflag:s22] =	ssyncset.done $0x0  }
0xa0: {  	[sflag:s22] =	ssyncadd.s32 s4;
	_ =	sdelay $0x1  }
0xa1: {  	s23 =	simm.s32 $0x1B8B  }
0xa2: {  	_ =	swait.ge [sflag:s23], $0x1  }
0xa3: {  	[sflag:s23] =	ssyncset.done $0x0  }
0xa4: {  	s25 =	simm.s32 $0x1B8E;
	s24 =	sld [smem:$0x3FFE];
	[sflag:s23] =	ssyncadd.s32 $0xFFFFFFFF  }
0xa5: {  	s26 =	simm.s32 $execute0_lowered;
	[smem:$0x3FD2] =	sst s25  }
0xa6: {  	s5 =	sshll.u32 s26, $0x1;
	_ =	strace $0x80000046;
	[dreg:$0x1] =	wrdreg $0xFFFFFFFF  }
0xa7: {  	s28 =	simm.s32 $_size_execute0_lowered;
	s3 =	sadd.s32 s3, s5;
	[dreg:$0x0] =	wrdreg $0x0  }
0xa8: {  	s5 =	sshll.u32 s28, $0x1;
	[dreg:$0x2] =	wrdreg s3  }
0xa9: {  	[dreg:$0x3] =	wrdreg s5  }
0xaa: {  	[dreg:$0x4] =	wrdreg $0xC0  }
0xab: {  	_ =	task [dreg:s7], $0x5FFFF  }
0xac: {  	[dreg:$0x1] =	wrdreg $0xFFFFFFFF  }
0xad: {  	[dreg:$0x0] =	wrdreg $0x60  }
0xae: {  	[dreg:$0x2] =	wrdreg s24  }
0xaf: {  	[dreg:$0x3] =	wrdreg s2  }
0xb0: {  	[dreg:$0x4] =	wrdreg $0x9  }
0xb1: {  	_ =	task.clear_ibuf [dreg:s7], $0x5FFFF;
	_ =	strace $0x90000046  }
0xb2: {  	s29 =	simm.s32 $0x9;
	_ =	strace $0x80000048  }
0xb3: {  	_ =	swait.ge [sflag:s29], $0x1  }
0xb4: {  	[sflag:s29] =	ssyncadd.s32 $0xFFFFFFFF  }
0xb5: {  	_ =	strace $0x90000048  }
0xb6: {  	_ =	sfence  }
0xb7: {  	s30 =	sld [smem:$0x0];
	_ =	sdelay $0x2  }
0xb8: {  	s31 =	sshll.u32 s1, $0xD;
	s1 =	sshrl.u32 s1, $0x2  }
0xb9: {  	s3 =	sand.u32 $0x4000, s31;
	s1 =	sadd.s32 s1, s30  }
0xba: {  	s0 =	sor.u32 s3, s0;
	s1 =	sshll.u32 s1, $0x11  }
0xbb: {  	s0 =	sor.u32 s1, s0  }
0xbc: {  	s0 =	sadd.s32 $0x8F2B, s0  }
0xbd: {  	[sflag:s0] =	ssyncadd.remote.s32 $0x1  }
0xbe: {  	_ =	sfence.sel $0xFFFF  }
0xbf: {  	[dreg:$0x0] =	wrdreg $0xFFFFFFFF;
	(pc) =	sbr.abs _section_cstart, $3  }
0xc0: {  	[dreg:$0x1] =	wrdreg $0xFFFFFFFF  }
0xc1: {  	_ =	task.clear_ibuf [dreg:s7], $0x2FFFF;
	_ =	strace $0x9FFFFFFF  }
0xc2: {  	(tm) =	ssettm $0x7FFFFFFF  }
0xc3: {  	_ =	shalt  }
tec
execute0_lowered:
.L_overlay_start_1:
0x0: {  	(tag) =	ssettag $0x1  }
0x1: {  	s0 =	rddreg [dreg:$0x0]  }
0x2: {  	s1 =	rddreg [dreg:$0x1]  }
0x3: {  	s7 =	simm.s32 $0x0;
	s4 =	stileid.u32;
	s3 =	srdreg.scid  }
0x4: {  	s14 =	simm.s32 $0x1;
	s21 =	simm.s32 $0x14280;
	s22 =	simm.s32 $0x14300  }
0x5: {  	[smem:$0x7FF] =	sst s7;
	s2 =	sshrl.u32 s4, $0x1;
	s4 =	sshll.u32 s4, $0x1  }
0x6: {  	s3 =	sand.u32 $0x1, s3;
	s8 =	sadd.s32 $0xC800, s0;
	s4 =	sand.u32 $0x2, s4  }
0x7: {  	s5 =	smul.u32 $0xC000, s2;
	s4 =	sor.u32 s3, s4;
	s3 =	ssub.s32 $0x2, s3  }
0x8: {  	_ =	strace $0x80000047;
	s6 =	smul.u32 $0x600, s2;
	s28 =	sshrl.u32 s3, $0x1  }
0x9: {  	s2 =	smul.u32 $0xC00, s2;
	s5 =	sshrl.u32 s5, $0x3;
	s3 =	ssub.s32 s3, s28  }
0xa: {  	[dreg:$0x3] =	wrdreg s8;
	s5 =	sadd.s32 s5, s0;
	s31 =	smax.u32 s3, $0x1  }
0xb: {  	s4 =	sshll.u32 s4, $0x7;
	s11 =	sadd.s32 $0x600, s5;
	[dreg:$0xd] =	wrdreg s31  }
0xc: {  	s2 =	sor.u32 s2, s4;
	s12 =	sadd.s32 $0xE00, s5;
	[dreg:$0x4] =	wrdreg s11  }
0xd: {  	s2 =	sshrl.u32 s2, $0x3;
	s13 =	sadd.s32 $0x1600, s5;
	[dreg:$0x6] =	wrdreg s12  }
0xe: {  	s6 =	sor.u32 s6, s4;
	s1 =	sadd.s32 s1, s2;
	[dreg:$0x7] =	wrdreg s13  }
0xf: {  	s6 =	sshrl.u32 s6, $0x3;
	s2 =	sadd.s32 $0x80, s1;
	[dreg:$0x5] =	wrdreg s1  }
0x10: {  	s0 =	sadd.s32 s6, s0;
	s1 =	sadd.s32 $0x100, s1;
	[dreg:$0x8] =	wrdreg s2  }
0x11: {  	s15 =	simm.s32 $0x17510;
	s29 =	sadd.s32 $0xCA00, s0;
	[dreg:$0x9] =	wrdreg s1  }
0x12: {  	s16 =	simm.s32 $0x17D10;
	s30 =	sadd.s32 $0xCA40, s0;
	[dreg:$0xa] =	wrdreg s29  }
0x13: {  	s3 =	simm.s32 $0x0;
	s0 =	sadd.s32 $0xCA80, s0;
	[dreg:$0xb] =	wrdreg s30  }
0x14: {  	v0 =	vimm.f32 $+Inf;
	v1 =	vimm.s32 $0x0;
	v2 =	vlaneseq.u32;
	[dreg:$0xc] =	wrdreg s0;
	s0 =	simm.s32 $0x10000;
	s1 =	simm.s32 $0x16D10  }
.LBB2_1:
0x15: {  	[dreg:$0xe] =	wrdreg s3  }
0x16: {  	[tilespmem:s7], [sflag:$0x1] =	stream.linear.gather [hbm4b:s11+s7], $0x4000, $0x38;
	[tilespmem:$0x18A90] =	vst v63  }
0x17: {  	_ =	swait.ge [sflag:s14], $0x4000  }
0x18: {  	[sflag:s14] =	ssyncset.done $0x0  }
0x19: {  	s2 =	simm.s32 $0x4000;
	[sflag:s14] =	ssyncadd.s32 $0xFFFFC000  }
0x1a: {  	[tilespmem:s2], [sflag:$0x1] =	stream.linear.gather [hbm4b:s12+s7], $0x4000, $0x38;
	[tilespmem:$0x18A90] =	vst v63  }
0x1b: {  	_ =	swait.ge [sflag:s14], $0x4000  }
0x1c: {  	[sflag:s14] =	ssyncset.done $0x0  }
0x1d: {  	s31 =	simm.s32 $0x8000;
	[sflag:s14] =	ssyncadd.s32 $0xFFFFC000  }
0x1e: {  	[tilespmem:s31], [sflag:$0x1] =	stream.linear.gather [hbm4b:s13+s7], $0x4000, $0x38;
	[tilespmem:$0x18A90] =	vst v63  }
0x1f: {  	_ =	swait.ge [sflag:s14], $0x4000  }
0x20: {  	[sflag:s14] =	ssyncset.done $0x0  }
0x21: {  	s2 =	simm.s32 $0x0;
	[sflag:s14] =	ssyncadd.s32 $0xFFFFC000  }
0x22: {  	v3 =	vld [tilespmem:s2+$0x0];
	_ =	sdelay $0x1  }
0x23: {  	v4 =	vld [tilespmem:s2+$0x4000]  }
0x24: {  	v5 =	vld [tilespmem:s2+$0x8000];
	_ =	sdelay $0x1  }
0x25: {  	v6 =	vshrl.u32 v3, $0x10  }
0x26: {  	v6 =	vand.u32 $0x1, v6  }
0x27: {  	v7 =	vmul.f32 v3, v3;
	v8 =	vshrl.u32 v4, $0x10;
	v3 =	vadd.s32 v6, v3  }
0x28: {  	v6 =	vand.u32 $0x1, v8;
	v8 =	vshrl.u32 v5, $0x10;
	v3 =	vadd.s32 $0x7FFF, v3  }
0x29: {  	v6 =	vadd.s32 v6, v4;
	v8 =	vand.u32 $0x1, v8;
	v4 =	vmul.f32 v4, v4  }
0x2a: {  	v3 =	vand.u32 $0xFFFF0000, v3;
	v6 =	vadd.s32 $0x7FFF, v6;
	v8 =	vadd.s32 v8, v5  }
0x2b: {  	s3 =	simm.s32 $0x10;
	[tilespmem:s2+$0x0] =	vst v3;
	v6 =	vand.u32 $0xFFFF0000, v6;
	v8 =	vadd.s32 $0x7FFF, v8  }
0x2c: {  	s4 =	simm.s32 $0x80;
	v5 =	vmul.f32 v5, v5;
	v4 =	vadd.f32 v4, v7;
	v3 =	vld [tilespmem:s3+$0x0];
	[tilespmem:s2+$0x4000] =	vst v6;
	v6 =	vand.u32 $0xFFFF0000, v8  }
.LBB2_2:
0x2d: {  	p0 =	sne.s32 s4, $0xFFC0;
	v7 =	vld [tilespmem:s3+$0x4000];
	[tilespmem:s2+$0x8000] =	vst v6  }
0x2e: {  	v6 =	vld [tilespmem:s3+$0x8000];
	v4 =	vadd.f32 v5, v4;
	_ =	sdelay $0x1  }
0x2f: {  	[tilespmem:s2+$0xC000] =	vst v4;
	s2 =	smov.u32 s3  }
0x30: {  	v4 =	vmul.f32 v3, v3;
	v5 =	vshrl.u32 v3, $0x10  }
0x31: {  	v8 =	vmul.f32 v7, v7;
	v5 =	vand.u32 $0x1, v5;
	v9 =	vshrl.u32 v7, $0x10  }
.Ltmp0:
0x32: {  	v3 =	vadd.s32 v5, v3;
	v5 =	vand.u32 $0x1, v9;
	v9 =	vshrl.u32 v6, $0x10;
	(pc) =	sbr.rel @p0 .LBB2_2-.Ltmp0, $4  }
0x33: {  	v3 =	vadd.s32 $0x7FFF, v3;
	v5 =	vadd.s32 v5, v7;
	v7 =	vand.u32 $0x1, v9  }
0x34: {  	v3 =	vand.u32 $0xFFFF0000, v3;
	v5 =	vadd.s32 $0x7FFF, v5;
	v7 =	vadd.s32 v7, v6  }
0x35: {  	s3 =	sshra.s32 s4, $0x2;
	v4 =	vadd.f32 v8, v4;
	[tilespmem:s2+$0x0] =	vst v3;
	v8 =	vand.u32 $0xFFFF0000, v5;
	v7 =	vadd.s32 $0x7FFF, v7  }
0x36: {  	s4 =	sadd.s32 $0x40, s4;
	v5 =	vmul.f32 v6, v6;
	v3 =	vld [tilespmem:s3+$0x0];
	[tilespmem:s2+$0x4000] =	vst v8;
	v6 =	vand.u32 $0xFFFF0000, v7  }
0x37: {  	v7 =	vld [tilespmem:s3+$0x4000]  }
0x38: {  	[tilespmem:s2+$0x8000] =	vst v6  }
0x39: {  	v6 =	vld [tilespmem:s3+$0x8000];
	_ =	sdelay $0x1  }
0x3a: {  	v4 =	vadd.f32 v5, v4;
	v25 =	vshrl.u32 v3, $0x10  }
0x3b: {  	v8 =	vmul.f32 v3, v3;
	v5 =	vand.u32 $0x1, v25;
	v9 =	vshrl.u32 v7, $0x10  }
0x3c: {  	v10 =	vmul.f32 v7, v7;
	v3 =	vadd.s32 v5, v3;
	v26 =	vand.u32 $0x1, v9  }
0x3d: {  	v27 =	vshrl.u32 v6, $0x10;
	v3 =	vadd.s32 $0x7FFF, v3;
	v5 =	vadd.s32 v26, v7  }
0x3e: {  	v28 =	vand.u32 $0x1, v27;
	v30 =	vadd.f32 v10, v8;
	v3 =	vand.u32 $0xFFFF0000, v3  }
0x3f: {  	[tilespmem:s2+$0xC000] =	vst v4;
	v5 =	vadd.s32 $0x7FFF, v5;
	v29 =	vadd.s32 v28, v6;
	v6 =	vmul.f32 v6, v6  }
0x40: {  	[tilespmem:s3+$0x0] =	vst v3;
	v3 =	vand.u32 $0xFFFF0000, v5;
	v4 =	vadd.s32 $0x7FFF, v29  }
0x41: {  	[tilespmem:s3+$0x4000] =	vst v3;
	v3 =	vand.u32 $0xFFFF0000, v4;
	v31 =	vadd.f32 v6, v30  }
0x42: {  	[tilespmem:s3+$0x8000] =	vst v3  }
0x43: {  	s6 =	simm.s32 $0x0;
	s24 =	rddreg [dreg:$0x5];
	s25 =	simm.s32 $0x14000;
	[tilespmem:s3+$0xC000] =	vst v31  }
0x44: {  	[tilespmem:s25], [sflag:$0x1] =	stream.linear.gather [hbm4b:s24+s6], $0x80, $0x38;
	[tilespmem:$0x18A90] =	vst v63  }
0x45: {  	_ =	swait.ge [sflag:s14], $0x80  }
0x46: {  	[sflag:s14] =	ssyncset.done $0x0  }
0x47: {  	s4 =	simm.s32 $0x14080;
	s26 =	rddreg [dreg:$0x8];
	[sflag:s14] =	ssyncadd.s32 $0xFFFFFF80  }
0x48: {  	[tilespmem:s4], [sflag:$0x1] =	stream.linear.gather [hbm4b:s26+s6], $0x80, $0x38;
	[tilespmem:$0x18A90] =	vst v63  }
0x49: {  	_ =	swait.ge [sflag:s14], $0x80  }
0x4a: {  	[sflag:s14] =	ssyncset.done $0x0  }
0x4b: {  	s5 =	simm.s32 $0x14100;
	s28 =	rddreg [dreg:$0x9];
	[sflag:s14] =	ssyncadd.s32 $0xFFFFFF80  }
0x4c: {  	[tilespmem:s5], [sflag:$0x1] =	stream.linear.gather [hbm4b:s28+s6], $0x80, $0x38;
	[tilespmem:$0x18A90] =	vst v63  }
0x4d: {  	_ =	swait.ge [sflag:s14], $0x80  }
0x4e: {  	[sflag:s14] =	ssyncset.done $0x0  }
0x4f: {  	s29 =	simm.s32 $0x14200;
	[sflag:s14] =	ssyncadd.s32 $0xFFFFFF80  }
0x50: {  	[tilespmem:s29], [sflag:$0x1] =	stream.linear.gather [hbm4b:s24+s6], $0x80, $0x38;
	[tilespmem:$0x18A90] =	vst v63  }
0x51: {  	_ =	swait.ge [sflag:s14], $0x80  }
0x52: {  	[sflag:s14] =	ssyncset.done $0x0  }
0x53: {  	[sflag:s14] =	ssyncadd.s32 $0xFFFFFF80  }
0x54: {  	[tilespmem:s21], [sflag:$0x1] =	stream.linear.gather [hbm4b:s26+s6], $0x80, $0x38;
	[tilespmem:$0x18A90] =	vst v63  }
0x55: {  	_ =	swait.ge [sflag:s14], $0x80  }
0x56: {  	[sflag:s14] =	ssyncset.done $0x0  }
0x57: {  	[sflag:s14] =	ssyncadd.s32 $0xFFFFFF80  }
0x58: {  	[tilespmem:s22], [sflag:$0x1] =	stream.linear.gather [hbm4b:s28+s6], $0x80, $0x38;
	[tilespmem:$0x18A90] =	vst v63  }
0x59: {  	_ =	swait.ge [sflag:s14], $0x80  }
0x5a: {  	[sflag:s14] =	ssyncset.done $0x0  }
0x5b: {  	s31 =	simm.s32 $0x14380;
	s30 =	rddreg [dreg:$0x3];
	[sflag:s14] =	ssyncadd.s32 $0xFFFFFF80  }
0x5c: {  	[tilespmem:s31], [sflag:$0x1] =	stream.linear.gather [hbm4b:s30+s6], $0x10, $0x38;
	[tilespmem:$0x18A90] =	vst v63  }
0x5d: {  	_ =	swait.ge [sflag:s14], $0x10  }
0x5e: {  	[sflag:s14] =	ssyncset.done $0x0  }
0x5f: {  	[sflag:s14] =	ssyncadd.s32 $0xFFFFFFF0  }
0x60: {  	v3 =	vld [tilespmem:$0x14200]  }
0x61: {  	v32 =	vld [tilespmem:$0x14280]  }
0x62: {  	v33 =	vld [tilespmem:$0x14300]  }
0x63: {  	v34 =	vld [tilespmem:$0x14210]  }
0x64: {  	v37 =	vld [tilespmem:$0x14290]  }
0x65: {  	v38 =	vld [tilespmem:$0x14310]  }
0x66: {  	v40 =	vld [tilespmem:$0x14220]  }
0x67: {  	v13 =	vld [tilespmem:$0x142A0]  }
0x68: {  	v44 =	vld [tilespmem:$0x14320]  }
0x69: {  	v46 =	vld [tilespmem:$0x14230]  }
0x6a: {  	v16 =	vld [tilespmem:$0x142B0]  }
0x6b: {  	v50 =	vld [tilespmem:$0x14330]  }
0x6c: {  	v51 =	vld [tilespmem:$0x14240]  }
0x6d: {  	v17 =	vld [tilespmem:$0x142C0]  }
0x6e: {  	v20 =	vld [tilespmem:$0x14340]  }
0x6f: {  	v55 =	vld [tilespmem:$0x14250]  }
0x70: {  	v57 =	vld [tilespmem:$0x142D0];
	v35 =	vshrl.u32 v3, $0x10;
	v36 =	vshrl.u32 v32, $0x10  }
0x71: {  	v39 =	vshrl.u32 v33, $0x10;
	v11 =	vshrl.u32 v34, $0x10;
	v12 =	vshrl.u32 v37, $0x10  }
0x72: {  	v45 =	vshrl.u32 v38, $0x10;
	v14 =	vshrl.u32 v40, $0x10;
	v15 =	vshrl.u32 v13, $0x10  }
0x73: {  	v52 =	vshrl.u32 v44, $0x10;
	v18 =	vshrl.u32 v46, $0x10;
	v19 =	vshrl.u32 v16, $0x10  }
0x74: {  	v21 =	vshrl.u32 v50, $0x10;
	v23 =	vshrl.u32 v51, $0x10;
	v24 =	vshrl.u32 v17, $0x10  }
0x75: {  	v62 =	vld [tilespmem:$0x14270];
	v26 =	vshrl.u32 v20, $0x10;
	v28 =	vshrl.u32 v55, $0x10;
	v29 =	vshrl.u32 v57, $0x10  }
0x76: {  	v7 =	vand.u32 $0x1, v35;
	v8 =	vand.u32 $0x1, v36;
	v41 =	vand.u32 $0x1, v11  }
0x77: {  	v42 =	vand.u32 $0x1, v12;
	v11 =	vand.u32 $0x1, v45;
	v47 =	vand.u32 $0x1, v14  }
0x78: {  	v58 =	vld [tilespmem:$0x14350];
	v48 =	vand.u32 $0x1, v15;
	v15 =	vand.u32 $0x1, v52;
	v53 =	vand.u32 $0x1, v18  }
0x79: {  	v22 =	vld [tilespmem:$0x14260];
	v54 =	vand.u32 $0x1, v19;
	v21 =	vand.u32 $0x1, v21;
	v59 =	vand.u32 $0x1, v23  }
0x7a: {  	v61 =	vld [tilespmem:$0x14360];
	v60 =	vand.u32 $0x1, v24;
	v26 =	vand.u32 $0x1, v26;
	v52 =	vshrl.u32 v62, $0x10  }
0x7b: {  	v63 =	vld [tilespmem:$0x142F0];
	v3 =	vadd.s32 v7, v3;
	v4 =	vadd.s32 v8, v32;
	v8 =	vand.u32 $0x1, v39  }
0x7c: {  	v27 =	vld [tilespmem:$0x14370];
	v6 =	vadd.s32 v41, v34;
	v43 =	vadd.s32 v42, v37;
	v7 =	vadd.s32 v11, v38  }
0x7d: {  	v10 =	vadd.s32 v47, v40;
	v49 =	vadd.s32 v48, v13;
	v9 =	vadd.s32 v15, v44  }
0x7e: {  	v12 =	vadd.s32 v53, v46;
	v56 =	vadd.s32 v54, v16;
	v13 =	vadd.s32 v21, v50  }
0x7f: {  	v14 =	vadd.s32 v59, v51;
	v17 =	vadd.s32 v60, v17;
	v34 =	vand.u32 $0x1, v29  }
0x80: {  	v40 =	vshrl.u32 v58, $0x10;
	v42 =	vshrl.u32 v22, $0x10;
	v50 =	vshrl.u32 v61, $0x10  }
0x81: {  	v53 =	vshrl.u32 v63, $0x10;
	v60 =	vshrl.u32 v27, $0x10;
	v3 =	vadd.s32 $0x7FFF, v3  }
0x82: {  	v25 =	vld [tilespmem:$0x142E0];
	v4 =	vadd.s32 $0x7FFF, v4;
	v5 =	vadd.s32 v8, v33;
	v6 =	vadd.s32 $0x7FFF, v6  }
0x83: {  	v8 =	vadd.s32 $0x7FFF, v43;
	v7 =	vadd.s32 $0x7FFF, v7;
	v10 =	vadd.s32 $0x7FFF, v10  }
0x84: {  	v11 =	vadd.s32 $0x7FFF, v49;
	v9 =	vadd.s32 $0x7FFF, v9;
	v12 =	vadd.s32 $0x7FFF, v12  }
0x85: {  	v15 =	vadd.s32 $0x7FFF, v56;
	v13 =	vadd.s32 $0x7FFF, v13;
	v14 =	vadd.s32 $0x7FFF, v14  }
0x86: {  	v17 =	vadd.s32 $0x7FFF, v17;
	v33 =	vand.u32 $0x1, v28;
	v16 =	vadd.s32 v34, v57  }
0x87: {  	v43 =	vshrl.u32 v25, $0x10;
	v45 =	vand.u32 $0x1, v42;
	v3 =	vand.u32 $0xFFFF0000, v3  }
0x88: {  	v30 =	vld [tilespmem:$0x14000];
	v4 =	vand.u32 $0xFFFF0000, v4;
	v5 =	vadd.s32 $0x7FFF, v5;
	v6 =	vand.u32 $0xFFFF0000, v6  }
0x89: {  	v35 =	vld [tilespmem:$0x14080];
	v8 =	vand.u32 $0xFFFF0000, v8;
	v7 =	vand.u32 $0xFFFF0000, v7;
	v10 =	vand.u32 $0xFFFF0000, v10;
	[tilespmem:$0x14200] =	vst v3  }
0x8a: {  	v37 =	vld [tilespmem:$0x14100];
	v11 =	vand.u32 $0xFFFF0000, v11;
	v9 =	vand.u32 $0xFFFF0000, v9;
	v12 =	vand.u32 $0xFFFF0000, v12;
	[tilespmem:$0x14280] =	vst v4  }
0x8b: {  	v39 =	vld [tilespmem:$0x14010];
	v15 =	vand.u32 $0xFFFF0000, v15;
	v13 =	vand.u32 $0xFFFF0000, v13;
	v14 =	vand.u32 $0xFFFF0000, v14;
	[tilespmem:$0x14210] =	vst v6  }
0x8c: {  	v41 =	vld [tilespmem:$0x14090];
	v17 =	vand.u32 $0xFFFF0000, v17;
	v36 =	vadd.s32 v33, v55;
	v38 =	vadd.s32 $0x7FFF, v16;
	[tilespmem:$0x14290] =	vst v8  }
0x8d: {  	v44 =	vld [tilespmem:$0x14110];
	v46 =	vand.u32 $0x1, v43;
	v55 =	vand.u32 $0x1, v53;
	v5 =	vand.u32 $0xFFFF0000, v5;
	[tilespmem:$0x14310] =	vst v7  }
0x8e: {  	v47 =	vld [tilespmem:$0x14020];
	v3 =	vadd.s32 v26, v20;
	v4 =	vadd.s32 $0x7FFF, v36;
	v6 =	vand.u32 $0x1, v40;
	[tilespmem:$0x14220] =	vst v10  }
0x8f: {  	v48 =	vld [tilespmem:$0x140A0];
	v7 =	vadd.s32 v45, v22;
	v8 =	vadd.s32 v46, v25;
	[tilespmem:$0x14320] =	vst v9;
	v9 =	vand.u32 $0x1, v50  }
0x90: {  	v51 =	vld [tilespmem:$0x14030];
	[tilespmem:$0x14230] =	vst v12;
	v12 =	vand.u32 $0x1, v52;
	v57 =	vadd.s32 v55, v63;
	v3 =	vadd.s32 $0x7FFF, v3  }
0x91: {  	v54 =	vld [tilespmem:$0x140B0];
	[tilespmem:$0x14300] =	vst v5;
	v4 =	vand.u32 $0xFFFF0000, v4;
	v5 =	vand.u32 $0xFFFF0000, v38;
	v6 =	vadd.s32 v6, v58  }
0x92: {  	v59 =	vld [tilespmem:$0x140C0];
	[tilespmem:$0x142A0] =	vst v11;
	v7 =	vadd.s32 $0x7FFF, v7;
	v8 =	vadd.s32 $0x7FFF, v8;
	v9 =	vadd.s32 v9, v61  }
0x93: {  	v32 =	vld [tilespmem:$0x140D0];
	[tilespmem:$0x14330] =	vst v13;
	v12 =	vadd.s32 v12, v62;
	v13 =	vadd.s32 $0x7FFF, v57;
	v62 =	vmul.f32 v30, v30  }
0x94: {  	v49 =	vld [tilespmem:$0x14120];
	[tilespmem:$0x142B0] =	vst v15;
	v63 =	vmul.f32 v35, v35;
	v3 =	vand.u32 $0xFFFF0000, v3;
	v6 =	vadd.s32 $0x7FFF, v6  }
0x95: {  	v56 =	vld [tilespmem:$0x14130];
	[tilespmem:$0x14240] =	vst v14;
	v7 =	vand.u32 $0xFFFF0000, v7;
	v30 =	vmul.f32 v39, v39;
	v31 =	vmul.f32 v41, v41  }
0x96: {  	v28 =	vld [tilespmem:$0x14050];
	[tilespmem:$0x142C0] =	vst v17;
	v8 =	vand.u32 $0xFFFF0000, v8;
	v34 =	vmul.f32 v37, v37;
	v36 =	vmul.f32 v44, v44  }
0x97: {  	v42 =	vld [tilespmem:$0x14070];
	v9 =	vadd.s32 $0x7FFF, v9;
	[tilespmem:$0x14250] =	vst v4;
	v38 =	vmul.f32 v47, v47;
	v10 =	vmul.f32 v48, v48  }
0x98: {  	v45 =	vld [tilespmem:$0x140F0];
	v12 =	vadd.s32 $0x7FFF, v12;
	[tilespmem:$0x142D0] =	vst v5;
	v40 =	vmul.f32 v51, v51;
	v41 =	vmul.f32 v54, v54  }
0x99: {  	v58 =	vld [tilespmem:$0x14040];
	v13 =	vand.u32 $0xFFFF0000, v13;
	v47 =	vmul.f32 v59, v59;
	v52 =	vmul.f32 v32, v32;
	[tilespmem:$0x14340] =	vst v3  }
0x9a: {  	v35 =	vld [tilespmem:$0x14150];
	v6 =	vand.u32 $0xFFFF0000, v6;
	v9 =	vand.u32 $0xFFFF0000, v9;
	v12 =	vand.u32 $0xFFFF0000, v12;
	[tilespmem:$0x14260] =	vst v7  }
0x9b: {  	v37 =	vld [tilespmem:$0x14060];
	v3 =	vand.u32 $0x1, v60;
	v33 =	vadd.f32 v63, v62;
	[tilespmem:$0x142E0] =	vst v8;
	v43 =	vmul.f32 v49, v49  }
0x9c: {  	v39 =	vld [tilespmem:$0x140E0];
	v44 =	vmul.f32 v56, v56;
	[tilespmem:$0x142F0] =	vst v13;
	v50 =	vmul.f32 v28, v28;
	v4 =	vadd.f32 v31, v30  }
0x9d: {  	v61 =	vld [tilespmem:$0x14140];
	v3 =	vadd.s32 v3, v27;
	[tilespmem:$0x14350] =	vst v6;
	v7 =	vadd.f32 v10, v38;
	v6 =	vadd.f32 v41, v40  }
0x9e: {  	v48 =	vld [tilespmem:$0x14160];
	[tilespmem:$0x14360] =	vst v9;
	v3 =	vadd.s32 $0x7FFF, v3;
	v5 =	vadd.f32 v34, v33;
	v57 =	vadd.f32 v52, v50  }
0x9f: {  	v51 =	vld [tilespmem:$0x14170];
	[tilespmem:$0x14270] =	vst v12;
	v11 =	vmul.f32 v45, v45;
	v3 =	vand.u32 $0xFFFF0000, v3;
	v4 =	vadd.f32 v36, v4  }
0xa0: {  	v46 =	vmul.f32 v58, v58;
	v7 =	vadd.f32 v43, v7;
	v53 =	vmul.f32 v35, v35;
	[tilespmem:$0x14370] =	vst v3  }
0xa1: {  	v3 =	vadd.f32 v44, v6;
	[tilespmem:$0x14180] =	vst v5;
	v55 =	vmul.f32 v37, v37;
	v56 =	vmul.f32 v39, v39  }
0xa2: {  	v49 =	vmul.f32 v61, v61;
	v58 =	vmul.f32 v42, v42;
	v54 =	vadd.f32 v47, v46;
	[tilespmem:$0x14190] =	vst v4  }
0xa3: {  	v60 =	vmul.f32 v48, v48;
	v59 =	vadd.f32 v56, v55;
	[tilespmem:$0x141B0] =	vst v3;
	v3 =	vadd.f32 v53, v57  }
.Ltmp1:
0xa4: {  	v62 =	vmul.f32 v51, v51;
	[tilespmem:$0x141A0] =	vst v7;
	v61 =	vadd.f32 v11, v58;
	v5 =	vadd.f32 v49, v54;
	(pc) =	sbr.rel .LBB2_4-.Ltmp1, $4  }
0xa5: {  	v63 =	vadd.f32 v60, v59;
	[tilespmem:$0x141D0] =	vst v3  }
0xa6: {  	v3 =	vadd.f32 v62, v61;
	[tilespmem:$0x141C0] =	vst v5  }
0xa7: {  	[tilespmem:$0x141E0] =	vst v63  }
0xa8: {  	s18 =	simm.s32 $0x0;
	[tilespmem:$0x141F0] =	vst v3  }
.LBB2_108:
0xa9: {  	v3 =	vld [tilespmem:$0x164D0];
	_ =	sdelay $0x2  }
0xaa: {  	s2 =	sshll.u32 s18, $0x6  }
0xab: {  	s2 =	sand.u32 $0x3FFFFFC0, s2  }
0xac: {  	[tilespmem:s2+$0x16510] =	vst v3  }
0xad: {  	v3 =	vld [tilespmem:$0x164E0];
	_ =	sdelay $0x2  }
0xae: {  	s29 =	sshll.u32 s10, $0x4  }
0xaf: {  	s2 =	sand.u32 $0x3FFFFFF0, s29  }
0xb0: {  	[tilespmem:s2+$0x16510] =	vst v3  }
0xb1: {  	v3 =	vld [tilespmem:$0x164F0];
	_ =	sdelay $0x2  }
0xb2: {  	s30 =	sshll.u32 s19, $0x4  }
0xb3: {  	s2 =	sand.u32 $0x3FFFFFF0, s30  }
0xb4: {  	s18 =	sadd.s32 $0x1, s18;
	[tilespmem:s2+$0x16510] =	vst v3  }
0xb5: {  	p0 =	sne.s32 s18, $0x20;
	v3 =	vld [tilespmem:$0x16500]  }
.Ltmp2:
0xb6: {  	_ = 	snop;
	(pc) =	sbr.rel @!p0 .LBB2_109-.Ltmp2, $4  }
0xb7: {  	_ = 	snop  }
0xb8: {  	s31 =	sshll.u32 s3, $0x4  }
0xb9: {  	s2 =	sand.u32 $0x3FFFFFF0, s31  }
0xba: {  	[tilespmem:s2+$0x16510] =	vst v3  }
.LBB2_4:
0xbb: {  	s2 =	sshll.u32 s18, $0x2;
	s3 =	sshllo.u32 s18, $0x2  }
0xbc: {  	v3 =	vmov s2;
	v18 =	vmov s3  }
0xbd: {  	v15 =	vbroadcast v3, $0x0  }
0xbe: {  	v19 =	vld [tilespmem:$0x0];
	s10 =	sor.u32 $0x1, s2  }
0xbf: {  	v20 =	vld [tilespmem:$0x4000];
	v3 =	vmov s10  }
0xc0: {  	s23 =	simm.s32 $0x14200;
	v21 =	vld [tilespmem:$0x8000];
	s19 =	sor.u32 $0x2, s2;
	v16 =	vbroadcast v3, $0x0  }
0xc1: {  	v3 =	vmov s19;
	v6 =	vld.idx.msk [tilespmem:v18+s23+$0x0], $0xffff  }
0xc2: {  	v17 =	vbroadcast v3, $0x0;
	v12 =	vld.idx.msk [tilespmem:v18+s21+$0x0], $0xffff  }
0xc3: {  	v3 =	vld.idx.msk [tilespmem:v15+s23+$0x0], $0xffff  }
0xc4: {  	v7 =	vld.idx.msk [tilespmem:v15+s21+$0x0], $0xffff  }
0xc5: {  	v9 =	vld.idx.msk [tilespmem:v15+s22+$0x0], $0xffff  }
0xc6: {  	v4 =	vld.idx.msk [tilespmem:v16+s23+$0x0], $0xffff  }
0xc7: {  	v8 =	vld.idx.msk [tilespmem:v16+s21+$0x0], $0xffff  }
0xc8: {  	v5 =	vld.idx.msk [tilespmem:v17+s23+$0x0], $0xffff  }
0xc9: {  	v10 =	vld.idx.msk [tilespmem:v17+s21+$0x0], $0xffff  }
0xca: {  	v11 =	vld.idx.msk [tilespmem:v16+s22+$0x0], $0xffff  }
0xcb: {  	v13 =	vld.idx.msk [tilespmem:v17+s22+$0x0], $0xffff;
	v22 =	vmul.f32 v19, v3;
	v23 =	vmul.f32 v20, v7  }
0xcc: {  	v14 =	vld.idx.msk [tilespmem:v18+s22+$0x0], $0xffff;
	v24 =	vmul.f32 v19, v4  }
0xcd: {  	s24 =	simm.s32 $0x14180;
	v25 =	vmul.f32 v20, v8;
	v22 =	vadd.f32 v23, v22;
	v23 =	vmul.f32 v21, v9  }
0xce: {  	v15 =	vld.idx.msk [tilespmem:v15+s24+$0x0], $0xffff;
	v57 =	vmul.f32 v19, v5;
	v27 =	vmul.f32 v20, v10  }
0xcf: {  	v19 =	vmul.f32 v19, v6;
	v20 =	vmul.f32 v20, v12;
	v22 =	vadd.f32 v23, v22  }
0xd0: {  	v26 =	vld [tilespmem:$0xC000];
	v59 =	vmul.f32 v21, v13;
	v24 =	vadd.f32 v25, v24;
	v23 =	vmul.f32 v21, v11  }
0xd1: {  	v16 =	vld.idx.msk [tilespmem:v16+s24+$0x0], $0xffff;
	v19 =	vadd.f32 v20, v19;
	v21 =	vmul.f32 v21, v14;
	v22 =	vadd.f32 v22, v22  }
0xd2: {  	v18 =	vld.idx.msk [tilespmem:v18+s24+$0x0], $0xffff;
	v58 =	vadd.f32 v27, v57;
	v23 =	vadd.f32 v23, v24  }
0xd3: {  	v17 =	vld.idx.msk [tilespmem:v17+s24+$0x0], $0xffff;
	v19 =	vadd.f32 v21, v19;
	v20 =	vsub.f32 v15, v22  }
0xd4: {  	v22 =	vadd.f32 v23, v23;
	v23 =	vadd.f32 v59, v58  }
0xd5: {  	v19 =	vadd.f32 v19, v19;
	v20 =	vadd.f32 v20, v26  }
0xd6: {  	v21 =	vsub.f32 v16, v22;
	v22 =	vadd.f32 v23, v23  }
0xd7: {  	v19 =	vsub.f32 v18, v19;
	vm0 =	vlt.f32 v20, $+Inf  }
0xd8: {  	vm1 =	vgt.f32 v20, $+Inf;
	v21 =	vadd.f32 v21, v26;
	v22 =	vsub.f32 v17, v22  }
0xd9: {  	v19 =	vadd.f32 v19, v26;
	vm0 =	vmor vm1, vm0  }
0xda: {  	vm13 =	vlt.f32 v21, $+Inf;
	vm2 =	vgt.f32 v21, $+Inf;
	v22 =	vadd.f32 v22, v26  }
0xdb: {  	v23 =	vmpcnt.ones.xlane vm0;
	vm15 =	vlt.f32 v19, $+Inf;
	vm4 =	vgt.f32 v19, $+Inf  }
0xdc: {  	vm1 =	vmor vm2, vm13;
	vm14 =	vlt.f32 v22, $+Inf;
	vm3 =	vgt.f32 v22, $+Inf  }
0xdd: {  	v60 =	vmpcnt.ones.xlane vm1;
	v23 =	vxor.u32 $0x80000000, v23;
	vm3 =	vmor vm3, vm14  }
0xde: {  	vm2 =	vmor vm4, vm15;
	(xrf0) =	vmax.scan.msk.u32 $0xffff, v23;
	v61 =	vmpcnt.ones.xlane vm3  }
0xdf: {  	v62 =	vmpcnt.ones.xlane vm2;
	v23 =	vxor.u32 $0x80000000, v60  }
0xe0: {  	(xrf0) =	vmax.scan.msk.u32 $0xffff, v23;
	v23 =	vxor.u32 $0x80000000, v61  }
0xe1: {  	(xrf0) =	vmax.scan.msk.u32 $0xffff, v23;
	v23 =	vxor.u32 $0x80000000, v62;
	_ =	sdelay $0x2  }
0xe2: {  	(xrf0) =	vmax.scan.msk.u32 $0xffff, v23;
	v23, _, _ =	vpop (xrf0)  }
0xe3: {  	(v2sf) =	vpush v23, $0xF;
	_ =	sdelay $0x3  }
0xe4: {  	v63, _, _ =	vpop (xrf0)  }
0xe5: {  	[tilespmem:$0x16490] =	vst v0;
	(v2sf) =	vpush v63, $0xF;
	v23, _, _ =	vpop (xrf0)  }
0xe6: {  	[tilespmem:$0x164D0] =	vst v1;
	(v2sf) =	vpush v23, $0xF;
	v23, _, _ =	vpop (xrf0)  }
0xe7: {  	[tilespmem:$0x164A0] =	vst v0;
	(v2sf) =	vpush v23, $0xF  }
0xe8: {  	[tilespmem:$0x164E0] =	vst v1  }
0xe9: {  	[tilespmem:$0x164B0] =	vst v0  }
0xea: {  	[tilespmem:$0x164F0] =	vst v1  }
0xeb: {  	[tilespmem:$0x164C0] =	vst v0  }
0xec: {  	s8 =	simm.s32 $0x14390;
	[tilespmem:$0x16500] =	vst v1  }
0xed: {  	s7 =	simm.s32 $0x15410;
	[tilespmem:s8+$0x0] =	vst.msk vm0, v20  }
0xee: {  	s25 =	simm.s32 $0x147B0;
	[tilespmem:s7+$0x0] =	vst.msk vm0, v2  }
0xef: {  	s26 =	simm.s32 $0x15830;
	[tilespmem:s25+$0x0] =	vst.msk vm1, v21;
	s30 =	spop (v2sf)  }
0xf0: {  	s28 =	simm.s32 $0x14BD0;
	[tilespmem:s26+$0x0] =	vst.msk vm1, v2;
	s6 =	sxor.u32 $0x80000000, s30  }
0xf1: {  	s29 =	simm.s32 $0x15C50;
	[tilespmem:s28+$0x0] =	vst.msk vm3, v22;
	p0 =	slt.s32 s6, $0x1  }
.Ltmp3:
0xf2: {  	s4 =	simm.s32 $0x14FF0;
	[tilespmem:s29+$0x0] =	vst.msk vm3, v2;
	(pc) =	sbr.rel @p0 .LBB2_10-.Ltmp3, $4  }
0xf3: {  	s31 =	simm.s32 $0x16070;
	[tilespmem:s4+$0x0] =	vst.msk vm2, v19  }
0xf4: {  	[tilespmem:s31+$0x0] =	vst.msk vm2, v2;
	s5 =	spop (v2sf)  }
0xf5: {  	v20 =	vld [tilespmem:$0x16490];
	s4 =	spop (v2sf)  }
0xf6: {  	v19 =	vld [tilespmem:$0x164D0];
	s2 =	spop (v2sf)  }
0xf7: {  	s9 =	simm.s32 $0x0  }
0xf8: {  	v21 =	vld [tilespmem:s8+$0x0];
	s9 =	sadd.s32 $0x10, s9  }
0xf9: {  	v22 =	vld [tilespmem:s7+$0x0];
	p1 =	slt.s32 s9, s6  }
.Ltmp4:
0xfa: {  	_ = 	snop;
	(pc) =	sbr.rel @!p1 .LBB2_6-.Ltmp4, $4  }
0xfb: {  	v23 =	vmov s6  }
0xfc: {  	vm0 =	vgt.s32 v23, v2  }
0xfd: {  	v21 =	vnsel vm0, $0x7F800000, v21  }
0xfe: {  	s11 =	sadd.s32 $0x10, s8;
	p0 =	por $0x0, $0x0;
	(xrf1) =	vsort.ascd.msk.f32 $0xffff, v21, v22  }
0xff: {  	_ =	sdelay $0x9  }
0x100: {  	v22 =	vld [tilespmem:s11+$0x0];
	s7 =	sadd.s32 $0x10, s7  }
0x101: {  	v21 =	vmul.u32 $0xFFFFFFFF, v2;
	v23 =	vld [tilespmem:s7+$0x0]  }
0x102: {  	s8 =	sadd.s32 $0xFFFFFFF0, s6  }
0x103: {  	v26 =	vmov s8;
	v21 =	vadd.s32 $0xF, v21;
	v24, v25, _ =	vpop (xrf1)  }
0x104: {  	vm0 =	vgt.s32 v26, v2;
	v24 =	vperm.xlane v24, v21  }
0x105: {  	v22 =	vnsel vm0, $0x7F800000, v22;
	v25 =	vperm.xlane v25, v21  }
0x106: {  	(xrf1) =	vsort.ascd.msk.f32 $0xffff, v22, v23;
	vm15 =	vle.f32 v20, v24  }
0x107: {  	v22 =	vsel vm15, v20, v24;
	v23 =	vsel vm15, v19, v25  }
0x108: {  	(xrf1) =	vsort.ascd.msk.f32 $0xffff, v22, v23;
	_ =	sdelay $0x1  }
0x109: {  	s9 =	sadd.s32 $0x10, s9  }
0x10a: {  	p1 =	slt.s32 s9, s6  }
.Ltmp5:
0x10b: {  	_ = 	snop;
	(pc) =	sbr.rel @!p1 .LBB2_9-.Ltmp5, $2  }
0x10c: {  	_ =	sdelay $0x2  }
0x10d: {  	s11 =	sadd.s32 $0x10, s11;
	p0 =	por $0x1, $0x1  }
.LBB2_8:
0x10e: {  	v22 =	vld [tilespmem:s11+$0x0];
	s9 =	sadd.s32 $0x10, s9;
	s7 =	sadd.s32 $0x10, s7  }
0x10f: {  	v23 =	vld [tilespmem:s7+$0x0];
	p1 =	slt.s32 s9, s6  }
0x110: {  	s8 =	sadd.s32 $0xFFFFFFF0, s8  }
0x111: {  	v24 =	vmov s8;
	v25, v26, _ =	vpop (xrf1)  }
0x112: {  	vm0 =	vgt.s32 v24, v2;
	v24 =	vperm.xlane v25, v21  }
0x113: {  	v25 =	vperm.xlane v26, v21;
	v22 =	vnsel vm0, $0x7F800000, v22;
	v26, v27, _ =	vpop (xrf1)  }
0x114: {  	(xrf1) =	vsort.ascd.msk.f32 $0xffff, v22, v23;
	vm0 =	vle.f32 v26, v24  }
0x115: {  	v22 =	vsel vm0, v26, v24;
	v23 =	vsel vm0, v27, v25  }
0x116: {  	(xrf1) =	vsort.ascd.msk.f32 $0xffff, v22, v23;
	_ =	sdelay $0x3  }
.Ltmp6:
0x117: {  	(pc) =	sbr.rel @p1 .LBB2_8-.Ltmp6, $2  }
0x118: {  	_ =	sdelay $0x2  }
0x119: {  	s11 =	sadd.s32 $0x10, s11  }
.LBB2_9:
0x11a: {  	_ =	sdelay $0x1  }
0x11b: {  	v21 =	vmul.u32 $0xFFFFFFFF, v2;
	_ =	sdelay $0x1  }
0x11c: {  	v21 =	vadd.s32 $0xF, v21;
	v22, v23, _ =	vpop (xrf1)  }
0x11d: {  	v22 =	vperm.xlane v22, v21;
	v24, v25, _ =	vpop @p0 (xrf1)  }
0x11e: {  	v21 =	vperm.xlane v23, v21;
	v20 =	vpsel p0, v24, v20  }
0x11f: {  	v19 =	vpsel p0, v25, v19;
	vm0 =	vle.f32 v20, v22  }
0x120: {  	v20 =	vsel vm0, v20, v22;
	v19 =	vsel vm0, v19, v21  }
0x121: {  	(xrf1) =	vsort.ascd.msk.f32 $0xffff, v20, v19;
	_ =	sdelay $0xd  }
0x122: {  	v20, v19, _ =	vpop (xrf1)  }
.LBB2_10:
0x123: {  	_ =	sdelay $0x2  }
0x124: {  	s5 =	sxor.u32 $0x80000000, s5;
	(xrf0) =	vmax.scan.msk.f32 $0xffff, v20  }
0x125: {  	p0 =	slt.s32 s5, $0x1  }
.Ltmp7:
0x126: {  	_ = 	snop;
	(pc) =	sbr.rel @p0 .LBB2_16-.Ltmp7, $3  }
0x127: {  	_ =	sdelay $0x1  }
0x128: {  	v21 =	vld [tilespmem:$0x164A0];
	[tilespmem:$0x16490] =	vst v20  }
0x129: {  	v20 =	vld [tilespmem:$0x164E0];
	[tilespmem:$0x164D0] =	vst v19;
	v19, _, _ =	vpop (xrf0)  }
0x12a: {  	s6 =	simm.s32 $0x147B0  }
0x12b: {  	s7 =	simm.s32 $0x15830;
	v22 =	vld [tilespmem:s6+$0x0]  }
0x12c: {  	p1 =	sgt.s32 s5, $0x10;
	v23 =	vld [tilespmem:s7+$0x0]  }
.Ltmp8:
0x12d: {  	_ = 	snop;
	(pc) =	sbr.rel @!p1 .LBB2_12-.Ltmp8, $4  }
0x12e: {  	v24 =	vmov s5  }
0x12f: {  	vm0 =	vgt.s32 v24, v2  }
0x130: {  	v22 =	vnsel vm0, $0x7F800000, v22  }
0x131: {  	p0 =	por $0x0, $0x0;
	s6 =	simm.s32 $0x147C0;
	(xrf1) =	vsort.ascd.msk.f32 $0xffff, v22, v23  }
0x132: {  	_ =	sdelay $0x9  }
0x133: {  	v23 =	vld [tilespmem:s6+$0x0];
	s6 =	simm.s32 $0x15840  }
0x134: {  	v22 =	vmul.u32 $0xFFFFFFFF, v2;
	v24 =	vld [tilespmem:s6+$0x0]  }
0x135: {  	s7 =	sadd.s32 $0xFFFFFFF0, s5  }
0x136: {  	v27 =	vmov s7;
	v22 =	vadd.s32 $0xF, v22;
	v25, v26, _ =	vpop (xrf1)  }
0x137: {  	vm0 =	vgt.s32 v27, v2;
	v25 =	vperm.xlane v25, v22  }
0x138: {  	v23 =	vnsel vm0, $0x7F800000, v23;
	v26 =	vperm.xlane v26, v22  }
0x139: {  	(xrf1) =	vsort.ascd.msk.f32 $0xffff, v23, v24;
	vm15 =	vle.f32 v21, v25  }
0x13a: {  	v23 =	vsel vm15, v21, v25;
	v63 =	vsel vm15, v20, v26  }
0x13b: {  	(xrf1) =	vsort.ascd.msk.f32 $0xffff, v23, v63;
	_ =	sdelay $0x2  }
0x13c: {  	p1 =	sgt.s32 s5, $0x20  }
.Ltmp9:
0x13d: {  	_ = 	snop;
	(pc) =	sbr.rel @!p1 .LBB2_15-.Ltmp9, $2  }
0x13e: {  	_ =	sdelay $0x2  }
0x13f: {  	s8 =	simm.s32 $0x20;
	s9 =	simm.s32 $0x147D0;
	p0 =	por $0x1, $0x1  }
.LBB2_14:
0x140: {  	v23 =	vld [tilespmem:s9+$0x0];
	s8 =	sadd.s32 $0x10, s8;
	s6 =	sadd.s32 $0x10, s6  }
0x141: {  	v24 =	vld [tilespmem:s6+$0x0];
	p1 =	slt.s32 s8, s5  }
0x142: {  	s7 =	sadd.s32 $0xFFFFFFF0, s7  }
0x143: {  	v25 =	vmov s7;
	v26, v27, _ =	vpop (xrf1)  }
0x144: {  	vm0 =	vgt.s32 v25, v2;
	v25 =	vperm.xlane v26, v22  }
0x145: {  	v26 =	vperm.xlane v27, v22;
	v23 =	vnsel vm0, $0x7F800000, v23;
	v27, v28, _ =	vpop (xrf1)  }
0x146: {  	(xrf1) =	vsort.ascd.msk.f32 $0xffff, v23, v24;
	vm0 =	vle.f32 v27, v25  }
0x147: {  	v23 =	vsel vm0, v27, v25;
	v24 =	vsel vm0, v28, v26  }
0x148: {  	(xrf1) =	vsort.ascd.msk.f32 $0xffff, v23, v24;
	_ =	sdelay $0x3  }
.Ltmp10:
0x149: {  	(pc) =	sbr.rel @p1 .LBB2_14-.Ltmp10, $2  }
0x14a: {  	_ =	sdelay $0x2  }
0x14b: {  	s9 =	sadd.s32 $0x10, s9  }
.LBB2_15:
0x14c: {  	_ =	sdelay $0x1  }
0x14d: {  	v22 =	vmul.u32 $0xFFFFFFFF, v2;
	_ =	sdelay $0x1  }
0x14e: {  	v22 =	vadd.s32 $0xF, v22;
	v23, v24, _ =	vpop (xrf1)  }
0x14f: {  	v23 =	vperm.xlane v23, v22;
	v25, v26, _ =	vpop @p0 (xrf1)  }
0x150: {  	v22 =	vperm.xlane v24, v22;
	v21 =	vpsel p0, v25, v21  }
0x151: {  	v20 =	vpsel p0, v26, v20;
	vm0 =	vle.f32 v21, v23  }
0x152: {  	v21 =	vsel vm0, v21, v23;
	v20 =	vsel vm0, v20, v22  }
0x153: {  	(xrf1) =	vsort.ascd.msk.f32 $0xffff, v21, v20;
	_ =	sdelay $0xd  }
0x154: {  	v21, v20, _ =	vpop (xrf1)  }
.LBB2_16:
0x155: {  	_ =	sdelay $0x2  }
0x156: {  	s4 =	sxor.u32 $0x80000000, s4;
	(xrf0) =	vmax.scan.msk.f32 $0xffff, v21  }
0x157: {  	p0 =	slt.s32 s4, $0x1  }
.Ltmp11:
0x158: {  	_ = 	snop;
	(pc) =	sbr.rel @p0 .LBB2_22-.Ltmp11, $3  }
0x159: {  	_ =	sdelay $0x1  }
0x15a: {  	v22 =	vld [tilespmem:$0x164F0];
	[tilespmem:$0x164A0] =	vst v21  }
0x15b: {  	v21 =	vld [tilespmem:$0x164B0];
	[tilespmem:$0x164E0] =	vst v20;
	v20, _, _ =	vpop (xrf0)  }
0x15c: {  	s5 =	simm.s32 $0x14BD0  }
0x15d: {  	s6 =	simm.s32 $0x15C50;
	v23 =	vld [tilespmem:s5+$0x0]  }
0x15e: {  	p1 =	sgt.s32 s4, $0x10;
	v24 =	vld [tilespmem:s6+$0x0]  }
.Ltmp12:
0x15f: {  	_ = 	snop;
	(pc) =	sbr.rel @!p1 .LBB2_18-.Ltmp12, $4  }
0x160: {  	v25 =	vmov s4  }
0x161: {  	vm0 =	vgt.s32 v25, v2  }
0x162: {  	v23 =	vnsel vm0, $0x7F800000, v23  }
0x163: {  	p0 =	por $0x0, $0x0;
	s5 =	simm.s32 $0x14BE0;
	(xrf1) =	vsort.ascd.msk.f32 $0xffff, v23, v24  }
0x164: {  	_ =	sdelay $0x9  }
0x165: {  	v24 =	vld [tilespmem:s5+$0x0];
	s5 =	simm.s32 $0x15C60  }
0x166: {  	v23 =	vmul.u32 $0xFFFFFFFF, v2;
	v25 =	vld [tilespmem:s5+$0x0]  }
0x167: {  	s6 =	sadd.s32 $0xFFFFFFF0, s4  }
0x168: {  	v28 =	vmov s6;
	v23 =	vadd.s32 $0xF, v23;
	v26, v27, _ =	vpop (xrf1)  }
0x169: {  	vm0 =	vgt.s32 v28, v2;
	v26 =	vperm.xlane v26, v23  }
0x16a: {  	v24 =	vnsel vm0, $0x7F800000, v24;
	v27 =	vperm.xlane v27, v23  }
0x16b: {  	(xrf1) =	vsort.ascd.msk.f32 $0xffff, v24, v25;
	vm15 =	vle.f32 v21, v26  }
0x16c: {  	v62 =	vsel vm15, v21, v26;
	v63 =	vsel vm15, v22, v27  }
0x16d: {  	(xrf1) =	vsort.ascd.msk.f32 $0xffff, v62, v63;
	_ =	sdelay $0x2  }
0x16e: {  	p1 =	sgt.s32 s4, $0x20  }
.Ltmp13:
0x16f: {  	_ = 	snop;
	(pc) =	sbr.rel @!p1 .LBB2_21-.Ltmp13, $2  }
0x170: {  	_ =	sdelay $0x2  }
0x171: {  	s7 =	simm.s32 $0x20;
	s8 =	simm.s32 $0x14BF0;
	p0 =	por $0x1, $0x1  }
.LBB2_20:
0x172: {  	v24 =	vld [tilespmem:s8+$0x0];
	s7 =	sadd.s32 $0x10, s7;
	s5 =	sadd.s32 $0x10, s5  }
0x173: {  	v25 =	vld [tilespmem:s5+$0x0];
	p1 =	slt.s32 s7, s4  }
0x174: {  	s6 =	sadd.s32 $0xFFFFFFF0, s6  }
0x175: {  	v26 =	vmov s6;
	v27, v28, _ =	vpop (xrf1)  }
0x176: {  	vm0 =	vgt.s32 v26, v2;
	v26 =	vperm.xlane v27, v23  }
0x177: {  	v27 =	vperm.xlane v28, v23;
	v24 =	vnsel vm0, $0x7F800000, v24;
	v28, v29, _ =	vpop (xrf1)  }
0x178: {  	(xrf1) =	vsort.ascd.msk.f32 $0xffff, v24, v25;
	vm0 =	vle.f32 v28, v26  }
0x179: {  	v24 =	vsel vm0, v28, v26;
	v25 =	vsel vm0, v29, v27  }
0x17a: {  	(xrf1) =	vsort.ascd.msk.f32 $0xffff, v24, v25;
	_ =	sdelay $0x3  }
.Ltmp14:
0x17b: {  	(pc) =	sbr.rel @p1 .LBB2_20-.Ltmp14, $2  }
0x17c: {  	_ =	sdelay $0x2  }
0x17d: {  	s8 =	sadd.s32 $0x10, s8  }
.LBB2_21:
0x17e: {  	_ =	sdelay $0x1  }
0x17f: {  	v23 =	vmul.u32 $0xFFFFFFFF, v2;
	_ =	sdelay $0x1  }
0x180: {  	v23 =	vadd.s32 $0xF, v23;
	v24, v25, _ =	vpop (xrf1)  }
0x181: {  	v24 =	vperm.xlane v24, v23;
	v26, v27, _ =	vpop @p0 (xrf1)  }
0x182: {  	v23 =	vperm.xlane v25, v23;
	v21 =	vpsel p0, v26, v21  }
0x183: {  	v22 =	vpsel p0, v27, v22;
	vm0 =	vle.f32 v21, v24  }
0x184: {  	v21 =	vsel vm0, v21, v24;
	v22 =	vsel vm0, v22, v23  }
0x185: {  	(xrf1) =	vsort.ascd.msk.f32 $0xffff, v21, v22;
	_ =	sdelay $0xd  }
0x186: {  	v21, v22, _ =	vpop (xrf1)  }
.LBB2_22:
0x187: {  	_ =	sdelay $0x3  }
0x188: {  	s2 =	sxor.u32 $0x80000000, s2;
	(xrf0) =	vmax.scan.msk.f32 $0xffff, v21  }
0x189: {  	p0 =	slt.s32 s2, $0x1  }
.Ltmp15:
0x18a: {  	_ = 	snop;
	(pc) =	sbr.rel @p0 .LBB2_28-.Ltmp15, $3  }
0x18b: {  	_ =	sdelay $0x1  }
0x18c: {  	v23 =	vld [tilespmem:$0x16500];
	[tilespmem:$0x164F0] =	vst v22  }
0x18d: {  	[tilespmem:$0x164B0] =	vst v21;
	v21 =	vld [tilespmem:$0x164C0];
	v22, _, _ =	vpop (xrf0)  }
0x18e: {  	s4 =	simm.s32 $0x14FF0  }
0x18f: {  	s5 =	simm.s32 $0x16070;
	v24 =	vld [tilespmem:s4+$0x0]  }
0x190: {  	p1 =	sgt.s32 s2, $0x10;
	v25 =	vld [tilespmem:s5+$0x0]  }
.Ltmp16:
0x191: {  	_ = 	snop;
	(pc) =	sbr.rel @!p1 .LBB2_24-.Ltmp16, $4  }
0x192: {  	v26 =	vmov s2  }
0x193: {  	vm0 =	vgt.s32 v26, v2  }
0x194: {  	v24 =	vnsel vm0, $0x7F800000, v24  }
0x195: {  	p0 =	por $0x0, $0x0;
	s4 =	simm.s32 $0x15000;
	(xrf1) =	vsort.ascd.msk.f32 $0xffff, v24, v25  }
0x196: {  	_ =	sdelay $0x9  }
0x197: {  	v25 =	vld [tilespmem:s4+$0x0];
	s4 =	simm.s32 $0x16080  }
0x198: {  	v24 =	vmul.u32 $0xFFFFFFFF, v2;
	v26 =	vld [tilespmem:s4+$0x0]  }
0x199: {  	s5 =	sadd.s32 $0xFFFFFFF0, s2  }
0x19a: {  	v29 =	vmov s5;
	v24 =	vadd.s32 $0xF, v24;
	v27, v28, _ =	vpop (xrf1)  }
0x19b: {  	vm0 =	vgt.s32 v29, v2;
	v27 =	vperm.xlane v27, v24  }
0x19c: {  	v25 =	vnsel vm0, $0x7F800000, v25;
	v28 =	vperm.xlane v28, v24  }
0x19d: {  	(xrf1) =	vsort.ascd.msk.f32 $0xffff, v25, v26;
	vm15 =	vle.f32 v21, v27  }
0x19e: {  	v25 =	vsel vm15, v21, v27;
	v26 =	vsel vm15, v23, v28  }
0x19f: {  	(xrf1) =	vsort.ascd.msk.f32 $0xffff, v25, v26;
	_ =	sdelay $0x2  }
0x1a0: {  	p1 =	sgt.s32 s2, $0x20  }
.Ltmp17:
0x1a1: {  	_ = 	snop;
	(pc) =	sbr.rel @!p1 .LBB2_27-.Ltmp17, $2  }
0x1a2: {  	_ =	sdelay $0x2  }
0x1a3: {  	s6 =	simm.s32 $0x20;
	s7 =	simm.s32 $0x15010;
	p0 =	por $0x1, $0x1  }
.LBB2_26:
0x1a4: {  	v25 =	vld [tilespmem:s7+$0x0];
	s6 =	sadd.s32 $0x10, s6;
	s4 =	sadd.s32 $0x10, s4  }
0x1a5: {  	v26 =	vld [tilespmem:s4+$0x0];
	p1 =	slt.s32 s6, s2  }
0x1a6: {  	s5 =	sadd.s32 $0xFFFFFFF0, s5  }
0x1a7: {  	v27 =	vmov s5;
	v28, v29, _ =	vpop (xrf1)  }
0x1a8: {  	vm0 =	vgt.s32 v27, v2;
	v27 =	vperm.xlane v28, v24  }
0x1a9: {  	v28 =	vperm.xlane v29, v24;
	v25 =	vnsel vm0, $0x7F800000, v25;
	v29, v30, _ =	vpop (xrf1)  }
0x1aa: {  	(xrf1) =	vsort.ascd.msk.f32 $0xffff, v25, v26;
	vm0 =	vle.f32 v29, v27  }
0x1ab: {  	v25 =	vsel vm0, v29, v27;
	v26 =	vsel vm0, v30, v28  }
0x1ac: {  	(xrf1) =	vsort.ascd.msk.f32 $0xffff, v25, v26;
	_ =	sdelay $0x3  }
.Ltmp18:
0x1ad: {  	(pc) =	sbr.rel @p1 .LBB2_26-.Ltmp18, $2  }
0x1ae: {  	_ =	sdelay $0x2  }
0x1af: {  	s7 =	sadd.s32 $0x10, s7  }
.LBB2_27:
0x1b0: {  	_ =	sdelay $0x1  }
0x1b1: {  	v24 =	vmul.u32 $0xFFFFFFFF, v2;
	_ =	sdelay $0x1  }
0x1b2: {  	v24 =	vadd.s32 $0xF, v24;
	v25, v26, _ =	vpop (xrf1)  }
0x1b3: {  	v25 =	vperm.xlane v25, v24;
	v27, v28, _ =	vpop @p0 (xrf1)  }
0x1b4: {  	v24 =	vperm.xlane v26, v24;
	v21 =	vpsel p0, v27, v21  }
0x1b5: {  	v23 =	vpsel p0, v28, v23;
	vm0 =	vle.f32 v21, v25  }
0x1b6: {  	v21 =	vsel vm0, v21, v25;
	v23 =	vsel vm0, v23, v24  }
0x1b7: {  	(xrf1) =	vsort.ascd.msk.f32 $0xffff, v21, v23;
	_ =	sdelay $0xd  }
0x1b8: {  	v21, v23, _ =	vpop (xrf1)  }
.LBB2_28:
0x1b9: {  	_ =	sdelay $0x2  }
0x1ba: {  	[tilespmem:$0x16500] =	vst v23  }
0x1bb: {  	s4 =	simm.s32 $0x10;
	[tilespmem:$0x164C0] =	vst v21  }
0x1bc: {  	s2 =	simm.s32 $0x4010;
	v23 =	vld [tilespmem:s4+$0x0]  }
0x1bd: {  	v24 =	vld [tilespmem:s2+$0x0]  }
0x1be: {  	s30 =	simm.s32 $0x8010  }
0x1bf: {  	v25 =	vld [tilespmem:s30+$0x0];
	_ =	sdelay $0x2  }
0x1c0: {  	v26 =	vmul.f32 v23, v3;
	v27 =	vmul.f32 v24, v7  }
0x1c1: {  	v28 =	vmul.f32 v23, v5;
	v29 =	vmul.f32 v23, v4  }
0x1c2: {  	v30 =	vmul.f32 v24, v8;
	v26 =	vadd.f32 v27, v26;
	v27 =	vmul.f32 v25, v9  }
0x1c3: {  	v31 =	vmul.f32 v24, v10;
	v23 =	vmul.f32 v23, v6  }
0x1c4: {  	s31 =	simm.s32 $0xC010;
	v24 =	vmul.f32 v24, v12;
	v60 =	vmul.f32 v25, v13;
	v26 =	vadd.f32 v27, v26  }
0x1c5: {  	v59 =	vld [tilespmem:s31+$0x0];
	v29 =	vadd.f32 v30, v29;
	v28 =	vadd.f32 v31, v28;
	v27 =	vmul.f32 v25, v11  }
0x1c6: {  	v23 =	vadd.f32 v24, v23;
	v24 =	vmul.f32 v25, v14;
	v26 =	vadd.f32 v26, v26  }
0x1c7: {  	(xrf0) =	vmax.scan.msk.f32 $0xffff, v21;
	v25 =	vadd.f32 v27, v29;
	v27 =	vadd.f32 v60, v28  }
0x1c8: {  	v23 =	vadd.f32 v24, v23;
	v26 =	vsub.f32 v15, v26  }
0x1c9: {  	v24 =	vadd.f32 v25, v25;
	v25 =	vadd.f32 v27, v27  }
0x1ca: {  	v23 =	vadd.f32 v23, v23;
	v26 =	vadd.f32 v26, v59  }
0x1cb: {  	v21 =	vbroadcast v19, $0xF;
	v24 =	vsub.f32 v16, v24;
	v25 =	vsub.f32 v17, v25  }
0x1cc: {  	v19 =	vbroadcast v20, $0xF;
	v20 =	vbroadcast v22, $0xF;
	v23 =	vsub.f32 v18, v23  }
0x1cd: {  	s2 =	simm.s32 $0x0;
	v22, _, _ =	vpop (xrf0);
	vm0 =	vlt.f32 v26, v21;
	v24 =	vadd.f32 v24, v59;
	v25 =	vadd.f32 v25, v59  }
0x1ce: {  	v22 =	vbroadcast v22, $0xF;
	v28 =	vor.u32 s4, v2;
	v27 =	vmpcnt.ones.xlane vm0;
	[tilespmem:s2+$0x14390] =	vst.msk vm0, v26  }
0x1cf: {  	v23 =	vadd.f32 v23, v59;
	[tilespmem:s2+$0x15410] =	vst.msk vm0, v28;
	vm14 =	vlt.f32 v24, v19;
	vm1 =	vlt.f32 v25, v20  }
0x1d0: {  	v26 =	vxor.u32 $0x80000000, v27;
	[tilespmem:s2+$0x147B0] =	vst.msk vm14, v24;
	v24 =	vmpcnt.ones.xlane vm1  }
0x1d1: {  	vm15 =	vlt.f32 v23, v22;
	(xrf0) =	vmax.scan.msk.u32 $0xffff, v26;
	[tilespmem:s2+$0x15830] =	vst.msk vm14, v28;
	v26 =	vmpcnt.ones.xlane vm14  }
0x1d2: {  	[tilespmem:s2+$0x14BD0] =	vst.msk vm1, v25;
	v24 =	vxor.u32 $0x80000000, v24;
	v25 =	vmpcnt.ones.xlane vm15  }
0x1d3: {  	[tilespmem:s2+$0x15C50] =	vst.msk vm1, v28;
	v26 =	vxor.u32 $0x80000000, v26;
	(xrf0) =	vmax.scan.msk.u32 $0xffff, v24  }
0x1d4: {  	[tilespmem:s2+$0x14FF0] =	vst.msk vm15, v23;
	v23 =	vxor.u32 $0x80000000, v25;
	(xrf0) =	vmax.scan.msk.u32 $0xffff, v26  }
0x1d5: {  	s4 =	simm.s32 $0x20;
	[tilespmem:s2+$0x16070] =	vst.msk vm15, v28;
	(xrf0) =	vmax.scan.msk.u32 $0xffff, v23  }
0x1d6: {  	s5 =	simm.s32 $0x4020;
	v23 =	vld [tilespmem:s4+$0x0]  }
0x1d7: {  	s6 =	simm.s32 $0x8020;
	v25 =	vld [tilespmem:s5+$0x0];
	v24, _, _ =	vpop (xrf0)  }
0x1d8: {  	v26 =	vld [tilespmem:s6+$0x0];
	(v2sf) =	vpush v24, $0xF  }
0x1d9: {  	v24, _, _ =	vpop (xrf0)  }
0x1da: {  	v27, _, _ =	vpop (xrf0);
	(v2sf) =	vpush v24, $0xF  }
0x1db: {  	v24 =	vmul.f32 v23, v3;
	(v2sf) =	vpush v27, $0xF;
	v27, _, _ =	vpop (xrf0);
	v28 =	vmul.f32 v23, v5  }
0x1dc: {  	v29 =	vmul.f32 v25, v7;
	v61 =	vmul.f32 v25, v10;
	(v2sf) =	vpush v27, $0xF  }
0x1dd: {  	v62 =	vmul.f32 v26, v9;
	v27 =	vmul.f32 v23, v4  }
0x1de: {  	v23 =	vmul.f32 v23, v6;
	v24 =	vadd.f32 v29, v24;
	v29 =	vmul.f32 v25, v12  }
0x1df: {  	v63 =	vmul.f32 v26, v13;
	v25 =	vmul.f32 v25, v8  }
0x1e0: {  	v32 =	vmul.f32 v26, v14;
	v28 =	vadd.f32 v61, v28;
	v29 =	vadd.f32 v29, v23  }
0x1e1: {  	s11 =	simm.s32 $0xC020;
	v26 =	vmul.f32 v26, v11;
	v24 =	vadd.f32 v62, v24;
	v25 =	vadd.f32 v25, v27  }
0x1e2: {  	v23 =	vld [tilespmem:s11+$0x0];
	v27 =	vadd.f32 v63, v28;
	v28 =	vadd.f32 v32, v29  }
0x1e3: {  	v24 =	vadd.f32 v24, v24;
	v25 =	vadd.f32 v26, v25  }
0x1e4: {  	v26 =	vadd.f32 v27, v27;
	v27 =	vadd.f32 v28, v28  }
0x1e5: {  	v24 =	vsub.f32 v15, v24;
	v28 =	vadd.f32 v25, v25  }
0x1e6: {  	s12 =	simm.s32 $0x30;
	s7 =	simm.s32 $0x0;
	s9 =	simm.s32 $0x0;
	v26 =	vsub.f32 v17, v26;
	v25 =	vsub.f32 v18, v27  }
0x1e7: {  	s8 =	simm.s32 $0x0;
	s13 =	simm.s32 $0x20;
	v24 =	vadd.f32 v24, v23;
	v27 =	vsub.f32 v16, v28;
	s14 =	spop (v2sf)  }
.LBB2_29:
0x1e8: {  	p0 =	sne.s32 s12, $0x70  }
0x1e9: {  	v26 =	vadd.f32 v26, v23;
	s2 =	sadd.s32 s14, s2;
	s14 =	spop (v2sf);
	s17 =	smov.u32 s12  }
0x1ea: {  	v28 =	vor.u32 s4, v2;
	vm0 =	vlt.f32 v24, v21;
	v27 =	vadd.f32 v27, v23;
	s2 =	sadd.s32 $0x80000000, s2;
	s4 =	sadd.s32 s14, s7;
	s7 =	spop (v2sf)  }
0x1eb: {  	v23 =	vadd.f32 v25, v23;
	v29 =	vmpcnt.ones.xlane vm0;
	[tilespmem:s2+$0x14390] =	vst.msk vm0, v24;
	vm1 =	vlt.f32 v26, v20;
	s9 =	sadd.s32 s7, s9;
	s7 =	sadd.s32 $0x80000000, s4;
	s4 =	spop (v2sf)  }
0x1ec: {  	s12 =	sadd.s32 $0x10, s12;
	[tilespmem:s2+$0x15410] =	vst.msk vm0, v28;
	vm0 =	vlt.f32 v27, v19;
	v24 =	vmpcnt.ones.xlane vm1;
	s9 =	sadd.s32 $0x80000000, s9;
	s4 =	sadd.s32 s4, s8  }
0x1ed: {  	vm2 =	vlt.f32 v23, v22;
	v25 =	vxor.u32 $0x80000000, v29;
	v29 =	vmpcnt.ones.xlane vm0;
	[tilespmem:s9+$0x147B0] =	vst.msk vm0, v27;
	s8 =	sadd.s32 $0x80000000, s4;
	s4 =	smov.u32 s17  }
0x1ee: {  	v27 =	vmpcnt.ones.xlane vm2;
	[tilespmem:s9+$0x15830] =	vst.msk vm0, v28;
	v24 =	vxor.u32 $0x80000000, v24;
	(xrf0) =	vmax.scan.msk.u32 $0xffff, v25  }
0x1ef: {  	v25 =	vxor.u32 $0x80000000, v29;
	[tilespmem:s7+$0x14BD0] =	vst.msk vm1, v26;
	(xrf0) =	vmax.scan.msk.u32 $0xffff, v24  }
0x1f0: {  	v24 =	vxor.u32 $0x80000000, v27;
	[tilespmem:s7+$0x15C50] =	vst.msk vm1, v28;
	(xrf0) =	vmax.scan.msk.u32 $0xffff, v25  }
0x1f1: {  	s13 =	sadd.s32 $0x10, s13;
	[tilespmem:s8+$0x14FF0] =	vst.msk vm2, v23;
	(xrf0) =	vmax.scan.msk.u32 $0xffff, v24  }
0x1f2: {  	[tilespmem:s8+$0x16070] =	vst.msk vm2, v28  }
0x1f3: {  	s5 =	sadd.s32 $0x10, s5;
	v23 =	vld [tilespmem:s13+$0x0]  }
0x1f4: {  	v24 =	vld [tilespmem:s5+$0x0];
	v25, _, _ =	vpop (xrf0)  }
0x1f5: {  	s6 =	sadd.s32 $0x10, s6;
	(v2sf) =	vpush v25, $0xF;
	v25, _, _ =	vpop (xrf0)  }
0x1f6: {  	v26 =	vld [tilespmem:s6+$0x0];
	v27, _, _ =	vpop (xrf0);
	(v2sf) =	vpush v25, $0xF  }
0x1f7: {  	(v2sf) =	vpush v27, $0xF;
	v25, _, _ =	vpop (xrf0)  }
0x1f8: {  	v27 =	vmul.f32 v23, v3;
	v28 =	vmul.f32 v23, v5;
	(v2sf) =	vpush v25, $0xF  }
0x1f9: {  	v29 =	vmul.f32 v23, v4;
	v25 =	vmul.f32 v24, v7  }
0x1fa: {  	v23 =	vmul.f32 v23, v6;
	v30 =	vmul.f32 v24, v10  }
0x1fb: {  	v31 =	vmul.f32 v24, v12;
	v25 =	vadd.f32 v25, v27;
	v27 =	vmul.f32 v26, v11  }
0x1fc: {  	v24 =	vmul.f32 v24, v8;
	v32 =	vmul.f32 v26, v9;
	v28 =	vadd.f32 v30, v28  }
0x1fd: {  	s11 =	sadd.s32 $0x10, s11;
	v30 =	vmul.f32 v26, v13;
	v31 =	vadd.f32 v31, v23;
	v26 =	vmul.f32 v26, v14  }
0x1fe: {  	v24 =	vadd.f32 v24, v29;
	v25 =	vadd.f32 v32, v25  }
0x1ff: {  	v28 =	vadd.f32 v30, v28;
	v26 =	vadd.f32 v26, v31;
	v23 =	vld [tilespmem:s11+$0x0]  }
.Ltmp19:
0x200: {  	v24 =	vadd.f32 v27, v24;
	v25 =	vadd.f32 v25, v25;
	(pc) =	sbr.rel @p0 .LBB2_29-.Ltmp19, $4  }
0x201: {  	v27 =	vadd.f32 v28, v28;
	v28 =	vadd.f32 v26, v26  }
0x202: {  	v30 =	vadd.f32 v24, v24;
	v29 =	vsub.f32 v15, v25  }
0x203: {  	v26 =	vsub.f32 v17, v27;
	v25 =	vsub.f32 v18, v28  }
0x204: {  	v27 =	vsub.f32 v16, v30;
	v24 =	vadd.f32 v29, v23;
	s14 =	spop (v2sf)  }
0x205: {  	_ = 	snop  }
0x206: {  	v26 =	vadd.f32 v26, v23;
	vm3 =	vlt.f32 v24, v21  }
0x207: {  	v62 =	vmpcnt.ones.xlane vm3  }
0x208: {  	v21 =	vadd.f32 v27, v23;
	vm0 =	vlt.f32 v26, v20;
	v20 =	vadd.f32 v25, v23  }
0x209: {  	v23 =	vxor.u32 $0x80000000, v62  }
0x20a: {  	vm2 =	vlt.f32 v21, v19;
	v19 =	vmpcnt.ones.xlane vm0;
	vm1 =	vlt.f32 v20, v22;
	(xrf0) =	vmax.scan.msk.u32 $0xffff, v23  }
0x20b: {  	v22 =	vmpcnt.ones.xlane vm1  }
0x20c: {  	v63 =	vmpcnt.ones.xlane vm2;
	v19 =	vxor.u32 $0x80000000, v19  }
0x20d: {  	(xrf0) =	vmax.scan.msk.u32 $0xffff, v19;
	v19 =	vxor.u32 $0x80000000, v22  }
0x20e: {  	v23 =	vxor.u32 $0x80000000, v63  }
0x20f: {  	(xrf0) =	vmax.scan.msk.u32 $0xffff, v23  }
0x210: {  	(xrf0) =	vmax.scan.msk.u32 $0xffff, v19;
	v19, _, _ =	vpop (xrf0)  }
0x211: {  	(v2sf) =	vpush v19, $0xF;
	_ =	sdelay $0x2  }
0x212: {  	v19, _, _ =	vpop (xrf0)  }
0x213: {  	v22, _, _ =	vpop (xrf0);
	(v2sf) =	vpush v19, $0xF  }
0x214: {  	(v2sf) =	vpush v22, $0xF;
	v19, _, _ =	vpop (xrf0)  }
0x215: {  	(v2sf) =	vpush v19, $0xF;
	_ =	sdelay $0x5  }
0x216: {  	s5 =	spop (v2sf);
	s2 =	sadd.s32 s14, s2  }
0x217: {  	s6 =	spop (v2sf);
	s14 =	sadd.s32 $0x80000000, s2  }
0x218: {  	[tilespmem:s14+$0x14390] =	vst.msk vm3, v24;
	s24 =	sadd.s32 s6, s9;
	s26 =	spop (v2sf);
	v19 =	vor.u32 s4, v2  }
0x219: {  	s11 =	sadd.s32 $0x80000000, s24;
	[tilespmem:s14+$0x15410] =	vst.msk vm3, v19;
	s17 =	spop (v2sf)  }
0x21a: {  	s25 =	sadd.s32 s5, s7;
	[tilespmem:s11+$0x147B0] =	vst.msk vm2, v21;
	s29 =	sadd.s32 s17, s14  }
0x21b: {  	s7 =	sadd.s32 $0x80000000, s25;
	[tilespmem:s11+$0x15830] =	vst.msk vm2, v19;
	s13 =	sadd.s32 $0x80000000, s29  }
0x21c: {  	s28 =	sadd.s32 s26, s8;
	[tilespmem:s7+$0x14BD0] =	vst.msk vm0, v26;
	p0 =	slt.s32 s13, $0x1  }
.Ltmp20:
0x21d: {  	s4 =	sadd.s32 $0x80000000, s28;
	[tilespmem:s7+$0x15C50] =	vst.msk vm0, v19;
	s8 =	spop (v2sf);
	(pc) =	sbr.rel @p0 .LBB2_36-.Ltmp20, $4  }
0x21e: {  	[tilespmem:s4+$0x14FF0] =	vst.msk vm1, v20;
	s12 =	spop (v2sf)  }
0x21f: {  	[tilespmem:s4+$0x16070] =	vst.msk vm1, v19;
	s5 =	spop (v2sf)  }
0x220: {  	v19 =	vld [tilespmem:$0x16490];
	s30 =	sadd.s32 s8, s7;
	s31 =	sadd.s32 s12, s11;
	s20 =	sadd.s32 s5, s4  }
0x221: {  	v20 =	vld [tilespmem:$0x164D0];
	s6 =	sadd.s32 $0x80000000, s30;
	s9 =	sadd.s32 $0x80000000, s31;
	s2 =	sadd.s32 $0x80000000, s20  }
0x222: {  	s20 =	simm.s32 $0x14390  }
0x223: {  	s23 =	simm.s32 $0x15410;
	v21 =	vld [tilespmem:s20+$0x0]  }
0x224: {  	s14 =	sadd.s32 s14, s17;
	p1 =	sgt.s32 s13, $0x10;
	v22 =	vld [tilespmem:s23+$0x0]  }
.Ltmp21:
0x225: {  	s14 =	sadd.s32 $0x80000000, s14;
	(pc) =	sbr.rel @!p1 .LBB2_32-.Ltmp21, $4  }
0x226: {  	v23 =	vmov s14  }
0x227: {  	vm0 =	vgt.s32 v23, v2  }
0x228: {  	v21 =	vnsel vm0, $0x7F800000, v21  }
0x229: {  	s17 =	simm.s32 $0x143A0;
	p0 =	por $0x0, $0x0;
	(xrf1) =	vsort.ascd.msk.f32 $0xffff, v21, v22  }
0x22a: {  	_ =	sdelay $0x9  }
0x22b: {  	v22 =	vld [tilespmem:s17+$0x0];
	s23 =	simm.s32 $0x15420  }
0x22c: {  	v21 =	vmul.u32 $0xFFFFFFFF, v2;
	v23 =	vld [tilespmem:s23+$0x0]  }
0x22d: {  	s17 =	sadd.s32 $0xFFFFFFF0, s14  }
0x22e: {  	v26 =	vmov s17;
	v21 =	vadd.s32 $0xF, v21;
	v24, v25, _ =	vpop (xrf1)  }
0x22f: {  	vm0 =	vgt.s32 v26, v2;
	v24 =	vperm.xlane v24, v21  }
0x230: {  	v22 =	vnsel vm0, $0x7F800000, v22;
	v25 =	vperm.xlane v25, v21  }
0x231: {  	(xrf1) =	vsort.ascd.msk.f32 $0xffff, v22, v23;
	vm15 =	vle.f32 v19, v24  }
0x232: {  	v22 =	vsel vm15, v19, v24;
	v23 =	vsel vm15, v20, v25  }
0x233: {  	(xrf1) =	vsort.ascd.msk.f32 $0xffff, v22, v23;
	_ =	sdelay $0x2  }
0x234: {  	p1 =	sgt.s32 s13, $0x20  }
.Ltmp22:
0x235: {  	_ = 	snop;
	(pc) =	sbr.rel @!p1 .LBB2_35-.Ltmp22, $2  }
0x236: {  	_ =	sdelay $0x2  }
0x237: {  	s14 =	simm.s32 $0x20;
	s24 =	simm.s32 $0x143B0;
	p0 =	por $0x1, $0x1  }
.LBB2_34:
0x238: {  	v22 =	vld [tilespmem:s24+$0x0];
	s14 =	sadd.s32 $0x10, s14;
	s23 =	sadd.s32 $0x10, s23  }
0x239: {  	v23 =	vld [tilespmem:s23+$0x0];
	p1 =	slt.s32 s14, s13  }
0x23a: {  	s17 =	sadd.s32 $0xFFFFFFF0, s17  }
0x23b: {  	v24 =	vmov s17;
	v25, v26, _ =	vpop (xrf1)  }
0x23c: {  	vm0 =	vgt.s32 v24, v2;
	v24 =	vperm.xlane v25, v21  }
0x23d: {  	v25 =	vperm.xlane v26, v21;
	v22 =	vnsel vm0, $0x7F800000, v22;
	v26, v27, _ =	vpop (xrf1)  }
0x23e: {  	(xrf1) =	vsort.ascd.msk.f32 $0xffff, v22, v23;
	vm0 =	vle.f32 v26, v24  }
0x23f: {  	v22 =	vsel vm0, v26, v24;
	v23 =	vsel vm0, v27, v25  }
0x240: {  	(xrf1) =	vsort.ascd.msk.f32 $0xffff, v22, v23;
	_ =	sdelay $0x3  }
.Ltmp23:
0x241: {  	(pc) =	sbr.rel @p1 .LBB2_34-.Ltmp23, $2  }
0x242: {  	_ =	sdelay $0x2  }
0x243: {  	s24 =	sadd.s32 $0x10, s24  }
.LBB2_35:
0x244: {  	_ =	sdelay $0x1  }
0x245: {  	v21 =	vmul.u32 $0xFFFFFFFF, v2;
	_ =	sdelay $0x1  }
0x246: {  	v21 =	vadd.s32 $0xF, v21;
	v22, v23, _ =	vpop (xrf1)  }
0x247: {  	v22 =	vperm.xlane v22, v21;
	v24, v25, _ =	vpop @p0 (xrf1)  }
0x248: {  	v21 =	vperm.xlane v23, v21;
	v19 =	vpsel p0, v24, v19  }
0x249: {  	v20 =	vpsel p0, v25, v20;
	vm0 =	vle.f32 v19, v22  }
0x24a: {  	v19 =	vsel vm0, v19, v22;
	v20 =	vsel vm0, v20, v21  }
0x24b: {  	(xrf1) =	vsort.ascd.msk.f32 $0xffff, v19, v20;
	_ =	sdelay $0xd  }
0x24c: {  	v19, v20, _ =	vpop (xrf1)  }
.LBB2_36:
0x24d: {  	_ =	sdelay $0x2  }
0x24e: {  	(xrf0) =	vmax.scan.msk.f32 $0xffff, v19  }
0x24f: {  	p0 =	slt.s32 s9, $0x1  }
.Ltmp24:
0x250: {  	_ = 	snop;
	(pc) =	sbr.rel @p0 .LBB2_42-.Ltmp24, $3  }
0x251: {  	_ =	sdelay $0x1  }
0x252: {  	v21 =	vld [tilespmem:$0x164A0];
	[tilespmem:$0x16490] =	vst v19  }
0x253: {  	[tilespmem:$0x164D0] =	vst v20;
	v20 =	vld [tilespmem:$0x164E0];
	v19, _, _ =	vpop (xrf0)  }
0x254: {  	s13 =	simm.s32 $0x147B0  }
0x255: {  	s14 =	simm.s32 $0x15830;
	v22 =	vld [tilespmem:s13+$0x0]  }
0x256: {  	s11 =	sadd.s32 s11, s12;
	p1 =	sgt.s32 s9, $0x10;
	v23 =	vld [tilespmem:s14+$0x0]  }
.Ltmp25:
0x257: {  	s12 =	sadd.s32 $0x80000000, s11;
	(pc) =	sbr.rel @!p1 .LBB2_38-.Ltmp25, $4  }
0x258: {  	v24 =	vmov s12  }
0x259: {  	vm0 =	vgt.s32 v24, v2  }
0x25a: {  	v22 =	vnsel vm0, $0x7F800000, v22  }
0x25b: {  	p0 =	por $0x0, $0x0;
	s11 =	simm.s32 $0x147C0;
	(xrf1) =	vsort.ascd.msk.f32 $0xffff, v22, v23  }
0x25c: {  	_ =	sdelay $0x9  }
0x25d: {  	v23 =	vld [tilespmem:s11+$0x0];
	s11 =	simm.s32 $0x15840  }
0x25e: {  	v22 =	vmul.u32 $0xFFFFFFFF, v2;
	v24 =	vld [tilespmem:s11+$0x0]  }
0x25f: {  	s12 =	sadd.s32 $0xFFFFFFF0, s12  }
0x260: {  	v27 =	vmov s12;
	v22 =	vadd.s32 $0xF, v22;
	v25, v26, _ =	vpop (xrf1)  }
0x261: {  	vm0 =	vgt.s32 v27, v2;
	v25 =	vperm.xlane v25, v22  }
0x262: {  	v23 =	vnsel vm0, $0x7F800000, v23;
	v26 =	vperm.xlane v26, v22  }
0x263: {  	(xrf1) =	vsort.ascd.msk.f32 $0xffff, v23, v24;
	vm15 =	vle.f32 v21, v25  }
0x264: {  	v23 =	vsel vm15, v21, v25;
	v63 =	vsel vm15, v20, v26  }
0x265: {  	(xrf1) =	vsort.ascd.msk.f32 $0xffff, v23, v63;
	_ =	sdelay $0x2  }
0x266: {  	p1 =	sgt.s32 s9, $0x20  }
.Ltmp26:
0x267: {  	_ = 	snop;
	(pc) =	sbr.rel @!p1 .LBB2_41-.Ltmp26, $2  }
0x268: {  	_ =	sdelay $0x2  }
0x269: {  	s13 =	simm.s32 $0x20;
	s14 =	simm.s32 $0x147D0;
	p0 =	por $0x1, $0x1  }
.LBB2_40:
0x26a: {  	v23 =	vld [tilespmem:s14+$0x0];
	s13 =	sadd.s32 $0x10, s13;
	s11 =	sadd.s32 $0x10, s11  }
0x26b: {  	v24 =	vld [tilespmem:s11+$0x0];
	p1 =	slt.s32 s13, s9  }
0x26c: {  	s12 =	sadd.s32 $0xFFFFFFF0, s12  }
0x26d: {  	v25 =	vmov s12;
	v26, v27, _ =	vpop (xrf1)  }
0x26e: {  	vm0 =	vgt.s32 v25, v2;
	v25 =	vperm.xlane v26, v22  }
0x26f: {  	v26 =	vperm.xlane v27, v22;
	v23 =	vnsel vm0, $0x7F800000, v23;
	v27, v28, _ =	vpop (xrf1)  }
0x270: {  	(xrf1) =	vsort.ascd.msk.f32 $0xffff, v23, v24;
	vm0 =	vle.f32 v27, v25  }
0x271: {  	v23 =	vsel vm0, v27, v25;
	v24 =	vsel vm0, v28, v26  }
0x272: {  	(xrf1) =	vsort.ascd.msk.f32 $0xffff, v23, v24;
	_ =	sdelay $0x3  }
.Ltmp27:
0x273: {  	(pc) =	sbr.rel @p1 .LBB2_40-.Ltmp27, $2  }
0x274: {  	_ =	sdelay $0x2  }
0x275: {  	s14 =	sadd.s32 $0x10, s14  }
.LBB2_41:
0x276: {  	_ =	sdelay $0x1  }
0x277: {  	v22 =	vmul.u32 $0xFFFFFFFF, v2;
	_ =	sdelay $0x1  }
0x278: {  	v22 =	vadd.s32 $0xF, v22;
	v23, v24, _ =	vpop (xrf1)  }
0x279: {  	v23 =	vperm.xlane v23, v22;
	v25, v26, _ =	vpop @p0 (xrf1)  }
0x27a: {  	v22 =	vperm.xlane v24, v22;
	v21 =	vpsel p0, v25, v21  }
0x27b: {  	v20 =	vpsel p0, v26, v20;
	vm0 =	vle.f32 v21, v23  }
0x27c: {  	v21 =	vsel vm0, v21, v23;
	v20 =	vsel vm0, v20, v22  }
0x27d: {  	(xrf1) =	vsort.ascd.msk.f32 $0xffff, v21, v20;
	_ =	sdelay $0xd  }
0x27e: {  	v21, v20, _ =	vpop (xrf1)  }
.LBB2_42:
0x27f: {  	_ =	sdelay $0x2  }
0x280: {  	(xrf0) =	vmax.scan.msk.f32 $0xffff, v21  }
0x281: {  	p0 =	slt.s32 s6, $0x1  }
.Ltmp28:
0x282: {  	_ = 	snop;
	(pc) =	sbr.rel @p0 .LBB2_48-.Ltmp28, $3  }
0x283: {  	_ =	sdelay $0x1  }
0x284: {  	v22 =	vld [tilespmem:$0x164F0];
	[tilespmem:$0x164A0] =	vst v21  }
0x285: {  	v21 =	vld [tilespmem:$0x164B0];
	[tilespmem:$0x164E0] =	vst v20;
	v20, _, _ =	vpop (xrf0)  }
0x286: {  	s9 =	simm.s32 $0x14BD0  }
0x287: {  	s11 =	simm.s32 $0x15C50;
	v23 =	vld [tilespmem:s9+$0x0]  }
0x288: {  	s7 =	sadd.s32 s7, s8;
	p1 =	sgt.s32 s6, $0x10;
	v24 =	vld [tilespmem:s11+$0x0]  }
.Ltmp29:
0x289: {  	s8 =	sadd.s32 $0x80000000, s7;
	(pc) =	sbr.rel @!p1 .LBB2_44-.Ltmp29, $4  }
0x28a: {  	v25 =	vmov s8  }
0x28b: {  	vm0 =	vgt.s32 v25, v2  }
0x28c: {  	v23 =	vnsel vm0, $0x7F800000, v23  }
0x28d: {  	p0 =	por $0x0, $0x0;
	s7 =	simm.s32 $0x14BE0;
	(xrf1) =	vsort.ascd.msk.f32 $0xffff, v23, v24  }
0x28e: {  	_ =	sdelay $0x9  }
0x28f: {  	v24 =	vld [tilespmem:s7+$0x0];
	s7 =	simm.s32 $0x15C60  }
0x290: {  	v23 =	vmul.u32 $0xFFFFFFFF, v2;
	v25 =	vld [tilespmem:s7+$0x0]  }
0x291: {  	s8 =	sadd.s32 $0xFFFFFFF0, s8  }
0x292: {  	v28 =	vmov s8;
	v23 =	vadd.s32 $0xF, v23;
	v26, v27, _ =	vpop (xrf1)  }
0x293: {  	vm0 =	vgt.s32 v28, v2;
	v26 =	vperm.xlane v26, v23  }
0x294: {  	v24 =	vnsel vm0, $0x7F800000, v24;
	v27 =	vperm.xlane v27, v23  }
0x295: {  	(xrf1) =	vsort.ascd.msk.f32 $0xffff, v24, v25;
	vm15 =	vle.f32 v21, v26  }
0x296: {  	v62 =	vsel vm15, v21, v26;
	v63 =	vsel vm15, v22, v27  }
0x297: {  	(xrf1) =	vsort.ascd.msk.f32 $0xffff, v62, v63;
	_ =	sdelay $0x2  }
0x298: {  	p1 =	sgt.s32 s6, $0x20  }
.Ltmp30:
0x299: {  	_ = 	snop;
	(pc) =	sbr.rel @!p1 .LBB2_47-.Ltmp30, $2  }
0x29a: {  	_ =	sdelay $0x2  }
0x29b: {  	s9 =	simm.s32 $0x20;
	s11 =	simm.s32 $0x14BF0;
	p0 =	por $0x1, $0x1  }
.LBB2_46:
0x29c: {  	v24 =	vld [tilespmem:s11+$0x0];
	s9 =	sadd.s32 $0x10, s9;
	s7 =	sadd.s32 $0x10, s7  }
0x29d: {  	v25 =	vld [tilespmem:s7+$0x0];
	p1 =	slt.s32 s9, s6  }
0x29e: {  	s8 =	sadd.s32 $0xFFFFFFF0, s8  }
0x29f: {  	v26 =	vmov s8;
	v27, v28, _ =	vpop (xrf1)  }
0x2a0: {  	vm0 =	vgt.s32 v26, v2;
	v26 =	vperm.xlane v27, v23  }
0x2a1: {  	v27 =	vperm.xlane v28, v23;
	v24 =	vnsel vm0, $0x7F800000, v24;
	v28, v29, _ =	vpop (xrf1)  }
0x2a2: {  	(xrf1) =	vsort.ascd.msk.f32 $0xffff, v24, v25;
	vm0 =	vle.f32 v28, v26  }
0x2a3: {  	v24 =	vsel vm0, v28, v26;
	v25 =	vsel vm0, v29, v27  }
0x2a4: {  	(xrf1) =	vsort.ascd.msk.f32 $0xffff, v24, v25;
	_ =	sdelay $0x3  }
.Ltmp31:
0x2a5: {  	(pc) =	sbr.rel @p1 .LBB2_46-.Ltmp31, $2  }
0x2a6: {  	_ =	sdelay $0x2  }
0x2a7: {  	s11 =	sadd.s32 $0x10, s11  }
.LBB2_47:
0x2a8: {  	_ =	sdelay $0x1  }
0x2a9: {  	v23 =	vmul.u32 $0xFFFFFFFF, v2;
	_ =	sdelay $0x1  }
0x2aa: {  	v23 =	vadd.s32 $0xF, v23;
	v24, v25, _ =	vpop (xrf1)  }
0x2ab: {  	v24 =	vperm.xlane v24, v23;
	v26, v27, _ =	vpop @p0 (xrf1)  }
0x2ac: {  	v23 =	vperm.xlane v25, v23;
	v21 =	vpsel p0, v26, v21  }
0x2ad: {  	v22 =	vpsel p0, v27, v22;
	vm0 =	vle.f32 v21, v24  }
0x2ae: {  	v21 =	vsel vm0, v21, v24;
	v22 =	vsel vm0, v22, v23  }
0x2af: {  	(xrf1) =	vsort.ascd.msk.f32 $0xffff, v21, v22;
	_ =	sdelay $0xd  }
0x2b0: {  	v21, v22, _ =	vpop (xrf1)  }
.LBB2_48:
0x2b1: {  	_ =	sdelay $0x3  }
0x2b2: {  	(xrf0) =	vmax.scan.msk.f32 $0xffff, v21  }
0x2b3: {  	p0 =	slt.s32 s2, $0x1  }
.Ltmp32:
0x2b4: {  	_ = 	snop;
	(pc) =	sbr.rel @p0 .LBB2_54-.Ltmp32, $3  }
0x2b5: {  	_ =	sdelay $0x1  }
0x2b6: {  	v23 =	vld [tilespmem:$0x16500];
	[tilespmem:$0x164F0] =	vst v22  }
0x2b7: {  	[tilespmem:$0x164B0] =	vst v21;
	v21 =	vld [tilespmem:$0x164C0];
	v22, _, _ =	vpop (xrf0)  }
0x2b8: {  	s6 =	simm.s32 $0x14FF0  }
0x2b9: {  	s7 =	simm.s32 $0x16070;
	v24 =	vld [tilespmem:s6+$0x0]  }
0x2ba: {  	s4 =	sadd.s32 s4, s5;
	p1 =	sgt.s32 s2, $0x10;
	v25 =	vld [tilespmem:s7+$0x0]  }
.Ltmp33:
0x2bb: {  	s5 =	sadd.s32 $0x80000000, s4;
	(pc) =	sbr.rel @!p1 .LBB2_50-.Ltmp33, $4  }
0x2bc: {  	v26 =	vmov s5  }
0x2bd: {  	vm0 =	vgt.s32 v26, v2  }
0x2be: {  	v24 =	vnsel vm0, $0x7F800000, v24  }
0x2bf: {  	p0 =	por $0x0, $0x0;
	s4 =	simm.s32 $0x15000;
	(xrf1) =	vsort.ascd.msk.f32 $0xffff, v24, v25  }
0x2c0: {  	_ =	sdelay $0x9  }
0x2c1: {  	v25 =	vld [tilespmem:s4+$0x0];
	s4 =	simm.s32 $0x16080  }
0x2c2: {  	v24 =	vmul.u32 $0xFFFFFFFF, v2;
	v26 =	vld [tilespmem:s4+$0x0]  }
0x2c3: {  	s5 =	sadd.s32 $0xFFFFFFF0, s5  }
0x2c4: {  	v29 =	vmov s5;
	v24 =	vadd.s32 $0xF, v24;
	v27, v28, _ =	vpop (xrf1)  }
0x2c5: {  	vm0 =	vgt.s32 v29, v2;
	v27 =	vperm.xlane v27, v24  }
0x2c6: {  	v25 =	vnsel vm0, $0x7F800000, v25;
	v28 =	vperm.xlane v28, v24  }
0x2c7: {  	(xrf1) =	vsort.ascd.msk.f32 $0xffff, v25, v26;
	vm15 =	vle.f32 v21, v27  }
0x2c8: {  	v25 =	vsel vm15, v21, v27;
	v26 =	vsel vm15, v23, v28  }
0x2c9: {  	(xrf1) =	vsort.ascd.msk.f32 $0xffff, v25, v26;
	_ =	sdelay $0x2  }
0x2ca: {  	p1 =	sgt.s32 s2, $0x20  }
.Ltmp34:
0x2cb: {  	_ = 	snop;
	(pc) =	sbr.rel @!p1 .LBB2_53-.Ltmp34, $2  }
0x2cc: {  	_ =	sdelay $0x2  }
0x2cd: {  	s6 =	simm.s32 $0x20;
	s7 =	simm.s32 $0x15010;
	p0 =	por $0x1, $0x1  }
.LBB2_52:
0x2ce: {  	v25 =	vld [tilespmem:s7+$0x0];
	s6 =	sadd.s32 $0x10, s6;
	s4 =	sadd.s32 $0x10, s4  }
0x2cf: {  	v26 =	vld [tilespmem:s4+$0x0];
	p1 =	slt.s32 s6, s2  }
0x2d0: {  	s5 =	sadd.s32 $0xFFFFFFF0, s5  }
0x2d1: {  	v27 =	vmov s5;
	v28, v29, _ =	vpop (xrf1)  }
0x2d2: {  	vm0 =	vgt.s32 v27, v2;
	v27 =	vperm.xlane v28, v24  }
0x2d3: {  	v28 =	vperm.xlane v29, v24;
	v25 =	vnsel vm0, $0x7F800000, v25;
	v29, v30, _ =	vpop (xrf1)  }
0x2d4: {  	(xrf1) =	vsort.ascd.msk.f32 $0xffff, v25, v26;
	vm0 =	vle.f32 v29, v27  }
0x2d5: {  	v25 =	vsel vm0, v29, v27;
	v26 =	vsel vm0, v30, v28  }
0x2d6: {  	(xrf1) =	vsort.ascd.msk.f32 $0xffff, v25, v26;
	_ =	sdelay $0x3  }
.Ltmp35:
0x2d7: {  	(pc) =	sbr.rel @p1 .LBB2_52-.Ltmp35, $2  }
0x2d8: {  	_ =	sdelay $0x2  }
0x2d9: {  	s7 =	sadd.s32 $0x10, s7  }
.LBB2_53:
0x2da: {  	_ =	sdelay $0x1  }
0x2db: {  	v24 =	vmul.u32 $0xFFFFFFFF, v2;
	_ =	sdelay $0x1  }
0x2dc: {  	v24 =	vadd.s32 $0xF, v24;
	v25, v26, _ =	vpop (xrf1)  }
0x2dd: {  	v25 =	vperm.xlane v25, v24;
	v27, v28, _ =	vpop @p0 (xrf1)  }
0x2de: {  	v24 =	vperm.xlane v26, v24;
	v21 =	vpsel p0, v27, v21  }
0x2df: {  	v23 =	vpsel p0, v28, v23;
	vm0 =	vle.f32 v21, v25  }
0x2e0: {  	v21 =	vsel vm0, v21, v25;
	v23 =	vsel vm0, v23, v24  }
0x2e1: {  	(xrf1) =	vsort.ascd.msk.f32 $0xffff, v21, v23;
	_ =	sdelay $0xd  }
0x2e2: {  	v21, v23, _ =	vpop (xrf1)  }
.LBB2_54:
0x2e3: {  	_ =	sdelay $0x2  }
0x2e4: {  	[tilespmem:$0x16500] =	vst v23  }
0x2e5: {  	s4 =	simm.s32 $0x80;
	[tilespmem:$0x164C0] =	vst v21  }
0x2e6: {  	s2 =	simm.s32 $0x4080;
	v23 =	vld [tilespmem:s4+$0x0]  }
0x2e7: {  	v24 =	vld [tilespmem:s2+$0x0]  }
0x2e8: {  	s30 =	simm.s32 $0x8080  }
0x2e9: {  	v25 =	vld [tilespmem:s30+$0x0];
	_ =	sdelay $0x2  }
0x2ea: {  	v26 =	vmul.f32 v23, v3;
	v27 =	vmul.f32 v24, v7  }
0x2eb: {  	v28 =	vmul.f32 v23, v5;
	v29 =	vmul.f32 v23, v4  }
0x2ec: {  	v30 =	vmul.f32 v24, v8;
	v26 =	vadd.f32 v27, v26;
	v27 =	vmul.f32 v25, v9  }
0x2ed: {  	v31 =	vmul.f32 v24, v10;
	v23 =	vmul.f32 v23, v6  }
0x2ee: {  	s31 =	simm.s32 $0xC080;
	v24 =	vmul.f32 v24, v12;
	v60 =	vmul.f32 v25, v13;
	v26 =	vadd.f32 v27, v26  }
0x2ef: {  	v59 =	vld [tilespmem:s31+$0x0];
	v29 =	vadd.f32 v30, v29;
	v28 =	vadd.f32 v31, v28;
	v27 =	vmul.f32 v25, v11  }
0x2f0: {  	v23 =	vadd.f32 v24, v23;
	v24 =	vmul.f32 v25, v14;
	v26 =	vadd.f32 v26, v26  }
0x2f1: {  	(xrf0) =	vmax.scan.msk.f32 $0xffff, v21;
	v25 =	vadd.f32 v27, v29;
	v27 =	vadd.f32 v60, v28  }
0x2f2: {  	v23 =	vadd.f32 v24, v23;
	v26 =	vsub.f32 v15, v26  }
0x2f3: {  	v24 =	vadd.f32 v25, v25;
	v25 =	vadd.f32 v27, v27  }
0x2f4: {  	v23 =	vadd.f32 v23, v23;
	v26 =	vadd.f32 v26, v59  }
0x2f5: {  	v21 =	vbroadcast v19, $0xF;
	v24 =	vsub.f32 v16, v24;
	v25 =	vsub.f32 v17, v25  }
0x2f6: {  	v19 =	vbroadcast v20, $0xF;
	v20 =	vbroadcast v22, $0xF;
	v23 =	vsub.f32 v18, v23  }
0x2f7: {  	s2 =	simm.s32 $0x0;
	v22, _, _ =	vpop (xrf0);
	vm0 =	vlt.f32 v26, v21;
	v24 =	vadd.f32 v24, v59;
	v25 =	vadd.f32 v25, v59  }
0x2f8: {  	v22 =	vbroadcast v22, $0xF;
	v28 =	vor.u32 s4, v2;
	v27 =	vmpcnt.ones.xlane vm0;
	[tilespmem:s2+$0x14390] =	vst.msk vm0, v26  }
0x2f9: {  	v23 =	vadd.f32 v23, v59;
	[tilespmem:s2+$0x15410] =	vst.msk vm0, v28;
	vm14 =	vlt.f32 v24, v19;
	vm1 =	vlt.f32 v25, v20  }
0x2fa: {  	v26 =	vxor.u32 $0x80000000, v27;
	[tilespmem:s2+$0x147B0] =	vst.msk vm14, v24;
	v24 =	vmpcnt.ones.xlane vm1  }
0x2fb: {  	vm15 =	vlt.f32 v23, v22;
	(xrf0) =	vmax.scan.msk.u32 $0xffff, v26;
	[tilespmem:s2+$0x15830] =	vst.msk vm14, v28;
	v26 =	vmpcnt.ones.xlane vm14  }
0x2fc: {  	[tilespmem:s2+$0x14BD0] =	vst.msk vm1, v25;
	v24 =	vxor.u32 $0x80000000, v24;
	v25 =	vmpcnt.ones.xlane vm15  }
0x2fd: {  	[tilespmem:s2+$0x15C50] =	vst.msk vm1, v28;
	v26 =	vxor.u32 $0x80000000, v26;
	(xrf0) =	vmax.scan.msk.u32 $0xffff, v24  }
0x2fe: {  	[tilespmem:s2+$0x14FF0] =	vst.msk vm15, v23;
	v23 =	vxor.u32 $0x80000000, v25;
	(xrf0) =	vmax.scan.msk.u32 $0xffff, v26  }
0x2ff: {  	s4 =	simm.s32 $0x90;
	[tilespmem:s2+$0x16070] =	vst.msk vm15, v28;
	(xrf0) =	vmax.scan.msk.u32 $0xffff, v23  }
0x300: {  	s5 =	simm.s32 $0x4090;
	v23 =	vld [tilespmem:s4+$0x0]  }
0x301: {  	s6 =	simm.s32 $0x8090;
	v25 =	vld [tilespmem:s5+$0x0];
	v24, _, _ =	vpop (xrf0)  }
0x302: {  	v26 =	vld [tilespmem:s6+$0x0];
	(v2sf) =	vpush v24, $0xF  }
0x303: {  	v24, _, _ =	vpop (xrf0)  }
0x304: {  	v27, _, _ =	vpop (xrf0);
	(v2sf) =	vpush v24, $0xF  }
0x305: {  	v24 =	vmul.f32 v23, v3;
	(v2sf) =	vpush v27, $0xF;
	v27, _, _ =	vpop (xrf0);
	v28 =	vmul.f32 v23, v5  }
0x306: {  	v29 =	vmul.f32 v25, v7;
	v61 =	vmul.f32 v25, v10;
	(v2sf) =	vpush v27, $0xF  }
0x307: {  	v62 =	vmul.f32 v26, v9;
	v27 =	vmul.f32 v23, v4  }
0x308: {  	v23 =	vmul.f32 v23, v6;
	v24 =	vadd.f32 v29, v24;
	v29 =	vmul.f32 v25, v12  }
0x309: {  	v63 =	vmul.f32 v26, v13;
	v25 =	vmul.f32 v25, v8  }
0x30a: {  	v32 =	vmul.f32 v26, v14;
	v28 =	vadd.f32 v61, v28;
	v29 =	vadd.f32 v29, v23  }
0x30b: {  	s11 =	simm.s32 $0xC090;
	v26 =	vmul.f32 v26, v11;
	v24 =	vadd.f32 v62, v24;
	v25 =	vadd.f32 v25, v27  }
0x30c: {  	v23 =	vld [tilespmem:s11+$0x0];
	v27 =	vadd.f32 v63, v28;
	v28 =	vadd.f32 v32, v29  }
0x30d: {  	v24 =	vadd.f32 v24, v24;
	v25 =	vadd.f32 v26, v25  }
0x30e: {  	v26 =	vadd.f32 v27, v27;
	v27 =	vadd.f32 v28, v28  }
0x30f: {  	v24 =	vsub.f32 v15, v24;
	v28 =	vadd.f32 v25, v25  }
0x310: {  	s12 =	simm.s32 $0xA0;
	s8 =	simm.s32 $0x0;
	s9 =	simm.s32 $0x0;
	v26 =	vsub.f32 v17, v26;
	v25 =	vsub.f32 v18, v27  }
0x311: {  	s7 =	simm.s32 $0x0;
	s13 =	simm.s32 $0x90;
	v24 =	vadd.f32 v24, v23;
	v27 =	vsub.f32 v16, v28;
	s14 =	spop (v2sf)  }
.LBB2_55:
0x312: {  	p0 =	sne.s32 s12, $0x3F0  }
0x313: {  	v26 =	vadd.f32 v26, v23;
	s2 =	sadd.s32 s14, s2;
	s14 =	spop (v2sf);
	s17 =	smov.u32 s12  }
0x314: {  	v28 =	vor.u32 s4, v2;
	vm0 =	vlt.f32 v24, v21;
	v27 =	vadd.f32 v27, v23;
	s2 =	sadd.s32 $0x80000000, s2;
	s4 =	sadd.s32 s14, s8;
	s8 =	spop (v2sf)  }
0x315: {  	v23 =	vadd.f32 v25, v23;
	v29 =	vmpcnt.ones.xlane vm0;
	[tilespmem:s2+$0x14390] =	vst.msk vm0, v24;
	vm1 =	vlt.f32 v26, v20;
	s9 =	sadd.s32 s8, s9;
	s8 =	sadd.s32 $0x80000000, s4;
	s4 =	spop (v2sf)  }
0x316: {  	s12 =	sadd.s32 $0x10, s12;
	[tilespmem:s2+$0x15410] =	vst.msk vm0, v28;
	vm0 =	vlt.f32 v27, v19;
	v24 =	vmpcnt.ones.xlane vm1;
	s9 =	sadd.s32 $0x80000000, s9;
	s4 =	sadd.s32 s4, s7  }
0x317: {  	vm2 =	vlt.f32 v23, v22;
	v25 =	vxor.u32 $0x80000000, v29;
	v29 =	vmpcnt.ones.xlane vm0;
	[tilespmem:s9+$0x147B0] =	vst.msk vm0, v27;
	s7 =	sadd.s32 $0x80000000, s4;
	s4 =	smov.u32 s17  }
0x318: {  	v27 =	vmpcnt.ones.xlane vm2;
	[tilespmem:s9+$0x15830] =	vst.msk vm0, v28;
	v24 =	vxor.u32 $0x80000000, v24;
	(xrf0) =	vmax.scan.msk.u32 $0xffff, v25  }
0x319: {  	v25 =	vxor.u32 $0x80000000, v29;
	[tilespmem:s8+$0x14BD0] =	vst.msk vm1, v26;
	(xrf0) =	vmax.scan.msk.u32 $0xffff, v24  }
0x31a: {  	v24 =	vxor.u32 $0x80000000, v27;
	[tilespmem:s8+$0x15C50] =	vst.msk vm1, v28;
	(xrf0) =	vmax.scan.msk.u32 $0xffff, v25  }
0x31b: {  	s13 =	sadd.s32 $0x10, s13;
	[tilespmem:s7+$0x14FF0] =	vst.msk vm2, v23;
	(xrf0) =	vmax.scan.msk.u32 $0xffff, v24  }
0x31c: {  	[tilespmem:s7+$0x16070] =	vst.msk vm2, v28  }
0x31d: {  	s5 =	sadd.s32 $0x10, s5;
	v23 =	vld [tilespmem:s13+$0x0]  }
0x31e: {  	v24 =	vld [tilespmem:s5+$0x0];
	v25, _, _ =	vpop (xrf0)  }
0x31f: {  	s6 =	sadd.s32 $0x10, s6;
	(v2sf) =	vpush v25, $0xF;
	v25, _, _ =	vpop (xrf0)  }
0x320: {  	v26 =	vld [tilespmem:s6+$0x0];
	v27, _, _ =	vpop (xrf0);
	(v2sf) =	vpush v25, $0xF  }
0x321: {  	(v2sf) =	vpush v27, $0xF;
	v25, _, _ =	vpop (xrf0)  }
0x322: {  	v27 =	vmul.f32 v23, v3;
	v28 =	vmul.f32 v23, v5;
	(v2sf) =	vpush v25, $0xF  }
0x323: {  	v29 =	vmul.f32 v23, v4;
	v25 =	vmul.f32 v24, v7  }
0x324: {  	v23 =	vmul.f32 v23, v6;
	v30 =	vmul.f32 v24, v10  }
0x325: {  	v31 =	vmul.f32 v24, v12;
	v25 =	vadd.f32 v25, v27;
	v27 =	vmul.f32 v26, v11  }
0x326: {  	v24 =	vmul.f32 v24, v8;
	v32 =	vmul.f32 v26, v9;
	v28 =	vadd.f32 v30, v28  }
0x327: {  	s11 =	sadd.s32 $0x10, s11;
	v30 =	vmul.f32 v26, v13;
	v31 =	vadd.f32 v31, v23;
	v26 =	vmul.f32 v26, v14  }
0x328: {  	v24 =	vadd.f32 v24, v29;
	v25 =	vadd.f32 v32, v25  }
0x329: {  	v28 =	vadd.f32 v30, v28;
	v26 =	vadd.f32 v26, v31;
	v23 =	vld [tilespmem:s11+$0x0]  }
.Ltmp36:
0x32a: {  	v24 =	vadd.f32 v27, v24;
	v25 =	vadd.f32 v25, v25;
	(pc) =	sbr.rel @p0 .LBB2_55-.Ltmp36, $4  }
0x32b: {  	v27 =	vadd.f32 v28, v28;
	v28 =	vadd.f32 v26, v26  }
0x32c: {  	v30 =	vadd.f32 v24, v24;
	v29 =	vsub.f32 v15, v25  }
0x32d: {  	v26 =	vsub.f32 v17, v27;
	v25 =	vsub.f32 v18, v28  }
0x32e: {  	v27 =	vsub.f32 v16, v30;
	v24 =	vadd.f32 v29, v23;
	s14 =	spop (v2sf)  }
0x32f: {  	_ = 	snop  }
0x330: {  	v26 =	vadd.f32 v26, v23;
	vm3 =	vlt.f32 v24, v21  }
0x331: {  	v62 =	vmpcnt.ones.xlane vm3  }
0x332: {  	v21 =	vadd.f32 v27, v23;
	vm0 =	vlt.f32 v26, v20;
	v20 =	vadd.f32 v25, v23  }
0x333: {  	v23 =	vxor.u32 $0x80000000, v62  }
0x334: {  	vm2 =	vlt.f32 v21, v19;
	v19 =	vmpcnt.ones.xlane vm0;
	vm1 =	vlt.f32 v20, v22;
	(xrf0) =	vmax.scan.msk.u32 $0xffff, v23  }
0x335: {  	v22 =	vmpcnt.ones.xlane vm1  }
0x336: {  	v63 =	vmpcnt.ones.xlane vm2;
	v19 =	vxor.u32 $0x80000000, v19  }
0x337: {  	(xrf0) =	vmax.scan.msk.u32 $0xffff, v19;
	v19 =	vxor.u32 $0x80000000, v22  }
0x338: {  	v23 =	vxor.u32 $0x80000000, v63  }
0x339: {  	(xrf0) =	vmax.scan.msk.u32 $0xffff, v23  }
0x33a: {  	(xrf0) =	vmax.scan.msk.u32 $0xffff, v19;
	v19, _, _ =	vpop (xrf0)  }
0x33b: {  	(v2sf) =	vpush v19, $0xF;
	_ =	sdelay $0x2  }
0x33c: {  	v19, _, _ =	vpop (xrf0)  }
0x33d: {  	v22, _, _ =	vpop (xrf0);
	(v2sf) =	vpush v19, $0xF  }
0x33e: {  	(v2sf) =	vpush v22, $0xF;
	v19, _, _ =	vpop (xrf0)  }
0x33f: {  	(v2sf) =	vpush v19, $0xF;
	_ =	sdelay $0x5  }
0x340: {  	s5 =	spop (v2sf);
	s2 =	sadd.s32 s14, s2  }
0x341: {  	s6 =	spop (v2sf);
	s14 =	sadd.s32 $0x80000000, s2  }
0x342: {  	[tilespmem:s14+$0x14390] =	vst.msk vm3, v24;
	s24 =	sadd.s32 s6, s9;
	s26 =	spop (v2sf);
	v19 =	vor.u32 s4, v2  }
0x343: {  	s12 =	sadd.s32 $0x80000000, s24;
	[tilespmem:s14+$0x15410] =	vst.msk vm3, v19;
	s17 =	spop (v2sf)  }
0x344: {  	s25 =	sadd.s32 s5, s8;
	[tilespmem:s12+$0x147B0] =	vst.msk vm2, v21;
	s29 =	sadd.s32 s17, s14  }
0x345: {  	s8 =	sadd.s32 $0x80000000, s25;
	[tilespmem:s12+$0x15830] =	vst.msk vm2, v19;
	s9 =	sadd.s32 $0x80000000, s29  }
0x346: {  	s28 =	sadd.s32 s26, s7;
	[tilespmem:s8+$0x14BD0] =	vst.msk vm0, v26;
	p0 =	slt.s32 s9, $0x1  }
.Ltmp37:
0x347: {  	s2 =	sadd.s32 $0x80000000, s28;
	[tilespmem:s8+$0x15C50] =	vst.msk vm0, v19;
	s11 =	spop (v2sf);
	(pc) =	sbr.rel @p0 .LBB2_62-.Ltmp37, $4  }
0x348: {  	[tilespmem:s2+$0x14FF0] =	vst.msk vm1, v20;
	s13 =	spop (v2sf)  }
0x349: {  	[tilespmem:s2+$0x16070] =	vst.msk vm1, v19;
	s6 =	spop (v2sf)  }
0x34a: {  	v19 =	vld [tilespmem:$0x16490];
	s30 =	sadd.s32 s11, s8;
	s31 =	sadd.s32 s13, s12;
	s20 =	sadd.s32 s6, s2  }
0x34b: {  	v20 =	vld [tilespmem:$0x164D0];
	s7 =	sadd.s32 $0x80000000, s30;
	s5 =	sadd.s32 $0x80000000, s31;
	s4 =	sadd.s32 $0x80000000, s20  }
0x34c: {  	s20 =	simm.s32 $0x14390  }
0x34d: {  	s23 =	simm.s32 $0x15410;
	v21 =	vld [tilespmem:s20+$0x0]  }
0x34e: {  	s14 =	sadd.s32 s14, s17;
	p1 =	sgt.s32 s9, $0x10;
	v22 =	vld [tilespmem:s23+$0x0]  }
.Ltmp38:
0x34f: {  	s14 =	sadd.s32 $0x80000000, s14;
	(pc) =	sbr.rel @!p1 .LBB2_58-.Ltmp38, $4  }
0x350: {  	v23 =	vmov s14  }
0x351: {  	vm0 =	vgt.s32 v23, v2  }
0x352: {  	v21 =	vnsel vm0, $0x7F800000, v21  }
0x353: {  	s17 =	simm.s32 $0x143A0;
	p0 =	por $0x0, $0x0;
	(xrf1) =	vsort.ascd.msk.f32 $0xffff, v21, v22  }
0x354: {  	_ =	sdelay $0x9  }
0x355: {  	v22 =	vld [tilespmem:s17+$0x0];
	s23 =	simm.s32 $0x15420  }
0x356: {  	v21 =	vmul.u32 $0xFFFFFFFF, v2;
	v23 =	vld [tilespmem:s23+$0x0]  }
0x357: {  	s17 =	sadd.s32 $0xFFFFFFF0, s14  }
0x358: {  	v26 =	vmov s17;
	v21 =	vadd.s32 $0xF, v21;
	v24, v25, _ =	vpop (xrf1)  }
0x359: {  	vm0 =	vgt.s32 v26, v2;
	v24 =	vperm.xlane v24, v21  }
0x35a: {  	v22 =	vnsel vm0, $0x7F800000, v22;
	v25 =	vperm.xlane v25, v21  }
0x35b: {  	(xrf1) =	vsort.ascd.msk.f32 $0xffff, v22, v23;
	vm15 =	vle.f32 v19, v24  }
0x35c: {  	v22 =	vsel vm15, v19, v24;
	v23 =	vsel vm15, v20, v25  }
0x35d: {  	(xrf1) =	vsort.ascd.msk.f32 $0xffff, v22, v23;
	_ =	sdelay $0x2  }
0x35e: {  	p1 =	sgt.s32 s9, $0x20  }
.Ltmp39:
0x35f: {  	_ = 	snop;
	(pc) =	sbr.rel @!p1 .LBB2_61-.Ltmp39, $2  }
0x360: {  	_ =	sdelay $0x2  }
0x361: {  	s14 =	simm.s32 $0x20;
	s24 =	simm.s32 $0x143B0;
	p0 =	por $0x1, $0x1  }
.LBB2_60:
0x362: {  	v22 =	vld [tilespmem:s24+$0x0];
	s14 =	sadd.s32 $0x10, s14;
	s23 =	sadd.s32 $0x10, s23  }
0x363: {  	v23 =	vld [tilespmem:s23+$0x0];
	p1 =	slt.s32 s14, s9  }
0x364: {  	s17 =	sadd.s32 $0xFFFFFFF0, s17  }
0x365: {  	v24 =	vmov s17;
	v25, v26, _ =	vpop (xrf1)  }
0x366: {  	vm0 =	vgt.s32 v24, v2;
	v24 =	vperm.xlane v25, v21  }
0x367: {  	v25 =	vperm.xlane v26, v21;
	v22 =	vnsel vm0, $0x7F800000, v22;
	v26, v27, _ =	vpop (xrf1)  }
0x368: {  	(xrf1) =	vsort.ascd.msk.f32 $0xffff, v22, v23;
	vm0 =	vle.f32 v26, v24  }
0x369: {  	v22 =	vsel vm0, v26, v24;
	v23 =	vsel vm0, v27, v25  }
0x36a: {  	(xrf1) =	vsort.ascd.msk.f32 $0xffff, v22, v23;
	_ =	sdelay $0x3  }
.Ltmp40:
0x36b: {  	(pc) =	sbr.rel @p1 .LBB2_60-.Ltmp40, $2  }
0x36c: {  	_ =	sdelay $0x2  }
0x36d: {  	s24 =	sadd.s32 $0x10, s24  }
.LBB2_61:
0x36e: {  	_ =	sdelay $0x1  }
0x36f: {  	v21 =	vmul.u32 $0xFFFFFFFF, v2;
	_ =	sdelay $0x1  }
0x370: {  	v21 =	vadd.s32 $0xF, v21;
	v22, v23, _ =	vpop (xrf1)  }
0x371: {  	v22 =	vperm.xlane v22, v21;
	v24, v25, _ =	vpop @p0 (xrf1)  }
0x372: {  	v21 =	vperm.xlane v23, v21;
	v19 =	vpsel p0, v24, v19  }
0x373: {  	v20 =	vpsel p0, v25, v20;
	vm0 =	vle.f32 v19, v22  }
0x374: {  	v19 =	vsel vm0, v19, v22;
	v20 =	vsel vm0, v20, v21  }
0x375: {  	(xrf1) =	vsort.ascd.msk.f32 $0xffff, v19, v20;
	_ =	sdelay $0xd  }
0x376: {  	v19, v20, _ =	vpop (xrf1)  }
.LBB2_62:
0x377: {  	_ =	sdelay $0x2  }
0x378: {  	(xrf0) =	vmax.scan.msk.f32 $0xffff, v19;
	_ =	sdelay $0x5  }
0x379: {  	v21, _, _ =	vpop (xrf0)  }
0x37a: {  	(v2sf) =	vpush v21, $0xF;
	_ =	sdelay $0x9  }
0x37b: {  	p0 =	slt.s32 s5, $0x1  }
.Ltmp41:
0x37c: {  	_ = 	snop;
	(pc) =	sbr.rel @p0 .LBB2_68-.Ltmp41, $3  }
0x37d: {  	_ =	sdelay $0x1  }
0x37e: {  	[tilespmem:$0x16490] =	vst v19;
	v19 =	vld [tilespmem:$0x164E0]  }
0x37f: {  	[tilespmem:$0x164D0] =	vst v20;
	v21 =	vld [tilespmem:$0x164A0];
	s9 =	spop (v2sf)  }
0x380: {  	s14 =	simm.s32 $0x147B0  }
0x381: {  	s17 =	simm.s32 $0x15830;
	v20 =	vld [tilespmem:s14+$0x0]  }
0x382: {  	s12 =	sadd.s32 s12, s13;
	p1 =	sgt.s32 s5, $0x10;
	v22 =	vld [tilespmem:s17+$0x0]  }
.Ltmp42:
0x383: {  	s13 =	sadd.s32 $0x80000000, s12;
	(pc) =	sbr.rel @!p1 .LBB2_64-.Ltmp42, $4  }
0x384: {  	v23 =	vmov s13  }
0x385: {  	vm0 =	vgt.s32 v23, v2  }
0x386: {  	v20 =	vnsel vm0, $0x7F800000, v20  }
0x387: {  	p0 =	por $0x0, $0x0;
	s12 =	simm.s32 $0x147C0;
	(xrf1) =	vsort.ascd.msk.f32 $0xffff, v20, v22  }
0x388: {  	_ =	sdelay $0x9  }
0x389: {  	v22 =	vld [tilespmem:s12+$0x0];
	s12 =	simm.s32 $0x15840  }
0x38a: {  	v20 =	vmul.u32 $0xFFFFFFFF, v2;
	v23 =	vld [tilespmem:s12+$0x0]  }
0x38b: {  	s13 =	sadd.s32 $0xFFFFFFF0, s13  }
0x38c: {  	v26 =	vmov s13;
	v20 =	vadd.s32 $0xF, v20;
	v24, v25, _ =	vpop (xrf1)  }
0x38d: {  	vm0 =	vgt.s32 v26, v2;
	v24 =	vperm.xlane v24, v20  }
0x38e: {  	v22 =	vnsel vm0, $0x7F800000, v22;
	v25 =	vperm.xlane v25, v20  }
0x38f: {  	(xrf1) =	vsort.ascd.msk.f32 $0xffff, v22, v23;
	vm15 =	vle.f32 v21, v24  }
0x390: {  	v22 =	vsel vm15, v21, v24;
	v23 =	vsel vm15, v19, v25  }
0x391: {  	(xrf1) =	vsort.ascd.msk.f32 $0xffff, v22, v23;
	_ =	sdelay $0x2  }
0x392: {  	p1 =	sgt.s32 s5, $0x20  }
.Ltmp43:
0x393: {  	_ = 	snop;
	(pc) =	sbr.rel @!p1 .LBB2_67-.Ltmp43, $2  }
0x394: {  	_ =	sdelay $0x2  }
0x395: {  	s14 =	simm.s32 $0x20;
	s17 =	simm.s32 $0x147D0;
	p0 =	por $0x1, $0x1  }
.LBB2_66:
0x396: {  	v22 =	vld [tilespmem:s17+$0x0];
	s14 =	sadd.s32 $0x10, s14;
	s12 =	sadd.s32 $0x10, s12  }
0x397: {  	v23 =	vld [tilespmem:s12+$0x0];
	p1 =	slt.s32 s14, s5  }
0x398: {  	s13 =	sadd.s32 $0xFFFFFFF0, s13  }
0x399: {  	v24 =	vmov s13;
	v25, v26, _ =	vpop (xrf1)  }
0x39a: {  	vm0 =	vgt.s32 v24, v2;
	v24 =	vperm.xlane v25, v20  }
0x39b: {  	v25 =	vperm.xlane v26, v20;
	v22 =	vnsel vm0, $0x7F800000, v22;
	v26, v27, _ =	vpop (xrf1)  }
0x39c: {  	(xrf1) =	vsort.ascd.msk.f32 $0xffff, v22, v23;
	vm0 =	vle.f32 v26, v24  }
0x39d: {  	v22 =	vsel vm0, v26, v24;
	v23 =	vsel vm0, v27, v25  }
0x39e: {  	(xrf1) =	vsort.ascd.msk.f32 $0xffff, v22, v23;
	_ =	sdelay $0x3  }
.Ltmp44:
0x39f: {  	(pc) =	sbr.rel @p1 .LBB2_66-.Ltmp44, $2  }
0x3a0: {  	_ =	sdelay $0x2  }
0x3a1: {  	s17 =	sadd.s32 $0x10, s17  }
.LBB2_67:
0x3a2: {  	_ =	sdelay $0x1  }
0x3a3: {  	v20 =	vmul.u32 $0xFFFFFFFF, v2;
	_ =	sdelay $0x1  }
0x3a4: {  	v20 =	vadd.s32 $0xF, v20;
	v22, v23, _ =	vpop (xrf1)  }
0x3a5: {  	v22 =	vperm.xlane v22, v20;
	v24, v25, _ =	vpop @p0 (xrf1)  }
0x3a6: {  	v20 =	vperm.xlane v23, v20;
	v21 =	vpsel p0, v24, v21  }
0x3a7: {  	v19 =	vpsel p0, v25, v19;
	vm0 =	vle.f32 v21, v22  }
0x3a8: {  	v21 =	vsel vm0, v21, v22;
	v19 =	vsel vm0, v19, v20  }
0x3a9: {  	(xrf1) =	vsort.ascd.msk.f32 $0xffff, v21, v19;
	_ =	sdelay $0xd  }
0x3aa: {  	v21, v19, _ =	vpop (xrf1)  }
.LBB2_68:
0x3ab: {  	_ =	sdelay $0x3  }
0x3ac: {  	(xrf0) =	vmax.scan.msk.f32 $0xffff, v21;
	_ =	sdelay $0x5  }
0x3ad: {  	v20, _, _ =	vpop (xrf0)  }
0x3ae: {  	(v2sf) =	vpush v20, $0xF;
	_ =	sdelay $0x9  }
0x3af: {  	p0 =	slt.s32 s7, $0x1  }
.Ltmp45:
0x3b0: {  	_ = 	snop;
	(pc) =	sbr.rel @p0 .LBB2_74-.Ltmp45, $3  }
0x3b1: {  	_ =	sdelay $0x1  }
0x3b2: {  	[tilespmem:$0x164E0] =	vst v19;
	v19 =	vld [tilespmem:$0x164F0]  }
0x3b3: {  	[tilespmem:$0x164A0] =	vst v21;
	v20 =	vld [tilespmem:$0x164B0];
	s5 =	spop (v2sf)  }
0x3b4: {  	s12 =	simm.s32 $0x14BD0  }
0x3b5: {  	s13 =	simm.s32 $0x15C50;
	v21 =	vld [tilespmem:s12+$0x0]  }
0x3b6: {  	s8 =	sadd.s32 s8, s11;
	p1 =	sgt.s32 s7, $0x10;
	v22 =	vld [tilespmem:s13+$0x0]  }
.Ltmp46:
0x3b7: {  	s11 =	sadd.s32 $0x80000000, s8;
	(pc) =	sbr.rel @!p1 .LBB2_70-.Ltmp46, $4  }
0x3b8: {  	v23 =	vmov s11  }
0x3b9: {  	vm0 =	vgt.s32 v23, v2  }
0x3ba: {  	v21 =	vnsel vm0, $0x7F800000, v21  }
0x3bb: {  	p0 =	por $0x0, $0x0;
	s8 =	simm.s32 $0x14BE0;
	(xrf1) =	vsort.ascd.msk.f32 $0xffff, v21, v22  }
0x3bc: {  	_ =	sdelay $0x9  }
0x3bd: {  	v22 =	vld [tilespmem:s8+$0x0];
	s8 =	simm.s32 $0x15C60  }
0x3be: {  	v21 =	vmul.u32 $0xFFFFFFFF, v2;
	v23 =	vld [tilespmem:s8+$0x0]  }
0x3bf: {  	s11 =	sadd.s32 $0xFFFFFFF0, s11  }
0x3c0: {  	v26 =	vmov s11;
	v21 =	vadd.s32 $0xF, v21;
	v24, v25, _ =	vpop (xrf1)  }
0x3c1: {  	vm0 =	vgt.s32 v26, v2;
	v24 =	vperm.xlane v24, v21  }
0x3c2: {  	v22 =	vnsel vm0, $0x7F800000, v22;
	v25 =	vperm.xlane v25, v21  }
0x3c3: {  	(xrf1) =	vsort.ascd.msk.f32 $0xffff, v22, v23;
	vm15 =	vle.f32 v20, v24  }
0x3c4: {  	v22 =	vsel vm15, v20, v24;
	v23 =	vsel vm15, v19, v25  }
0x3c5: {  	(xrf1) =	vsort.ascd.msk.f32 $0xffff, v22, v23;
	_ =	sdelay $0x2  }
0x3c6: {  	p1 =	sgt.s32 s7, $0x20  }
.Ltmp47:
0x3c7: {  	_ = 	snop;
	(pc) =	sbr.rel @!p1 .LBB2_73-.Ltmp47, $2  }
0x3c8: {  	_ =	sdelay $0x2  }
0x3c9: {  	s12 =	simm.s32 $0x20;
	s13 =	simm.s32 $0x14BF0;
	p0 =	por $0x1, $0x1  }
.LBB2_72:
0x3ca: {  	v22 =	vld [tilespmem:s13+$0x0];
	s12 =	sadd.s32 $0x10, s12;
	s8 =	sadd.s32 $0x10, s8  }
0x3cb: {  	v23 =	vld [tilespmem:s8+$0x0];
	p1 =	slt.s32 s12, s7  }
0x3cc: {  	s11 =	sadd.s32 $0xFFFFFFF0, s11  }
0x3cd: {  	v24 =	vmov s11;
	v25, v26, _ =	vpop (xrf1)  }
0x3ce: {  	vm0 =	vgt.s32 v24, v2;
	v24 =	vperm.xlane v25, v21  }
0x3cf: {  	v25 =	vperm.xlane v26, v21;
	v22 =	vnsel vm0, $0x7F800000, v22;
	v26, v27, _ =	vpop (xrf1)  }
0x3d0: {  	(xrf1) =	vsort.ascd.msk.f32 $0xffff, v22, v23;
	vm0 =	vle.f32 v26, v24  }
0x3d1: {  	v22 =	vsel vm0, v26, v24;
	v23 =	vsel vm0, v27, v25  }
0x3d2: {  	(xrf1) =	vsort.ascd.msk.f32 $0xffff, v22, v23;
	_ =	sdelay $0x3  }
.Ltmp48:
0x3d3: {  	(pc) =	sbr.rel @p1 .LBB2_72-.Ltmp48, $2  }
0x3d4: {  	_ =	sdelay $0x2  }
0x3d5: {  	s13 =	sadd.s32 $0x10, s13  }
.LBB2_73:
0x3d6: {  	_ =	sdelay $0x1  }
0x3d7: {  	v21 =	vmul.u32 $0xFFFFFFFF, v2;
	_ =	sdelay $0x1  }
0x3d8: {  	v21 =	vadd.s32 $0xF, v21;
	v22, v23, _ =	vpop (xrf1)  }
0x3d9: {  	v22 =	vperm.xlane v22, v21;
	v24, v25, _ =	vpop @p0 (xrf1)  }
0x3da: {  	v21 =	vperm.xlane v23, v21;
	v20 =	vpsel p0, v24, v20  }
0x3db: {  	v19 =	vpsel p0, v25, v19;
	vm0 =	vle.f32 v20, v22  }
0x3dc: {  	v20 =	vsel vm0, v20, v22;
	v19 =	vsel vm0, v19, v21  }
0x3dd: {  	(xrf1) =	vsort.ascd.msk.f32 $0xffff, v20, v19;
	_ =	sdelay $0xd  }
0x3de: {  	v20, v19, _ =	vpop (xrf1)  }
.LBB2_74:
0x3df: {  	_ =	sdelay $0x3  }
0x3e0: {  	(xrf0) =	vmax.scan.msk.f32 $0xffff, v20;
	_ =	sdelay $0x5  }
0x3e1: {  	v21, _, _ =	vpop (xrf0)  }
0x3e2: {  	(v2sf) =	vpush v21, $0xF;
	_ =	sdelay $0x9  }
0x3e3: {  	p0 =	slt.s32 s4, $0x1  }
.Ltmp49:
0x3e4: {  	_ = 	snop;
	(pc) =	sbr.rel @p0 .LBB2_80-.Ltmp49, $3  }
0x3e5: {  	_ =	sdelay $0x1  }
0x3e6: {  	[tilespmem:$0x164F0] =	vst v19;
	v19 =	vld [tilespmem:$0x16500]  }
0x3e7: {  	[tilespmem:$0x164B0] =	vst v20;
	v20 =	vld [tilespmem:$0x164C0];
	s26 =	spop (v2sf)  }
0x3e8: {  	s7 =	simm.s32 $0x14FF0  }
0x3e9: {  	s8 =	simm.s32 $0x16070;
	v21 =	vld [tilespmem:s7+$0x0]  }
0x3ea: {  	s2 =	sadd.s32 s2, s6;
	p1 =	sgt.s32 s4, $0x10;
	v22 =	vld [tilespmem:s8+$0x0]  }
.Ltmp50:
0x3eb: {  	s6 =	sadd.s32 $0x80000000, s2;
	(pc) =	sbr.rel @!p1 .LBB2_76-.Ltmp50, $4  }
0x3ec: {  	v23 =	vmov s6  }
0x3ed: {  	vm0 =	vgt.s32 v23, v2  }
0x3ee: {  	v21 =	vnsel vm0, $0x7F800000, v21  }
0x3ef: {  	p0 =	por $0x0, $0x0;
	s2 =	simm.s32 $0x15000;
	(xrf1) =	vsort.ascd.msk.f32 $0xffff, v21, v22  }
0x3f0: {  	_ =	sdelay $0x9  }
0x3f1: {  	v22 =	vld [tilespmem:s2+$0x0];
	s2 =	simm.s32 $0x16080  }
0x3f2: {  	v21 =	vmul.u32 $0xFFFFFFFF, v2;
	v23 =	vld [tilespmem:s2+$0x0]  }
0x3f3: {  	s6 =	sadd.s32 $0xFFFFFFF0, s6  }
0x3f4: {  	v26 =	vmov s6;
	v21 =	vadd.s32 $0xF, v21;
	v24, v25, _ =	vpop (xrf1)  }
0x3f5: {  	vm0 =	vgt.s32 v26, v2;
	v24 =	vperm.xlane v24, v21  }
0x3f6: {  	v22 =	vnsel vm0, $0x7F800000, v22;
	v25 =	vperm.xlane v25, v21  }
0x3f7: {  	(xrf1) =	vsort.ascd.msk.f32 $0xffff, v22, v23;
	vm15 =	vle.f32 v20, v24  }
0x3f8: {  	v22 =	vsel vm15, v20, v24;
	v23 =	vsel vm15, v19, v25  }
0x3f9: {  	(xrf1) =	vsort.ascd.msk.f32 $0xffff, v22, v23;
	_ =	sdelay $0x2  }
0x3fa: {  	p1 =	sgt.s32 s4, $0x20  }
.Ltmp51:
0x3fb: {  	_ = 	snop;
	(pc) =	sbr.rel @!p1 .LBB2_79-.Ltmp51, $2  }
0x3fc: {  	_ =	sdelay $0x2  }
0x3fd: {  	s7 =	simm.s32 $0x20;
	s8 =	simm.s32 $0x15010;
	p0 =	por $0x1, $0x1  }
.LBB2_78:
0x3fe: {  	v22 =	vld [tilespmem:s8+$0x0];
	s7 =	sadd.s32 $0x10, s7;
	s2 =	sadd.s32 $0x10, s2  }
0x3ff: {  	v23 =	vld [tilespmem:s2+$0x0];
	p1 =	slt.s32 s7, s4  }
0x400: {  	s6 =	sadd.s32 $0xFFFFFFF0, s6  }
0x401: {  	v24 =	vmov s6;
	v25, v26, _ =	vpop (xrf1)  }
0x402: {  	vm0 =	vgt.s32 v24, v2;
	v24 =	vperm.xlane v25, v21  }
0x403: {  	v25 =	vperm.xlane v26, v21;
	v22 =	vnsel vm0, $0x7F800000, v22;
	v26, v27, _ =	vpop (xrf1)  }
0x404: {  	(xrf1) =	vsort.ascd.msk.f32 $0xffff, v22, v23;
	vm0 =	vle.f32 v26, v24  }
0x405: {  	v22 =	vsel vm0, v26, v24;
	v23 =	vsel vm0, v27, v25  }
0x406: {  	(xrf1) =	vsort.ascd.msk.f32 $0xffff, v22, v23;
	_ =	sdelay $0x3  }
.Ltmp52:
0x407: {  	(pc) =	sbr.rel @p1 .LBB2_78-.Ltmp52, $2  }
0x408: {  	_ =	sdelay $0x2  }
0x409: {  	s8 =	sadd.s32 $0x10, s8  }
.LBB2_79:
0x40a: {  	_ =	sdelay $0x1  }
0x40b: {  	v21 =	vmul.u32 $0xFFFFFFFF, v2;
	_ =	sdelay $0x1  }
0x40c: {  	v21 =	vadd.s32 $0xF, v21;
	v22, v23, _ =	vpop (xrf1)  }
0x40d: {  	v22 =	vperm.xlane v22, v21;
	v24, v25, _ =	vpop @p0 (xrf1)  }
0x40e: {  	v21 =	vperm.xlane v23, v21;
	v20 =	vpsel p0, v24, v20  }
0x40f: {  	v19 =	vpsel p0, v25, v19;
	vm0 =	vle.f32 v20, v22  }
0x410: {  	v20 =	vsel vm0, v20, v22;
	v19 =	vsel vm0, v19, v21  }
0x411: {  	(xrf1) =	vsort.ascd.msk.f32 $0xffff, v20, v19;
	_ =	sdelay $0xd  }
0x412: {  	v20, v19, _ =	vpop (xrf1)  }
.LBB2_80:
0x413: {  	_ =	sdelay $0x3  }
0x414: {  	(xrf0) =	vmax.scan.msk.f32 $0xffff, v20;
	_ =	sdelay $0x5  }
0x415: {  	v21, _, _ =	vpop (xrf0)  }
0x416: {  	(v2sf) =	vpush v21, $0xF;
	_ =	sdelay $0xa  }
.Ltmp53:
0x417: {  	_ = 	snop;
	(pc) =	sbr.rel .LBB2_81-.Ltmp53, $4  }
0x418: {  	_ = 	snop  }
0x419: {  	s11 =	simm.s32 $0x0;
	s12 =	simm.s32 $0x400  }
0x41a: {  	s13 =	simm.s32 $0x4400;
	s4 =	simm.s32 $0x8400;
	s6 =	simm.s32 $0xC400;
	[tilespmem:$0x16500] =	vst v19  }
0x41b: {  	s7 =	simm.s32 $0x400;
	s8 =	simm.s32 $0x0;
	[tilespmem:$0x164C0] =	vst v20;
	s2 =	spop (v2sf)  }
.LBB2_103:
0x41c: {  	_ = 	snop  }
.LBB2_106:
0x41d: {  	v21 =	vmul.u32 $0xFFFFFFFF, v2;
	_ =	sdelay $0x1  }
0x41e: {  	v22, v23, _ =	vpop (xrf1);
	v21 =	vadd.s32 $0xF, v21  }
0x41f: {  	v24, v25, _ =	vpop @p0 (xrf1);
	v22 =	vperm.xlane v22, v21  }
0x420: {  	v20 =	vpsel p0, v24, v20;
	v21 =	vperm.xlane v23, v21  }
0x421: {  	v19 =	vpsel p0, v25, v19;
	vm0 =	vle.f32 v20, v22  }
0x422: {  	v20 =	vsel vm0, v20, v22;
	v19 =	vsel vm0, v19, v21  }
0x423: {  	(xrf1) =	vsort.ascd.msk.f32 $0xffff, v20, v19;
	_ =	sdelay $0xd  }
0x424: {  	v20, v19, _ =	vpop (xrf1)  }
.LBB2_107:
0x425: {  	(xrf0) =	vmax.scan.msk.f32 $0xffff, v20;
	_ =	sdelay $0x5  }
0x426: {  	v21, _, _ =	vpop (xrf0)  }
0x427: {  	(v2sf) =	vpush v21, $0xF;
	_ =	sdelay $0x8  }
0x428: {  	s8 =	sadd.s32 $0x1, s8  }
0x429: {  	p0 =	sne.s32 s8, $0xF  }
.Ltmp54:
0x42a: {  	_ = 	snop;
	(pc) =	sbr.rel @!p0 .LBB2_108-.Ltmp54, $3  }
0x42b: {  	_ =	sdelay $0x1  }
0x42c: {  	[tilespmem:$0x164C0] =	vst v20;
	s7 =	sadd.s32 $0x400, s7;
	s13 =	sadd.s32 $0x400, s13;
	s4 =	sadd.s32 $0x400, s4  }
0x42d: {  	[tilespmem:$0x16500] =	vst v19;
	s6 =	sadd.s32 $0x400, s6;
	s12 =	sadd.s32 $0x400, s12;
	s2 =	spop (v2sf)  }
.LBB2_81:
0x42e: {  	v19 =	vmov s7  }
0x42f: {  	v20 =	vmov s13;
	_ =	sdelay $0x1  }
0x430: {  	v21 =	vmov s4  }
0x431: {  	s14 =	simm.s32 $0x0  }
0x432: {  	v23 =	vld.idx.msk [tilespmem:v19+s14+$0x0 ss:$0x1], $0xffff  }
0x433: {  	v24 =	vld.idx.msk [tilespmem:v20+s14+$0x0 ss:$0x1], $0xffff;
	_ =	sdelay $0x1  }
0x434: {  	v25 =	vld.idx.msk [tilespmem:v21+s14+$0x0 ss:$0x1], $0xffff;
	_ =	sdelay $0x2  }
0x435: {  	v22 =	vmov s6;
	v26 =	vmul.f32 v23, v3;
	v27 =	vmul.f32 v24, v7  }
0x436: {  	v28 =	vmul.f32 v23, v5;
	v29 =	vmul.f32 v23, v4  }
0x437: {  	v30 =	vmul.f32 v24, v8;
	v26 =	vadd.f32 v27, v26;
	v27 =	vmul.f32 v25, v9  }
0x438: {  	v23 =	vmul.f32 v23, v6;
	v31 =	vmul.f32 v24, v10  }
0x439: {  	v26 =	vadd.f32 v27, v26;
	v27 =	vadd.f32 v30, v29;
	v29 =	vmul.f32 v25, v11  }
0x43a: {  	v24 =	vmul.f32 v24, v12;
	v28 =	vadd.f32 v31, v28;
	v31 =	vld.idx.msk [tilespmem:v22+s14+$0x0 ss:$0x1], $0xffff;
	v30 =	vmul.f32 v25, v13  }
0x43b: {  	v26 =	vadd.f32 v26, v26;
	v27 =	vadd.f32 v29, v27  }
0x43c: {  	v23 =	vadd.f32 v24, v23;
	v24 =	vmul.f32 v25, v14;
	v28 =	vadd.f32 v30, v28  }
0x43d: {  	v25 =	vsub.f32 v15, v26;
	v26 =	vadd.f32 v27, v27  }
0x43e: {  	v23 =	vadd.f32 v24, v23;
	v27 =	vadd.f32 v28, v28  }
0x43f: {  	v25 =	vadd.f32 v25, v31;
	v26 =	vsub.f32 v16, v26  }
0x440: {  	v24 =	vmov s9;
	v28 =	vadd.f32 v23, v23;
	v27 =	vsub.f32 v17, v27  }
0x441: {  	v29 =	vor.u32 s12, v2;
	vm0 =	vlt.f32 v25, v24;
	v26 =	vadd.f32 v26, v31  }
0x442: {  	v23 =	vmov s5;
	v28 =	vsub.f32 v18, v28;
	v27 =	vadd.f32 v27, v31;
	[tilespmem:s11+$0x14390] =	vst.msk vm0, v25  }
0x443: {  	v25 =	vmov s26;
	[tilespmem:s11+$0x15410] =	vst.msk vm0, v29;
	vm1 =	vlt.f32 v26, v23  }
0x444: {  	v28 =	vadd.f32 v28, v31;
	v30 =	vmpcnt.ones.xlane vm0;
	vm14 =	vlt.f32 v27, v25;
	[tilespmem:s11+$0x147B0] =	vst.msk vm1, v26  }
0x445: {  	v26 =	vmov s2;
	v31 =	vmpcnt.ones.xlane vm14;
	[tilespmem:s11+$0x15830] =	vst.msk vm1, v29  }
0x446: {  	v30 =	vxor.u32 $0x80000000, v30;
	v32 =	vmpcnt.ones.xlane vm1;
	vm15 =	vlt.f32 v28, v26;
	[tilespmem:s11+$0x14BD0] =	vst.msk vm14, v27  }
0x447: {  	(xrf0) =	vmax.scan.msk.u32 $0xffff, v30;
	v27 =	vxor.u32 $0x80000000, v31;
	v31 =	vmpcnt.ones.xlane vm15;
	[tilespmem:s11+$0x15C50] =	vst.msk vm14, v29  }
0x448: {  	v30 =	vxor.u32 $0x80000000, v32;
	(xrf0) =	vmax.scan.msk.u32 $0xffff, v27;
	[tilespmem:s11+$0x14FF0] =	vst.msk vm15, v28  }
0x449: {  	s31 =	simm.s32 $0x10;
	v27 =	vxor.u32 $0x80000000, v31;
	(xrf0) =	vmax.scan.msk.u32 $0xffff, v30;
	[tilespmem:s11+$0x16070] =	vst.msk vm15, v29  }
0x44a: {  	(xrf0) =	vmax.scan.msk.u32 $0xffff, v27;
	v27 =	vld.idx.msk [tilespmem:v19+s31+$0x0 ss:$0x1], $0xffff  }
0x44b: {  	v28 =	vld.idx.msk [tilespmem:v20+s31+$0x0 ss:$0x1], $0xffff;
	_ =	sdelay $0x1  }
0x44c: {  	v30 =	vld.idx.msk [tilespmem:v21+s31+$0x0 ss:$0x1], $0xffff;
	v29, _, _ =	vpop (xrf0)  }
0x44d: {  	(v2sf) =	vpush v29, $0xF;
	v29, _, _ =	vpop (xrf0)  }
0x44e: {  	v31, _, _ =	vpop (xrf0);
	(v2sf) =	vpush v29, $0xF;
	v29 =	vmul.f32 v27, v5;
	v61 =	vmul.f32 v27, v6  }
0x44f: {  	(v2sf) =	vpush v31, $0xF;
	v31, _, _ =	vpop (xrf0);
	v33 =	vmul.f32 v27, v3;
	v34 =	vmul.f32 v28, v7  }
0x450: {  	v27 =	vmul.f32 v27, v4;
	v35 =	vmul.f32 v28, v8;
	(v2sf) =	vpush v31, $0xF  }
0x451: {  	v62 =	vmul.f32 v30, v9;
	v31 =	vmul.f32 v28, v10;
	v33 =	vadd.f32 v34, v33  }
0x452: {  	v63 =	vmul.f32 v30, v11;
	v28 =	vmul.f32 v28, v12;
	v27 =	vadd.f32 v35, v27  }
0x453: {  	v29 =	vadd.f32 v31, v29;
	v31 =	vmul.f32 v30, v13;
	v33 =	vadd.f32 v62, v33  }
0x454: {  	v28 =	vadd.f32 v28, v61;
	v30 =	vmul.f32 v30, v14;
	v27 =	vadd.f32 v63, v27  }
0x455: {  	v29 =	vadd.f32 v31, v29;
	v31 =	vadd.f32 v33, v33  }
0x456: {  	v32 =	vadd.f32 v30, v28  }
0x457: {  	v30 =	vsub.f32 v15, v31;
	v31 =	vadd.f32 v27, v27;
	v27 =	vld.idx.msk [tilespmem:v22+s31+$0x0 ss:$0x1], $0xffff  }
0x458: {  	v29 =	vadd.f32 v29, v29  }
0x459: {  	s23 =	simm.s32 $0x0;
	s25 =	simm.s32 $0x0;
	s14 =	simm.s32 $0x80  }
0x45a: {  	s9 =	simm.s32 $0x0;
	s5 =	smov.u32 s12;
	s2 =	simm.s32 $0x0;
	v28 =	vsub.f32 v17, v29;
	v29 =	vadd.f32 v32, v32  }
.LBB2_82:
0x45b: {  	s5 =	sadd.s32 $0x10, s5  }
0x45c: {  	v30 =	vadd.f32 v30, v27;
	v31 =	vsub.f32 v16, v31;
	s17 =	spop (v2sf);
	s20 =	smov.u32 s14;
	s26 =	sadd.s32 $0x40, s14  }
0x45d: {  	p0 =	sne.s32 s14, $0xFC0;
	v28 =	vadd.f32 v28, v27;
	v29 =	vsub.f32 v18, v29;
	s14 =	sadd.s32 s17, s23;
	s17 =	spop (v2sf)  }
0x45e: {  	v32 =	vor.u32 s5, v2;
	vm0 =	vlt.f32 v30, v24;
	v31 =	vadd.f32 v31, v27;
	s23 =	sadd.s32 $0x80000000, s14;
	s9 =	sadd.s32 s17, s9;
	s14 =	spop (v2sf)  }
0x45f: {  	v33 =	vmpcnt.ones.xlane vm0;
	[tilespmem:s23+$0x14390] =	vst.msk vm0, v30;
	vm1 =	vlt.f32 v28, v25;
	v27 =	vadd.f32 v29, v27;
	s14 =	sadd.s32 s14, s25;
	s9 =	sadd.s32 $0x80000000, s9;
	s17 =	spop (v2sf)  }
0x460: {  	[tilespmem:s23+$0x15410] =	vst.msk vm0, v32;
	vm0 =	vlt.f32 v31, v23;
	v29 =	vmpcnt.ones.xlane vm1;
	s25 =	sadd.s32 $0x80000000, s14;
	s2 =	sadd.s32 s17, s2  }
0x461: {  	v30 =	vxor.u32 $0x80000000, v33;
	v33 =	vmpcnt.ones.xlane vm0;
	[tilespmem:s25+$0x147B0] =	vst.msk vm0, v31;
	vm2 =	vlt.f32 v27, v26;
	s2 =	sadd.s32 $0x80000000, s2  }
0x462: {  	[tilespmem:s25+$0x15830] =	vst.msk vm0, v32;
	v29 =	vxor.u32 $0x80000000, v29;
	v31 =	vmpcnt.ones.xlane vm2;
	(xrf0) =	vmax.scan.msk.u32 $0xffff, v30  }
0x463: {  	v30 =	vxor.u32 $0x80000000, v33;
	[tilespmem:s9+$0x14BD0] =	vst.msk vm1, v28;
	(xrf0) =	vmax.scan.msk.u32 $0xffff, v29  }
0x464: {  	[tilespmem:s9+$0x15C50] =	vst.msk vm1, v32;
	v28 =	vxor.u32 $0x80000000, v31;
	(xrf0) =	vmax.scan.msk.u32 $0xffff, v30  }
0x465: {  	s14 =	sshra.s32 s20, $0x2;
	[tilespmem:s2+$0x14FF0] =	vst.msk vm2, v27;
	(xrf0) =	vmax.scan.msk.u32 $0xffff, v28  }
0x466: {  	[tilespmem:s2+$0x16070] =	vst.msk vm2, v32  }
0x467: {  	v27 =	vld.idx.msk [tilespmem:v19+s14+$0x0 ss:$0x1], $0xffff  }
0x468: {  	v28 =	vld.idx.msk [tilespmem:v20+s14+$0x0 ss:$0x1], $0xffff;
	v29, _, _ =	vpop (xrf0)  }
0x469: {  	v30 =	vld.idx.msk [tilespmem:v21+s14+$0x0 ss:$0x1], $0xffff;
	(v2sf) =	vpush v29, $0xF;
	v29, _, _ =	vpop (xrf0)  }
0x46a: {  	v31, _, _ =	vpop (xrf0);
	(v2sf) =	vpush v29, $0xF  }
0x46b: {  	(v2sf) =	vpush v31, $0xF;
	v29, _, _ =	vpop (xrf0)  }
0x46c: {  	(v2sf) =	vpush v29, $0xF  }
0x46d: {  	v29 =	vmul.f32 v27, v5;
	v31 =	vmul.f32 v27, v6  }
0x46e: {  	v32 =	vmul.f32 v27, v3;
	v33 =	vmul.f32 v28, v7  }
0x46f: {  	v34 =	vmul.f32 v27, v4;
	v27 =	vmul.f32 v28, v10  }
0x470: {  	v35 =	vmul.f32 v28, v8;
	v32 =	vadd.f32 v33, v32;
	v33 =	vmul.f32 v30, v9  }
0x471: {  	v28 =	vmul.f32 v28, v12;
	v36 =	vmul.f32 v30, v13;
	v29 =	vadd.f32 v27, v29  }
0x472: {  	v32 =	vadd.f32 v33, v32;
	v33 =	vadd.f32 v35, v34;
	v34 =	vmul.f32 v30, v11;
	v27 =	vld.idx.msk [tilespmem:v22+s14+$0x0 ss:$0x1], $0xffff  }
.Ltmp55:
0x473: {  	v28 =	vadd.f32 v28, v31;
	v29 =	vadd.f32 v36, v29;
	v30 =	vmul.f32 v30, v14;
	(pc) =	sbr.rel @p0 .LBB2_82-.Ltmp55, $4  }
0x474: {  	v31 =	vadd.f32 v32, v32;
	v32 =	vadd.f32 v34, v33  }
0x475: {  	v29 =	vadd.f32 v29, v29;
	v33 =	vadd.f32 v30, v28  }
0x476: {  	v30 =	vsub.f32 v15, v31;
	v31 =	vadd.f32 v32, v32  }
0x477: {  	s14 =	smov.u32 s26;
	v28 =	vsub.f32 v17, v29;
	v29 =	vadd.f32 v33, v33  }
0x478: {  	v19 =	vadd.f32 v30, v27;
	_ =	sdelay $0x1  }
0x479: {  	v20 =	vsub.f32 v16, v31;
	v22 =	vsub.f32 v18, v29;
	vm3 =	vlt.f32 v19, v24  }
0x47a: {  	v21 =	vadd.f32 v28, v27;
	v24 =	vmpcnt.ones.xlane vm3  }
0x47b: {  	v20 =	vadd.f32 v20, v27;
	v22 =	vadd.f32 v22, v27  }
0x47c: {  	vm0 =	vlt.f32 v21, v25;
	v24 =	vxor.u32 $0x80000000, v24  }
0x47d: {  	vm2 =	vlt.f32 v20, v23;
	v23 =	vmpcnt.ones.xlane vm0;
	vm1 =	vlt.f32 v22, v26;
	(xrf0) =	vmax.scan.msk.u32 $0xffff, v24  }
0x47e: {  	v62 =	vmpcnt.ones.xlane vm1  }
0x47f: {  	v61 =	vmpcnt.ones.xlane vm2;
	v23 =	vxor.u32 $0x80000000, v23  }
0x480: {  	(xrf0) =	vmax.scan.msk.u32 $0xffff, v23;
	v23 =	vxor.u32 $0x80000000, v62  }
0x481: {  	v25 =	vxor.u32 $0x80000000, v61  }
0x482: {  	(xrf0) =	vmax.scan.msk.u32 $0xffff, v25  }
0x483: {  	(xrf0) =	vmax.scan.msk.u32 $0xffff, v23;
	v23, _, _ =	vpop (xrf0)  }
0x484: {  	(v2sf) =	vpush v23, $0xF;
	_ =	sdelay $0x2  }
0x485: {  	v23, _, _ =	vpop (xrf0)  }
0x486: {  	v63, _, _ =	vpop (xrf0);
	(v2sf) =	vpush v23, $0xF  }
0x487: {  	(v2sf) =	vpush v63, $0xF;
	v23, _, _ =	vpop (xrf0)  }
0x488: {  	(v2sf) =	vpush v23, $0xF;
	_ =	sdelay $0x4  }
0x489: {  	s14 =	spop (v2sf)  }
0x48a: {  	s17 =	spop (v2sf);
	s14 =	sadd.s32 s14, s23  }
0x48b: {  	s5 =	sadd.s32 $0x10, s5;
	s20 =	spop (v2sf);
	s14 =	sadd.s32 $0x80000000, s14  }
0x48c: {  	[tilespmem:s14+$0x14390] =	vst.msk vm3, v19;
	s23 =	sadd.s32 s20, s25;
	s25 =	spop (v2sf);
	v23 =	vor.u32 s5, v2  }
0x48d: {  	s24 =	sadd.s32 s17, s9;
	s30 =	sadd.s32 $0x80000000, s23;
	[tilespmem:s14+$0x15410] =	vst.msk vm3, v23;
	s17 =	spop (v2sf)  }
0x48e: {  	[tilespmem:s30+$0x147B0] =	vst.msk vm2, v20;
	s26 =	sadd.s32 s17, s14  }
0x48f: {  	s28 =	sadd.s32 $0x80000000, s24;
	[tilespmem:s30+$0x15830] =	vst.msk vm2, v23;
	s9 =	sadd.s32 $0x80000000, s26  }
0x490: {  	s2 =	sadd.s32 s25, s2;
	[tilespmem:s28+$0x14BD0] =	vst.msk vm0, v21;
	p0 =	slt.s32 s9, $0x1  }
.Ltmp56:
0x491: {  	s23 =	sadd.s32 $0x80000000, s2;
	[tilespmem:s28+$0x15C50] =	vst.msk vm0, v23;
	s29 =	spop (v2sf);
	(pc) =	sbr.rel @p0 .LBB2_89-.Ltmp56, $4  }
0x492: {  	[tilespmem:s23+$0x14FF0] =	vst.msk vm1, v22;
	s31 =	spop (v2sf)  }
0x493: {  	[tilespmem:s23+$0x16070] =	vst.msk vm1, v23;
	s25 =	spop (v2sf)  }
0x494: {  	v19 =	vld [tilespmem:$0x16490];
	s5 =	sadd.s32 s29, s28;
	s20 =	sadd.s32 s31, s30;
	s24 =	sadd.s32 s25, s23  }
0x495: {  	v20 =	vld [tilespmem:$0x164D0];
	s26 =	sadd.s32 $0x80000000, s5;
	s5 =	sadd.s32 $0x80000000, s20;
	s2 =	sadd.s32 $0x80000000, s24  }
0x496: {  	s20 =	simm.s32 $0x14390  }
0x497: {  	s24 =	simm.s32 $0x15410;
	v21 =	vld [tilespmem:s20+$0x0]  }
0x498: {  	s14 =	sadd.s32 s14, s17;
	p1 =	sgt.s32 s9, $0x10;
	v22 =	vld [tilespmem:s24+$0x0]  }
.Ltmp57:
0x499: {  	s14 =	sadd.s32 $0x80000000, s14;
	(pc) =	sbr.rel @!p1 .LBB2_85-.Ltmp57, $4  }
0x49a: {  	v23 =	vmov s14  }
0x49b: {  	vm0 =	vgt.s32 v23, v2  }
0x49c: {  	v21 =	vnsel vm0, $0x7F800000, v21  }
0x49d: {  	s17 =	simm.s32 $0x143A0;
	p0 =	por $0x0, $0x0;
	(xrf1) =	vsort.ascd.msk.f32 $0xffff, v21, v22  }
0x49e: {  	_ =	sdelay $0x9  }
0x49f: {  	v22 =	vld [tilespmem:s17+$0x0];
	s17 =	simm.s32 $0x15420  }
0x4a0: {  	v21 =	vmul.u32 $0xFFFFFFFF, v2;
	v23 =	vld [tilespmem:s17+$0x0]  }
0x4a1: {  	s14 =	sadd.s32 $0xFFFFFFF0, s14  }
0x4a2: {  	v26 =	vmov s14;
	v21 =	vadd.s32 $0xF, v21;
	v24, v25, _ =	vpop (xrf1)  }
0x4a3: {  	vm0 =	vgt.s32 v26, v2;
	v24 =	vperm.xlane v24, v21  }
0x4a4: {  	v22 =	vnsel vm0, $0x7F800000, v22;
	v25 =	vperm.xlane v25, v21  }
0x4a5: {  	(xrf1) =	vsort.ascd.msk.f32 $0xffff, v22, v23;
	vm15 =	vle.f32 v19, v24  }
0x4a6: {  	v22 =	vsel vm15, v19, v24;
	v23 =	vsel vm15, v20, v25  }
0x4a7: {  	(xrf1) =	vsort.ascd.msk.f32 $0xffff, v22, v23;
	_ =	sdelay $0x2  }
0x4a8: {  	p1 =	sgt.s32 s9, $0x20  }
.Ltmp58:
0x4a9: {  	_ = 	snop;
	(pc) =	sbr.rel @!p1 .LBB2_88-.Ltmp58, $2  }
0x4aa: {  	_ =	sdelay $0x2  }
0x4ab: {  	s24 =	simm.s32 $0x20;
	s20 =	simm.s32 $0x143B0;
	p0 =	por $0x1, $0x1  }
.LBB2_87:
0x4ac: {  	v22 =	vld [tilespmem:s20+$0x0];
	s24 =	sadd.s32 $0x10, s24;
	s17 =	sadd.s32 $0x10, s17  }
0x4ad: {  	v23 =	vld [tilespmem:s17+$0x0];
	p1 =	slt.s32 s24, s9  }
0x4ae: {  	s14 =	sadd.s32 $0xFFFFFFF0, s14  }
0x4af: {  	v24 =	vmov s14;
	v25, v26, _ =	vpop (xrf1)  }
0x4b0: {  	vm0 =	vgt.s32 v24, v2;
	v24 =	vperm.xlane v25, v21  }
0x4b1: {  	v25 =	vperm.xlane v26, v21;
	v22 =	vnsel vm0, $0x7F800000, v22;
	v26, v27, _ =	vpop (xrf1)  }
0x4b2: {  	(xrf1) =	vsort.ascd.msk.f32 $0xffff, v22, v23;
	vm0 =	vle.f32 v26, v24  }
0x4b3: {  	v22 =	vsel vm0, v26, v24;
	v23 =	vsel vm0, v27, v25  }
0x4b4: {  	(xrf1) =	vsort.ascd.msk.f32 $0xffff, v22, v23;
	_ =	sdelay $0x3  }
.Ltmp59:
0x4b5: {  	(pc) =	sbr.rel @p1 .LBB2_87-.Ltmp59, $2  }
0x4b6: {  	_ =	sdelay $0x2  }
0x4b7: {  	s20 =	sadd.s32 $0x10, s20  }
.LBB2_88:
0x4b8: {  	_ =	sdelay $0x1  }
0x4b9: {  	v21 =	vmul.u32 $0xFFFFFFFF, v2;
	_ =	sdelay $0x1  }
0x4ba: {  	v21 =	vadd.s32 $0xF, v21;
	v22, v23, _ =	vpop (xrf1)  }
0x4bb: {  	v22 =	vperm.xlane v22, v21;
	v24, v25, _ =	vpop @p0 (xrf1)  }
0x4bc: {  	v21 =	vperm.xlane v23, v21;
	v19 =	vpsel p0, v24, v19  }
0x4bd: {  	v20 =	vpsel p0, v25, v20;
	vm0 =	vle.f32 v19, v22  }
0x4be: {  	v19 =	vsel vm0, v19, v22;
	v20 =	vsel vm0, v20, v21  }
0x4bf: {  	(xrf1) =	vsort.ascd.msk.f32 $0xffff, v19, v20;
	_ =	sdelay $0xd  }
0x4c0: {  	v19, v20, _ =	vpop (xrf1)  }
.LBB2_89:
0x4c1: {  	_ =	sdelay $0x2  }
0x4c2: {  	(xrf0) =	vmax.scan.msk.f32 $0xffff, v19;
	_ =	sdelay $0x5  }
0x4c3: {  	v21, _, _ =	vpop (xrf0)  }
0x4c4: {  	(v2sf) =	vpush v21, $0xF;
	_ =	sdelay $0x9  }
0x4c5: {  	p0 =	slt.s32 s5, $0x1  }
.Ltmp60:
0x4c6: {  	_ = 	snop;
	(pc) =	sbr.rel @p0 .LBB2_95-.Ltmp60, $3  }
0x4c7: {  	_ =	sdelay $0x1  }
0x4c8: {  	[tilespmem:$0x16490] =	vst v19;
	v19 =	vld [tilespmem:$0x164E0]  }
0x4c9: {  	[tilespmem:$0x164D0] =	vst v20;
	v21 =	vld [tilespmem:$0x164A0];
	s9 =	spop (v2sf)  }
0x4ca: {  	s14 =	simm.s32 $0x147B0  }
0x4cb: {  	s17 =	simm.s32 $0x15830;
	v20 =	vld [tilespmem:s14+$0x0]  }
0x4cc: {  	s31 =	sadd.s32 s30, s31;
	p1 =	sgt.s32 s5, $0x10;
	v22 =	vld [tilespmem:s17+$0x0]  }
.Ltmp61:
0x4cd: {  	s14 =	sadd.s32 $0x80000000, s31;
	(pc) =	sbr.rel @!p1 .LBB2_91-.Ltmp61, $4  }
0x4ce: {  	v23 =	vmov s14  }
0x4cf: {  	vm0 =	vgt.s32 v23, v2  }
0x4d0: {  	v20 =	vnsel vm0, $0x7F800000, v20  }
0x4d1: {  	p0 =	por $0x0, $0x0;
	s17 =	simm.s32 $0x147C0;
	(xrf1) =	vsort.ascd.msk.f32 $0xffff, v20, v22  }
0x4d2: {  	_ =	sdelay $0x9  }
0x4d3: {  	v22 =	vld [tilespmem:s17+$0x0];
	s17 =	simm.s32 $0x15840  }
0x4d4: {  	v20 =	vmul.u32 $0xFFFFFFFF, v2;
	v23 =	vld [tilespmem:s17+$0x0]  }
0x4d5: {  	s14 =	sadd.s32 $0xFFFFFFF0, s14  }
0x4d6: {  	v26 =	vmov s14;
	v20 =	vadd.s32 $0xF, v20;
	v24, v25, _ =	vpop (xrf1)  }
0x4d7: {  	vm0 =	vgt.s32 v26, v2;
	v24 =	vperm.xlane v24, v20  }
0x4d8: {  	v22 =	vnsel vm0, $0x7F800000, v22;
	v25 =	vperm.xlane v25, v20  }
0x4d9: {  	(xrf1) =	vsort.ascd.msk.f32 $0xffff, v22, v23;
	vm15 =	vle.f32 v21, v24  }
0x4da: {  	v22 =	vsel vm15, v21, v24;
	v23 =	vsel vm15, v19, v25  }
0x4db: {  	(xrf1) =	vsort.ascd.msk.f32 $0xffff, v22, v23;
	_ =	sdelay $0x2  }
0x4dc: {  	p1 =	sgt.s32 s5, $0x20  }
.Ltmp62:
0x4dd: {  	_ = 	snop;
	(pc) =	sbr.rel @!p1 .LBB2_94-.Ltmp62, $2  }
0x4de: {  	_ =	sdelay $0x2  }
0x4df: {  	s24 =	simm.s32 $0x20;
	s20 =	simm.s32 $0x147D0;
	p0 =	por $0x1, $0x1  }
.LBB2_93:
0x4e0: {  	v22 =	vld [tilespmem:s20+$0x0];
	s24 =	sadd.s32 $0x10, s24;
	s17 =	sadd.s32 $0x10, s17  }
0x4e1: {  	v23 =	vld [tilespmem:s17+$0x0];
	p1 =	slt.s32 s24, s5  }
0x4e2: {  	s14 =	sadd.s32 $0xFFFFFFF0, s14  }
0x4e3: {  	v24 =	vmov s14;
	v25, v26, _ =	vpop (xrf1)  }
0x4e4: {  	vm0 =	vgt.s32 v24, v2;
	v24 =	vperm.xlane v25, v20  }
0x4e5: {  	v25 =	vperm.xlane v26, v20;
	v22 =	vnsel vm0, $0x7F800000, v22;
	v26, v27, _ =	vpop (xrf1)  }
0x4e6: {  	(xrf1) =	vsort.ascd.msk.f32 $0xffff, v22, v23;
	vm0 =	vle.f32 v26, v24  }
0x4e7: {  	v22 =	vsel vm0, v26, v24;
	v23 =	vsel vm0, v27, v25  }
0x4e8: {  	(xrf1) =	vsort.ascd.msk.f32 $0xffff, v22, v23;
	_ =	sdelay $0x3  }
.Ltmp63:
0x4e9: {  	(pc) =	sbr.rel @p1 .LBB2_93-.Ltmp63, $2  }
0x4ea: {  	_ =	sdelay $0x2  }
0x4eb: {  	s20 =	sadd.s32 $0x10, s20  }
.LBB2_94:
0x4ec: {  	_ =	sdelay $0x1  }
0x4ed: {  	v20 =	vmul.u32 $0xFFFFFFFF, v2;
	_ =	sdelay $0x1  }
0x4ee: {  	v20 =	vadd.s32 $0xF, v20;
	v22, v23, _ =	vpop (xrf1)  }
0x4ef: {  	v22 =	vperm.xlane v22, v20;
	v24, v25, _ =	vpop @p0 (xrf1)  }
0x4f0: {  	v20 =	vperm.xlane v23, v20;
	v21 =	vpsel p0, v24, v21  }
0x4f1: {  	v19 =	vpsel p0, v25, v19;
	vm0 =	vle.f32 v21, v22  }
0x4f2: {  	v21 =	vsel vm0, v21, v22;
	v19 =	vsel vm0, v19, v20  }
0x4f3: {  	(xrf1) =	vsort.ascd.msk.f32 $0xffff, v21, v19;
	_ =	sdelay $0xd  }
0x4f4: {  	v21, v19, _ =	vpop (xrf1)  }
.LBB2_95:
0x4f5: {  	_ =	sdelay $0x3  }
0x4f6: {  	(xrf0) =	vmax.scan.msk.f32 $0xffff, v21;
	_ =	sdelay $0x5  }
0x4f7: {  	v20, _, _ =	vpop (xrf0)  }
0x4f8: {  	(v2sf) =	vpush v20, $0xF;
	_ =	sdelay $0x9  }
0x4f9: {  	p0 =	slt.s32 s26, $0x1  }
.Ltmp64:
0x4fa: {  	_ = 	snop;
	(pc) =	sbr.rel @p0 .LBB2_101-.Ltmp64, $3  }
0x4fb: {  	_ =	sdelay $0x1  }
0x4fc: {  	[tilespmem:$0x164E0] =	vst v19;
	v19 =	vld [tilespmem:$0x164F0]  }
0x4fd: {  	[tilespmem:$0x164A0] =	vst v21;
	v20 =	vld [tilespmem:$0x164B0];
	s5 =	spop (v2sf)  }
0x4fe: {  	s14 =	simm.s32 $0x14BD0  }
0x4ff: {  	s17 =	simm.s32 $0x15C50;
	v21 =	vld [tilespmem:s14+$0x0]  }
0x500: {  	s31 =	sadd.s32 s28, s29;
	p1 =	sgt.s32 s26, $0x10;
	v22 =	vld [tilespmem:s17+$0x0]  }
.Ltmp65:
0x501: {  	s14 =	sadd.s32 $0x80000000, s31;
	(pc) =	sbr.rel @!p1 .LBB2_97-.Ltmp65, $4  }
0x502: {  	v23 =	vmov s14  }
0x503: {  	vm0 =	vgt.s32 v23, v2  }
0x504: {  	v21 =	vnsel vm0, $0x7F800000, v21  }
0x505: {  	p0 =	por $0x0, $0x0;
	s17 =	simm.s32 $0x14BE0;
	(xrf1) =	vsort.ascd.msk.f32 $0xffff, v21, v22  }
0x506: {  	_ =	sdelay $0x9  }
0x507: {  	v22 =	vld [tilespmem:s17+$0x0];
	s17 =	simm.s32 $0x15C60  }
0x508: {  	v21 =	vmul.u32 $0xFFFFFFFF, v2;
	v23 =	vld [tilespmem:s17+$0x0]  }
0x509: {  	s14 =	sadd.s32 $0xFFFFFFF0, s14  }
0x50a: {  	v26 =	vmov s14;
	v21 =	vadd.s32 $0xF, v21;
	v24, v25, _ =	vpop (xrf1)  }
0x50b: {  	vm0 =	vgt.s32 v26, v2;
	v24 =	vperm.xlane v24, v21  }
0x50c: {  	v22 =	vnsel vm0, $0x7F800000, v22;
	v25 =	vperm.xlane v25, v21  }
0x50d: {  	(xrf1) =	vsort.ascd.msk.f32 $0xffff, v22, v23;
	vm15 =	vle.f32 v20, v24  }
0x50e: {  	v22 =	vsel vm15, v20, v24;
	v23 =	vsel vm15, v19, v25  }
0x50f: {  	(xrf1) =	vsort.ascd.msk.f32 $0xffff, v22, v23;
	_ =	sdelay $0x2  }
0x510: {  	p1 =	sgt.s32 s26, $0x20  }
.Ltmp66:
0x511: {  	_ = 	snop;
	(pc) =	sbr.rel @!p1 .LBB2_100-.Ltmp66, $2  }
0x512: {  	_ =	sdelay $0x2  }
0x513: {  	s24 =	simm.s32 $0x20;
	s20 =	simm.s32 $0x14BF0;
	p0 =	por $0x1, $0x1  }
.LBB2_99:
0x514: {  	v22 =	vld [tilespmem:s20+$0x0];
	s24 =	sadd.s32 $0x10, s24;
	s17 =	sadd.s32 $0x10, s17  }
0x515: {  	v23 =	vld [tilespmem:s17+$0x0];
	p1 =	slt.s32 s24, s26  }
0x516: {  	s14 =	sadd.s32 $0xFFFFFFF0, s14  }
0x517: {  	v24 =	vmov s14;
	v25, v26, _ =	vpop (xrf1)  }
0x518: {  	vm0 =	vgt.s32 v24, v2;
	v24 =	vperm.xlane v25, v21  }
0x519: {  	v25 =	vperm.xlane v26, v21;
	v22 =	vnsel vm0, $0x7F800000, v22;
	v26, v27, _ =	vpop (xrf1)  }
0x51a: {  	(xrf1) =	vsort.ascd.msk.f32 $0xffff, v22, v23;
	vm0 =	vle.f32 v26, v24  }
0x51b: {  	v22 =	vsel vm0, v26, v24;
	v23 =	vsel vm0, v27, v25  }
0x51c: {  	(xrf1) =	vsort.ascd.msk.f32 $0xffff, v22, v23;
	_ =	sdelay $0x3  }
.Ltmp67:
0x51d: {  	(pc) =	sbr.rel @p1 .LBB2_99-.Ltmp67, $2  }
0x51e: {  	_ =	sdelay $0x2  }
0x51f: {  	s20 =	sadd.s32 $0x10, s20  }
.LBB2_100:
0x520: {  	_ =	sdelay $0x1  }
0x521: {  	v21 =	vmul.u32 $0xFFFFFFFF, v2;
	_ =	sdelay $0x1  }
0x522: {  	v21 =	vadd.s32 $0xF, v21;
	v22, v23, _ =	vpop (xrf1)  }
0x523: {  	v22 =	vperm.xlane v22, v21;
	v24, v25, _ =	vpop @p0 (xrf1)  }
0x524: {  	v21 =	vperm.xlane v23, v21;
	v20 =	vpsel p0, v24, v20  }
0x525: {  	v19 =	vpsel p0, v25, v19;
	vm0 =	vle.f32 v20, v22  }
0x526: {  	v20 =	vsel vm0, v20, v22;
	v19 =	vsel vm0, v19, v21  }
0x527: {  	(xrf1) =	vsort.ascd.msk.f32 $0xffff, v20, v19;
	_ =	sdelay $0xd  }
0x528: {  	v20, v19, _ =	vpop (xrf1)  }
.LBB2_101:
0x529: {  	_ =	sdelay $0x3  }
0x52a: {  	(xrf0) =	vmax.scan.msk.f32 $0xffff, v20;
	_ =	sdelay $0x5  }
0x52b: {  	v21, _, _ =	vpop (xrf0)  }
0x52c: {  	(v2sf) =	vpush v21, $0xF;
	_ =	sdelay $0x9  }
0x52d: {  	p0 =	slt.s32 s2, $0x1  }
.Ltmp68:
0x52e: {  	[tilespmem:$0x164B0] =	vst v20;
	v20 =	vld [tilespmem:$0x164C0];
	(pc) =	sbr.rel @p0 .LBB2_107-.Ltmp68, $2  }
0x52f: {  	_ =	sdelay $0x2  }
0x530: {  	[tilespmem:$0x164F0] =	vst v19;
	v19 =	vld [tilespmem:$0x16500];
	s26 =	spop (v2sf)  }
0x531: {  	s14 =	simm.s32 $0x14FF0  }
0x532: {  	s17 =	simm.s32 $0x16070;
	v21 =	vld [tilespmem:s14+$0x0]  }
0x533: {  	s31 =	sadd.s32 s23, s25;
	v22 =	vld [tilespmem:s17+$0x0]  }
0x534: {  	s14 =	sadd.s32 $0x80000000, s31  }
0x535: {  	v23 =	vmov s14  }
0x536: {  	vm0 =	vgt.s32 v23, v2  }
0x537: {  	v21 =	vnsel vm0, $0x7F800000, v21  }
0x538: {  	(xrf1) =	vsort.ascd.msk.f32 $0xffff, v21, v22;
	_ =	sdelay $0x5  }
0x539: {  	p1 =	sgt.s32 s2, $0x10  }
.Ltmp69:
0x53a: {  	_ = 	snop;
	(pc) =	sbr.rel @!p1 .LBB2_103-.Ltmp69, $2  }
0x53b: {  	_ =	sdelay $0x2  }
0x53c: {  	p0 =	por $0x0, $0x0;
	s17 =	simm.s32 $0x15000  }
0x53d: {  	v22 =	vld [tilespmem:s17+$0x0];
	s17 =	simm.s32 $0x16080;
	v21 =	vmul.u32 $0xFFFFFFFF, v2  }
0x53e: {  	v23 =	vld [tilespmem:s17+$0x0]  }
0x53f: {  	s14 =	sadd.s32 $0xFFFFFFF0, s14;
	v21 =	vadd.s32 $0xF, v21;
	v24, v25, _ =	vpop (xrf1)  }
0x540: {  	v26 =	vmov s14;
	v24 =	vperm.xlane v24, v21  }
0x541: {  	vm0 =	vgt.s32 v26, v2;
	v25 =	vperm.xlane v25, v21  }
0x542: {  	v22 =	vnsel vm0, $0x7F800000, v22;
	vm15 =	vle.f32 v20, v24  }
0x543: {  	(xrf1) =	vsort.ascd.msk.f32 $0xffff, v22, v23;
	v22 =	vsel vm15, v20, v24;
	v23 =	vsel vm15, v19, v25  }
0x544: {  	(xrf1) =	vsort.ascd.msk.f32 $0xffff, v22, v23;
	_ =	sdelay $0x4  }
0x545: {  	p1 =	sgt.s32 s2, $0x20  }
.Ltmp70:
0x546: {  	_ = 	snop;
	(pc) =	sbr.rel @!p1 .LBB2_106-.Ltmp70, $2  }
0x547: {  	_ =	sdelay $0x2  }
0x548: {  	s23 =	simm.s32 $0x20;
	s20 =	simm.s32 $0x15010;
	p0 =	por $0x1, $0x1  }
.LBB2_105:
0x549: {  	v22 =	vld [tilespmem:s20+$0x0];
	s23 =	sadd.s32 $0x10, s23;
	s17 =	sadd.s32 $0x10, s17  }
0x54a: {  	v23 =	vld [tilespmem:s17+$0x0];
	p1 =	slt.s32 s23, s2  }
0x54b: {  	s14 =	sadd.s32 $0xFFFFFFF0, s14  }
0x54c: {  	v24 =	vmov s14;
	v25, v26, _ =	vpop (xrf1)  }
0x54d: {  	vm0 =	vgt.s32 v24, v2;
	v24 =	vperm.xlane v25, v21  }
0x54e: {  	v25 =	vperm.xlane v26, v21;
	v22 =	vnsel vm0, $0x7F800000, v22;
	v26, v27, _ =	vpop (xrf1)  }
0x54f: {  	(xrf1) =	vsort.ascd.msk.f32 $0xffff, v22, v23;
	vm0 =	vle.f32 v26, v24  }
0x550: {  	v22 =	vsel vm0, v26, v24;
	v23 =	vsel vm0, v27, v25  }
0x551: {  	(xrf1) =	vsort.ascd.msk.f32 $0xffff, v22, v23;
	_ =	sdelay $0x3  }
.Ltmp71:
0x552: {  	(pc) =	sbr.rel @p1 .LBB2_105-.Ltmp71, $2  }
0x553: {  	_ =	sdelay $0x2  }
0x554: {  	s20 =	sadd.s32 $0x10, s20  }
.Ltmp72:
0x555: {  	_ = 	snop;
	(pc) =	sbr.rel .LBB2_106-.Ltmp72, $1  }
0x556: {  	_ =	sdelay $0x3  }
.LBB2_85:
.Ltmp73:
0x557: {  	(pc) =	sbr.rel .LBB2_88-.Ltmp73, $2  }
0x558: {  	_ =	sdelay $0x2  }
0x559: {  	_ = 	snop  }
.LBB2_91:
.Ltmp74:
0x55a: {  	(pc) =	sbr.rel .LBB2_94-.Ltmp74, $2  }
0x55b: {  	_ =	sdelay $0x2  }
0x55c: {  	_ = 	snop  }
.LBB2_97:
.Ltmp75:
0x55d: {  	(pc) =	sbr.rel .LBB2_100-.Ltmp75, $2  }
0x55e: {  	_ =	sdelay $0x2  }
0x55f: {  	_ = 	snop  }
.LBB2_6:
.Ltmp76:
0x560: {  	(pc) =	sbr.rel .LBB2_9-.Ltmp76, $2  }
0x561: {  	_ =	sdelay $0x2  }
0x562: {  	_ = 	snop  }
.LBB2_12:
.Ltmp77:
0x563: {  	(pc) =	sbr.rel .LBB2_15-.Ltmp77, $2  }
0x564: {  	_ =	sdelay $0x2  }
0x565: {  	_ = 	snop  }
.LBB2_18:
.Ltmp78:
0x566: {  	(pc) =	sbr.rel .LBB2_21-.Ltmp78, $2  }
0x567: {  	_ =	sdelay $0x2  }
0x568: {  	_ = 	snop  }
.LBB2_24:
.Ltmp79:
0x569: {  	(pc) =	sbr.rel .LBB2_27-.Ltmp79, $2  }
0x56a: {  	_ =	sdelay $0x2  }
0x56b: {  	_ = 	snop  }
.LBB2_32:
.Ltmp80:
0x56c: {  	(pc) =	sbr.rel .LBB2_35-.Ltmp80, $2  }
0x56d: {  	_ =	sdelay $0x2  }
0x56e: {  	_ = 	snop  }
.LBB2_38:
.Ltmp81:
0x56f: {  	(pc) =	sbr.rel .LBB2_41-.Ltmp81, $2  }
0x570: {  	_ =	sdelay $0x2  }
0x571: {  	_ = 	snop  }
.LBB2_44:
.Ltmp82:
0x572: {  	(pc) =	sbr.rel .LBB2_47-.Ltmp82, $2  }
0x573: {  	_ =	sdelay $0x2  }
0x574: {  	_ = 	snop  }
.LBB2_50:
.Ltmp83:
0x575: {  	(pc) =	sbr.rel .LBB2_53-.Ltmp83, $2  }
0x576: {  	_ =	sdelay $0x2  }
0x577: {  	_ = 	snop  }
.LBB2_58:
.Ltmp84:
0x578: {  	(pc) =	sbr.rel .LBB2_61-.Ltmp84, $2  }
0x579: {  	_ =	sdelay $0x2  }
0x57a: {  	_ = 	snop  }
.LBB2_64:
.Ltmp85:
0x57b: {  	(pc) =	sbr.rel .LBB2_67-.Ltmp85, $2  }
0x57c: {  	_ =	sdelay $0x2  }
0x57d: {  	_ = 	snop  }
.LBB2_70:
.Ltmp86:
0x57e: {  	(pc) =	sbr.rel .LBB2_73-.Ltmp86, $2  }
0x57f: {  	_ =	sdelay $0x2  }
0x580: {  	_ = 	snop  }
.LBB2_76:
.Ltmp87:
0x581: {  	(pc) =	sbr.rel .LBB2_79-.Ltmp87, $2  }
0x582: {  	_ =	sdelay $0x2  }
0x583: {  	_ = 	snop  }
.LBB2_109:
0x584: {  	s2 =	simm.s32 $0x0;
	s11 =	rddreg [dreg:$0x4];
	s14 =	simm.s32 $0x1  }
0x585: {  	[tilespmem:s0], [sflag:$0x1] =	stream.linear.gather [hbm4b:s11+s2], $0x4000, $0x38;
	[tilespmem:$0x18A90] =	vst v63  }
0x586: {  	_ =	swait.ge [sflag:s14], $0x4000  }
0x587: {  	[sflag:s14] =	ssyncset.done $0x0  }
0x588: {  	s2 =	simm.s32 $0x0;
	[sflag:s14] =	ssyncadd.s32 $0xFFFFC000  }
0x589: {  	v3 =	vld [tilespmem:s2+$0x16510];
	_ =	sdelay $0x7  }
0x58a: {  	s3 =	simm.s32 $0x10;
	s4 =	simm.s32 $0x80;
	v3 =	vld.idx.msk [tilespmem:v3+s0+$0x0], $0xffff  }
.LBB2_110:
0x58b: {  	p0 =	sne.s32 s4, $0x1FC0;
	v4 =	vld [tilespmem:s3+$0x16510];
	_ =	sdelay $0x3  }
.Ltmp88:
0x58c: {  	(pc) =	sbr.rel @p0 .LBB2_110-.Ltmp88, $2  }
0x58d: {  	[tilespmem:s2+$0x16D10] =	vst v3;
	s2 =	smov.u32 s3;
	_ =	sdelay $0x2  }
0x58e: {  	s3 =	sshra.s32 s4, $0x2;
	s4 =	sadd.s32 $0x40, s4;
	v3 =	vld.idx.msk [tilespmem:v4+s0+$0x0], $0xffff  }
0x58f: {  	v4 =	vld [tilespmem:s3+$0x16510];
	_ =	sdelay $0x6  }
0x590: {  	[tilespmem:s2+$0x16D10] =	vst v3  }
0x591: {  	v3 =	vld.idx.msk [tilespmem:v4+s0+$0x0], $0xffff;
	_ =	sdelay $0x4  }
0x592: {  	s31 =	simm.s32 $0x0;
	s12 =	rddreg [dreg:$0x6];
	[tilespmem:s3+$0x16D10] =	vst v3  }
0x593: {  	[tilespmem:s0], [sflag:$0x1] =	stream.linear.gather [hbm4b:s12+s31], $0x4000, $0x38;
	[tilespmem:$0x18A90] =	vst v63  }
0x594: {  	_ =	swait.ge [sflag:s14], $0x4000  }
0x595: {  	[sflag:s14] =	ssyncset.done $0x0  }
0x596: {  	s2 =	simm.s32 $0x0;
	[sflag:s14] =	ssyncadd.s32 $0xFFFFC000  }
0x597: {  	v3 =	vld [tilespmem:s2+$0x16510];
	_ =	sdelay $0x7  }
0x598: {  	s4 =	simm.s32 $0x80;
	s3 =	simm.s32 $0x10;
	s13 =	rddreg [dreg:$0x7];
	v3 =	vld.idx.msk [tilespmem:v3+s0+$0x0], $0xffff  }
.LBB2_112:
0x599: {  	p0 =	sne.s32 s4, $0x1FC0;
	v4 =	vld [tilespmem:s3+$0x16510];
	_ =	sdelay $0x3  }
.Ltmp89:
0x59a: {  	(pc) =	sbr.rel @p0 .LBB2_112-.Ltmp89, $2  }
0x59b: {  	[tilespmem:s2+$0x17510] =	vst v3;
	s2 =	smov.u32 s3;
	_ =	sdelay $0x2  }
0x59c: {  	s3 =	sshra.s32 s4, $0x2;
	s4 =	sadd.s32 $0x40, s4;
	v3 =	vld.idx.msk [tilespmem:v4+s0+$0x0], $0xffff  }
0x59d: {  	v4 =	vld [tilespmem:s3+$0x16510];
	_ =	sdelay $0x6  }
0x59e: {  	[tilespmem:s2+$0x17510] =	vst v3  }
0x59f: {  	v3 =	vld.idx.msk [tilespmem:v4+s0+$0x0], $0xffff;
	_ =	sdelay $0x4  }
0x5a0: {  	[tilespmem:s3+$0x17510] =	vst v3;
	s3 =	simm.s32 $0x0  }
0x5a1: {  	[tilespmem:s0], [sflag:$0x1] =	stream.linear.gather [hbm4b:s13+s3], $0x4000, $0x38;
	[tilespmem:$0x18A90] =	vst v63  }
0x5a2: {  	_ =	swait.ge [sflag:s14], $0x4000  }
0x5a3: {  	[sflag:s14] =	ssyncset.done $0x0  }
0x5a4: {  	s2 =	simm.s32 $0x0;
	[sflag:s14] =	ssyncadd.s32 $0xFFFFC000  }
0x5a5: {  	v3 =	vld [tilespmem:s2+$0x16510];
	_ =	sdelay $0x7  }
0x5a6: {  	s5 =	simm.s32 $0x10;
	s4 =	simm.s32 $0x80;
	v3 =	vld.idx.msk [tilespmem:v3+s0+$0x0], $0xffff  }
.LBB2_114:
0x5a7: {  	p0 =	sne.s32 s4, $0x1FC0;
	v4 =	vld [tilespmem:s5+$0x16510];
	_ =	sdelay $0x3  }
.Ltmp90:
0x5a8: {  	(pc) =	sbr.rel @p0 .LBB2_114-.Ltmp90, $2  }
0x5a9: {  	[tilespmem:s2+$0x17D10] =	vst v3;
	s2 =	smov.u32 s5;
	_ =	sdelay $0x2  }
0x5aa: {  	s5 =	sshra.s32 s4, $0x2;
	s4 =	sadd.s32 $0x40, s4;
	v3 =	vld.idx.msk [tilespmem:v4+s0+$0x0], $0xffff  }
0x5ab: {  	v4 =	vld [tilespmem:s5+$0x16510];
	_ =	sdelay $0x6  }
0x5ac: {  	[tilespmem:s2+$0x17D10] =	vst v3  }
0x5ad: {  	v3 =	vld.idx.msk [tilespmem:v4+s0+$0x0], $0xffff;
	_ =	sdelay $0x3  }
0x5ae: {  	s4 =	simm.s32 $0x14000;
	s6 =	simm.s32 $0x14080;
	s7 =	simm.s32 $0x14100  }
0x5af: {  	s8 =	simm.s32 $0x18910;
	s9 =	simm.s32 $0x18990;
	s10 =	simm.s32 $0x18A10;
	[tilespmem:s5+$0x17D10] =	vst v3  }
.LBB2_116:
0x5b0: {  	v6 =	vmul.u32 $0x10, v2;
	_ =	sdelay $0x1  }
0x5b1: {  	v7 =	vor.u32 s3, v6;
	_ =	sdelay $0x2  }
0x5b2: {  	v3 =	vld [tilespmem:s4+$0x0]  }
0x5b3: {  	v4 =	vld [tilespmem:s6+$0x0]  }
0x5b4: {  	v8 =	vld.idx.msk [tilespmem:v7+s1+$0x0], $0xffff  }
0x5b5: {  	v9 =	vld.idx.msk [tilespmem:v7+s15+$0x0], $0xffff  }
0x5b6: {  	v5 =	vld [tilespmem:s7+$0x0]  }
0x5b7: {  	v10 =	vld.idx.msk [tilespmem:v7+s16+$0x0], $0xffff;
	_ =	sdelay $0x2  }
0x5b8: {  	v25 =	vsub.f32 v8, v3;
	v11 =	vsub.f32 v9, v4;
	_ =	sdelay $0x1  }
0x5b9: {  	v12 =	vsub.f32 v10, v5;
	v7 =	vmul.f32 v25, v25;
	v11 =	vmul.f32 v11, v11  }
0x5ba: {  	v13 =	vor.u32 $0x1, v6  }
0x5bb: {  	v27 =	vor.u32 s3, v13;
	v26 =	vmul.f32 v12, v12;
	v7 =	vadd.f32 v11, v7  }
0x5bc: {  	[tilespmem:$0x18510] =	vst v8  }
0x5bd: {  	[tilespmem:$0x18610] =	vst v9;
	v7 =	vadd.f32 v26, v7  }
0x5be: {  	[tilespmem:$0x18710] =	vst v10  }
0x5bf: {  	[tilespmem:$0x18810] =	vst v7  }
0x5c0: {  	v8 =	vld.idx.msk [tilespmem:v27+s1+$0x0], $0xffff  }
0x5c1: {  	v9 =	vld.idx.msk [tilespmem:v27+s15+$0x0], $0xffff;
	_ =	sdelay $0x1  }
0x5c2: {  	v10 =	vld.idx.msk [tilespmem:v27+s16+$0x0], $0xffff;
	_ =	sdelay $0x2  }
0x5c3: {  	v28 =	vsub.f32 v8, v3;
	v29 =	vsub.f32 v9, v4;
	_ =	sdelay $0x1  }
0x5c4: {  	v30 =	vsub.f32 v10, v5;
	v11 =	vmul.f32 v28, v28;
	v12 =	vmul.f32 v29, v29  }
0x5c5: {  	v14 =	vor.u32 $0x2, v6  }
0x5c6: {  	v32 =	vor.u32 s3, v14;
	v31 =	vmul.f32 v30, v30;
	v11 =	vadd.f32 v12, v11  }
0x5c7: {  	[tilespmem:$0x18520] =	vst v8  }
0x5c8: {  	[tilespmem:$0x18620] =	vst v9;
	v8 =	vadd.f32 v31, v11  }
0x5c9: {  	[tilespmem:$0x18720] =	vst v10  }
0x5ca: {  	[tilespmem:$0x18820] =	vst v8  }
0x5cb: {  	v9 =	vld.idx.msk [tilespmem:v32+s1+$0x0], $0xffff  }
0x5cc: {  	v10 =	vld.idx.msk [tilespmem:v32+s15+$0x0], $0xffff;
	_ =	sdelay $0x1  }
0x5cd: {  	v33 =	vld.idx.msk [tilespmem:v32+s16+$0x0], $0xffff;
	_ =	sdelay $0x2  }
0x5ce: {  	v34 =	vsub.f32 v9, v3;
	v35 =	vsub.f32 v10, v4;
	_ =	sdelay $0x1  }
0x5cf: {  	v36 =	vsub.f32 v33, v5;
	v12 =	vmul.f32 v34, v34;
	v13 =	vmul.f32 v35, v35  }
0x5d0: {  	v15 =	vor.u32 $0x3, v6  }
0x5d1: {  	v38 =	vor.u32 s3, v15;
	v37 =	vmul.f32 v36, v36;
	v12 =	vadd.f32 v13, v12  }
0x5d2: {  	[tilespmem:$0x18530] =	vst v9  }
0x5d3: {  	[tilespmem:$0x18630] =	vst v10;
	v9 =	vadd.f32 v37, v12  }
0x5d4: {  	[tilespmem:$0x18730] =	vst v33  }
0x5d5: {  	[tilespmem:$0x18830] =	vst v9  }
0x5d6: {  	v10 =	vld.idx.msk [tilespmem:v38+s1+$0x0], $0xffff  }
0x5d7: {  	v11 =	vld.idx.msk [tilespmem:v38+s15+$0x0], $0xffff;
	_ =	sdelay $0x1  }
0x5d8: {  	v39 =	vld.idx.msk [tilespmem:v38+s16+$0x0], $0xffff;
	_ =	sdelay $0x2  }
0x5d9: {  	v40 =	vsub.f32 v10, v3;
	v41 =	vsub.f32 v11, v4;
	_ =	sdelay $0x1  }
0x5da: {  	v42 =	vsub.f32 v39, v5;
	v13 =	vmul.f32 v40, v40;
	v14 =	vmul.f32 v41, v41  }
0x5db: {  	v16 =	vor.u32 $0x4, v6  }
0x5dc: {  	v44 =	vor.u32 s3, v16;
	v43 =	vmul.f32 v42, v42;
	v13 =	vadd.f32 v14, v13  }
0x5dd: {  	[tilespmem:$0x18540] =	vst v10  }
0x5de: {  	[tilespmem:$0x18640] =	vst v11;
	v10 =	vadd.f32 v43, v13  }
0x5df: {  	[tilespmem:$0x18740] =	vst v39  }
0x5e0: {  	[tilespmem:$0x18840] =	vst v10  }
0x5e1: {  	v11 =	vld.idx.msk [tilespmem:v44+s1+$0x0], $0xffff  }
0x5e2: {  	v12 =	vld.idx.msk [tilespmem:v44+s15+$0x0], $0xffff;
	_ =	sdelay $0x1  }
0x5e3: {  	v45 =	vld.idx.msk [tilespmem:v44+s16+$0x0], $0xffff;
	_ =	sdelay $0x2  }
0x5e4: {  	v46 =	vsub.f32 v11, v3;
	v47 =	vsub.f32 v12, v4;
	_ =	sdelay $0x1  }
0x5e5: {  	v48 =	vsub.f32 v45, v5;
	v14 =	vmul.f32 v46, v46;
	v15 =	vmul.f32 v47, v47  }
0x5e6: {  	v17 =	vor.u32 $0x5, v6  }
0x5e7: {  	v50 =	vor.u32 s3, v17;
	v49 =	vmul.f32 v48, v48;
	v14 =	vadd.f32 v15, v14  }
0x5e8: {  	[tilespmem:$0x18550] =	vst v11  }
0x5e9: {  	[tilespmem:$0x18650] =	vst v12;
	v11 =	vadd.f32 v49, v14  }
0x5ea: {  	[tilespmem:$0x18750] =	vst v45  }
0x5eb: {  	[tilespmem:$0x18850] =	vst v11  }
0x5ec: {  	v12 =	vld.idx.msk [tilespmem:v50+s1+$0x0], $0xffff  }
0x5ed: {  	v13 =	vld.idx.msk [tilespmem:v50+s15+$0x0], $0xffff;
	_ =	sdelay $0x1  }
0x5ee: {  	v51 =	vld.idx.msk [tilespmem:v50+s16+$0x0], $0xffff;
	_ =	sdelay $0x2  }
0x5ef: {  	v52 =	vsub.f32 v12, v3;
	v53 =	vsub.f32 v13, v4;
	_ =	sdelay $0x1  }
0x5f0: {  	v54 =	vsub.f32 v51, v5;
	v15 =	vmul.f32 v52, v52;
	v16 =	vmul.f32 v53, v53  }
0x5f1: {  	v18 =	vor.u32 $0x6, v6  }
0x5f2: {  	v56 =	vor.u32 s3, v18;
	v55 =	vmul.f32 v54, v54;
	v15 =	vadd.f32 v16, v15  }
0x5f3: {  	[tilespmem:$0x18560] =	vst v12  }
0x5f4: {  	[tilespmem:$0x18660] =	vst v13;
	v12 =	vadd.f32 v55, v15  }
0x5f5: {  	[tilespmem:$0x18760] =	vst v51  }
0x5f6: {  	[tilespmem:$0x18860] =	vst v12  }
0x5f7: {  	v13 =	vld.idx.msk [tilespmem:v56+s1+$0x0], $0xffff  }
0x5f8: {  	v14 =	vld.idx.msk [tilespmem:v56+s15+$0x0], $0xffff;
	_ =	sdelay $0x1  }
0x5f9: {  	v57 =	vld.idx.msk [tilespmem:v56+s16+$0x0], $0xffff;
	_ =	sdelay $0x2  }
0x5fa: {  	v58 =	vsub.f32 v13, v3;
	v59 =	vsub.f32 v14, v4;
	_ =	sdelay $0x1  }
0x5fb: {  	v60 =	vsub.f32 v57, v5;
	v16 =	vmul.f32 v58, v58;
	v17 =	vmul.f32 v59, v59  }
0x5fc: {  	v19 =	vor.u32 $0x7, v6  }
0x5fd: {  	v62 =	vor.u32 s3, v19;
	v61 =	vmul.f32 v60, v60;
	v16 =	vadd.f32 v17, v16  }
0x5fe: {  	[tilespmem:$0x18570] =	vst v13  }
0x5ff: {  	[tilespmem:$0x18670] =	vst v14;
	v13 =	vadd.f32 v61, v16  }
0x600: {  	[tilespmem:$0x18770] =	vst v57  }
0x601: {  	[tilespmem:$0x18870] =	vst v13  }
0x602: {  	v14 =	vld.idx.msk [tilespmem:v62+s1+$0x0], $0xffff  }
0x603: {  	v15 =	vld.idx.msk [tilespmem:v62+s15+$0x0], $0xffff;
	_ =	sdelay $0x1  }
0x604: {  	v63 =	vld.idx.msk [tilespmem:v62+s16+$0x0], $0xffff;
	_ =	sdelay $0x2  }
0x605: {  	v24 =	vsub.f32 v14, v3;
	v25 =	vsub.f32 v15, v4;
	_ =	sdelay $0x1  }
0x606: {  	v26 =	vsub.f32 v63, v5;
	v17 =	vmul.f32 v24, v24;
	v18 =	vmul.f32 v25, v25  }
0x607: {  	v20 =	vor.u32 $0x8, v6  }
0x608: {  	v28 =	vor.u32 s3, v20;
	v27 =	vmul.f32 v26, v26;
	v17 =	vadd.f32 v18, v17  }
0x609: {  	[tilespmem:$0x18580] =	vst v14  }
0x60a: {  	[tilespmem:$0x18680] =	vst v15;
	v14 =	vadd.f32 v27, v17  }
0x60b: {  	[tilespmem:$0x18780] =	vst v63  }
0x60c: {  	[tilespmem:$0x18880] =	vst v14  }
0x60d: {  	v15 =	vld.idx.msk [tilespmem:v28+s1+$0x0], $0xffff  }
0x60e: {  	v16 =	vld.idx.msk [tilespmem:v28+s15+$0x0], $0xffff;
	_ =	sdelay $0x1  }
0x60f: {  	v29 =	vld.idx.msk [tilespmem:v28+s16+$0x0], $0xffff;
	_ =	sdelay $0x2  }
0x610: {  	v30 =	vsub.f32 v15, v3;
	v31 =	vsub.f32 v16, v4;
	_ =	sdelay $0x1  }
0x611: {  	v32 =	vsub.f32 v29, v5;
	v18 =	vmul.f32 v30, v30;
	v19 =	vmul.f32 v31, v31  }
0x612: {  	v21 =	vor.u32 $0x9, v6  }
0x613: {  	v34 =	vor.u32 s3, v21;
	v33 =	vmul.f32 v32, v32;
	v18 =	vadd.f32 v19, v18  }
0x614: {  	[tilespmem:$0x18590] =	vst v15  }
0x615: {  	[tilespmem:$0x18690] =	vst v16;
	v15 =	vadd.f32 v33, v18  }
0x616: {  	[tilespmem:$0x18790] =	vst v29  }
0x617: {  	[tilespmem:$0x18890] =	vst v15  }
0x618: {  	v16 =	vld.idx.msk [tilespmem:v34+s1+$0x0], $0xffff  }
0x619: {  	v17 =	vld.idx.msk [tilespmem:v34+s15+$0x0], $0xffff;
	_ =	sdelay $0x1  }
0x61a: {  	v35 =	vld.idx.msk [tilespmem:v34+s16+$0x0], $0xffff;
	_ =	sdelay $0x2  }
0x61b: {  	v36 =	vsub.f32 v16, v3;
	v37 =	vsub.f32 v17, v4;
	_ =	sdelay $0x1  }
0x61c: {  	v38 =	vsub.f32 v35, v5;
	v19 =	vmul.f32 v36, v36;
	v20 =	vmul.f32 v37, v37  }
0x61d: {  	v22 =	vor.u32 $0xA, v6  }
0x61e: {  	v40 =	vor.u32 s3, v22;
	v39 =	vmul.f32 v38, v38;
	v19 =	vadd.f32 v20, v19  }
0x61f: {  	[tilespmem:$0x185A0] =	vst v16  }
0x620: {  	[tilespmem:$0x186A0] =	vst v17;
	v41 =	vadd.f32 v39, v19  }
0x621: {  	[tilespmem:$0x187A0] =	vst v35  }
0x622: {  	[tilespmem:$0x188A0] =	vst v41  }
0x623: {  	v17 =	vld.idx.msk [tilespmem:v40+s1+$0x0], $0xffff  }
0x624: {  	v18 =	vld.idx.msk [tilespmem:v40+s15+$0x0], $0xffff;
	_ =	sdelay $0x1  }
0x625: {  	v42 =	vld.idx.msk [tilespmem:v40+s16+$0x0], $0xffff;
	_ =	sdelay $0x2  }
0x626: {  	v43 =	vsub.f32 v17, v3;
	v44 =	vsub.f32 v18, v4;
	_ =	sdelay $0x1  }
0x627: {  	v45 =	vsub.f32 v42, v5;
	v20 =	vmul.f32 v43, v43;
	v21 =	vmul.f32 v44, v44  }
0x628: {  	v23 =	vor.u32 $0xB, v6  }
0x629: {  	v47 =	vor.u32 s3, v23;
	v46 =	vmul.f32 v45, v45;
	v20 =	vadd.f32 v21, v20  }
0x62a: {  	[tilespmem:$0x185B0] =	vst v17  }
0x62b: {  	[tilespmem:$0x186B0] =	vst v18;
	v48 =	vadd.f32 v46, v20  }
0x62c: {  	[tilespmem:$0x187B0] =	vst v42  }
0x62d: {  	[tilespmem:$0x188B0] =	vst v48  }
0x62e: {  	v18 =	vld.idx.msk [tilespmem:v47+s1+$0x0], $0xffff  }
0x62f: {  	v19 =	vld.idx.msk [tilespmem:v47+s15+$0x0], $0xffff;
	_ =	sdelay $0x1  }
0x630: {  	v49 =	vld.idx.msk [tilespmem:v47+s16+$0x0], $0xffff;
	_ =	sdelay $0x2  }
0x631: {  	v50 =	vsub.f32 v18, v3;
	v51 =	vsub.f32 v19, v4;
	_ =	sdelay $0x1  }
0x632: {  	v52 =	vsub.f32 v49, v5;
	v21 =	vmul.f32 v50, v50;
	v22 =	vmul.f32 v51, v51  }
0x633: {  	v24 =	vor.u32 $0xC, v6  }
0x634: {  	v54 =	vor.u32 s3, v24;
	v53 =	vmul.f32 v52, v52;
	v21 =	vadd.f32 v22, v21  }
0x635: {  	[tilespmem:$0x185C0] =	vst v18  }
0x636: {  	[tilespmem:$0x186C0] =	vst v19;
	v55 =	vadd.f32 v53, v21  }
0x637: {  	[tilespmem:$0x187C0] =	vst v49  }
0x638: {  	[tilespmem:$0x188C0] =	vst v55  }
0x639: {  	v19 =	vld.idx.msk [tilespmem:v54+s1+$0x0], $0xffff  }
0x63a: {  	v20 =	vld.idx.msk [tilespmem:v54+s15+$0x0], $0xffff;
	_ =	sdelay $0x1  }
0x63b: {  	v56 =	vld.idx.msk [tilespmem:v54+s16+$0x0], $0xffff;
	_ =	sdelay $0x2  }
0x63c: {  	v57 =	vsub.f32 v19, v3;
	v58 =	vsub.f32 v20, v4;
	_ =	sdelay $0x1  }
0x63d: {  	v59 =	vsub.f32 v56, v5;
	v22 =	vmul.f32 v57, v57;
	v23 =	vmul.f32 v58, v58  }
0x63e: {  	v25 =	vor.u32 $0xD, v6  }
0x63f: {  	v61 =	vor.u32 s3, v25;
	v60 =	vmul.f32 v59, v59;
	v22 =	vadd.f32 v23, v22  }
0x640: {  	[tilespmem:$0x185D0] =	vst v19  }
0x641: {  	[tilespmem:$0x186D0] =	vst v20;
	v62 =	vadd.f32 v60, v22  }
0x642: {  	[tilespmem:$0x187D0] =	vst v56  }
0x643: {  	[tilespmem:$0x188D0] =	vst v62  }
0x644: {  	v20 =	vld.idx.msk [tilespmem:v61+s1+$0x0], $0xffff  }
0x645: {  	v21 =	vld.idx.msk [tilespmem:v61+s15+$0x0], $0xffff;
	_ =	sdelay $0x1  }
0x646: {  	v63 =	vld.idx.msk [tilespmem:v61+s16+$0x0], $0xffff;
	_ =	sdelay $0x2  }
0x647: {  	v28 =	vsub.f32 v20, v3;
	v29 =	vsub.f32 v21, v4;
	_ =	sdelay $0x1  }
0x648: {  	v30 =	vsub.f32 v63, v5;
	v23 =	vmul.f32 v28, v28;
	v24 =	vmul.f32 v29, v29  }
0x649: {  	v26 =	vor.u32 $0xE, v6  }
0x64a: {  	v32 =	vor.u32 s3, v26;
	v31 =	vmul.f32 v30, v30;
	v23 =	vadd.f32 v24, v23  }
0x64b: {  	[tilespmem:$0x185E0] =	vst v20  }
0x64c: {  	[tilespmem:$0x186E0] =	vst v21;
	v33 =	vadd.f32 v31, v23  }
0x64d: {  	[tilespmem:$0x187E0] =	vst v63  }
0x64e: {  	[tilespmem:$0x188E0] =	vst v33  }
0x64f: {  	v21 =	vld.idx.msk [tilespmem:v32+s1+$0x0], $0xffff  }
0x650: {  	v22 =	vld.idx.msk [tilespmem:v32+s15+$0x0], $0xffff;
	_ =	sdelay $0x1  }
0x651: {  	v34 =	vld.idx.msk [tilespmem:v32+s16+$0x0], $0xffff;
	_ =	sdelay $0x2  }
0x652: {  	v35 =	vsub.f32 v21, v3;
	v36 =	vsub.f32 v22, v4;
	_ =	sdelay $0x1  }
0x653: {  	v37 =	vsub.f32 v34, v5;
	v24 =	vmul.f32 v35, v35;
	v25 =	vmul.f32 v36, v36  }
0x654: {  	v6 =	vor.u32 $0xF, v6  }
0x655: {  	v6 =	vor.u32 s3, v6;
	v38 =	vmul.f32 v37, v37;
	v24 =	vadd.f32 v25, v24  }
0x656: {  	[tilespmem:$0x185F0] =	vst v21  }
0x657: {  	[tilespmem:$0x186F0] =	vst v22;
	v39 =	vadd.f32 v38, v24  }
0x658: {  	[tilespmem:$0x187F0] =	vst v34  }
0x659: {  	v7 =	vmin.f32 v7, v8;
	[tilespmem:$0x188F0] =	vst v39  }
0x65a: {  	v7 =	vmin.f32 v7, v9;
	v8 =	vld.idx.msk [tilespmem:v6+s1+$0x0], $0xffff  }
0x65b: {  	v9 =	vmin.f32 v7, v10;
	v7 =	vld.idx.msk [tilespmem:v6+s15+$0x0], $0xffff  }
0x65c: {  	v9 =	vmin.f32 v9, v11  }
0x65d: {  	v9 =	vmin.f32 v9, v12;
	v6 =	vld.idx.msk [tilespmem:v6+s16+$0x0], $0xffff  }
0x65e: {  	v9 =	vmin.f32 v9, v13  }
0x65f: {  	v9 =	vmin.f32 v9, v14  }
0x660: {  	v9 =	vmin.f32 v9, v15;
	v3 =	vsub.f32 v8, v3;
	v4 =	vsub.f32 v7, v4  }
0x661: {  	v9 =	vmin.f32 v9, v41  }
0x662: {  	v5 =	vsub.f32 v6, v5;
	v3 =	vmul.f32 v3, v3;
	v4 =	vmul.f32 v4, v4  }
0x663: {  	v9 =	vmin.f32 v9, v48  }
0x664: {  	v40 =	vld [tilespmem:$0x18810];
	v9 =	vmin.f32 v9, v55;
	v5 =	vmul.f32 v5, v5;
	v3 =	vadd.f32 v4, v3  }
0x665: {  	v43 =	vld [tilespmem:$0x18820];
	v9 =	vmin.f32 v9, v62  }
0x666: {  	v9 =	vmin.f32 v9, v33;
	v4 =	vld [tilespmem:$0x14380];
	v3 =	vadd.f32 v5, v3  }
0x667: {  	v44 =	vld [tilespmem:$0x18830];
	v41 =	vmin.f32 v9, v39  }
0x668: {  	v5 =	vmin.f32 v41, v3  }
0x669: {  	v45 =	vld [tilespmem:$0x18840];
	v42 =	vsub.f32 v5, v40  }
0x66a: {  	v46 =	vld [tilespmem:$0x18510]  }
0x66b: {  	v48 =	vld [tilespmem:$0x18710];
	v10 =	vsub.f32 v5, v43;
	v9 =	vmul.f32 v42, v4  }
0x66c: {  	v47 =	vld [tilespmem:$0x18610];
	v11 =	vsub.f32 v5, v44  }
0x66d: {  	v50 =	vld [tilespmem:$0x18850];
	v10 =	vmul.f32 v10, v4;
	v9 =	vmul.f32 $1.442695020e+00, v9  }
0x66e: {  	v62 =	vld [tilespmem:$0x18870];
	v11 =	vmul.f32 v11, v4  }
0x66f: {  	v39 =	vld [tilespmem:$0x18890];
	v10 =	vmul.f32 $1.442695020e+00, v10;
	(erf) = vpow2.f32 v9  }
0x670: {  	v44 =	vld [tilespmem:$0x188A0];
	v9 =	vsub.f32 v5, v45  }
0x671: {  	v57 =	vld [tilespmem:$0x18860];
	v49 =	vmul.f32 $1.442695020e+00, v11;
	(erf) = vpow2.f32 v10  }
0x672: {  	v51 =	vld [tilespmem:$0x18520];
	v11 =	vsub.f32 v5, v50;
	v9 =	vmul.f32 v9, v4  }
0x673: {  	v52 =	vld [tilespmem:$0x18620];
	v38 =	vsub.f32 v5, v62;
	(erf) = vpow2.f32 v49  }
0x674: {  	v53 =	vld [tilespmem:$0x18720];
	v11 =	vmul.f32 v11, v4;
	v9 =	vmul.f32 $1.442695020e+00, v9  }
0x675: {  	v55 =	vld [tilespmem:$0x18530];
	v20 =	vsub.f32 v5, v39;
	v43 =	vmul.f32 v38, v4;
	v19 =	vsub.f32 v5, v44  }
0x676: {  	v56 =	vld [tilespmem:$0x18630];
	v11 =	vmul.f32 $1.442695020e+00, v11;
	(erf) = vpow2.f32 v9;
	v9 =	vsub.f32 v5, v57  }
0x677: {  	v58 =	vld [tilespmem:$0x18730];
	v20 =	vmul.f32 v20, v4;
	v19 =	vmul.f32 v19, v4  }
0x678: {  	v59 =	vld [tilespmem:$0x18540];
	(erf) = vpow2.f32 v11;
	v9 =	vmul.f32 v9, v4;
	v54 =	vpop (erf)  }
0x679: {  	v61 =	vld [tilespmem:$0x18640];
	v12 =	vmul.f32 v54, v46;
	v13 =	vmul.f32 v54, v47  }
0x67a: {  	v28 =	vld [tilespmem:$0x18740];
	v14 =	vmul.f32 v54, v48;
	v60 =	vpop (erf);
	v9 =	vmul.f32 $1.442695020e+00, v9  }
0x67b: {  	v32 =	vld [tilespmem:$0x18880];
	v17 =	vadd.f32 $0.0e+00, v54;
	v15 =	vmul.f32 v60, v51;
	v16 =	vmul.f32 v60, v52  }
0x67c: {  	v46 =	vld [tilespmem:$0x188B0];
	v10 =	vmul.f32 v60, v53;
	v63 =	vpop (erf);
	v12 =	vadd.f32 $0.0e+00, v12;
	v13 =	vadd.f32 $0.0e+00, v13  }
0x67d: {  	v54 =	vld [tilespmem:$0x188D0];
	v14 =	vadd.f32 $0.0e+00, v14;
	v17 =	vadd.f32 v60, v17;
	v31 =	vmul.f32 v63, v55  }
0x67e: {  	v34 =	vld [tilespmem:$0x18550];
	v33 =	vmul.f32 v63, v56;
	v35 =	vmul.f32 v63, v58;
	v29 =	vadd.f32 v15, v12  }
0x67f: {  	v36 =	vld [tilespmem:$0x18650];
	v55 =	vmul.f32 $1.442695020e+00, v20;
	v30 =	vadd.f32 v16, v13;
	v10 =	vadd.f32 v10, v14  }
0x680: {  	v62 =	vld [tilespmem:$0x188F0];
	v60 =	vmul.f32 $1.442695020e+00, v19;
	v17 =	vadd.f32 v63, v17;
	v15 =	vsub.f32 v5, v32  }
0x681: {  	v42 =	vld [tilespmem:$0x18750];
	v37 =	vpop (erf);
	(erf) = vpow2.f32 v9;
	v9 =	vmul.f32 $1.442695020e+00, v43;
	v53 =	vsub.f32 v5, v46  }
0x682: {  	v56 =	vld [tilespmem:$0x188E0];
	v14 =	vsub.f32 v5, v54;
	v11 =	vadd.f32 v31, v29;
	v15 =	vmul.f32 v15, v4  }
0x683: {  	v51 =	vld [tilespmem:$0x188C0];
	v12 =	vadd.f32 v33, v30;
	v40 =	vmul.f32 v37, v59;
	v41 =	vmul.f32 v37, v61  }
0x684: {  	v10 =	vadd.f32 v35, v10;
	v48 =	vpop (erf);
	(erf) = vpow2.f32 v9;
	v50 =	vmul.f32 $1.442695020e+00, v15  }
0x685: {  	v39 =	vld [tilespmem:$0x18690];
	v17 =	vadd.f32 v37, v17;
	v45 =	vmul.f32 v37, v28;
	v16 =	vmul.f32 v48, v34  }
0x686: {  	v44 =	vld [tilespmem:$0x185A0];
	v37 =	vsub.f32 v5, v62;
	v18 =	vmul.f32 v48, v36;
	(erf) = vpow2.f32 v50  }
0x687: {  	v49 =	vld [tilespmem:$0x18660];
	v13 =	vmul.f32 v48, v42;
	v9 =	vmul.f32 v53, v4;
	v33 =	vsub.f32 v5, v56  }
0x688: {  	v57 =	vld [tilespmem:$0x18570];
	v14 =	vmul.f32 v14, v4;
	v15 =	vsub.f32 v5, v51;
	(erf) = vpow2.f32 v55  }
0x689: {  	v47 =	vld [tilespmem:$0x18560];
	v11 =	vadd.f32 v40, v11;
	v12 =	vadd.f32 v41, v12;
	v9 =	vmul.f32 $1.442695020e+00, v9  }
0x68a: {  	v52 =	vld [tilespmem:$0x18760];
	v17 =	vadd.f32 v48, v17;
	v15 =	vmul.f32 v15, v4;
	(erf) = vpow2.f32 v60  }
0x68b: {  	v63 =	vld [tilespmem:$0x18770];
	v10 =	vadd.f32 v45, v10;
	v41 =	vmul.f32 v37, v4;
	v5 =	vsub.f32 v5, v3;
	v58 =	vpop (erf)  }
0x68c: {  	v32 =	vld [tilespmem:$0x18580];
	v15 =	vmul.f32 $1.442695020e+00, v15;
	(erf) = vpow2.f32 v9;
	v31 =	vadd.f32 v58, v17  }
0x68d: {  	v46 =	vld [tilespmem:$0x186A0];
	v14 =	vmul.f32 $1.442695020e+00, v14;
	v11 =	vadd.f32 v16, v11;
	v9 =	vmul.f32 v33, v4;
	v34 =	vpop (erf)  }
0x68e: {  	v59 =	vld [tilespmem:$0x18670];
	v4 =	vmul.f32 v5, v4;
	(erf) = vpow2.f32 v15;
	v16 =	vadd.f32 v34, v31  }
0x68f: {  	v35 =	vld [tilespmem:$0x18680];
	v12 =	vadd.f32 v18, v12;
	v61 =	vmul.f32 v58, v47;
	v23 =	vmul.f32 v58, v49;
	v27 =	vpop (erf)  }
0x690: {  	v28 =	vld [tilespmem:$0x18590];
	v9 =	vmul.f32 $1.442695020e+00, v9;
	(erf) = vpow2.f32 v14;
	v16 =	vadd.f32 v27, v16  }
0x691: {  	v62 =	vld [tilespmem:$0x186C0];
	v10 =	vadd.f32 v13, v10;
	v38 =	vmul.f32 v58, v52;
	v4 =	vmul.f32 $1.442695020e+00, v4;
	v43 =	vpop (erf)  }
0x692: {  	v30 =	vld [tilespmem:$0x187C0];
	v14 =	vmul.f32 $1.442695020e+00, v41;
	(erf) = vpow2.f32 v9;
	v45 =	vadd.f32 v43, v16  }
0x693: {  	v36 =	vld [tilespmem:$0x18780];
	v11 =	vadd.f32 v61, v11;
	v12 =	vadd.f32 v23, v12;
	v42 =	vmul.f32 v34, v57;
	v50 =	vpop (erf)  }
0x694: {  	v56 =	vld [tilespmem:$0x186B0];
	v49 =	vmul.f32 v34, v59;
	(erf) = vpow2.f32 v14;
	v9 =	vadd.f32 v50, v45  }
0x695: {  	v40 =	vld [tilespmem:$0x18790];
	v47 =	vadd.f32 v38, v10;
	v53 =	vmul.f32 v34, v63;
	v48 =	vadd.f32 v42, v11;
	v55 =	vpop (erf)  }
0x696: {  	v51 =	vld [tilespmem:$0x187A0];
	v11 =	vadd.f32 v49, v12;
	(erf) = vpow2.f32 v4;
	v9 =	vadd.f32 v55, v9  }
0x697: {  	v60 =	vld [tilespmem:$0x185C0];
	v5 =	vadd.f32 v53, v47;
	v54 =	vmul.f32 v27, v32;
	v20 =	vmul.f32 v27, v35;
	v58 =	vpop (erf)  }
0x698: {  	v52 =	vld [tilespmem:$0x185B0];
	v59 =	vmul.f32 v27, v36;
	v61 =	vmul.f32 v43, v28;
	v9 =	vadd.f32 v58, v9  }
0x699: {  	v57 =	vld [tilespmem:$0x187B0];
	v29 =	vmul.f32 v43, v39;
	v10 =	vadd.f32 v54, v48;
	v11 =	vadd.f32 v20, v11;
	v63 =	vpop (erf)  }
0x69a: {  	v42 =	vld [tilespmem:$0x187E0];
	v18 =	vmul.f32 v43, v40;
	v5 =	vadd.f32 v59, v5;
	v9 =	vadd.f32 v63, v9  }
0x69b: {  	v47 =	vld [tilespmem:$0x186F0];
	v31 =	vmul.f32 v50, v44;
	v34 =	vmul.f32 v50, v46;
	v10 =	vadd.f32 v61, v10;
	v33 =	vpop (erf)  }
0x69c: {  	v32 =	vld [tilespmem:$0x185D0];
	v15 =	vmul.f32 v50, v51;
	v11 =	vadd.f32 v29, v11;
	v9 =	vadd.f32 v33, v9  }
0x69d: {  	v35 =	vld [tilespmem:$0x186D0];
	v5 =	vadd.f32 v18, v5;
	v38 =	vmul.f32 v55, v52;
	v17 =	vmul.f32 v55, v56;
	v37 =	vpop (erf)  }
0x69e: {  	v36 =	vld [tilespmem:$0x187D0];
	v14 =	vmul.f32 v55, v57;
	v10 =	vadd.f32 v31, v10;
	v9 =	vadd.f32 v37, v9  }
0x69f: {  	v39 =	vld [tilespmem:$0x185E0];
	v11 =	vadd.f32 v34, v11;
	v5 =	vadd.f32 v15, v5;
	v41 =	vmul.f32 v58, v60;
	v43 =	vpop (erf)  }
0x6a0: {  	v40 =	vld [tilespmem:$0x186E0];
	v44 =	vmul.f32 v58, v62;
	v10 =	vadd.f32 v38, v10;
	v9 =	vadd.f32 v9, v43  }
0x6a1: {  	[tilespmem:$0x18600] =	vst v8;
	v45 =	vld [tilespmem:$0x185F0];
	v4 =	vmul.f32 v58, v30;
	v11 =	vadd.f32 v17, v11;
	v5 =	vadd.f32 v14, v5  }
0x6a2: {  	v52 =	vld [tilespmem:$0x18600];
	v46 =	vmul.f32 v63, v32;
	v10 =	vadd.f32 v41, v10;
	(erf) = vrcp.f32 v9  }
0x6a3: {  	[tilespmem:$0x18700] =	vst v7;
	v50 =	vld [tilespmem:$0x187F0];
	v49 =	vmul.f32 v63, v35;
	v51 =	vmul.f32 v63, v36;
	v48 =	vadd.f32 v44, v11  }
0x6a4: {  	[tilespmem:$0x18800] =	vst v6;
	v55 =	vld [tilespmem:$0x18700];
	v4 =	vadd.f32 v4, v5;
	v54 =	vmul.f32 v33, v39;
	v53 =	vadd.f32 v46, v10  }
0x6a5: {  	v58 =	vld [tilespmem:$0x18800];
	v56 =	vmul.f32 v33, v40;
	v57 =	vmul.f32 v33, v42;
	v8 =	vadd.f32 v49, v48  }
0x6a6: {  	v59 =	vmul.f32 v37, v45;
	v4 =	vadd.f32 v51, v4;
	v6 =	vadd.f32 v54, v53  }
0x6a7: {  	v60 =	vmul.f32 v37, v47;
	v7 =	vmul.f32 v52, v43;
	v5 =	vadd.f32 v56, v8  }
0x6a8: {  	v4 =	vadd.f32 v57, v4;
	v6 =	vadd.f32 v59, v6;
	v9 =	vmul.f32 v37, v50  }
0x6a9: {  	v61 =	vmul.f32 v55, v43;
	v5 =	vadd.f32 v60, v5  }
0x6aa: {  	v62 =	vmul.f32 v58, v43;
	v6 =	vadd.f32 v6, v7;
	v4 =	vadd.f32 v9, v4  }
0x6ab: {  	p0 =	sne.s32 s3, $0x700;
	v5 =	vadd.f32 v61, v5;
	v63 =	vpop (erf)  }
.Ltmp91:
0x6ac: {  	v4 =	vadd.f32 v62, v4;
	v6 =	vmul.f32 v63, v6;
	(pc) =	sbr.rel @p0 .LBB2_116-.Ltmp91, $4  }
0x6ad: {  	[tilespmem:$0x18900] =	vst v3;
	v3 =	vmul.f32 v63, v5  }
0x6ae: {  	s4 =	sadd.s32 $0x10, s4;
	v4 =	vmul.f32 v4, v63;
	[tilespmem:s8+$0x0] =	vst v6  }
0x6af: {  	s6 =	sadd.s32 $0x10, s6;
	s7 =	sadd.s32 $0x10, s7;
	s3 =	sadd.s32 $0x100, s3;
	[tilespmem:s9+$0x0] =	vst v3  }
0x6b0: {  	s8 =	sadd.s32 $0x10, s8;
	s9 =	sadd.s32 $0x10, s9;
	[tilespmem:s10+$0x0] =	vst v4;
	s10 =	sadd.s32 $0x10, s10  }
0x6b1: {  	s7 =	simm.s32 $0x0;
	s2 =	rddreg [dreg:$0xa];
	s3 =	simm.s32 $0x18910  }
0x6b2: {  	[hbm4b:s2+s7] =	stream.linear.scatter [tilespmem:s3], [sflag:$0x1], $0x80, $0x38;
	[tilespmem:$0x18A90] =	vst v63  }
0x6b3: {  	_ =	swait.ge [sflag:s14], $0x80  }
0x6b4: {  	[sflag:s14] =	ssyncset.done $0x0  }
0x6b5: {  	s26 =	simm.s32 $0x18990;
	s25 =	rddreg [dreg:$0xb];
	[sflag:s14] =	ssyncadd.s32 $0xFFFFFF80  }
0x6b6: {  	[hbm4b:s25+s7] =	stream.linear.scatter [tilespmem:s26], [sflag:$0x1], $0x80, $0x38;
	[tilespmem:$0x18A90] =	vst v63  }
0x6b7: {  	_ =	swait.ge [sflag:s14], $0x80  }
0x6b8: {  	[sflag:s14] =	ssyncset.done $0x0  }
0x6b9: {  	s29 =	simm.s32 $0x18A10;
	s28 =	rddreg [dreg:$0xc];
	[sflag:s14] =	ssyncadd.s32 $0xFFFFFF80  }
0x6ba: {  	[hbm4b:s28+s7] =	stream.linear.scatter [tilespmem:s29], [sflag:$0x1], $0x80, $0x38;
	[tilespmem:$0x18A90] =	vst v63  }
0x6bb: {  	_ =	swait.ge [sflag:s14], $0x80  }
0x6bc: {  	s30 =	rddreg [dreg:$0xe]  }
0x6bd: {  	s31 =	rddreg [dreg:$0xd];
	s3 =	sadd.s32 $0x1, s30  }
0x6be: {  	p0 =	sne.s32 s3, s31  }
.Ltmp92:
0x6bf: {  	_ = 	snop;
	(pc) =	sbr.rel @p0 .LBB2_1-.Ltmp92, $3  }
0x6c0: {  	_ =	sdelay $0x1  }
0x6c1: {  	[sflag:s14] =	ssyncset.done $0x0  }
0x6c2: {  	[sflag:s14] =	ssyncadd.s32 $0xFFFFFF80  }
0x6c3: {  	_ =	sfence.sel $0x180000  }
0x6c4: {  	[bflag:$0x0] =	sbarrier.arrive $0xFFFF  }
0x6c5: {  	_ =	strace $0x90000047  }
0x6c6: {  	s0 =	stileid.u32;
	[bflag:$0x2] =	sbarrier.arrive $0xFFFF  }
0x6c7: {  	p0 =	sne.s32 s0, $0x0;
	s0 =	rddreg [dreg:$0x2]  }
0x6c8: {  	s0 =	sadd.s32 @!p0 $0x100000, s0  }
0x6c9: {  	[sflag:s0] =	ssyncadd.tile.s32 @!p0 $0x1;
	_ =	shalt  }
.Lfunc_end2:
_tile_overlayer_lowered:
.L_overlay_start_2:
0x6ca: {  	(tag) =	ssettag $0x2  }
0x6cb: {  	s0 =	rddreg [dreg:$0x0];
	s2 =	stileid.u32  }
0x6cc: {  	s1 =	rddreg [dreg:$0x1];
	p0 =	sne.s32 s2, $0x0  }
0x6cd: {  	s3 =	rddreg [dreg:$0x2];
	[bflag:$0x3] =	sbarrier.arrive $0xFFFF;
	s2 =	simm.s32 @!p0 $0x1C01  }
0x6ce: {  	[timem:s3], [sflag:s2] =	dma.local @!p0 [hbm:s0], s1  }
0x6cf: {  	s0 =	simm.s32 @!p0 $0x1  }
0x6d0: {  	_ =	swait.ge @!p0 [sflag:s0], s1  }
0x6d1: {  	s1 =	ssub.s32 @!p0 $0x0, s1;
	[sflag:s0] =	ssyncset.done @!p0 $0x0  }
0x6d2: {  	[sflag:s0] =	ssyncadd.s32 @!p0 s1  }
0x6d3: {  	[bflag:$0x3] =	sbarrier.arrive $0xFFFF  }
0x6d4: {  	_ =	shalt  }

</sc_bundles>
